<compile_context>
chip_gen: v7x
topology: tpu7x:2x2x1
jax: 0.10.2.dev20260603
libtpu: 0.0.44.dev20260713+nightly
codegen_flags: <defaults>
</compile_context>

<pallas_src>
import functools

import jax
import jax.numpy as jnp
from jax import lax
from jax.experimental import pallas as pl
from jax.experimental.pallas import tpu as pltpu
from jax.experimental.pallas import tpu_sc as plsc

NC = 2
NS = 16
NW = NC * NS
CH = 128
LANES = 16

def _vmesh():
    return plsc.VectorSubcoreMesh(
        core_axis_name="core", subcore_axis_name="subcore")


_sc_params = pltpu.CompilerParams(
    needs_layout_passes=False, use_tc_tiling_on_sc=False)


def _tc_edges(edge_index):
    e = edge_index.shape[1]

    def body(ei_ref, s_ref, d_ref):
        s_ref[...] = ei_ref[0]
        d_ref[...] = ei_ref[1]

    return pl.pallas_call(
        body,
        in_specs=[pl.BlockSpec((2, e), lambda: (0, 0))],
        out_specs=[
            pl.BlockSpec((e,), lambda: (0,)),
            pl.BlockSpec((e,), lambda: (0,)),
        ],
        out_shape=[
            jax.ShapeDtypeStruct((e,), jnp.int32),
            jax.ShapeDtypeStruct((e,), jnp.int32),
        ],
    )(edge_index)


def _dummy_dst(n, npad):
    return n + lax.rem(lax.iota(jnp.int32, LANES), jnp.int32(npad - n))


def _hist_sc(dst1d, n, npad, ept, tile_e):

    @functools.partial(
        pl.kernel,
        out_type=jax.ShapeDtypeStruct((NW, npad), jnp.float32),
        mesh=_vmesh(),
        compiler_params=_sc_params,
        scratch_types=[
            pltpu.VMEM((tile_e,), jnp.int32),
            pltpu.VMEM((npad,), jnp.float32),
            pltpu.SemaphoreType.DMA,
        ],
    )
    def hist_k(dst_hbm, out_hbm, idx_v, hist_v, sem):
        c = lax.axis_index("core")
        s = lax.axis_index("subcore")
        w = c * NS + s
        cp = pltpu.async_copy(dst_hbm.at[pl.ds(w * ept, ept)],
                              idx_v.at[pl.ds(0, ept)], sem)
        dummy = _dummy_dst(n, npad)

        @pl.loop(ept, tile_e, step=LANES)
        def _(i):
            idx_v[pl.ds(i, LANES)] = dummy

        @pl.loop(0, npad, step=LANES)
        def _(i):
            hist_v[pl.ds(i, LANES)] = jnp.zeros((LANES,), jnp.float32)

        cp.wait()
        ones = jnp.ones((LANES,), jnp.float32)

        @pl.loop(0, tile_e, step=LANES)
        def _(e):
            idx = idx_v[pl.ds(e, LANES)]
            plsc.addupdate_scatter(hist_v, [idx], ones)

        pltpu.sync_copy(hist_v, out_hbm.at[w])

    return hist_k(dst1d)


def _prop_sc(g, src1d, dst1d, n, npad, ept, kr, rpt):
    hd = g.shape[1]
    tile_e = kr * CH
    NB = 8

    @functools.partial(
        pl.kernel,
        out_type=jax.ShapeDtypeStruct((NC, npad, hd), jnp.float32),
        mesh=_vmesh(),
        compiler_params=_sc_params,
        scratch_types=[
            pltpu.VMEM((tile_e,), jnp.int32),
            pltpu.VMEM((tile_e,), jnp.int32),
            pltpu.VMEM((NB, CH, hd), jnp.float32),
            pltpu.VMEM((rpt, hd), jnp.float32),
            pltpu.VMEM_SHARED((npad, hd), jnp.float32),
            pltpu.SemaphoreType.DMA((NB,)),
            pltpu.SemaphoreType.DMA((NB,)),
        ],
    )
    def prop_k(g_hbm, src_hbm, dst_hbm, out_hbm,
               srcv, dstv, bufs, stage, accum, gsem, ssem):
        c = lax.axis_index("core")
        s = lax.axis_index("subcore")
        w = c * NS + s

        cp_s = pltpu.async_copy(src_hbm.at[pl.ds(w * ept, ept)],
                                srcv.at[pl.ds(0, ept)], gsem.at[0])
        cp_d = pltpu.async_copy(dst_hbm.at[pl.ds(w * ept, ept)],
                                dstv.at[pl.ds(0, ept)], gsem.at[1])
        dummy = _dummy_dst(n, npad)
        zeros16 = jnp.zeros((LANES,), jnp.int32)

        span = jnp.int32(npad - n)

        @pl.loop(ept, tile_e, step=LANES)
        def _(i):
            srcv[pl.ds(i, LANES)] = zeros16
            dstv[pl.ds(i, LANES)] = n + lax.rem(dummy - n + i, span)

        @pl.loop(0, rpt)
        def _(i):
            stage[i, :] = jnp.zeros((hd,), jnp.float32)

        pltpu.sync_copy(stage, accum.at[pl.ds(s * rpt, rpt)])
        cp_s.wait()
        cp_d.wait()
        plsc.subcore_barrier()

        def gather(m, k):
            pltpu.async_copy(g_hbm.at[srcv.at[pl.ds(m * CH, CH)]],
                             bufs.at[k], gsem.at[k])

        def gwait(k):
            pltpu.make_async_copy(g_hbm.at[srcv.at[pl.ds(0, CH)]],
                                  bufs.at[k], gsem.at[k]).wait()

        def scat(m, k):
            pltpu.async_copy(bufs.at[k], accum.at[dstv.at[pl.ds(m * CH, CH)]],
                             ssem.at[k], add=True)

        def swait(k):
            pltpu.make_async_copy(bufs.at[k], accum.at[dstv.at[pl.ds(0, CH)]],
                                  ssem.at[k]).wait()

        for k in range(NB // 2):
            gather(k, k)

        @pl.loop(0, kr, step=NB)
        def _(j):
            for k in range(NB):
                m = j + k

                @pl.when(m >= NB // 2)
                def _():
                    swait((k + NB // 2) % NB)

                @pl.when(m + NB // 2 < kr)
                def _():
                    gather(m + NB // 2, (k + NB // 2) % NB)

                gwait(k)
                scat(m, k)

        for k in range(NB // 2):
            swait((kr - NB // 2 + k) % NB)
        plsc.subcore_barrier()
        pltpu.sync_copy(accum.at[pl.ds(s * rpt, rpt)], stage)
        pltpu.sync_copy(stage, out_hbm.at[c, pl.ds(s * rpt, rpt)])

    return prop_k(g, src1d, dst1d)


def _tc_front(x, w1, hist):
    nw, npad = hist.shape
    n, f = x.shape
    hd = w1.shape[1]

    def body(x_ref, w_ref, hist_ref, dis_ref, g_ref):
        deg = jnp.sum(hist_ref[...], axis=0) + 1.0
        dis = lax.rsqrt(deg)
        disb = jnp.broadcast_to(dis[:, None], (npad, hd))
        dis_ref[...] = disb
        h = jnp.dot(x_ref[...].astype(jnp.bfloat16),
                    w_ref[...].astype(jnp.bfloat16),
                    preferred_element_type=jnp.float32)
        g_ref[...] = h * disb[:n, :]

    return pl.pallas_call(
        body,
        in_specs=[
            pl.BlockSpec((n, f), lambda: (0, 0)),
            pl.BlockSpec((f, hd), lambda: (0, 0)),
            pl.BlockSpec((nw, npad), lambda: (0, 0)),
        ],
        out_specs=[
            pl.BlockSpec((npad, hd), lambda: (0, 0)),
            pl.BlockSpec((n, hd), lambda: (0, 0)),
        ],
        out_shape=[
            jax.ShapeDtypeStruct((npad, hd), jnp.float32),
            jax.ShapeDtypeStruct((n, hd), jnp.float32),
        ],
    )(x, w1, hist)


def _tc2(p, g, dis, w2, b1):
    n, hd = g.shape
    npad = p.shape[1]

    def body(p_ref, g_ref, dis_ref, w_ref, b_ref, o_ref):
        s = p_ref[0, :n] + p_ref[1, :n] + g_ref[...]
        d = dis_ref[:n]
        a = jnp.maximum(d * s + b_ref[...], 0.0)
        h = jnp.dot(a.astype(jnp.bfloat16), w_ref[...].astype(jnp.bfloat16),
                    preferred_element_type=jnp.float32)
        o_ref[...] = h * d

    return pl.pallas_call(
        body,
        in_specs=[
            pl.BlockSpec((NC, npad, hd), lambda: (0, 0, 0)),
            pl.BlockSpec((n, hd), lambda: (0, 0)),
            pl.BlockSpec((npad, hd), lambda: (0, 0)),
            pl.BlockSpec((hd, hd), lambda: (0, 0)),
            pl.BlockSpec((1, hd), lambda: (0, 0)),
        ],
        out_specs=pl.BlockSpec((n, hd), lambda: (0, 0)),
        out_shape=jax.ShapeDtypeStruct((n, hd), jnp.float32),
    )(p, g, dis, w2, b1)


def _tc3(q, g2, dis, b2, wl, bl):
    n, hd = g2.shape
    npad = q.shape[1]
    co = wl.shape[1]

    def body(q_ref, g_ref, dis_ref, b_ref, w_ref, bl_ref, o_ref):
        s = q_ref[0, :n] + q_ref[1, :n] + g_ref[...]
        a = jnp.maximum(dis_ref[:n] * s + b_ref[...], 0.0)
        logits = jnp.dot(a.astype(jnp.bfloat16), w_ref[...].astype(jnp.bfloat16),
                         preferred_element_type=jnp.float32)
        logits = logits + bl_ref[...]
        m = jnp.max(logits, axis=1, keepdims=True)
        lse = m + jnp.log(jnp.sum(jnp.exp(logits - m), axis=1, keepdims=True))
        o_ref[...] = logits - lse

    return pl.pallas_call(
        body,
        in_specs=[
            pl.BlockSpec((NC, npad, hd), lambda: (0, 0, 0)),
            pl.BlockSpec((n, hd), lambda: (0, 0)),
            pl.BlockSpec((npad, hd), lambda: (0, 0)),
            pl.BlockSpec((1, hd), lambda: (0, 0)),
            pl.BlockSpec((hd, co), lambda: (0, 0)),
            pl.BlockSpec((1, co), lambda: (0, 0)),
        ],
        out_specs=pl.BlockSpec((n, co), lambda: (0, 0)),
        out_shape=jax.ShapeDtypeStruct((n, co), jnp.float32),
    )(q, g2, dis, b2, wl, bl)


def kernel(x, edge_index, W1, b1, W2, b2, Wl, bl):
    n = x.shape[0]
    e = edge_index.shape[1]

    e1 = -(-e // (NW * LANES)) * (NW * LANES)
    src, dst = _tc_edges(edge_index)
    if e1 != e:
        src = jnp.concatenate([src, jnp.zeros((e1 - e,), jnp.int32)])
        dst = jnp.concatenate([dst, jnp.full((e1 - e,), n, jnp.int32)])
    ept = e1 // NW
    tile_e = -(-ept // (8 * CH)) * (8 * CH)
    kr = tile_e // CH
    npad = -(-(n + 1) // (8 * NS)) * (8 * NS)
    rpt = npad // NS

    hist = _hist_sc(dst, n, npad, ept, tile_e)
    dis, g1 = _tc_front(x, W1, hist)
    p = _prop_sc(g1, src, dst, n, npad, ept, kr, rpt)
    g2 = _tc2(p, g1, dis, W2, b1.reshape(1, -1))
    q = _prop_sc(g2, src, dst, n, npad, ept, kr, rpt)
    return _tc3(q, g2, dis, b2.reshape(1, -1), Wl, bl.reshape(1, -1))

# --- scband reference (transcript-rebuilt; emitter-appended) ---
"""Pipeline reference for scband-gcn-with-linear-49692771615404 (READ-ONLY COPY).

The authoritative reference and input builder live on the scoring server;
editing this copy changes nothing except your own understanding.
"""

import jax, jax.numpy as jnp
import numpy as np

N, E, F_IN, H, C = 10000, 320000, 128, 16, 40


def setup_inputs(seed: int = 0):
    key = jax.random.key(seed)
    ks = jax.random.split(key, 8)
    x = jax.random.normal(ks[0], (N, F_IN), dtype=jnp.float32)
    edge_index = jax.random.randint(ks[1], (2, E), 0, N, dtype=jnp.int32)
    W1 = jax.random.normal(ks[2], (F_IN, H), dtype=jnp.float32) / np.sqrt(F_IN)
    b1 = jnp.zeros((H,), dtype=jnp.float32)
    W2 = jax.random.normal(ks[3], (H, H), dtype=jnp.float32) / np.sqrt(H)
    b2 = jnp.zeros((H,), dtype=jnp.float32)
    Wl = jax.random.normal(ks[4], (H, C), dtype=jnp.float32) / np.sqrt(H)
    bl = jnp.zeros((C,), dtype=jnp.float32)
    return {"x": x, "edge_index": edge_index, "W1": W1, "b1": b1, "W2": W2, "b2": b2, "Wl": Wl, "bl": bl}


def gcn_conv(x, edge_index, W, b):
    # PyG GCNConv: y = D^{-1/2} (A + I) D^{-1/2} (x W) + b
    n = x.shape[0]
    src = edge_index[0]
    dst = edge_index[1]
    loop = jnp.arange(n, dtype=src.dtype)
    src = jnp.concatenate([src, loop])
    dst = jnp.concatenate([dst, loop])
    deg = jnp.zeros((n,), dtype=x.dtype).at[dst].add(1.0)
    dis = jnp.where(deg > 0, jax.lax.rsqrt(jnp.maximum(deg, 1e-12)), 0.0)
    norm = dis[src] * dis[dst]
    h = x @ W
    msg = h[src] * norm[:, None]
    out = jnp.zeros((n, W.shape[1]), dtype=x.dtype).at[dst].add(msg)
    return out + b


def reference(x, edge_index, W1, b1, W2, b2, Wl, bl):
    h = gcn_conv(x, edge_index, W1, b1)
    h = jax.nn.relu(h)
    # dropout is identity in eval mode (training=False)
    h = gcn_conv(h, edge_index, W2, b2)
    h = jax.nn.relu(h)
    logits = h @ Wl + bl
    return jax.nn.log_softmax(logits, axis=1)

if __name__ == "__main__":
    import jax
    _d = setup_inputs()
    print(jax.jit(kernel)(*tuple(_d.values())))

</pallas_src>

<mosaic_0001>
#map = affine_map<(d0, d1) -> (0)>
#map1 = affine_map<(d0, d1) -> (0, 0)>
module attributes {stable_mosaic.version = 14 : i64} {
  func.func @hist_k(%arg0: i32, %arg1: i32, %arg2: memref<320000xi32, #tpu.memory_space<hbm>>, %arg3: memref<32x10112xf32, #tpu.memory_space<hbm>>, %arg4: memref<10240xi32, #tpu.memory_space<vmem>>, %arg5: memref<10112xf32, #tpu.memory_space<vmem>>, %arg6: memref<!tpu.dma_semaphore, #tpu.memory_space<semaphore_mem>>) attributes {dimension_semantics = [#tpu.dimension_semantics<core_parallel>, #tpu.dimension_semantics<subcore_parallel>], iteration_bounds = array<i64: 2, 16>, scalar_prefetch = 0 : i64, scratch_operands = 3 : i64, tpu.core_type = #tpu.core_type<sc_vector_subcore>, window_params = [{transform_indices = #map}, {transform_indices = #map1}]} {
    %mul3A = arith.constant 16 : i32
    %mul3A_0 = arith.muli %arg0, %mul3A : i32
    %add3A = arith.addi %mul3A_0, %arg1 : i32
    %mul3A_1 = arith.constant 10000 : i32
    %mul3A_2 = arith.muli %add3A, %mul3A_1 : i32
    %dma_start3A = arith.constant 0 : i32
    %dma_start3A_3 = tpu.memref_slice %arg4[%dma_start3A] : memref<10240xi32, #tpu.memory_space<vmem>> -> memref<10000xi32, #tpu.memory_space<vmem>>
    %dma_start3A_4 = tpu.memref_slice %arg2[%mul3A_2] : memref<320000xi32, #tpu.memory_space<hbm>> -> memref<10000xi32, #tpu.memory_space<hbm>>
    %dma_start3A_5 = arith.constant 0 : i32
    %dma_start3A_6 = tpu.memref_slice %arg4[%dma_start3A_5] : memref<10240xi32, #tpu.memory_space<vmem>> -> memref<10000xi32, #tpu.memory_space<vmem>>
    %dma_start3A_7 = tpu.memref_slice %arg2[%mul3A_2] : memref<320000xi32, #tpu.memory_space<hbm>> -> memref<10000xi32, #tpu.memory_space<hbm>>
    tpu.enqueue_dma source(%dma_start3A_7 : memref<10000xi32, #tpu.memory_space<hbm>>) target(%dma_start3A_6 : memref<10000xi32, #tpu.memory_space<vmem>>) target_semaphore(%arg6 : memref<!tpu.dma_semaphore, #tpu.memory_space<semaphore_mem>>)
    %iota3A = tpu.iota {dimensions = array<i32: 0>} : vector<16xi32>
    %rem3A = arith.constant 112 : i32
    %rem3A_8 = vector.broadcast %rem3A : i32 to vector<16xi32>
    %rem3A_9 = arith.remsi %iota3A, %rem3A_8 : vector<16xi32>
    %add3A_10 = arith.constant 10000 : i32
    %add3A_11 = vector.broadcast %add3A_10 : i32 to vector<16xi32>
    %add3A_12 = arith.addi %add3A_11, %rem3A_9 : vector<16xi32>
    %scan3A = arith.constant 0 : i32
    %scan3A_13 = arith.constant 15 : i32
    %scan3A_14 = arith.addi %scan3A, %scan3A_13 : i32
    %scan3A_15 = arith.constant 1 : i32
    scf.for %scan3A_33 = %scan3A to %scan3A_14 step %scan3A_15  : i32 {
      %mul3A_34 = arith.constant 16 : i32
      %mul3A_35 = arith.muli %scan3A_33, %mul3A_34 : i32
      %add3A_36 = arith.constant 10000 : i32
      %add3A_37 = arith.addi %add3A_36, %mul3A_35 : i32
      %swap3A = arith.index_cast %add3A_37 : i32 to index
      %swap3A_38 = tpu.vector_load %arg4[%swap3A] {strides = array<i32>} : memref<10240xi32, #tpu.memory_space<vmem>>, vector<16xi32>,
      tpu.vector_store %arg4[%swap3A], %add3A_12 {strides = array<i32>} : memref<10240xi32, #tpu.memory_space<vmem>>, vector<16xi32>,
    }
    %scan3A_16 = arith.constant 15 : i32
    %scan3A_17 = arith.constant 0 : i32
    %scan3A_18 = arith.constant 632 : i32
    %scan3A_19 = arith.addi %scan3A_17, %scan3A_18 : i32
    %scan3A_20 = arith.constant 1 : i32
    scf.for %scan3A_33 = %scan3A_17 to %scan3A_19 step %scan3A_20  : i32 {
      %mul3A_34 = arith.constant 16 : i32
      %mul3A_35 = arith.muli %scan3A_33, %mul3A_34 : i32
      %add3A_36 = arith.constant 0 : i32
      %add3A_37 = arith.addi %add3A_36, %mul3A_35 : i32
      %broadcast_in_dim3A_38 = arith.constant 0.000000e+00 : f32
      %broadcast_in_dim3A_39 = vector.broadcast %broadcast_in_dim3A_38 : f32 to vector<16xf32>
      %swap3A = arith.index_cast %add3A_37 : i32 to index
      %swap3A_40 = tpu.vector_load %arg5[%swap3A] {strides = array<i32>} : memref<10112xf32, #tpu.memory_space<vmem>>, vector<16xf32>,
      tpu.vector_store %arg5[%swap3A], %broadcast_in_dim3A_39 {strides = array<i32>} : memref<10112xf32, #tpu.memory_space<vmem>>, vector<16xf32>,
    }
    %scan3A_21 = arith.constant 632 : i32
    %dma_wait3A = arith.constant 0 : i32
    %dma_wait3A_22 = tpu.memref_slice %arg4[%dma_wait3A] : memref<10240xi32, #tpu.memory_space<vmem>> -> memref<10000xi32, #tpu.memory_space<vmem>>
    %dma_wait3A_23 = tpu.memref_slice %arg2[%mul3A_2] : memref<320000xi32, #tpu.memory_space<hbm>> -> memref<10000xi32, #tpu.memory_space<hbm>>
    %dma_wait3A_24 = arith.constant 0 : i32
    %dma_wait3A_25 = tpu.memref_slice %arg4[%dma_wait3A_24] : memref<10240xi32, #tpu.memory_space<vmem>> -> memref<10000xi32, #tpu.memory_space<vmem>>
    %dma_wait3A_26 = tpu.memref_slice %arg2[%mul3A_2] : memref<320000xi32, #tpu.memory_space<hbm>> -> memref<10000xi32, #tpu.memory_space<hbm>>
    tpu.wait_dma2 semaphore(%arg6 : memref<!tpu.dma_semaphore, #tpu.memory_space<semaphore_mem>>) src(%dma_wait3A_26 : memref<10000xi32, #tpu.memory_space<hbm>>) dst(%dma_wait3A_25 : memref<10000xi32, #tpu.memory_space<vmem>>)
    %broadcast_in_dim3A = arith.constant 1.000000e+00 : f32
    %broadcast_in_dim3A_27 = vector.broadcast %broadcast_in_dim3A : f32 to vector<16xf32>
    %scan3A_28 = arith.constant 0 : i32
    %scan3A_29 = arith.constant 640 : i32
    %scan3A_30 = arith.addi %scan3A_28, %scan3A_29 : i32
    %scan3A_31 = arith.constant 1 : i32
    scf.for %scan3A_33 = %scan3A_28 to %scan3A_30 step %scan3A_31  : i32 {
      %mul3A_34 = arith.constant 16 : i32
      %mul3A_35 = arith.muli %scan3A_33, %mul3A_34 : i32
      %add3A_36 = arith.constant 0 : i32
      %add3A_37 = arith.addi %add3A_36, %mul3A_35 : i32
      %get3A = arith.index_cast %add3A_37 : i32 to index
      %get3A_38 = tpu.vector_load %arg4[%get3A] {strides = array<i32>} : memref<10240xi32, #tpu.memory_space<vmem>>, vector<16xi32>,
      tpu.vector_store_idx %arg5[%get3A_38], %broadcast_in_dim3A_27 {add = true} : memref<10112xf32, #tpu.memory_space<vmem>>[vector<16xi32>], vector<16xf32>,
    }
    %scan3A_32 = arith.constant 640 : i32
    "tpu.region"() ({
      %run_scoped3A = tpu.sem_alloc : memref<!tpu.dma_semaphore, #tpu.memory_space<semaphore_mem>>
      %dma_start3A_33 = arith.constant 0 : i32
      %dma_start3A_34 = tpu.memref_slice %arg3[%add3A, %dma_start3A_33] : memref<32x10112xf32, #tpu.memory_space<hbm>> -> memref<1x10112xf32, #tpu.memory_space<hbm>>
      %dma_start3A_35 = tpu.memref_squeeze %dma_start3A_34 : memref<1x10112xf32, #tpu.memory_space<hbm>> -> memref<10112xf32, #tpu.memory_space<hbm>>
      %dma_start3A_36 = arith.constant 0 : i32
      %dma_start3A_37 = tpu.memref_slice %arg3[%add3A, %dma_start3A_36] : memref<32x10112xf32, #tpu.memory_space<hbm>> -> memref<1x10112xf32, #tpu.memory_space<hbm>>
      %dma_start3A_38 = tpu.memref_squeeze %dma_start3A_37 : memref<1x10112xf32, #tpu.memory_space<hbm>> -> memref<10112xf32, #tpu.memory_space<hbm>>
      tpu.enqueue_dma source(%arg5 : memref<10112xf32, #tpu.memory_space<vmem>>) target(%dma_start3A_38 : memref<10112xf32, #tpu.memory_space<hbm>>) target_semaphore(%run_scoped3A : memref<!tpu.dma_semaphore, #tpu.memory_space<semaphore_mem>>)
      %dma_wait3A_39 = arith.constant 0 : i32
      %dma_wait3A_40 = tpu.memref_slice %arg3[%add3A, %dma_wait3A_39] : memref<32x10112xf32, #tpu.memory_space<hbm>> -> memref<1x10112xf32, #tpu.memory_space<hbm>>
      %dma_wait3A_41 = tpu.memref_squeeze %dma_wait3A_40 : memref<1x10112xf32, #tpu.memory_space<hbm>> -> memref<10112xf32, #tpu.memory_space<hbm>>
      %dma_wait3A_42 = arith.constant 0 : i32
      %dma_wait3A_43 = tpu.memref_slice %arg3[%add3A, %dma_wait3A_42] : memref<32x10112xf32, #tpu.memory_space<hbm>> -> memref<1x10112xf32, #tpu.memory_space<hbm>>
      %dma_wait3A_44 = tpu.memref_squeeze %dma_wait3A_43 : memref<1x10112xf32, #tpu.memory_space<hbm>> -> memref<10112xf32, #tpu.memory_space<hbm>>
      tpu.wait_dma2 semaphore(%run_scoped3A : memref<!tpu.dma_semaphore, #tpu.memory_space<semaphore_mem>>) src(%arg5 : memref<10112xf32, #tpu.memory_space<vmem>>) dst(%dma_wait3A_44 : memref<10112xf32, #tpu.memory_space<hbm>>)
      tpu.yield
    }) : () -> ()
    return
  }
}

#map = affine_map<(d0, d1) -> (0, 0)>
#map1 = affine_map<(d0, d1) -> (0)>
#map2 = affine_map<(d0, d1) -> (0, 0, 0)>
module attributes {stable_mosaic.version = 14 : i64} {
  func.func @prop_k(%arg0: i32, %arg1: i32, %arg2: memref<10000x16xf32, #tpu.memory_space<hbm>>, %arg3: memref<320000xi32, #tpu.memory_space<hbm>>, %arg4: memref<320000xi32, #tpu.memory_space<hbm>>, %arg5: memref<2x10112x16xf32, #tpu.memory_space<hbm>>, %arg6: memref<10240xi32, #tpu.memory_space<vmem>>, %arg7: memref<10240xi32, #tpu.memory_space<vmem>>, %arg8: memref<8x128x16xf32, #tpu.memory_space<vmem>>, %arg9: memref<632x16xf32, #tpu.memory_space<vmem>>, %arg10: memref<10112x16xf32, #tpu.memory_space<vmem_shared>>, %arg11: memref<8x!tpu.dma_semaphore, #tpu.memory_space<semaphore_mem>>, %arg12: memref<8x!tpu.dma_semaphore, #tpu.memory_space<semaphore_mem>>) attributes {dimension_semantics = [#tpu.dimension_semantics<core_parallel>, #tpu.dimension_semantics<subcore_parallel>], iteration_bounds = array<i64: 2, 16>, scalar_prefetch = 0 : i64, scratch_operands = 7 : i64, tpu.core_type = #tpu.core_type<sc_vector_subcore>, window_params = [{transform_indices = #map}, {transform_indices = #map1}, {transform_indices = #map1}, {transform_indices = #map2}]} {
    %mul3A = arith.constant 16 : i32
    %mul3A_0 = arith.muli %arg0, %mul3A : i32
    %add3A = arith.addi %mul3A_0, %arg1 : i32
    %mul3A_1 = arith.constant 10000 : i32
    %mul3A_2 = arith.muli %add3A, %mul3A_1 : i32
    %dma_start3A = arith.constant 0 : i32
    %dma_start3A_3 = arith.constant 0 : i32
    %dma_start3A_4 = tpu.memref_slice %arg6[%dma_start3A_3] : memref<10240xi32, #tpu.memory_space<vmem>> -> memref<10000xi32, #tpu.memory_space<vmem>>
    %dma_start3A_5 = tpu.memref_slice %arg3[%mul3A_2] : memref<320000xi32, #tpu.memory_space<hbm>> -> memref<10000xi32, #tpu.memory_space<hbm>>
    %dma_start3A_6 = tpu.memref_slice %arg11[%dma_start3A] : memref<8x!tpu.dma_semaphore, #tpu.memory_space<semaphore_mem>> -> memref<1x!tpu.dma_semaphore, #tpu.memory_space<semaphore_mem>>
    %dma_start3A_7 = tpu.memref_squeeze %dma_start3A_6 : memref<1x!tpu.dma_semaphore, #tpu.memory_space<semaphore_mem>> -> memref<!tpu.dma_semaphore, #tpu.memory_space<semaphore_mem>>
    %dma_start3A_8 = arith.constant 0 : i32
    %dma_start3A_9 = tpu.memref_slice %arg6[%dma_start3A_8] : memref<10240xi32, #tpu.memory_space<vmem>> -> memref<10000xi32, #tpu.memory_space<vmem>>
    %dma_start3A_10 = tpu.memref_slice %arg3[%mul3A_2] : memref<320000xi32, #tpu.memory_space<hbm>> -> memref<10000xi32, #tpu.memory_space<hbm>>
    tpu.enqueue_dma source(%dma_start3A_10 : memref<10000xi32, #tpu.memory_space<hbm>>) target(%dma_start3A_9 : memref<10000xi32, #tpu.memory_space<vmem>>) target_semaphore(%dma_start3A_7 : memref<!tpu.dma_semaphore, #tpu.memory_space<semaphore_mem>>)
    %mul3A_11 = arith.constant 10000 : i32
    %mul3A_12 = arith.muli %add3A, %mul3A_11 : i32
    %dma_start3A_13 = arith.constant 1 : i32
    %dma_start3A_14 = arith.constant 0 : i32
    %dma_start3A_15 = tpu.memref_slice %arg7[%dma_start3A_14] : memref<10240xi32, #tpu.memory_space<vmem>> -> memref<10000xi32, #tpu.memory_space<vmem>>
    %dma_start3A_16 = tpu.memref_slice %arg4[%mul3A_12] : memref<320000xi32, #tpu.memory_space<hbm>> -> memref<10000xi32, #tpu.memory_space<hbm>>
    %dma_start3A_17 = tpu.memref_slice %arg11[%dma_start3A_13] : memref<8x!tpu.dma_semaphore, #tpu.memory_space<semaphore_mem>> -> memref<1x!tpu.dma_semaphore, #tpu.memory_space<semaphore_mem>>
    %dma_start3A_18 = tpu.memref_squeeze %dma_start3A_17 : memref<1x!tpu.dma_semaphore, #tpu.memory_space<semaphore_mem>> -> memref<!tpu.dma_semaphore, #tpu.memory_space<semaphore_mem>>
    %dma_start3A_19 = arith.constant 0 : i32
    %dma_start3A_20 = tpu.memref_slice %arg7[%dma_start3A_19] : memref<10240xi32, #tpu.memory_space<vmem>> -> memref<10000xi32, #tpu.memory_space<vmem>>
    %dma_start3A_21 = tpu.memref_slice %arg4[%mul3A_12] : memref<320000xi32, #tpu.memory_space<hbm>> -> memref<10000xi32, #tpu.memory_space<hbm>>
    tpu.enqueue_dma source(%dma_start3A_21 : memref<10000xi32, #tpu.memory_space<hbm>>) target(%dma_start3A_20 : memref<10000xi32, #tpu.memory_space<vmem>>) target_semaphore(%dma_start3A_18 : memref<!tpu.dma_semaphore, #tpu.memory_space<semaphore_mem>>)
    %iota3A = tpu.iota {dimensions = array<i32: 0>} : vector<16xi32>
    %rem3A = arith.constant 112 : i32
    %rem3A_22 = vector.broadcast %rem3A : i32 to vector<16xi32>
    %rem3A_23 = arith.remsi %iota3A, %rem3A_22 : vector<16xi32>
    %add3A_24 = arith.constant 10000 : i32
    %add3A_25 = vector.broadcast %add3A_24 : i32 to vector<16xi32>
    %add3A_26 = arith.addi %add3A_25, %rem3A_23 : vector<16xi32>
    %broadcast_in_dim3A = arith.constant 0 : i32
    %broadcast_in_dim3A_27 = vector.broadcast %broadcast_in_dim3A : i32 to vector<16xi32>
    %scan3A = arith.constant 112 : i32
    %scan3A_28 = arith.constant 0 : i32
    %scan3A_29 = arith.constant 15 : i32
    %scan3A_30 = arith.addi %scan3A_28, %scan3A_29 : i32
    %scan3A_31 = arith.constant 1 : i32
    scf.for %scan3A_171 = %scan3A_28 to %scan3A_30 step %scan3A_31  : i32 {
      %mul3A_172 = arith.constant 16 : i32
      %mul3A_173 = arith.muli %scan3A_171, %mul3A_172 : i32
      %add3A_174 = arith.constant 10000 : i32
      %add3A_175 = arith.addi %add3A_174, %mul3A_173 : i32
      %swap3A = arith.index_cast %add3A_175 : i32 to index
      %swap3A_176 = tpu.vector_load %arg6[%swap3A] {strides = array<i32>} : memref<10240xi32, #tpu.memory_space<vmem>>, vector<16xi32>,
      tpu.vector_store %arg6[%swap3A], %broadcast_in_dim3A_27 {strides = array<i32>} : memref<10240xi32, #tpu.memory_space<vmem>>, vector<16xi32>,
      %sub3A = arith.constant 10000 : i32
      %sub3A_177 = vector.broadcast %sub3A : i32 to vector<16xi32>
      %sub3A_178 = arith.subi %add3A_26, %sub3A_177 : vector<16xi32>
      %add3A_179 = vector.broadcast %add3A_175 : i32 to vector<16xi32>
      %add3A_180 = arith.addi %sub3A_178, %add3A_179 : vector<16xi32>
      %rem3A_181 = vector.broadcast %scan3A : i32 to vector<16xi32>
      %rem3A_182 = arith.remsi %add3A_180, %rem3A_181 : vector<16xi32>
      %add3A_183 = arith.constant 10000 : i32
      %add3A_184 = vector.broadcast %add3A_183 : i32 to vector<16xi32>
      %add3A_185 = arith.addi %add3A_184, %rem3A_182 : vector<16xi32>
      %swap3A_186 = arith.index_cast %add3A_175 : i32 to index
      %swap3A_187 = tpu.vector_load %arg7[%swap3A_186] {strides = array<i32>} : memref<10240xi32, #tpu.memory_space<vmem>>, vector<16xi32>,
      tpu.vector_store %arg7[%swap3A_186], %add3A_185 {strides = array<i32>} : memref<10240xi32, #tpu.memory_space<vmem>>, vector<16xi32>,
    }
    %scan3A_32 = arith.constant 15 : i32
    %scan3A_33 = arith.constant 0 : i32
    %scan3A_34 = arith.constant 632 : i32
    %scan3A_35 = arith.addi %scan3A_33, %scan3A_34 : i32
    %scan3A_36 = arith.constant 1 : i32
    scf.for %scan3A_171 = %scan3A_33 to %scan3A_35 step %scan3A_36  : i32 {
      %mul3A_172 = arith.constant 1 : i32
      %mul3A_173 = arith.muli %scan3A_171, %mul3A_172 : i32
      %add3A_174 = arith.constant 0 : i32
      %add3A_175 = arith.addi %add3A_174, %mul3A_173 : i32
      %broadcast_in_dim3A_176 = arith.constant 0.000000e+00 : f32
      %broadcast_in_dim3A_177 = vector.broadcast %broadcast_in_dim3A_176 : f32 to vector<16xf32>
      %swap3A = arith.index_cast %add3A_175 : i32 to index
      %swap3A_178 = arith.constant 0 : index
      %swap3A_179 = tpu.vector_load %arg9[%swap3A, %swap3A_178] {strides = array<i32>} : memref<632x16xf32, #tpu.memory_space<vmem>>, vector<16xf32>,
      tpu.vector_store %arg9[%swap3A, %swap3A_178], %broadcast_in_dim3A_177 {strides = array<i32>} : memref<632x16xf32, #tpu.memory_space<vmem>>, vector<16xf32>,
    }
    %scan3A_37 = arith.constant 632 : i32
    %mul3A_38 = arith.constant 632 : i32
    %mul3A_39 = arith.muli %arg1, %mul3A_38 : i32
    "tpu.region"() ({
      %run_scoped3A = tpu.sem_alloc : memref<!tpu.dma_semaphore, #tpu.memory_space<semaphore_mem>>
      %dma_start3A_171 = arith.constant 0 : i32
      %dma_start3A_172 = tpu.memref_slice %arg10[%mul3A_39, %dma_start3A_171] : memref<10112x16xf32, #tpu.memory_space<vmem_shared>> -> memref<632x16xf32, #tpu.memory_space<vmem_shared>>
      %dma_start3A_173 = arith.constant 0 : i32
      %dma_start3A_174 = tpu.memref_slice %arg10[%mul3A_39, %dma_start3A_173] : memref<10112x16xf32, #tpu.memory_space<vmem_shared>> -> memref<632x16xf32, #tpu.memory_space<vmem_shared>>
      tpu.enqueue_dma source(%arg9 : memref<632x16xf32, #tpu.memory_space<vmem>>) target(%dma_start3A_174 : memref<632x16xf32, #tpu.memory_space<vmem_shared>>) target_semaphore(%run_scoped3A : memref<!tpu.dma_semaphore, #tpu.memory_space<semaphore_mem>>)
      %dma_wait3A_175 = arith.constant 0 : i32
      %dma_wait3A_176 = tpu.memref_slice %arg10[%mul3A_39, %dma_wait3A_175] : memref<10112x16xf32, #tpu.memory_space<vmem_shared>> -> memref<632x16xf32, #tpu.memory_space<vmem_shared>>
      %dma_wait3A_177 = arith.constant 0 : i32
      %dma_wait3A_178 = tpu.memref_slice %arg10[%mul3A_39, %dma_wait3A_177] : memref<10112x16xf32, #tpu.memory_space<vmem_shared>> -> memref<632x16xf32, #tpu.memory_space<vmem_shared>>
      tpu.wait_dma2 semaphore(%run_scoped3A : memref<!tpu.dma_semaphore, #tpu.memory_space<semaphore_mem>>) src(%arg9 : memref<632x16xf32, #tpu.memory_space<vmem>>) dst(%dma_wait3A_178 : memref<632x16xf32, #tpu.memory_space<vmem_shared>>)
      tpu.yield
    }) : () -> ()
    %dma_wait3A = arith.constant 0 : i32
    %dma_wait3A_40 = arith.constant 0 : i32
    %dma_wait3A_41 = tpu.memref_slice %arg6[%dma_wait3A_40] : memref<10240xi32, #tpu.memory_space<vmem>> -> memref<10000xi32, #tpu.memory_space<vmem>>
    %dma_wait3A_42 = tpu.memref_slice %arg3[%mul3A_2] : memref<320000xi32, #tpu.memory_space<hbm>> -> memref<10000xi32, #tpu.memory_space<hbm>>
    %dma_wait3A_43 = tpu.memref_slice %arg11[%dma_wait3A] : memref<8x!tpu.dma_semaphore, #tpu.memory_space<semaphore_mem>> -> memref<1x!tpu.dma_semaphore, #tpu.memory_space<semaphore_mem>>
    %dma_wait3A_44 = tpu.memref_squeeze %dma_wait3A_43 : memref<1x!tpu.dma_semaphore, #tpu.memory_space<semaphore_mem>> -> memref<!tpu.dma_semaphore, #tpu.memory_space<semaphore_mem>>
    %dma_wait3A_45 = arith.constant 0 : i32
    %dma_wait3A_46 = tpu.memref_slice %arg6[%dma_wait3A_45] : memref<10240xi32, #tpu.memory_space<vmem>> -> memref<10000xi32, #tpu.memory_space<vmem>>
    %dma_wait3A_47 = tpu.memref_slice %arg3[%mul3A_2] : memref<320000xi32, #tpu.memory_space<hbm>> -> memref<10000xi32, #tpu.memory_space<hbm>>
    tpu.wait_dma2 semaphore(%dma_wait3A_44 : memref<!tpu.dma_semaphore, #tpu.memory_space<semaphore_mem>>) src(%dma_wait3A_47 : memref<10000xi32, #tpu.memory_space<hbm>>) dst(%dma_wait3A_46 : memref<10000xi32, #tpu.memory_space<vmem>>)
    %dma_wait3A_48 = arith.constant 1 : i32
    %dma_wait3A_49 = arith.constant 0 : i32
    %dma_wait3A_50 = tpu.memref_slice %arg7[%dma_wait3A_49] : memref<10240xi32, #tpu.memory_space<vmem>> -> memref<10000xi32, #tpu.memory_space<vmem>>
    %dma_wait3A_51 = tpu.memref_slice %arg4[%mul3A_12] : memref<320000xi32, #tpu.memory_space<hbm>> -> memref<10000xi32, #tpu.memory_space<hbm>>
    %dma_wait3A_52 = tpu.memref_slice %arg11[%dma_wait3A_48] : memref<8x!tpu.dma_semaphore, #tpu.memory_space<semaphore_mem>> -> memref<1x!tpu.dma_semaphore, #tpu.memory_space<semaphore_mem>>
    %dma_wait3A_53 = tpu.memref_squeeze %dma_wait3A_52 : memref<1x!tpu.dma_semaphore, #tpu.memory_space<semaphore_mem>> -> memref<!tpu.dma_semaphore, #tpu.memory_space<semaphore_mem>>
    %dma_wait3A_54 = arith.constant 0 : i32
    %dma_wait3A_55 = tpu.memref_slice %arg7[%dma_wait3A_54] : memref<10240xi32, #tpu.memory_space<vmem>> -> memref<10000xi32, #tpu.memory_space<vmem>>
    %dma_wait3A_56 = tpu.memref_slice %arg4[%mul3A_12] : memref<320000xi32, #tpu.memory_space<hbm>> -> memref<10000xi32, #tpu.memory_space<hbm>>
    tpu.wait_dma2 semaphore(%dma_wait3A_53 : memref<!tpu.dma_semaphore, #tpu.memory_space<semaphore_mem>>) src(%dma_wait3A_56 : memref<10000xi32, #tpu.memory_space<hbm>>) dst(%dma_wait3A_55 : memref<10000xi32, #tpu.memory_space<vmem>>)
    %barrier3A = arith.constant 0 : index
    tpu.barrier barrier_id(%barrier3A)
    %dma_start3A_57 = arith.constant 0 : i32
    %dma_start3A_58 = arith.constant 0 : i32
    %dma_start3A_59 = arith.constant 0 : i32
    %dma_start3A_60 = arith.constant 0 : i32
    %dma_start3A_61 = tpu.memref_slice %arg8[%dma_start3A_57, %dma_start3A_59, %dma_start3A_60] : memref<8x128x16xf32, #tpu.memory_space<vmem>> -> memref<1x128x16xf32, #tpu.memory_space<vmem>>
    %dma_start3A_62 = tpu.memref_squeeze %dma_start3A_61 : memref<1x128x16xf32, #tpu.memory_space<vmem>> -> memref<128x16xf32, #tpu.memory_space<vmem>>
    %dma_start3A_63 = arith.constant 0 : i32
    %dma_start3A_64 = tpu.memref_slice %arg6[%dma_start3A_63] : memref<10240xi32, #tpu.memory_space<vmem>> -> memref<128xi32, #tpu.memory_space<vmem>>
    %dma_start3A_65 = arith.constant 0 : i32
    %dma_start3A_66 = arith.constant 0 : i32
    %dma_start3A_67 = tpu.memref_slice %arg2[%dma_start3A_65, %dma_start3A_66] : memref<10000x16xf32, #tpu.memory_space<hbm>> -> memref<10000x16xf32, #tpu.memory_space<hbm>>
    %dma_start3A_68 = tpu.memref_slice %arg11[%dma_start3A_58] : memref<8x!tpu.dma_semaphore, #tpu.memory_space<semaphore_mem>> -> memref<1x!tpu.dma_semaphore, #tpu.memory_space<semaphore_mem>>
    %dma_start3A_69 = tpu.memref_squeeze %dma_start3A_68 : memref<1x!tpu.dma_semaphore, #tpu.memory_space<semaphore_mem>> -> memref<!tpu.dma_semaphore, #tpu.memory_space<semaphore_mem>>
    tpu.enqueue_indirect_dma source(%dma_start3A_67 : memref<10000x16xf32, #tpu.memory_space<hbm>>) target(%dma_start3A_62 : memref<128x16xf32, #tpu.memory_space<vmem>>) offsets(%dma_start3A_64 : memref<128xi32, #tpu.memory_space<vmem>>) semaphore(%dma_start3A_69 : memref<!tpu.dma_semaphore, #tpu.memory_space<semaphore_mem>>)
    %dma_start3A_70 = arith.constant 1 : i32
    %dma_start3A_71 = arith.constant 1 : i32
    %dma_start3A_72 = arith.constant 0 : i32
    %dma_start3A_73 = arith.constant 0 : i32
    %dma_start3A_74 = tpu.memref_slice %arg8[%dma_start3A_70, %dma_start3A_72, %dma_start3A_73] : memref<8x128x16xf32, #tpu.memory_space<vmem>> -> memref<1x128x16xf32, #tpu.memory_space<vmem>>
    %dma_start3A_75 = tpu.memref_squeeze %dma_start3A_74 : memref<1x128x16xf32, #tpu.memory_space<vmem>> -> memref<128x16xf32, #tpu.memory_space<vmem>>
    %dma_start3A_76 = arith.constant 128 : i32
    %dma_start3A_77 = tpu.memref_slice %arg6[%dma_start3A_76] : memref<10240xi32, #tpu.memory_space<vmem>> -> memref<128xi32, #tpu.memory_space<vmem>>
    %dma_start3A_78 = arith.constant 0 : i32
    %dma_start3A_79 = arith.constant 0 : i32
    %dma_start3A_80 = tpu.memref_slice %arg2[%dma_start3A_78, %dma_start3A_79] : memref<10000x16xf32, #tpu.memory_space<hbm>> -> memref<10000x16xf32, #tpu.memory_space<hbm>>
    %dma_start3A_81 = tpu.memref_slice %arg11[%dma_start3A_71] : memref<8x!tpu.dma_semaphore, #tpu.memory_space<semaphore_mem>> -> memref<1x!tpu.dma_semaphore, #tpu.memory_space<semaphore_mem>>
    %dma_start3A_82 = tpu.memref_squeeze %dma_start3A_81 : memref<1x!tpu.dma_semaphore, #tpu.memory_space<semaphore_mem>> -> memref<!tpu.dma_semaphore, #tpu.memory_space<semaphore_mem>>
    tpu.enqueue_indirect_dma source(%dma_start3A_80 : memref<10000x16xf32, #tpu.memory_space<hbm>>) target(%dma_start3A_75 : memref<128x16xf32, #tpu.memory_space<vmem>>) offsets(%dma_start3A_77 : memref<128xi32, #tpu.memory_space<vmem>>) semaphore(%dma_start3A_82 : memref<!tpu.dma_semaphore, #tpu.memory_space<semaphore_mem>>)
    %dma_start3A_83 = arith.constant 2 : i32
    %dma_start3A_84 = arith.constant 2 : i32
    %dma_start3A_85 = arith.constant 0 : i32
    %dma_start3A_86 = arith.constant 0 : i32
    %dma_start3A_87 = tpu.memref_slice %arg8[%dma_start3A_83, %dma_start3A_85, %dma_start3A_86] : memref<8x128x16xf32, #tpu.memory_space<vmem>> -> memref<1x128x16xf32, #tpu.memory_space<vmem>>
    %dma_start3A_88 = tpu.memref_squeeze %dma_start3A_87 : memref<1x128x16xf32, #tpu.memory_space<vmem>> -> memref<128x16xf32, #tpu.memory_space<vmem>>
    %dma_start3A_89 = arith.constant 256 : i32
    %dma_start3A_90 = tpu.memref_slice %arg6[%dma_start3A_89] : memref<10240xi32, #tpu.memory_space<vmem>> -> memref<128xi32, #tpu.memory_space<vmem>>
    %dma_start3A_91 = arith.constant 0 : i32
    %dma_start3A_92 = arith.constant 0 : i32
    %dma_start3A_93 = tpu.memref_slice %arg2[%dma_start3A_91, %dma_start3A_92] : memref<10000x16xf32, #tpu.memory_space<hbm>> -> memref<10000x16xf32, #tpu.memory_space<hbm>>
    %dma_start3A_94 = tpu.memref_slice %arg11[%dma_start3A_84] : memref<8x!tpu.dma_semaphore, #tpu.memory_space<semaphore_mem>> -> memref<1x!tpu.dma_semaphore, #tpu.memory_space<semaphore_mem>>
    %dma_start3A_95 = tpu.memref_squeeze %dma_start3A_94 : memref<1x!tpu.dma_semaphore, #tpu.memory_space<semaphore_mem>> -> memref<!tpu.dma_semaphore, #tpu.memory_space<semaphore_mem>>
    tpu.enqueue_indirect_dma source(%dma_start3A_93 : memref<10000x16xf32, #tpu.memory_space<hbm>>) target(%dma_start3A_88 : memref<128x16xf32, #tpu.memory_space<vmem>>) offsets(%dma_start3A_90 : memref<128xi32, #tpu.memory_space<vmem>>) semaphore(%dma_start3A_95 : memref<!tpu.dma_semaphore, #tpu.memory_space<semaphore_mem>>)
    %dma_start3A_96 = arith.constant 3 : i32
    %dma_start3A_97 = arith.constant 3 : i32
    %dma_start3A_98 = arith.constant 0 : i32
    %dma_start3A_99 = arith.constant 0 : i32
    %dma_start3A_100 = tpu.memref_slice %arg8[%dma_start3A_96, %dma_start3A_98, %dma_start3A_99] : memref<8x128x16xf32, #tpu.memory_space<vmem>> -> memref<1x128x16xf32, #tpu.memory_space<vmem>>
    %dma_start3A_101 = tpu.memref_squeeze %dma_start3A_100 : memref<1x128x16xf32, #tpu.memory_space<vmem>> -> memref<128x16xf32, #tpu.memory_space<vmem>>
    %dma_start3A_102 = arith.constant 384 : i32
    %dma_start3A_103 = tpu.memref_slice %arg6[%dma_start3A_102] : memref<10240xi32, #tpu.memory_space<vmem>> -> memref<128xi32, #tpu.memory_space<vmem>>
    %dma_start3A_104 = arith.constant 0 : i32
    %dma_start3A_105 = arith.constant 0 : i32
    %dma_start3A_106 = tpu.memref_slice %arg2[%dma_start3A_104, %dma_start3A_105] : memref<10000x16xf32, #tpu.memory_space<hbm>> -> memref<10000x16xf32, #tpu.memory_space<hbm>>
    %dma_start3A_107 = tpu.memref_slice %arg11[%dma_start3A_97] : memref<8x!tpu.dma_semaphore, #tpu.memory_space<semaphore_mem>> -> memref<1x!tpu.dma_semaphore, #tpu.memory_space<semaphore_mem>>
    %dma_start3A_108 = tpu.memref_squeeze %dma_start3A_107 : memref<1x!tpu.dma_semaphore, #tpu.memory_space<semaphore_mem>> -> memref<!tpu.dma_semaphore, #tpu.memory_space<semaphore_mem>>
    tpu.enqueue_indirect_dma source(%dma_start3A_106 : memref<10000x16xf32, #tpu.memory_space<hbm>>) target(%dma_start3A_101 : memref<128x16xf32, #tpu.memory_space<vmem>>) offsets(%dma_start3A_103 : memref<128xi32, #tpu.memory_space<vmem>>) semaphore(%dma_start3A_108 : memref<!tpu.dma_semaphore, #tpu.memory_space<semaphore_mem>>)
    %scan3A_109 = arith.constant 0 : i32
    %scan3A_110 = arith.constant 10 : i32
    %scan3A_111 = arith.addi %scan3A_109, %scan3A_110 : i32
    %scan3A_112 = arith.constant 1 : i32
    scf.for %scan3A_171 = %scan3A_109 to %scan3A_111 step %scan3A_112  : i32 {
      %mul3A_172 = arith.constant 8 : i32
      %mul3A_173 = arith.muli %scan3A_171, %mul3A_172 : i32
      %add3A_174 = arith.constant 0 : i32
      %add3A_175 = arith.addi %add3A_174, %mul3A_173 : i32
      %add3A_176 = arith.constant 0 : i32
      %add3A_177 = arith.addi %add3A_175, %add3A_176 : i32
      %ge3A = arith.constant 4 : i32
      %ge3A_178 = arith.cmpi sge, %add3A_177, %ge3A : i32
      %convert_element_type3A = arith.extui %ge3A_178 : i1 to i32
      %cond3A = arith.constant 0 : i32
      %cond3A_179 = arith.cmpi ne, %convert_element_type3A, %cond3A : i32
      scf.if %cond3A_179 {
        %dma_wait3A_500 = arith.constant 4 : i32
        %dma_wait3A_501 = arith.constant 4 : i32
        %dma_wait3A_502 = arith.constant 0 : i32
        %dma_wait3A_503 = arith.constant 0 : i32
        %dma_wait3A_504 = tpu.memref_slice %arg8[%dma_wait3A_500, %dma_wait3A_502, %dma_wait3A_503] : memref<8x128x16xf32, #tpu.memory_space<vmem>> -> memref<1x128x16xf32, #tpu.memory_space<vmem>>
        %dma_wait3A_505 = tpu.memref_squeeze %dma_wait3A_504 : memref<1x128x16xf32, #tpu.memory_space<vmem>> -> memref<128x16xf32, #tpu.memory_space<vmem>>
        %dma_wait3A_506 = arith.constant 0 : i32
        %dma_wait3A_507 = tpu.memref_slice %arg7[%dma_wait3A_506] : memref<10240xi32, #tpu.memory_space<vmem>> -> memref<128xi32, #tpu.memory_space<vmem>>
        %dma_wait3A_508 = arith.constant 0 : i32
        %dma_wait3A_509 = arith.constant 0 : i32
        %dma_wait3A_510 = tpu.memref_slice %arg10[%dma_wait3A_508, %dma_wait3A_509] : memref<10112x16xf32, #tpu.memory_space<vmem_shared>> -> memref<10112x16xf32, #tpu.memory_space<vmem_shared>>
        %dma_wait3A_511 = tpu.memref_slice %arg12[%dma_wait3A_501] : memref<8x!tpu.dma_semaphore, #tpu.memory_space<semaphore_mem>> -> memref<1x!tpu.dma_semaphore, #tpu.memory_space<semaphore_mem>>
        %dma_wait3A_512 = tpu.memref_squeeze %dma_wait3A_511 : memref<1x!tpu.dma_semaphore, #tpu.memory_space<semaphore_mem>> -> memref<!tpu.dma_semaphore, #tpu.memory_space<semaphore_mem>>
        tpu.wait_indirect_dma semaphore(%dma_wait3A_512 : memref<!tpu.dma_semaphore, #tpu.memory_space<semaphore_mem>>) src(%dma_wait3A_505 : memref<128x16xf32, #tpu.memory_space<vmem>>) dst(%dma_wait3A_510 : memref<10112x16xf32, #tpu.memory_space<vmem_shared>>)
      } else {
      }
      %add3A_180 = arith.constant 4 : i32
      %add3A_181 = arith.addi %add3A_177, %add3A_180 : i32
      %lt3A = arith.constant 80 : i32
      %lt3A_182 = arith.cmpi slt, %add3A_181, %lt3A : i32
      %convert_element_type3A_183 = arith.extui %lt3A_182 : i1 to i32
      %cond3A_184 = arith.constant 0 : i32
      %cond3A_185 = arith.cmpi ne, %convert_element_type3A_183, %cond3A_184 : i32
      scf.if %cond3A_185 {
        %add3A_500 = arith.constant 4 : i32
        %add3A_501 = arith.addi %add3A_177, %add3A_500 : i32
        %mul3A_502 = arith.constant 128 : i32
        %mul3A_503 = arith.muli %add3A_501, %mul3A_502 : i32
        %dma_start3A_504 = arith.constant 4 : i32
        %dma_start3A_505 = arith.constant 4 : i32
        %dma_start3A_506 = arith.constant 0 : i32
        %dma_start3A_507 = arith.constant 0 : i32
        %dma_start3A_508 = tpu.memref_slice %arg8[%dma_start3A_504, %dma_start3A_506, %dma_start3A_507] : memref<8x128x16xf32, #tpu.memory_space<vmem>> -> memref<1x128x16xf32, #tpu.memory_space<vmem>>
        %dma_start3A_509 = tpu.memref_squeeze %dma_start3A_508 : memref<1x128x16xf32, #tpu.memory_space<vmem>> -> memref<128x16xf32, #tpu.memory_space<vmem>>
        %dma_start3A_510 = tpu.memref_slice %arg6[%mul3A_503] : memref<10240xi32, #tpu.memory_space<vmem>> -> memref<128xi32, #tpu.memory_space<vmem>>
        %dma_start3A_511 = arith.constant 0 : i32
        %dma_start3A_512 = arith.constant 0 : i32
        %dma_start3A_513 = tpu.memref_slice %arg2[%dma_start3A_511, %dma_start3A_512] : memref<10000x16xf32, #tpu.memory_space<hbm>> -> memref<10000x16xf32, #tpu.memory_space<hbm>>
        %dma_start3A_514 = tpu.memref_slice %arg11[%dma_start3A_505] : memref<8x!tpu.dma_semaphore, #tpu.memory_space<semaphore_mem>> -> memref<1x!tpu.dma_semaphore, #tpu.memory_space<semaphore_mem>>
        %dma_start3A_515 = tpu.memref_squeeze %dma_start3A_514 : memref<1x!tpu.dma_semaphore, #tpu.memory_space<semaphore_mem>> -> memref<!tpu.dma_semaphore, #tpu.memory_space<semaphore_mem>>
        tpu.enqueue_indirect_dma source(%dma_start3A_513 : memref<10000x16xf32, #tpu.memory_space<hbm>>) target(%dma_start3A_509 : memref<128x16xf32, #tpu.memory_space<vmem>>) offsets(%dma_start3A_510 : memref<128xi32, #tpu.memory_space<vmem>>) semaphore(%dma_start3A_515 : memref<!tpu.dma_semaphore, #tpu.memory_space<semaphore_mem>>)
      } else {
      }
      %dma_wait3A_186 = arith.constant 0 : i32
      %dma_wait3A_187 = arith.constant 0 : i32
      %dma_wait3A_188 = arith.constant 0 : i32
      %dma_wait3A_189 = arith.constant 0 : i32
      %dma_wait3A_190 = tpu.memref_slice %arg8[%dma_wait3A_186, %dma_wait3A_188, %dma_wait3A_189] : memref<8x128x16xf32, #tpu.memory_space<vmem>> -> memref<1x128x16xf32, #tpu.memory_space<vmem>>
      %dma_wait3A_191 = tpu.memref_squeeze %dma_wait3A_190 : memref<1x128x16xf32, #tpu.memory_space<vmem>> -> memref<128x16xf32, #tpu.memory_space<vmem>>
      %dma_wait3A_192 = arith.constant 0 : i32
      %dma_wait3A_193 = tpu.memref_slice %arg6[%dma_wait3A_192] : memref<10240xi32, #tpu.memory_space<vmem>> -> memref<128xi32, #tpu.memory_space<vmem>>
      %dma_wait3A_194 = arith.constant 0 : i32
      %dma_wait3A_195 = arith.constant 0 : i32
      %dma_wait3A_196 = tpu.memref_slice %arg2[%dma_wait3A_194, %dma_wait3A_195] : memref<10000x16xf32, #tpu.memory_space<hbm>> -> memref<10000x16xf32, #tpu.memory_space<hbm>>
      %dma_wait3A_197 = tpu.memref_slice %arg11[%dma_wait3A_187] : memref<8x!tpu.dma_semaphore, #tpu.memory_space<semaphore_mem>> -> memref<1x!tpu.dma_semaphore, #tpu.memory_space<semaphore_mem>>
      %dma_wait3A_198 = tpu.memref_squeeze %dma_wait3A_197 : memref<1x!tpu.dma_semaphore, #tpu.memory_space<semaphore_mem>> -> memref<!tpu.dma_semaphore, #tpu.memory_space<semaphore_mem>>
      tpu.wait_indirect_dma semaphore(%dma_wait3A_198 : memref<!tpu.dma_semaphore, #tpu.memory_space<semaphore_mem>>) src(%dma_wait3A_196 : memref<10000x16xf32, #tpu.memory_space<hbm>>) dst(%dma_wait3A_191 : memref<128x16xf32, #tpu.memory_space<vmem>>)
      %mul3A_199 = arith.constant 128 : i32
      %mul3A_200 = arith.muli %add3A_177, %mul3A_199 : i32
      %dma_start3A_201 = arith.constant 0 : i32
      %dma_start3A_202 = arith.constant 0 : i32
      %dma_start3A_203 = arith.constant 0 : i32
      %dma_start3A_204 = arith.constant 0 : i32
      %dma_start3A_205 = tpu.memref_slice %arg8[%dma_start3A_201, %dma_start3A_203, %dma_start3A_204] : memref<8x128x16xf32, #tpu.memory_space<vmem>> -> memref<1x128x16xf32, #tpu.memory_space<vmem>>
      %dma_start3A_206 = tpu.memref_squeeze %dma_start3A_205 : memref<1x128x16xf32, #tpu.memory_space<vmem>> -> memref<128x16xf32, #tpu.memory_space<vmem>>
      %dma_start3A_207 = tpu.memref_slice %arg7[%mul3A_200] : memref<10240xi32, #tpu.memory_space<vmem>> -> memref<128xi32, #tpu.memory_space<vmem>>
      %dma_start3A_208 = arith.constant 0 : i32
      %dma_start3A_209 = arith.constant 0 : i32
      %dma_start3A_210 = tpu.memref_slice %arg10[%dma_start3A_208, %dma_start3A_209] : memref<10112x16xf32, #tpu.memory_space<vmem_shared>> -> memref<10112x16xf32, #tpu.memory_space<vmem_shared>>
      %dma_start3A_211 = tpu.memref_slice %arg12[%dma_start3A_202] : memref<8x!tpu.dma_semaphore, #tpu.memory_space<semaphore_mem>> -> memref<1x!tpu.dma_semaphore, #tpu.memory_space<semaphore_mem>>
      %dma_start3A_212 = tpu.memref_squeeze %dma_start3A_211 : memref<1x!tpu.dma_semaphore, #tpu.memory_space<semaphore_mem>> -> memref<!tpu.dma_semaphore, #tpu.memory_space<semaphore_mem>>
      tpu.enqueue_indirect_dma source(%dma_start3A_206 : memref<128x16xf32, #tpu.memory_space<vmem>>) target(%dma_start3A_210 : memref<10112x16xf32, #tpu.memory_space<vmem_shared>>) offsets(%dma_start3A_207 : memref<128xi32, #tpu.memory_space<vmem>>) semaphore(%dma_start3A_212 : memref<!tpu.dma_semaphore, #tpu.memory_space<semaphore_mem>>) {add = true}
      %add3A_213 = arith.constant 1 : i32
      %add3A_214 = arith.addi %add3A_175, %add3A_213 : i32
      %ge3A_215 = arith.constant 4 : i32
      %ge3A_216 = arith.cmpi sge, %add3A_214, %ge3A_215 : i32
      %convert_element_type3A_217 = arith.extui %ge3A_216 : i1 to i32
      %cond3A_218 = arith.constant 0 : i32
      %cond3A_219 = arith.cmpi ne, %convert_element_type3A_217, %cond3A_218 : i32
      scf.if %cond3A_219 {
        %dma_wait3A_500 = arith.constant 5 : i32
        %dma_wait3A_501 = arith.constant 5 : i32
        %dma_wait3A_502 = arith.constant 0 : i32
        %dma_wait3A_503 = arith.constant 0 : i32
        %dma_wait3A_504 = tpu.memref_slice %arg8[%dma_wait3A_500, %dma_wait3A_502, %dma_wait3A_503] : memref<8x128x16xf32, #tpu.memory_space<vmem>> -> memref<1x128x16xf32, #tpu.memory_space<vmem>>
        %dma_wait3A_505 = tpu.memref_squeeze %dma_wait3A_504 : memref<1x128x16xf32, #tpu.memory_space<vmem>> -> memref<128x16xf32, #tpu.memory_space<vmem>>
        %dma_wait3A_506 = arith.constant 0 : i32
        %dma_wait3A_507 = tpu.memref_slice %arg7[%dma_wait3A_506] : memref<10240xi32, #tpu.memory_space<vmem>> -> memref<128xi32, #tpu.memory_space<vmem>>
        %dma_wait3A_508 = arith.constant 0 : i32
        %dma_wait3A_509 = arith.constant 0 : i32
        %dma_wait3A_510 = tpu.memref_slice %arg10[%dma_wait3A_508, %dma_wait3A_509] : memref<10112x16xf32, #tpu.memory_space<vmem_shared>> -> memref<10112x16xf32, #tpu.memory_space<vmem_shared>>
        %dma_wait3A_511 = tpu.memref_slice %arg12[%dma_wait3A_501] : memref<8x!tpu.dma_semaphore, #tpu.memory_space<semaphore_mem>> -> memref<1x!tpu.dma_semaphore, #tpu.memory_space<semaphore_mem>>
        %dma_wait3A_512 = tpu.memref_squeeze %dma_wait3A_511 : memref<1x!tpu.dma_semaphore, #tpu.memory_space<semaphore_mem>> -> memref<!tpu.dma_semaphore, #tpu.memory_space<semaphore_mem>>
        tpu.wait_indirect_dma semaphore(%dma_wait3A_512 : memref<!tpu.dma_semaphore, #tpu.memory_space<semaphore_mem>>) src(%dma_wait3A_505 : memref<128x16xf32, #tpu.memory_space<vmem>>) dst(%dma_wait3A_510 : memref<10112x16xf32, #tpu.memory_space<vmem_shared>>)
      } else {
      }
      %add3A_220 = arith.constant 4 : i32
      %add3A_221 = arith.addi %add3A_214, %add3A_220 : i32
      %lt3A_222 = arith.constant 80 : i32
      %lt3A_223 = arith.cmpi slt, %add3A_221, %lt3A_222 : i32
      %convert_element_type3A_224 = arith.extui %lt3A_223 : i1 to i32
      %cond3A_225 = arith.constant 0 : i32
      %cond3A_226 = arith.cmpi ne, %convert_element_type3A_224, %cond3A_225 : i32
      scf.if %cond3A_226 {
        %add3A_500 = arith.constant 4 : i32
        %add3A_501 = arith.addi %add3A_214, %add3A_500 : i32
        %mul3A_502 = arith.constant 128 : i32
        %mul3A_503 = arith.muli %add3A_501, %mul3A_502 : i32
        %dma_start3A_504 = arith.constant 5 : i32
        %dma_start3A_505 = arith.constant 5 : i32
        %dma_start3A_506 = arith.constant 0 : i32
        %dma_start3A_507 = arith.constant 0 : i32
        %dma_start3A_508 = tpu.memref_slice %arg8[%dma_start3A_504, %dma_start3A_506, %dma_start3A_507] : memref<8x128x16xf32, #tpu.memory_space<vmem>> -> memref<1x128x16xf32, #tpu.memory_space<vmem>>
        %dma_start3A_509 = tpu.memref_squeeze %dma_start3A_508 : memref<1x128x16xf32, #tpu.memory_space<vmem>> -> memref<128x16xf32, #tpu.memory_space<vmem>>
        %dma_start3A_510 = tpu.memref_slice %arg6[%mul3A_503] : memref<10240xi32, #tpu.memory_space<vmem>> -> memref<128xi32, #tpu.memory_space<vmem>>
        %dma_start3A_511 = arith.constant 0 : i32
        %dma_start3A_512 = arith.constant 0 : i32
        %dma_start3A_513 = tpu.memref_slice %arg2[%dma_start3A_511, %dma_start3A_512] : memref<10000x16xf32, #tpu.memory_space<hbm>> -> memref<10000x16xf32, #tpu.memory_space<hbm>>
        %dma_start3A_514 = tpu.memref_slice %arg11[%dma_start3A_505] : memref<8x!tpu.dma_semaphore, #tpu.memory_space<semaphore_mem>> -> memref<1x!tpu.dma_semaphore, #tpu.memory_space<semaphore_mem>>
        %dma_start3A_515 = tpu.memref_squeeze %dma_start3A_514 : memref<1x!tpu.dma_semaphore, #tpu.memory_space<semaphore_mem>> -> memref<!tpu.dma_semaphore, #tpu.memory_space<semaphore_mem>>
        tpu.enqueue_indirect_dma source(%dma_start3A_513 : memref<10000x16xf32, #tpu.memory_space<hbm>>) target(%dma_start3A_509 : memref<128x16xf32, #tpu.memory_space<vmem>>) offsets(%dma_start3A_510 : memref<128xi32, #tpu.memory_space<vmem>>) semaphore(%dma_start3A_515 : memref<!tpu.dma_semaphore, #tpu.memory_space<semaphore_mem>>)
      } else {
      }
      %dma_wait3A_227 = arith.constant 1 : i32
      %dma_wait3A_228 = arith.constant 1 : i32
      %dma_wait3A_229 = arith.constant 0 : i32
      %dma_wait3A_230 = arith.constant 0 : i32
      %dma_wait3A_231 = tpu.memref_slice %arg8[%dma_wait3A_227, %dma_wait3A_229, %dma_wait3A_230] : memref<8x128x16xf32, #tpu.memory_space<vmem>> -> memref<1x128x16xf32, #tpu.memory_space<vmem>>
      %dma_wait3A_232 = tpu.memref_squeeze %dma_wait3A_231 : memref<1x128x16xf32, #tpu.memory_space<vmem>> -> memref<128x16xf32, #tpu.memory_space<vmem>>
      %dma_wait3A_233 = arith.constant 0 : i32
      %dma_wait3A_234 = tpu.memref_slice %arg6[%dma_wait3A_233] : memref<10240xi32, #tpu.memory_space<vmem>> -> memref<128xi32, #tpu.memory_space<vmem>>
      %dma_wait3A_235 = arith.constant 0 : i32
      %dma_wait3A_236 = arith.constant 0 : i32
      %dma_wait3A_237 = tpu.memref_slice %arg2[%dma_wait3A_235, %dma_wait3A_236] : memref<10000x16xf32, #tpu.memory_space<hbm>> -> memref<10000x16xf32, #tpu.memory_space<hbm>>
      %dma_wait3A_238 = tpu.memref_slice %arg11[%dma_wait3A_228] : memref<8x!tpu.dma_semaphore, #tpu.memory_space<semaphore_mem>> -> memref<1x!tpu.dma_semaphore, #tpu.memory_space<semaphore_mem>>
      %dma_wait3A_239 = tpu.memref_squeeze %dma_wait3A_238 : memref<1x!tpu.dma_semaphore, #tpu.memory_space<semaphore_mem>> -> memref<!tpu.dma_semaphore, #tpu.memory_space<semaphore_mem>>
      tpu.wait_indirect_dma semaphore(%dma_wait3A_239 : memref<!tpu.dma_semaphore, #tpu.memory_space<semaphore_mem>>) src(%dma_wait3A_237 : memref<10000x16xf32, #tpu.memory_space<hbm>>) dst(%dma_wait3A_232 : memref<128x16xf32, #tpu.memory_space<vmem>>)
      %mul3A_240 = arith.constant 128 : i32
      %mul3A_241 = arith.muli %add3A_214, %mul3A_240 : i32
      %dma_start3A_242 = arith.constant 1 : i32
      %dma_start3A_243 = arith.constant 1 : i32
      %dma_start3A_244 = arith.constant 0 : i32
      %dma_start3A_245 = arith.constant 0 : i32
      %dma_start3A_246 = tpu.memref_slice %arg8[%dma_start3A_242, %dma_start3A_244, %dma_start3A_245] : memref<8x128x16xf32, #tpu.memory_space<vmem>> -> memref<1x128x16xf32, #tpu.memory_space<vmem>>
      %dma_start3A_247 = tpu.memref_squeeze %dma_start3A_246 : memref<1x128x16xf32, #tpu.memory_space<vmem>> -> memref<128x16xf32, #tpu.memory_space<vmem>>
      %dma_start3A_248 = tpu.memref_slice %arg7[%mul3A_241] : memref<10240xi32, #tpu.memory_space<vmem>> -> memref<128xi32, #tpu.memory_space<vmem>>
      %dma_start3A_249 = arith.constant 0 : i32
      %dma_start3A_250 = arith.constant 0 : i32
      %dma_start3A_251 = tpu.memref_slice %arg10[%dma_start3A_249, %dma_start3A_250] : memref<10112x16xf32, #tpu.memory_space<vmem_shared>> -> memref<10112x16xf32, #tpu.memory_space<vmem_shared>>
      %dma_start3A_252 = tpu.memref_slice %arg12[%dma_start3A_243] : memref<8x!tpu.dma_semaphore, #tpu.memory_space<semaphore_mem>> -> memref<1x!tpu.dma_semaphore, #tpu.memory_space<semaphore_mem>>
      %dma_start3A_253 = tpu.memref_squeeze %dma_start3A_252 : memref<1x!tpu.dma_semaphore, #tpu.memory_space<semaphore_mem>> -> memref<!tpu.dma_semaphore, #tpu.memory_space<semaphore_mem>>
      tpu.enqueue_indirect_dma source(%dma_start3A_247 : memref<128x16xf32, #tpu.memory_space<vmem>>) target(%dma_start3A_251 : memref<10112x16xf32, #tpu.memory_space<vmem_shared>>) offsets(%dma_start3A_248 : memref<128xi32, #tpu.memory_space<vmem>>) semaphore(%dma_start3A_253 : memref<!tpu.dma_semaphore, #tpu.memory_space<semaphore_mem>>) {add = true}
      %add3A_254 = arith.constant 2 : i32
      %add3A_255 = arith.addi %add3A_175, %add3A_254 : i32
      %ge3A_256 = arith.constant 4 : i32
      %ge3A_257 = arith.cmpi sge, %add3A_255, %ge3A_256 : i32
      %convert_element_type3A_258 = arith.extui %ge3A_257 : i1 to i32
      %cond3A_259 = arith.constant 0 : i32
      %cond3A_260 = arith.cmpi ne, %convert_element_type3A_258, %cond3A_259 : i32
      scf.if %cond3A_260 {
        %dma_wait3A_500 = arith.constant 6 : i32
        %dma_wait3A_501 = arith.constant 6 : i32
        %dma_wait3A_502 = arith.constant 0 : i32
        %dma_wait3A_503 = arith.constant 0 : i32
        %dma_wait3A_504 = tpu.memref_slice %arg8[%dma_wait3A_500, %dma_wait3A_502, %dma_wait3A_503] : memref<8x128x16xf32, #tpu.memory_space<vmem>> -> memref<1x128x16xf32, #tpu.memory_space<vmem>>
        %dma_wait3A_505 = tpu.memref_squeeze %dma_wait3A_504 : memref<1x128x16xf32, #tpu.memory_space<vmem>> -> memref<128x16xf32, #tpu.memory_space<vmem>>
        %dma_wait3A_506 = arith.constant 0 : i32
        %dma_wait3A_507 = tpu.memref_slice %arg7[%dma_wait3A_506] : memref<10240xi32, #tpu.memory_space<vmem>> -> memref<128xi32, #tpu.memory_space<vmem>>
        %dma_wait3A_508 = arith.constant 0 : i32
        %dma_wait3A_509 = arith.constant 0 : i32
        %dma_wait3A_510 = tpu.memref_slice %arg10[%dma_wait3A_508, %dma_wait3A_509] : memref<10112x16xf32, #tpu.memory_space<vmem_shared>> -> memref<10112x16xf32, #tpu.memory_space<vmem_shared>>
        %dma_wait3A_511 = tpu.memref_slice %arg12[%dma_wait3A_501] : memref<8x!tpu.dma_semaphore, #tpu.memory_space<semaphore_mem>> -> memref<1x!tpu.dma_semaphore, #tpu.memory_space<semaphore_mem>>
        %dma_wait3A_512 = tpu.memref_squeeze %dma_wait3A_511 : memref<1x!tpu.dma_semaphore, #tpu.memory_space<semaphore_mem>> -> memref<!tpu.dma_semaphore, #tpu.memory_space<semaphore_mem>>
        tpu.wait_indirect_dma semaphore(%dma_wait3A_512 : memref<!tpu.dma_semaphore, #tpu.memory_space<semaphore_mem>>) src(%dma_wait3A_505 : memref<128x16xf32, #tpu.memory_space<vmem>>) dst(%dma_wait3A_510 : memref<10112x16xf32, #tpu.memory_space<vmem_shared>>)
      } else {
      }
      %add3A_261 = arith.constant 4 : i32
      %add3A_262 = arith.addi %add3A_255, %add3A_261 : i32
      %lt3A_263 = arith.constant 80 : i32
      %lt3A_264 = arith.cmpi slt, %add3A_262, %lt3A_263 : i32
      %convert_element_type3A_265 = arith.extui %lt3A_264 : i1 to i32
      %cond3A_266 = arith.constant 0 : i32
      %cond3A_267 = arith.cmpi ne, %convert_element_type3A_265, %cond3A_266 : i32
      scf.if %cond3A_267 {
        %add3A_500 = arith.constant 4 : i32
        %add3A_501 = arith.addi %add3A_255, %add3A_500 : i32
        %mul3A_502 = arith.constant 128 : i32
        %mul3A_503 = arith.muli %add3A_501, %mul3A_502 : i32
        %dma_start3A_504 = arith.constant 6 : i32
        %dma_start3A_505 = arith.constant 6 : i32
        %dma_start3A_506 = arith.constant 0 : i32
        %dma_start3A_507 = arith.constant 0 : i32
        %dma_start3A_508 = tpu.memref_slice %arg8[%dma_start3A_504, %dma_start3A_506, %dma_start3A_507] : memref<8x128x16xf32, #tpu.memory_space<vmem>> -> memref<1x128x16xf32, #tpu.memory_space<vmem>>
        %dma_start3A_509 = tpu.memref_squeeze %dma_start3A_508 : memref<1x128x16xf32, #tpu.memory_space<vmem>> -> memref<128x16xf32, #tpu.memory_space<vmem>>
        %dma_start3A_510 = tpu.memref_slice %arg6[%mul3A_503] : memref<10240xi32, #tpu.memory_space<vmem>> -> memref<128xi32, #tpu.memory_space<vmem>>
        %dma_start3A_511 = arith.constant 0 : i32
        %dma_start3A_512 = arith.constant 0 : i32
        %dma_start3A_513 = tpu.memref_slice %arg2[%dma_start3A_511, %dma_start3A_512] : memref<10000x16xf32, #tpu.memory_space<hbm>> -> memref<10000x16xf32, #tpu.memory_space<hbm>>
        %dma_start3A_514 = tpu.memref_slice %arg11[%dma_start3A_505] : memref<8x!tpu.dma_semaphore, #tpu.memory_space<semaphore_mem>> -> memref<1x!tpu.dma_semaphore, #tpu.memory_space<semaphore_mem>>
        %dma_start3A_515 = tpu.memref_squeeze %dma_start3A_514 : memref<1x!tpu.dma_semaphore, #tpu.memory_space<semaphore_mem>> -> memref<!tpu.dma_semaphore, #tpu.memory_space<semaphore_mem>>
        tpu.enqueue_indirect_dma source(%dma_start3A_513 : memref<10000x16xf32, #tpu.memory_space<hbm>>) target(%dma_start3A_509 : memref<128x16xf32, #tpu.memory_space<vmem>>) offsets(%dma_start3A_510 : memref<128xi32, #tpu.memory_space<vmem>>) semaphore(%dma_start3A_515 : memref<!tpu.dma_semaphore, #tpu.memory_space<semaphore_mem>>)
      } else {
      }
      %dma_wait3A_268 = arith.constant 2 : i32
      %dma_wait3A_269 = arith.constant 2 : i32
      %dma_wait3A_270 = arith.constant 0 : i32
      %dma_wait3A_271 = arith.constant 0 : i32
      %dma_wait3A_272 = tpu.memref_slice %arg8[%dma_wait3A_268, %dma_wait3A_270, %dma_wait3A_271] : memref<8x128x16xf32, #tpu.memory_space<vmem>> -> memref<1x128x16xf32, #tpu.memory_space<vmem>>
      %dma_wait3A_273 = tpu.memref_squeeze %dma_wait3A_272 : memref<1x128x16xf32, #tpu.memory_space<vmem>> -> memref<128x16xf32, #tpu.memory_space<vmem>>
      %dma_wait3A_274 = arith.constant 0 : i32
      %dma_wait3A_275 = tpu.memref_slice %arg6[%dma_wait3A_274] : memref<10240xi32, #tpu.memory_space<vmem>> -> memref<128xi32, #tpu.memory_space<vmem>>
      %dma_wait3A_276 = arith.constant 0 : i32
      %dma_wait3A_277 = arith.constant 0 : i32
      %dma_wait3A_278 = tpu.memref_slice %arg2[%dma_wait3A_276, %dma_wait3A_277] : memref<10000x16xf32, #tpu.memory_space<hbm>> -> memref<10000x16xf32, #tpu.memory_space<hbm>>
      %dma_wait3A_279 = tpu.memref_slice %arg11[%dma_wait3A_269] : memref<8x!tpu.dma_semaphore, #tpu.memory_space<semaphore_mem>> -> memref<1x!tpu.dma_semaphore, #tpu.memory_space<semaphore_mem>>
      %dma_wait3A_280 = tpu.memref_squeeze %dma_wait3A_279 : memref<1x!tpu.dma_semaphore, #tpu.memory_space<semaphore_mem>> -> memref<!tpu.dma_semaphore, #tpu.memory_space<semaphore_mem>>
      tpu.wait_indirect_dma semaphore(%dma_wait3A_280 : memref<!tpu.dma_semaphore, #tpu.memory_space<semaphore_mem>>) src(%dma_wait3A_278 : memref<10000x16xf32, #tpu.memory_space<hbm>>) dst(%dma_wait3A_273 : memref<128x16xf32, #tpu.memory_space<vmem>>)
      %mul3A_281 = arith.constant 128 : i32
      %mul3A_282 = arith.muli %add3A_255, %mul3A_281 : i32
      %dma_start3A_283 = arith.constant 2 : i32
      %dma_start3A_284 = arith.constant 2 : i32
      %dma_start3A_285 = arith.constant 0 : i32
      %dma_start3A_286 = arith.constant 0 : i32
      %dma_start3A_287 = tpu.memref_slice %arg8[%dma_start3A_283, %dma_start3A_285, %dma_start3A_286] : memref<8x128x16xf32, #tpu.memory_space<vmem>> -> memref<1x128x16xf32, #tpu.memory_space<vmem>>
      %dma_start3A_288 = tpu.memref_squeeze %dma_start3A_287 : memref<1x128x16xf32, #tpu.memory_space<vmem>> -> memref<128x16xf32, #tpu.memory_space<vmem>>
      %dma_start3A_289 = tpu.memref_slice %arg7[%mul3A_282] : memref<10240xi32, #tpu.memory_space<vmem>> -> memref<128xi32, #tpu.memory_space<vmem>>
      %dma_start3A_290 = arith.constant 0 : i32
      %dma_start3A_291 = arith.constant 0 : i32
      %dma_start3A_292 = tpu.memref_slice %arg10[%dma_start3A_290, %dma_start3A_291] : memref<10112x16xf32, #tpu.memory_space<vmem_shared>> -> memref<10112x16xf32, #tpu.memory_space<vmem_shared>>
      %dma_start3A_293 = tpu.memref_slice %arg12[%dma_start3A_284] : memref<8x!tpu.dma_semaphore, #tpu.memory_space<semaphore_mem>> -> memref<1x!tpu.dma_semaphore, #tpu.memory_space<semaphore_mem>>
      %dma_start3A_294 = tpu.memref_squeeze %dma_start3A_293 : memref<1x!tpu.dma_semaphore, #tpu.memory_space<semaphore_mem>> -> memref<!tpu.dma_semaphore, #tpu.memory_space<semaphore_mem>>
      tpu.enqueue_indirect_dma source(%dma_start3A_288 : memref<128x16xf32, #tpu.memory_space<vmem>>) target(%dma_start3A_292 : memref<10112x16xf32, #tpu.memory_space<vmem_shared>>) offsets(%dma_start3A_289 : memref<128xi32, #tpu.memory_space<vmem>>) semaphore(%dma_start3A_294 : memref<!tpu.dma_semaphore, #tpu.memory_space<semaphore_mem>>) {add = true}
      %add3A_295 = arith.constant 3 : i32
      %add3A_296 = arith.addi %add3A_175, %add3A_295 : i32
      %ge3A_297 = arith.constant 4 : i32
      %ge3A_298 = arith.cmpi sge, %add3A_296, %ge3A_297 : i32
      %convert_element_type3A_299 = arith.extui %ge3A_298 : i1 to i32
      %cond3A_300 = arith.constant 0 : i32
      %cond3A_301 = arith.cmpi ne, %convert_element_type3A_299, %cond3A_300 : i32
      scf.if %cond3A_301 {
        %dma_wait3A_500 = arith.constant 7 : i32
        %dma_wait3A_501 = arith.constant 7 : i32
        %dma_wait3A_502 = arith.constant 0 : i32
        %dma_wait3A_503 = arith.constant 0 : i32
        %dma_wait3A_504 = tpu.memref_slice %arg8[%dma_wait3A_500, %dma_wait3A_502, %dma_wait3A_503] : memref<8x128x16xf32, #tpu.memory_space<vmem>> -> memref<1x128x16xf32, #tpu.memory_space<vmem>>
        %dma_wait3A_505 = tpu.memref_squeeze %dma_wait3A_504 : memref<1x128x16xf32, #tpu.memory_space<vmem>> -> memref<128x16xf32, #tpu.memory_space<vmem>>
        %dma_wait3A_506 = arith.constant 0 : i32
        %dma_wait3A_507 = tpu.memref_slice %arg7[%dma_wait3A_506] : memref<10240xi32, #tpu.memory_space<vmem>> -> memref<128xi32, #tpu.memory_space<vmem>>
        %dma_wait3A_508 = arith.constant 0 : i32
        %dma_wait3A_509 = arith.constant 0 : i32
        %dma_wait3A_510 = tpu.memref_slice %arg10[%dma_wait3A_508, %dma_wait3A_509] : memref<10112x16xf32, #tpu.memory_space<vmem_shared>> -> memref<10112x16xf32, #tpu.memory_space<vmem_shared>>
        %dma_wait3A_511 = tpu.memref_slice %arg12[%dma_wait3A_501] : memref<8x!tpu.dma_semaphore, #tpu.memory_space<semaphore_mem>> -> memref<1x!tpu.dma_semaphore, #tpu.memory_space<semaphore_mem>>
        %dma_wait3A_512 = tpu.memref_squeeze %dma_wait3A_511 : memref<1x!tpu.dma_semaphore, #tpu.memory_space<semaphore_mem>> -> memref<!tpu.dma_semaphore, #tpu.memory_space<semaphore_mem>>
        tpu.wait_indirect_dma semaphore(%dma_wait3A_512 : memref<!tpu.dma_semaphore, #tpu.memory_space<semaphore_mem>>) src(%dma_wait3A_505 : memref<128x16xf32, #tpu.memory_space<vmem>>) dst(%dma_wait3A_510 : memref<10112x16xf32, #tpu.memory_space<vmem_shared>>)
      } else {
      }
      %add3A_302 = arith.constant 4 : i32
      %add3A_303 = arith.addi %add3A_296, %add3A_302 : i32
      %lt3A_304 = arith.constant 80 : i32
      %lt3A_305 = arith.cmpi slt, %add3A_303, %lt3A_304 : i32
      %convert_element_type3A_306 = arith.extui %lt3A_305 : i1 to i32
      %cond3A_307 = arith.constant 0 : i32
      %cond3A_308 = arith.cmpi ne, %convert_element_type3A_306, %cond3A_307 : i32
      scf.if %cond3A_308 {
        %add3A_500 = arith.constant 4 : i32
        %add3A_501 = arith.addi %add3A_296, %add3A_500 : i32
        %mul3A_502 = arith.constant 128 : i32
        %mul3A_503 = arith.muli %add3A_501, %mul3A_502 : i32
        %dma_start3A_504 = arith.constant 7 : i32
        %dma_start3A_505 = arith.constant 7 : i32
        %dma_start3A_506 = arith.constant 0 : i32
        %dma_start3A_507 = arith.constant 0 : i32
        %dma_start3A_508 = tpu.memref_slice %arg8[%dma_start3A_504, %dma_start3A_506, %dma_start3A_507] : memref<8x128x16xf32, #tpu.memory_space<vmem>> -> memref<1x128x16xf32, #tpu.memory_space<vmem>>
        %dma_start3A_509 = tpu.memref_squeeze %dma_start3A_508 : memref<1x128x16xf32, #tpu.memory_space<vmem>> -> memref<128x16xf32, #tpu.memory_space<vmem>>
        %dma_start3A_510 = tpu.memref_slice %arg6[%mul3A_503] : memref<10240xi32, #tpu.memory_space<vmem>> -> memref<128xi32, #tpu.memory_space<vmem>>
        %dma_start3A_511 = arith.constant 0 : i32
        %dma_start3A_512 = arith.constant 0 : i32
        %dma_start3A_513 = tpu.memref_slice %arg2[%dma_start3A_511, %dma_start3A_512] : memref<10000x16xf32, #tpu.memory_space<hbm>> -> memref<10000x16xf32, #tpu.memory_space<hbm>>
        %dma_start3A_514 = tpu.memref_slice %arg11[%dma_start3A_505] : memref<8x!tpu.dma_semaphore, #tpu.memory_space<semaphore_mem>> -> memref<1x!tpu.dma_semaphore, #tpu.memory_space<semaphore_mem>>
        %dma_start3A_515 = tpu.memref_squeeze %dma_start3A_514 : memref<1x!tpu.dma_semaphore, #tpu.memory_space<semaphore_mem>> -> memref<!tpu.dma_semaphore, #tpu.memory_space<semaphore_mem>>
        tpu.enqueue_indirect_dma source(%dma_start3A_513 : memref<10000x16xf32, #tpu.memory_space<hbm>>) target(%dma_start3A_509 : memref<128x16xf32, #tpu.memory_space<vmem>>) offsets(%dma_start3A_510 : memref<128xi32, #tpu.memory_space<vmem>>) semaphore(%dma_start3A_515 : memref<!tpu.dma_semaphore, #tpu.memory_space<semaphore_mem>>)
      } else {
      }
      %dma_wait3A_309 = arith.constant 3 : i32
      %dma_wait3A_310 = arith.constant 3 : i32
      %dma_wait3A_311 = arith.constant 0 : i32
      %dma_wait3A_312 = arith.constant 0 : i32
      %dma_wait3A_313 = tpu.memref_slice %arg8[%dma_wait3A_309, %dma_wait3A_311, %dma_wait3A_312] : memref<8x128x16xf32, #tpu.memory_space<vmem>> -> memref<1x128x16xf32, #tpu.memory_space<vmem>>
      %dma_wait3A_314 = tpu.memref_squeeze %dma_wait3A_313 : memref<1x128x16xf32, #tpu.memory_space<vmem>> -> memref<128x16xf32, #tpu.memory_space<vmem>>
      %dma_wait3A_315 = arith.constant 0 : i32
      %dma_wait3A_316 = tpu.memref_slice %arg6[%dma_wait3A_315] : memref<10240xi32, #tpu.memory_space<vmem>> -> memref<128xi32, #tpu.memory_space<vmem>>
      %dma_wait3A_317 = arith.constant 0 : i32
      %dma_wait3A_318 = arith.constant 0 : i32
      %dma_wait3A_319 = tpu.memref_slice %arg2[%dma_wait3A_317, %dma_wait3A_318] : memref<10000x16xf32, #tpu.memory_space<hbm>> -> memref<10000x16xf32, #tpu.memory_space<hbm>>
      %dma_wait3A_320 = tpu.memref_slice %arg11[%dma_wait3A_310] : memref<8x!tpu.dma_semaphore, #tpu.memory_space<semaphore_mem>> -> memref<1x!tpu.dma_semaphore, #tpu.memory_space<semaphore_mem>>
      %dma_wait3A_321 = tpu.memref_squeeze %dma_wait3A_320 : memref<1x!tpu.dma_semaphore, #tpu.memory_space<semaphore_mem>> -> memref<!tpu.dma_semaphore, #tpu.memory_space<semaphore_mem>>
      tpu.wait_indirect_dma semaphore(%dma_wait3A_321 : memref<!tpu.dma_semaphore, #tpu.memory_space<semaphore_mem>>) src(%dma_wait3A_319 : memref<10000x16xf32, #tpu.memory_space<hbm>>) dst(%dma_wait3A_314 : memref<128x16xf32, #tpu.memory_space<vmem>>)
      %mul3A_322 = arith.constant 128 : i32
      %mul3A_323 = arith.muli %add3A_296, %mul3A_322 : i32
      %dma_start3A_324 = arith.constant 3 : i32
      %dma_start3A_325 = arith.constant 3 : i32
      %dma_start3A_326 = arith.constant 0 : i32
      %dma_start3A_327 = arith.constant 0 : i32
      %dma_start3A_328 = tpu.memref_slice %arg8[%dma_start3A_324, %dma_start3A_326, %dma_start3A_327] : memref<8x128x16xf32, #tpu.memory_space<vmem>> -> memref<1x128x16xf32, #tpu.memory_space<vmem>>
      %dma_start3A_329 = tpu.memref_squeeze %dma_start3A_328 : memref<1x128x16xf32, #tpu.memory_space<vmem>> -> memref<128x16xf32, #tpu.memory_space<vmem>>
      %dma_start3A_330 = tpu.memref_slice %arg7[%mul3A_323] : memref<10240xi32, #tpu.memory_space<vmem>> -> memref<128xi32, #tpu.memory_space<vmem>>
      %dma_start3A_331 = arith.constant 0 : i32
      %dma_start3A_332 = arith.constant 0 : i32
      %dma_start3A_333 = tpu.memref_slice %arg10[%dma_start3A_331, %dma_start3A_332] : memref<10112x16xf32, #tpu.memory_space<vmem_shared>> -> memref<10112x16xf32, #tpu.memory_space<vmem_shared>>
      %dma_start3A_334 = tpu.memref_slice %arg12[%dma_start3A_325] : memref<8x!tpu.dma_semaphore, #tpu.memory_space<semaphore_mem>> -> memref<1x!tpu.dma_semaphore, #tpu.memory_space<semaphore_mem>>
      %dma_start3A_335 = tpu.memref_squeeze %dma_start3A_334 : memref<1x!tpu.dma_semaphore, #tpu.memory_space<semaphore_mem>> -> memref<!tpu.dma_semaphore, #tpu.memory_space<semaphore_mem>>
      tpu.enqueue_indirect_dma source(%dma_start3A_329 : memref<128x16xf32, #tpu.memory_space<vmem>>) target(%dma_start3A_333 : memref<10112x16xf32, #tpu.memory_space<vmem_shared>>) offsets(%dma_start3A_330 : memref<128xi32, #tpu.memory_space<vmem>>) semaphore(%dma_start3A_335 : memref<!tpu.dma_semaphore, #tpu.memory_space<semaphore_mem>>) {add = true}
      %add3A_336 = arith.constant 4 : i32
      %add3A_337 = arith.addi %add3A_175, %add3A_336 : i32
      %ge3A_338 = arith.constant 4 : i32
      %ge3A_339 = arith.cmpi sge, %add3A_337, %ge3A_338 : i32
      %convert_element_type3A_340 = arith.extui %ge3A_339 : i1 to i32
      %cond3A_341 = arith.constant 0 : i32
      %cond3A_342 = arith.cmpi ne, %convert_element_type3A_340, %cond3A_341 : i32
      scf.if %cond3A_342 {
        %dma_wait3A_500 = arith.constant 0 : i32
        %dma_wait3A_501 = arith.constant 0 : i32
        %dma_wait3A_502 = arith.constant 0 : i32
        %dma_wait3A_503 = arith.constant 0 : i32
        %dma_wait3A_504 = tpu.memref_slice %arg8[%dma_wait3A_500, %dma_wait3A_502, %dma_wait3A_503] : memref<8x128x16xf32, #tpu.memory_space<vmem>> -> memref<1x128x16xf32, #tpu.memory_space<vmem>>
        %dma_wait3A_505 = tpu.memref_squeeze %dma_wait3A_504 : memref<1x128x16xf32, #tpu.memory_space<vmem>> -> memref<128x16xf32, #tpu.memory_space<vmem>>
        %dma_wait3A_506 = arith.constant 0 : i32
        %dma_wait3A_507 = tpu.memref_slice %arg7[%dma_wait3A_506] : memref<10240xi32, #tpu.memory_space<vmem>> -> memref<128xi32, #tpu.memory_space<vmem>>
        %dma_wait3A_508 = arith.constant 0 : i32
        %dma_wait3A_509 = arith.constant 0 : i32
        %dma_wait3A_510 = tpu.memref_slice %arg10[%dma_wait3A_508, %dma_wait3A_509] : memref<10112x16xf32, #tpu.memory_space<vmem_shared>> -> memref<10112x16xf32, #tpu.memory_space<vmem_shared>>
        %dma_wait3A_511 = tpu.memref_slice %arg12[%dma_wait3A_501] : memref<8x!tpu.dma_semaphore, #tpu.memory_space<semaphore_mem>> -> memref<1x!tpu.dma_semaphore, #tpu.memory_space<semaphore_mem>>
        %dma_wait3A_512 = tpu.memref_squeeze %dma_wait3A_511 : memref<1x!tpu.dma_semaphore, #tpu.memory_space<semaphore_mem>> -> memref<!tpu.dma_semaphore, #tpu.memory_space<semaphore_mem>>
        tpu.wait_indirect_dma semaphore(%dma_wait3A_512 : memref<!tpu.dma_semaphore, #tpu.memory_space<semaphore_mem>>) src(%dma_wait3A_505 : memref<128x16xf32, #tpu.memory_space<vmem>>) dst(%dma_wait3A_510 : memref<10112x16xf32, #tpu.memory_space<vmem_shared>>)
      } else {
      }
      %add3A_343 = arith.constant 4 : i32
      %add3A_344 = arith.addi %add3A_337, %add3A_343 : i32
      %lt3A_345 = arith.constant 80 : i32
      %lt3A_346 = arith.cmpi slt, %add3A_344, %lt3A_345 : i32
      %convert_element_type3A_347 = arith.extui %lt3A_346 : i1 to i32
      %cond3A_348 = arith.constant 0 : i32
      %cond3A_349 = arith.cmpi ne, %convert_element_type3A_347, %cond3A_348 : i32
      scf.if %cond3A_349 {
        %add3A_500 = arith.constant 4 : i32
        %add3A_501 = arith.addi %add3A_337, %add3A_500 : i32
        %mul3A_502 = arith.constant 128 : i32
        %mul3A_503 = arith.muli %add3A_501, %mul3A_502 : i32
        %dma_start3A_504 = arith.constant 0 : i32
        %dma_start3A_505 = arith.constant 0 : i32
        %dma_start3A_506 = arith.constant 0 : i32
        %dma_start3A_507 = arith.constant 0 : i32
        %dma_start3A_508 = tpu.memref_slice %arg8[%dma_start3A_504, %dma_start3A_506, %dma_start3A_507] : memref<8x128x16xf32, #tpu.memory_space<vmem>> -> memref<1x128x16xf32, #tpu.memory_space<vmem>>
        %dma_start3A_509 = tpu.memref_squeeze %dma_start3A_508 : memref<1x128x16xf32, #tpu.memory_space<vmem>> -> memref<128x16xf32, #tpu.memory_space<vmem>>
        %dma_start3A_510 = tpu.memref_slice %arg6[%mul3A_503] : memref<10240xi32, #tpu.memory_space<vmem>> -> memref<128xi32, #tpu.memory_space<vmem>>
        %dma_start3A_511 = arith.constant 0 : i32
        %dma_start3A_512 = arith.constant 0 : i32
        %dma_start3A_513 = tpu.memref_slice %arg2[%dma_start3A_511, %dma_start3A_512] : memref<10000x16xf32, #tpu.memory_space<hbm>> -> memref<10000x16xf32, #tpu.memory_space<hbm>>
        %dma_start3A_514 = tpu.memref_slice %arg11[%dma_start3A_505] : memref<8x!tpu.dma_semaphore, #tpu.memory_space<semaphore_mem>> -> memref<1x!tpu.dma_semaphore, #tpu.memory_space<semaphore_mem>>
        %dma_start3A_515 = tpu.memref_squeeze %dma_start3A_514 : memref<1x!tpu.dma_semaphore, #tpu.memory_space<semaphore_mem>> -> memref<!tpu.dma_semaphore, #tpu.memory_space<semaphore_mem>>
        tpu.enqueue_indirect_dma source(%dma_start3A_513 : memref<10000x16xf32, #tpu.memory_space<hbm>>) target(%dma_start3A_509 : memref<128x16xf32, #tpu.memory_space<vmem>>) offsets(%dma_start3A_510 : memref<128xi32, #tpu.memory_space<vmem>>) semaphore(%dma_start3A_515 : memref<!tpu.dma_semaphore, #tpu.memory_space<semaphore_mem>>)
      } else {
      }
      %dma_wait3A_350 = arith.constant 4 : i32
      %dma_wait3A_351 = arith.constant 4 : i32
      %dma_wait3A_352 = arith.constant 0 : i32
      %dma_wait3A_353 = arith.constant 0 : i32
      %dma_wait3A_354 = tpu.memref_slice %arg8[%dma_wait3A_350, %dma_wait3A_352, %dma_wait3A_353] : memref<8x128x16xf32, #tpu.memory_space<vmem>> -> memref<1x128x16xf32, #tpu.memory_space<vmem>>
      %dma_wait3A_355 = tpu.memref_squeeze %dma_wait3A_354 : memref<1x128x16xf32, #tpu.memory_space<vmem>> -> memref<128x16xf32, #tpu.memory_space<vmem>>
      %dma_wait3A_356 = arith.constant 0 : i32
      %dma_wait3A_357 = tpu.memref_slice %arg6[%dma_wait3A_356] : memref<10240xi32, #tpu.memory_space<vmem>> -> memref<128xi32, #tpu.memory_space<vmem>>
      %dma_wait3A_358 = arith.constant 0 : i32
      %dma_wait3A_359 = arith.constant 0 : i32
      %dma_wait3A_360 = tpu.memref_slice %arg2[%dma_wait3A_358, %dma_wait3A_359] : memref<10000x16xf32, #tpu.memory_space<hbm>> -> memref<10000x16xf32, #tpu.memory_space<hbm>>
      %dma_wait3A_361 = tpu.memref_slice %arg11[%dma_wait3A_351] : memref<8x!tpu.dma_semaphore, #tpu.memory_space<semaphore_mem>> -> memref<1x!tpu.dma_semaphore, #tpu.memory_space<semaphore_mem>>
      %dma_wait3A_362 = tpu.memref_squeeze %dma_wait3A_361 : memref<1x!tpu.dma_semaphore, #tpu.memory_space<semaphore_mem>> -> memref<!tpu.dma_semaphore, #tpu.memory_space<semaphore_mem>>
      tpu.wait_indirect_dma semaphore(%dma_wait3A_362 : memref<!tpu.dma_semaphore, #tpu.memory_space<semaphore_mem>>) src(%dma_wait3A_360 : memref<10000x16xf32, #tpu.memory_space<hbm>>) dst(%dma_wait3A_355 : memref<128x16xf32, #tpu.memory_space<vmem>>)
      %mul3A_363 = arith.constant 128 : i32
      %mul3A_364 = arith.muli %add3A_337, %mul3A_363 : i32
      %dma_start3A_365 = arith.constant 4 : i32
      %dma_start3A_366 = arith.constant 4 : i32
      %dma_start3A_367 = arith.constant 0 : i32
      %dma_start3A_368 = arith.constant 0 : i32
      %dma_start3A_369 = tpu.memref_slice %arg8[%dma_start3A_365, %dma_start3A_367, %dma_start3A_368] : memref<8x128x16xf32, #tpu.memory_space<vmem>> -> memref<1x128x16xf32, #tpu.memory_space<vmem>>
      %dma_start3A_370 = tpu.memref_squeeze %dma_start3A_369 : memref<1x128x16xf32, #tpu.memory_space<vmem>> -> memref<128x16xf32, #tpu.memory_space<vmem>>
      %dma_start3A_371 = tpu.memref_slice %arg7[%mul3A_364] : memref<10240xi32, #tpu.memory_space<vmem>> -> memref<128xi32, #tpu.memory_space<vmem>>
      %dma_start3A_372 = arith.constant 0 : i32
      %dma_start3A_373 = arith.constant 0 : i32
      %dma_start3A_374 = tpu.memref_slice %arg10[%dma_start3A_372, %dma_start3A_373] : memref<10112x16xf32, #tpu.memory_space<vmem_shared>> -> memref<10112x16xf32, #tpu.memory_space<vmem_shared>>
      %dma_start3A_375 = tpu.memref_slice %arg12[%dma_start3A_366] : memref<8x!tpu.dma_semaphore, #tpu.memory_space<semaphore_mem>> -> memref<1x!tpu.dma_semaphore, #tpu.memory_space<semaphore_mem>>
      %dma_start3A_376 = tpu.memref_squeeze %dma_start3A_375 : memref<1x!tpu.dma_semaphore, #tpu.memory_space<semaphore_mem>> -> memref<!tpu.dma_semaphore, #tpu.memory_space<semaphore_mem>>
      tpu.enqueue_indirect_dma source(%dma_start3A_370 : memref<128x16xf32, #tpu.memory_space<vmem>>) target(%dma_start3A_374 : memref<10112x16xf32, #tpu.memory_space<vmem_shared>>) offsets(%dma_start3A_371 : memref<128xi32, #tpu.memory_space<vmem>>) semaphore(%dma_start3A_376 : memref<!tpu.dma_semaphore, #tpu.memory_space<semaphore_mem>>) {add = true}
      %add3A_377 = arith.constant 5 : i32
      %add3A_378 = arith.addi %add3A_175, %add3A_377 : i32
      %ge3A_379 = arith.constant 4 : i32
      %ge3A_380 = arith.cmpi sge, %add3A_378, %ge3A_379 : i32
      %convert_element_type3A_381 = arith.extui %ge3A_380 : i1 to i32
      %cond3A_382 = arith.constant 0 : i32
      %cond3A_383 = arith.cmpi ne, %convert_element_type3A_381, %cond3A_382 : i32
      scf.if %cond3A_383 {
        %dma_wait3A_500 = arith.constant 1 : i32
        %dma_wait3A_501 = arith.constant 1 : i32
        %dma_wait3A_502 = arith.constant 0 : i32
        %dma_wait3A_503 = arith.constant 0 : i32
        %dma_wait3A_504 = tpu.memref_slice %arg8[%dma_wait3A_500, %dma_wait3A_502, %dma_wait3A_503] : memref<8x128x16xf32, #tpu.memory_space<vmem>> -> memref<1x128x16xf32, #tpu.memory_space<vmem>>
        %dma_wait3A_505 = tpu.memref_squeeze %dma_wait3A_504 : memref<1x128x16xf32, #tpu.memory_space<vmem>> -> memref<128x16xf32, #tpu.memory_space<vmem>>
        %dma_wait3A_506 = arith.constant 0 : i32
        %dma_wait3A_507 = tpu.memref_slice %arg7[%dma_wait3A_506] : memref<10240xi32, #tpu.memory_space<vmem>> -> memref<128xi32, #tpu.memory_space<vmem>>
        %dma_wait3A_508 = arith.constant 0 : i32
        %dma_wait3A_509 = arith.constant 0 : i32
        %dma_wait3A_510 = tpu.memref_slice %arg10[%dma_wait3A_508, %dma_wait3A_509] : memref<10112x16xf32, #tpu.memory_space<vmem_shared>> -> memref<10112x16xf32, #tpu.memory_space<vmem_shared>>
        %dma_wait3A_511 = tpu.memref_slice %arg12[%dma_wait3A_501] : memref<8x!tpu.dma_semaphore, #tpu.memory_space<semaphore_mem>> -> memref<1x!tpu.dma_semaphore, #tpu.memory_space<semaphore_mem>>
        %dma_wait3A_512 = tpu.memref_squeeze %dma_wait3A_511 : memref<1x!tpu.dma_semaphore, #tpu.memory_space<semaphore_mem>> -> memref<!tpu.dma_semaphore, #tpu.memory_space<semaphore_mem>>
        tpu.wait_indirect_dma semaphore(%dma_wait3A_512 : memref<!tpu.dma_semaphore, #tpu.memory_space<semaphore_mem>>) src(%dma_wait3A_505 : memref<128x16xf32, #tpu.memory_space<vmem>>) dst(%dma_wait3A_510 : memref<10112x16xf32, #tpu.memory_space<vmem_shared>>)
      } else {
      }
      %add3A_384 = arith.constant 4 : i32
      %add3A_385 = arith.addi %add3A_378, %add3A_384 : i32
      %lt3A_386 = arith.constant 80 : i32
      %lt3A_387 = arith.cmpi slt, %add3A_385, %lt3A_386 : i32
      %convert_element_type3A_388 = arith.extui %lt3A_387 : i1 to i32
      %cond3A_389 = arith.constant 0 : i32
      %cond3A_390 = arith.cmpi ne, %convert_element_type3A_388, %cond3A_389 : i32
      scf.if %cond3A_390 {
        %add3A_500 = arith.constant 4 : i32
        %add3A_501 = arith.addi %add3A_378, %add3A_500 : i32
        %mul3A_502 = arith.constant 128 : i32
        %mul3A_503 = arith.muli %add3A_501, %mul3A_502 : i32
        %dma_start3A_504 = arith.constant 1 : i32
        %dma_start3A_505 = arith.constant 1 : i32
        %dma_start3A_506 = arith.constant 0 : i32
        %dma_start3A_507 = arith.constant 0 : i32
        %dma_start3A_508 = tpu.memref_slice %arg8[%dma_start3A_504, %dma_start3A_506, %dma_start3A_507] : memref<8x128x16xf32, #tpu.memory_space<vmem>> -> memref<1x128x16xf32, #tpu.memory_space<vmem>>
        %dma_start3A_509 = tpu.memref_squeeze %dma_start3A_508 : memref<1x128x16xf32, #tpu.memory_space<vmem>> -> memref<128x16xf32, #tpu.memory_space<vmem>>
        %dma_start3A_510 = tpu.memref_slice %arg6[%mul3A_503] : memref<10240xi32, #tpu.memory_space<vmem>> -> memref<128xi32, #tpu.memory_space<vmem>>
        %dma_start3A_511 = arith.constant 0 : i32
        %dma_start3A_512 = arith.constant 0 : i32
        %dma_start3A_513 = tpu.memref_slice %arg2[%dma_start3A_511, %dma_start3A_512] : memref<10000x16xf32, #tpu.memory_space<hbm>> -> memref<10000x16xf32, #tpu.memory_space<hbm>>
        %dma_start3A_514 = tpu.memref_slice %arg11[%dma_start3A_505] : memref<8x!tpu.dma_semaphore, #tpu.memory_space<semaphore_mem>> -> memref<1x!tpu.dma_semaphore, #tpu.memory_space<semaphore_mem>>
        %dma_start3A_515 = tpu.memref_squeeze %dma_start3A_514 : memref<1x!tpu.dma_semaphore, #tpu.memory_space<semaphore_mem>> -> memref<!tpu.dma_semaphore, #tpu.memory_space<semaphore_mem>>
        tpu.enqueue_indirect_dma source(%dma_start3A_513 : memref<10000x16xf32, #tpu.memory_space<hbm>>) target(%dma_start3A_509 : memref<128x16xf32, #tpu.memory_space<vmem>>) offsets(%dma_start3A_510 : memref<128xi32, #tpu.memory_space<vmem>>) semaphore(%dma_start3A_515 : memref<!tpu.dma_semaphore, #tpu.memory_space<semaphore_mem>>)
      } else {
      }
      %dma_wait3A_391 = arith.constant 5 : i32
      %dma_wait3A_392 = arith.constant 5 : i32
      %dma_wait3A_393 = arith.constant 0 : i32
      %dma_wait3A_394 = arith.constant 0 : i32
      %dma_wait3A_395 = tpu.memref_slice %arg8[%dma_wait3A_391, %dma_wait3A_393, %dma_wait3A_394] : memref<8x128x16xf32, #tpu.memory_space<vmem>> -> memref<1x128x16xf32, #tpu.memory_space<vmem>>
      %dma_wait3A_396 = tpu.memref_squeeze %dma_wait3A_395 : memref<1x128x16xf32, #tpu.memory_space<vmem>> -> memref<128x16xf32, #tpu.memory_space<vmem>>
      %dma_wait3A_397 = arith.constant 0 : i32
      %dma_wait3A_398 = tpu.memref_slice %arg6[%dma_wait3A_397] : memref<10240xi32, #tpu.memory_space<vmem>> -> memref<128xi32, #tpu.memory_space<vmem>>
      %dma_wait3A_399 = arith.constant 0 : i32
      %dma_wait3A_400 = arith.constant 0 : i32
      %dma_wait3A_401 = tpu.memref_slice %arg2[%dma_wait3A_399, %dma_wait3A_400] : memref<10000x16xf32, #tpu.memory_space<hbm>> -> memref<10000x16xf32, #tpu.memory_space<hbm>>
      %dma_wait3A_402 = tpu.memref_slice %arg11[%dma_wait3A_392] : memref<8x!tpu.dma_semaphore, #tpu.memory_space<semaphore_mem>> -> memref<1x!tpu.dma_semaphore, #tpu.memory_space<semaphore_mem>>
      %dma_wait3A_403 = tpu.memref_squeeze %dma_wait3A_402 : memref<1x!tpu.dma_semaphore, #tpu.memory_space<semaphore_mem>> -> memref<!tpu.dma_semaphore, #tpu.memory_space<semaphore_mem>>
      tpu.wait_indirect_dma semaphore(%dma_wait3A_403 : memref<!tpu.dma_semaphore, #tpu.memory_space<semaphore_mem>>) src(%dma_wait3A_401 : memref<10000x16xf32, #tpu.memory_space<hbm>>) dst(%dma_wait3A_396 : memref<128x16xf32, #tpu.memory_space<vmem>>)
      %mul3A_404 = arith.constant 128 : i32
      %mul3A_405 = arith.muli %add3A_378, %mul3A_404 : i32
      %dma_start3A_406 = arith.constant 5 : i32
      %dma_start3A_407 = arith.constant 5 : i32
      %dma_start3A_408 = arith.constant 0 : i32
      %dma_start3A_409 = arith.constant 0 : i32
      %dma_start3A_410 = tpu.memref_slice %arg8[%dma_start3A_406, %dma_start3A_408, %dma_start3A_409] : memref<8x128x16xf32, #tpu.memory_space<vmem>> -> memref<1x128x16xf32, #tpu.memory_space<vmem>>
      %dma_start3A_411 = tpu.memref_squeeze %dma_start3A_410 : memref<1x128x16xf32, #tpu.memory_space<vmem>> -> memref<128x16xf32, #tpu.memory_space<vmem>>
      %dma_start3A_412 = tpu.memref_slice %arg7[%mul3A_405] : memref<10240xi32, #tpu.memory_space<vmem>> -> memref<128xi32, #tpu.memory_space<vmem>>
      %dma_start3A_413 = arith.constant 0 : i32
      %dma_start3A_414 = arith.constant 0 : i32
      %dma_start3A_415 = tpu.memref_slice %arg10[%dma_start3A_413, %dma_start3A_414] : memref<10112x16xf32, #tpu.memory_space<vmem_shared>> -> memref<10112x16xf32, #tpu.memory_space<vmem_shared>>
      %dma_start3A_416 = tpu.memref_slice %arg12[%dma_start3A_407] : memref<8x!tpu.dma_semaphore, #tpu.memory_space<semaphore_mem>> -> memref<1x!tpu.dma_semaphore, #tpu.memory_space<semaphore_mem>>
      %dma_start3A_417 = tpu.memref_squeeze %dma_start3A_416 : memref<1x!tpu.dma_semaphore, #tpu.memory_space<semaphore_mem>> -> memref<!tpu.dma_semaphore, #tpu.memory_space<semaphore_mem>>
      tpu.enqueue_indirect_dma source(%dma_start3A_411 : memref<128x16xf32, #tpu.memory_space<vmem>>) target(%dma_start3A_415 : memref<10112x16xf32, #tpu.memory_space<vmem_shared>>) offsets(%dma_start3A_412 : memref<128xi32, #tpu.memory_space<vmem>>) semaphore(%dma_start3A_417 : memref<!tpu.dma_semaphore, #tpu.memory_space<semaphore_mem>>) {add = true}
      %add3A_418 = arith.constant 6 : i32
      %add3A_419 = arith.addi %add3A_175, %add3A_418 : i32
      %ge3A_420 = arith.constant 4 : i32
      %ge3A_421 = arith.cmpi sge, %add3A_419, %ge3A_420 : i32
      %convert_element_type3A_422 = arith.extui %ge3A_421 : i1 to i32
      %cond3A_423 = arith.constant 0 : i32
      %cond3A_424 = arith.cmpi ne, %convert_element_type3A_422, %cond3A_423 : i32
      scf.if %cond3A_424 {
        %dma_wait3A_500 = arith.constant 2 : i32
        %dma_wait3A_501 = arith.constant 2 : i32
        %dma_wait3A_502 = arith.constant 0 : i32
        %dma_wait3A_503 = arith.constant 0 : i32
        %dma_wait3A_504 = tpu.memref_slice %arg8[%dma_wait3A_500, %dma_wait3A_502, %dma_wait3A_503] : memref<8x128x16xf32, #tpu.memory_space<vmem>> -> memref<1x128x16xf32, #tpu.memory_space<vmem>>
        %dma_wait3A_505 = tpu.memref_squeeze %dma_wait3A_504 : memref<1x128x16xf32, #tpu.memory_space<vmem>> -> memref<128x16xf32, #tpu.memory_space<vmem>>
        %dma_wait3A_506 = arith.constant 0 : i32
        %dma_wait3A_507 = tpu.memref_slice %arg7[%dma_wait3A_506] : memref<10240xi32, #tpu.memory_space<vmem>> -> memref<128xi32, #tpu.memory_space<vmem>>
        %dma_wait3A_508 = arith.constant 0 : i32
        %dma_wait3A_509 = arith.constant 0 : i32
        %dma_wait3A_510 = tpu.memref_slice %arg10[%dma_wait3A_508, %dma_wait3A_509] : memref<10112x16xf32, #tpu.memory_space<vmem_shared>> -> memref<10112x16xf32, #tpu.memory_space<vmem_shared>>
        %dma_wait3A_511 = tpu.memref_slice %arg12[%dma_wait3A_501] : memref<8x!tpu.dma_semaphore, #tpu.memory_space<semaphore_mem>> -> memref<1x!tpu.dma_semaphore, #tpu.memory_space<semaphore_mem>>
        %dma_wait3A_512 = tpu.memref_squeeze %dma_wait3A_511 : memref<1x!tpu.dma_semaphore, #tpu.memory_space<semaphore_mem>> -> memref<!tpu.dma_semaphore, #tpu.memory_space<semaphore_mem>>
        tpu.wait_indirect_dma semaphore(%dma_wait3A_512 : memref<!tpu.dma_semaphore, #tpu.memory_space<semaphore_mem>>) src(%dma_wait3A_505 : memref<128x16xf32, #tpu.memory_space<vmem>>) dst(%dma_wait3A_510 : memref<10112x16xf32, #tpu.memory_space<vmem_shared>>)
      } else {
      }
      %add3A_425 = arith.constant 4 : i32
      %add3A_426 = arith.addi %add3A_419, %add3A_425 : i32
      %lt3A_427 = arith.constant 80 : i32
      %lt3A_428 = arith.cmpi slt, %add3A_426, %lt3A_427 : i32
      %convert_element_type3A_429 = arith.extui %lt3A_428 : i1 to i32
      %cond3A_430 = arith.constant 0 : i32
      %cond3A_431 = arith.cmpi ne, %convert_element_type3A_429, %cond3A_430 : i32
      scf.if %cond3A_431 {
        %add3A_500 = arith.constant 4 : i32
        %add3A_501 = arith.addi %add3A_419, %add3A_500 : i32
        %mul3A_502 = arith.constant 128 : i32
        %mul3A_503 = arith.muli %add3A_501, %mul3A_502 : i32
        %dma_start3A_504 = arith.constant 2 : i32
        %dma_start3A_505 = arith.constant 2 : i32
        %dma_start3A_506 = arith.constant 0 : i32
        %dma_start3A_507 = arith.constant 0 : i32
        %dma_start3A_508 = tpu.memref_slice %arg8[%dma_start3A_504, %dma_start3A_506, %dma_start3A_507] : memref<8x128x16xf32, #tpu.memory_space<vmem>> -> memref<1x128x16xf32, #tpu.memory_space<vmem>>
        %dma_start3A_509 = tpu.memref_squeeze %dma_start3A_508 : memref<1x128x16xf32, #tpu.memory_space<vmem>> -> memref<128x16xf32, #tpu.memory_space<vmem>>
        %dma_start3A_510 = tpu.memref_slice %arg6[%mul3A_503] : memref<10240xi32, #tpu.memory_space<vmem>> -> memref<128xi32, #tpu.memory_space<vmem>>
        %dma_start3A_511 = arith.constant 0 : i32
        %dma_start3A_512 = arith.constant 0 : i32
        %dma_start3A_513 = tpu.memref_slice %arg2[%dma_start3A_511, %dma_start3A_512] : memref<10000x16xf32, #tpu.memory_space<hbm>> -> memref<10000x16xf32, #tpu.memory_space<hbm>>
        %dma_start3A_514 = tpu.memref_slice %arg11[%dma_start3A_505] : memref<8x!tpu.dma_semaphore, #tpu.memory_space<semaphore_mem>> -> memref<1x!tpu.dma_semaphore, #tpu.memory_space<semaphore_mem>>
        %dma_start3A_515 = tpu.memref_squeeze %dma_start3A_514 : memref<1x!tpu.dma_semaphore, #tpu.memory_space<semaphore_mem>> -> memref<!tpu.dma_semaphore, #tpu.memory_space<semaphore_mem>>
        tpu.enqueue_indirect_dma source(%dma_start3A_513 : memref<10000x16xf32, #tpu.memory_space<hbm>>) target(%dma_start3A_509 : memref<128x16xf32, #tpu.memory_space<vmem>>) offsets(%dma_start3A_510 : memref<128xi32, #tpu.memory_space<vmem>>) semaphore(%dma_start3A_515 : memref<!tpu.dma_semaphore, #tpu.memory_space<semaphore_mem>>)
      } else {
      }
      %dma_wait3A_432 = arith.constant 6 : i32
      %dma_wait3A_433 = arith.constant 6 : i32
      %dma_wait3A_434 = arith.constant 0 : i32
      %dma_wait3A_435 = arith.constant 0 : i32
      %dma_wait3A_436 = tpu.memref_slice %arg8[%dma_wait3A_432, %dma_wait3A_434, %dma_wait3A_435] : memref<8x128x16xf32, #tpu.memory_space<vmem>> -> memref<1x128x16xf32, #tpu.memory_space<vmem>>
      %dma_wait3A_437 = tpu.memref_squeeze %dma_wait3A_436 : memref<1x128x16xf32, #tpu.memory_space<vmem>> -> memref<128x16xf32, #tpu.memory_space<vmem>>
      %dma_wait3A_438 = arith.constant 0 : i32
      %dma_wait3A_439 = tpu.memref_slice %arg6[%dma_wait3A_438] : memref<10240xi32, #tpu.memory_space<vmem>> -> memref<128xi32, #tpu.memory_space<vmem>>
      %dma_wait3A_440 = arith.constant 0 : i32
      %dma_wait3A_441 = arith.constant 0 : i32
      %dma_wait3A_442 = tpu.memref_slice %arg2[%dma_wait3A_440, %dma_wait3A_441] : memref<10000x16xf32, #tpu.memory_space<hbm>> -> memref<10000x16xf32, #tpu.memory_space<hbm>>
      %dma_wait3A_443 = tpu.memref_slice %arg11[%dma_wait3A_433] : memref<8x!tpu.dma_semaphore, #tpu.memory_space<semaphore_mem>> -> memref<1x!tpu.dma_semaphore, #tpu.memory_space<semaphore_mem>>
      %dma_wait3A_444 = tpu.memref_squeeze %dma_wait3A_443 : memref<1x!tpu.dma_semaphore, #tpu.memory_space<semaphore_mem>> -> memref<!tpu.dma_semaphore, #tpu.memory_space<semaphore_mem>>
      tpu.wait_indirect_dma semaphore(%dma_wait3A_444 : memref<!tpu.dma_semaphore, #tpu.memory_space<semaphore_mem>>) src(%dma_wait3A_442 : memref<10000x16xf32, #tpu.memory_space<hbm>>) dst(%dma_wait3A_437 : memref<128x16xf32, #tpu.memory_space<vmem>>)
      %mul3A_445 = arith.constant 128 : i32
      %mul3A_446 = arith.muli %add3A_419, %mul3A_445 : i32
      %dma_start3A_447 = arith.constant 6 : i32
      %dma_start3A_448 = arith.constant 6 : i32
      %dma_start3A_449 = arith.constant 0 : i32
      %dma_start3A_450 = arith.constant 0 : i32
      %dma_start3A_451 = tpu.memref_slice %arg8[%dma_start3A_447, %dma_start3A_449, %dma_start3A_450] : memref<8x128x16xf32, #tpu.memory_space<vmem>> -> memref<1x128x16xf32, #tpu.memory_space<vmem>>
      %dma_start3A_452 = tpu.memref_squeeze %dma_start3A_451 : memref<1x128x16xf32, #tpu.memory_space<vmem>> -> memref<128x16xf32, #tpu.memory_space<vmem>>
      %dma_start3A_453 = tpu.memref_slice %arg7[%mul3A_446] : memref<10240xi32, #tpu.memory_space<vmem>> -> memref<128xi32, #tpu.memory_space<vmem>>
      %dma_start3A_454 = arith.constant 0 : i32
      %dma_start3A_455 = arith.constant 0 : i32
      %dma_start3A_456 = tpu.memref_slice %arg10[%dma_start3A_454, %dma_start3A_455] : memref<10112x16xf32, #tpu.memory_space<vmem_shared>> -> memref<10112x16xf32, #tpu.memory_space<vmem_shared>>
      %dma_start3A_457 = tpu.memref_slice %arg12[%dma_start3A_448] : memref<8x!tpu.dma_semaphore, #tpu.memory_space<semaphore_mem>> -> memref<1x!tpu.dma_semaphore, #tpu.memory_space<semaphore_mem>>
      %dma_start3A_458 = tpu.memref_squeeze %dma_start3A_457 : memref<1x!tpu.dma_semaphore, #tpu.memory_space<semaphore_mem>> -> memref<!tpu.dma_semaphore, #tpu.memory_space<semaphore_mem>>
      tpu.enqueue_indirect_dma source(%dma_start3A_452 : memref<128x16xf32, #tpu.memory_space<vmem>>) target(%dma_start3A_456 : memref<10112x16xf32, #tpu.memory_space<vmem_shared>>) offsets(%dma_start3A_453 : memref<128xi32, #tpu.memory_space<vmem>>) semaphore(%dma_start3A_458 : memref<!tpu.dma_semaphore, #tpu.memory_space<semaphore_mem>>) {add = true}
      %add3A_459 = arith.constant 7 : i32
      %add3A_460 = arith.addi %add3A_175, %add3A_459 : i32
      %ge3A_461 = arith.constant 4 : i32
      %ge3A_462 = arith.cmpi sge, %add3A_460, %ge3A_461 : i32
      %convert_element_type3A_463 = arith.extui %ge3A_462 : i1 to i32
      %cond3A_464 = arith.constant 0 : i32
      %cond3A_465 = arith.cmpi ne, %convert_element_type3A_463, %cond3A_464 : i32
      scf.if %cond3A_465 {
        %dma_wait3A_500 = arith.constant 3 : i32
        %dma_wait3A_501 = arith.constant 3 : i32
        %dma_wait3A_502 = arith.constant 0 : i32
        %dma_wait3A_503 = arith.constant 0 : i32
        %dma_wait3A_504 = tpu.memref_slice %arg8[%dma_wait3A_500, %dma_wait3A_502, %dma_wait3A_503] : memref<8x128x16xf32, #tpu.memory_space<vmem>> -> memref<1x128x16xf32, #tpu.memory_space<vmem>>
        %dma_wait3A_505 = tpu.memref_squeeze %dma_wait3A_504 : memref<1x128x16xf32, #tpu.memory_space<vmem>> -> memref<128x16xf32, #tpu.memory_space<vmem>>
        %dma_wait3A_506 = arith.constant 0 : i32
        %dma_wait3A_507 = tpu.memref_slice %arg7[%dma_wait3A_506] : memref<10240xi32, #tpu.memory_space<vmem>> -> memref<128xi32, #tpu.memory_space<vmem>>
        %dma_wait3A_508 = arith.constant 0 : i32
        %dma_wait3A_509 = arith.constant 0 : i32
        %dma_wait3A_510 = tpu.memref_slice %arg10[%dma_wait3A_508, %dma_wait3A_509] : memref<10112x16xf32, #tpu.memory_space<vmem_shared>> -> memref<10112x16xf32, #tpu.memory_space<vmem_shared>>
        %dma_wait3A_511 = tpu.memref_slice %arg12[%dma_wait3A_501] : memref<8x!tpu.dma_semaphore, #tpu.memory_space<semaphore_mem>> -> memref<1x!tpu.dma_semaphore, #tpu.memory_space<semaphore_mem>>
        %dma_wait3A_512 = tpu.memref_squeeze %dma_wait3A_511 : memref<1x!tpu.dma_semaphore, #tpu.memory_space<semaphore_mem>> -> memref<!tpu.dma_semaphore, #tpu.memory_space<semaphore_mem>>
        tpu.wait_indirect_dma semaphore(%dma_wait3A_512 : memref<!tpu.dma_semaphore, #tpu.memory_space<semaphore_mem>>) src(%dma_wait3A_505 : memref<128x16xf32, #tpu.memory_space<vmem>>) dst(%dma_wait3A_510 : memref<10112x16xf32, #tpu.memory_space<vmem_shared>>)
      } else {
      }
      %add3A_466 = arith.constant 4 : i32
      %add3A_467 = arith.addi %add3A_460, %add3A_466 : i32
      %lt3A_468 = arith.constant 80 : i32
      %lt3A_469 = arith.cmpi slt, %add3A_467, %lt3A_468 : i32
      %convert_element_type3A_470 = arith.extui %lt3A_469 : i1 to i32
      %cond3A_471 = arith.constant 0 : i32
      %cond3A_472 = arith.cmpi ne, %convert_element_type3A_470, %cond3A_471 : i32
      scf.if %cond3A_472 {
        %add3A_500 = arith.constant 4 : i32
        %add3A_501 = arith.addi %add3A_460, %add3A_500 : i32
        %mul3A_502 = arith.constant 128 : i32
        %mul3A_503 = arith.muli %add3A_501, %mul3A_502 : i32
        %dma_start3A_504 = arith.constant 3 : i32
        %dma_start3A_505 = arith.constant 3 : i32
        %dma_start3A_506 = arith.constant 0 : i32
        %dma_start3A_507 = arith.constant 0 : i32
        %dma_start3A_508 = tpu.memref_slice %arg8[%dma_start3A_504, %dma_start3A_506, %dma_start3A_507] : memref<8x128x16xf32, #tpu.memory_space<vmem>> -> memref<1x128x16xf32, #tpu.memory_space<vmem>>
        %dma_start3A_509 = tpu.memref_squeeze %dma_start3A_508 : memref<1x128x16xf32, #tpu.memory_space<vmem>> -> memref<128x16xf32, #tpu.memory_space<vmem>>
        %dma_start3A_510 = tpu.memref_slice %arg6[%mul3A_503] : memref<10240xi32, #tpu.memory_space<vmem>> -> memref<128xi32, #tpu.memory_space<vmem>>
        %dma_start3A_511 = arith.constant 0 : i32
        %dma_start3A_512 = arith.constant 0 : i32
        %dma_start3A_513 = tpu.memref_slice %arg2[%dma_start3A_511, %dma_start3A_512] : memref<10000x16xf32, #tpu.memory_space<hbm>> -> memref<10000x16xf32, #tpu.memory_space<hbm>>
        %dma_start3A_514 = tpu.memref_slice %arg11[%dma_start3A_505] : memref<8x!tpu.dma_semaphore, #tpu.memory_space<semaphore_mem>> -> memref<1x!tpu.dma_semaphore, #tpu.memory_space<semaphore_mem>>
        %dma_start3A_515 = tpu.memref_squeeze %dma_start3A_514 : memref<1x!tpu.dma_semaphore, #tpu.memory_space<semaphore_mem>> -> memref<!tpu.dma_semaphore, #tpu.memory_space<semaphore_mem>>
        tpu.enqueue_indirect_dma source(%dma_start3A_513 : memref<10000x16xf32, #tpu.memory_space<hbm>>) target(%dma_start3A_509 : memref<128x16xf32, #tpu.memory_space<vmem>>) offsets(%dma_start3A_510 : memref<128xi32, #tpu.memory_space<vmem>>) semaphore(%dma_start3A_515 : memref<!tpu.dma_semaphore, #tpu.memory_space<semaphore_mem>>)
      } else {
      }
      %dma_wait3A_473 = arith.constant 7 : i32
      %dma_wait3A_474 = arith.constant 7 : i32
      %dma_wait3A_475 = arith.constant 0 : i32
      %dma_wait3A_476 = arith.constant 0 : i32
      %dma_wait3A_477 = tpu.memref_slice %arg8[%dma_wait3A_473, %dma_wait3A_475, %dma_wait3A_476] : memref<8x128x16xf32, #tpu.memory_space<vmem>> -> memref<1x128x16xf32, #tpu.memory_space<vmem>>
      %dma_wait3A_478 = tpu.memref_squeeze %dma_wait3A_477 : memref<1x128x16xf32, #tpu.memory_space<vmem>> -> memref<128x16xf32, #tpu.memory_space<vmem>>
      %dma_wait3A_479 = arith.constant 0 : i32
      %dma_wait3A_480 = tpu.memref_slice %arg6[%dma_wait3A_479] : memref<10240xi32, #tpu.memory_space<vmem>> -> memref<128xi32, #tpu.memory_space<vmem>>
      %dma_wait3A_481 = arith.constant 0 : i32
      %dma_wait3A_482 = arith.constant 0 : i32
      %dma_wait3A_483 = tpu.memref_slice %arg2[%dma_wait3A_481, %dma_wait3A_482] : memref<10000x16xf32, #tpu.memory_space<hbm>> -> memref<10000x16xf32, #tpu.memory_space<hbm>>
      %dma_wait3A_484 = tpu.memref_slice %arg11[%dma_wait3A_474] : memref<8x!tpu.dma_semaphore, #tpu.memory_space<semaphore_mem>> -> memref<1x!tpu.dma_semaphore, #tpu.memory_space<semaphore_mem>>
      %dma_wait3A_485 = tpu.memref_squeeze %dma_wait3A_484 : memref<1x!tpu.dma_semaphore, #tpu.memory_space<semaphore_mem>> -> memref<!tpu.dma_semaphore, #tpu.memory_space<semaphore_mem>>
      tpu.wait_indirect_dma semaphore(%dma_wait3A_485 : memref<!tpu.dma_semaphore, #tpu.memory_space<semaphore_mem>>) src(%dma_wait3A_483 : memref<10000x16xf32, #tpu.memory_space<hbm>>) dst(%dma_wait3A_478 : memref<128x16xf32, #tpu.memory_space<vmem>>)
      %mul3A_486 = arith.constant 128 : i32
      %mul3A_487 = arith.muli %add3A_460, %mul3A_486 : i32
      %dma_start3A_488 = arith.constant 7 : i32
      %dma_start3A_489 = arith.constant 7 : i32
      %dma_start3A_490 = arith.constant 0 : i32
      %dma_start3A_491 = arith.constant 0 : i32
      %dma_start3A_492 = tpu.memref_slice %arg8[%dma_start3A_488, %dma_start3A_490, %dma_start3A_491] : memref<8x128x16xf32, #tpu.memory_space<vmem>> -> memref<1x128x16xf32, #tpu.memory_space<vmem>>
      %dma_start3A_493 = tpu.memref_squeeze %dma_start3A_492 : memref<1x128x16xf32, #tpu.memory_space<vmem>> -> memref<128x16xf32, #tpu.memory_space<vmem>>
      %dma_start3A_494 = tpu.memref_slice %arg7[%mul3A_487] : memref<10240xi32, #tpu.memory_space<vmem>> -> memref<128xi32, #tpu.memory_space<vmem>>
      %dma_start3A_495 = arith.constant 0 : i32
      %dma_start3A_496 = arith.constant 0 : i32
      %dma_start3A_497 = tpu.memref_slice %arg10[%dma_start3A_495, %dma_start3A_496] : memref<10112x16xf32, #tpu.memory_space<vmem_shared>> -> memref<10112x16xf32, #tpu.memory_space<vmem_shared>>
      %dma_start3A_498 = tpu.memref_slice %arg12[%dma_start3A_489] : memref<8x!tpu.dma_semaphore, #tpu.memory_space<semaphore_mem>> -> memref<1x!tpu.dma_semaphore, #tpu.memory_space<semaphore_mem>>
      %dma_start3A_499 = tpu.memref_squeeze %dma_start3A_498 : memref<1x!tpu.dma_semaphore, #tpu.memory_space<semaphore_mem>> -> memref<!tpu.dma_semaphore, #tpu.memory_space<semaphore_mem>>
      tpu.enqueue_indirect_dma source(%dma_start3A_493 : memref<128x16xf32, #tpu.memory_space<vmem>>) target(%dma_start3A_497 : memref<10112x16xf32, #tpu.memory_space<vmem_shared>>) offsets(%dma_start3A_494 : memref<128xi32, #tpu.memory_space<vmem>>) semaphore(%dma_start3A_499 : memref<!tpu.dma_semaphore, #tpu.memory_space<semaphore_mem>>) {add = true}
    }
    %scan3A_113 = arith.constant 10 : i32
    %dma_wait3A_114 = arith.constant 4 : i32
    %dma_wait3A_115 = arith.constant 4 : i32
    %dma_wait3A_116 = arith.constant 0 : i32
    %dma_wait3A_117 = arith.constant 0 : i32
    %dma_wait3A_118 = tpu.memref_slice %arg8[%dma_wait3A_114, %dma_wait3A_116, %dma_wait3A_117] : memref<8x128x16xf32, #tpu.memory_space<vmem>> -> memref<1x128x16xf32, #tpu.memory_space<vmem>>
    %dma_wait3A_119 = tpu.memref_squeeze %dma_wait3A_118 : memref<1x128x16xf32, #tpu.memory_space<vmem>> -> memref<128x16xf32, #tpu.memory_space<vmem>>
    %dma_wait3A_120 = arith.constant 0 : i32
    %dma_wait3A_121 = tpu.memref_slice %arg7[%dma_wait3A_120] : memref<10240xi32, #tpu.memory_space<vmem>> -> memref<128xi32, #tpu.memory_space<vmem>>
    %dma_wait3A_122 = arith.constant 0 : i32
    %dma_wait3A_123 = arith.constant 0 : i32
    %dma_wait3A_124 = tpu.memref_slice %arg10[%dma_wait3A_122, %dma_wait3A_123] : memref<10112x16xf32, #tpu.memory_space<vmem_shared>> -> memref<10112x16xf32, #tpu.memory_space<vmem_shared>>
    %dma_wait3A_125 = tpu.memref_slice %arg12[%dma_wait3A_115] : memref<8x!tpu.dma_semaphore, #tpu.memory_space<semaphore_mem>> -> memref<1x!tpu.dma_semaphore, #tpu.memory_space<semaphore_mem>>
    %dma_wait3A_126 = tpu.memref_squeeze %dma_wait3A_125 : memref<1x!tpu.dma_semaphore, #tpu.memory_space<semaphore_mem>> -> memref<!tpu.dma_semaphore, #tpu.memory_space<semaphore_mem>>
    tpu.wait_indirect_dma semaphore(%dma_wait3A_126 : memref<!tpu.dma_semaphore, #tpu.memory_space<semaphore_mem>>) src(%dma_wait3A_119 : memref<128x16xf32, #tpu.memory_space<vmem>>) dst(%dma_wait3A_124 : memref<10112x16xf32, #tpu.memory_space<vmem_shared>>)
    %dma_wait3A_127 = arith.constant 5 : i32
    %dma_wait3A_128 = arith.constant 5 : i32
    %dma_wait3A_129 = arith.constant 0 : i32
    %dma_wait3A_130 = arith.constant 0 : i32
    %dma_wait3A_131 = tpu.memref_slice %arg8[%dma_wait3A_127, %dma_wait3A_129, %dma_wait3A_130] : memref<8x128x16xf32, #tpu.memory_space<vmem>> -> memref<1x128x16xf32, #tpu.memory_space<vmem>>
    %dma_wait3A_132 = tpu.memref_squeeze %dma_wait3A_131 : memref<1x128x16xf32, #tpu.memory_space<vmem>> -> memref<128x16xf32, #tpu.memory_space<vmem>>
    %dma_wait3A_133 = arith.constant 0 : i32
    %dma_wait3A_134 = tpu.memref_slice %arg7[%dma_wait3A_133] : memref<10240xi32, #tpu.memory_space<vmem>> -> memref<128xi32, #tpu.memory_space<vmem>>
    %dma_wait3A_135 = arith.constant 0 : i32
    %dma_wait3A_136 = arith.constant 0 : i32
    %dma_wait3A_137 = tpu.memref_slice %arg10[%dma_wait3A_135, %dma_wait3A_136] : memref<10112x16xf32, #tpu.memory_space<vmem_shared>> -> memref<10112x16xf32, #tpu.memory_space<vmem_shared>>
    %dma_wait3A_138 = tpu.memref_slice %arg12[%dma_wait3A_128] : memref<8x!tpu.dma_semaphore, #tpu.memory_space<semaphore_mem>> -> memref<1x!tpu.dma_semaphore, #tpu.memory_space<semaphore_mem>>
    %dma_wait3A_139 = tpu.memref_squeeze %dma_wait3A_138 : memref<1x!tpu.dma_semaphore, #tpu.memory_space<semaphore_mem>> -> memref<!tpu.dma_semaphore, #tpu.memory_space<semaphore_mem>>
    tpu.wait_indirect_dma semaphore(%dma_wait3A_139 : memref<!tpu.dma_semaphore, #tpu.memory_space<semaphore_mem>>) src(%dma_wait3A_132 : memref<128x16xf32, #tpu.memory_space<vmem>>) dst(%dma_wait3A_137 : memref<10112x16xf32, #tpu.memory_space<vmem_shared>>)
    %dma_wait3A_140 = arith.constant 6 : i32
    %dma_wait3A_141 = arith.constant 6 : i32
    %dma_wait3A_142 = arith.constant 0 : i32
    %dma_wait3A_143 = arith.constant 0 : i32
    %dma_wait3A_144 = tpu.memref_slice %arg8[%dma_wait3A_140, %dma_wait3A_142, %dma_wait3A_143] : memref<8x128x16xf32, #tpu.memory_space<vmem>> -> memref<1x128x16xf32, #tpu.memory_space<vmem>>
    %dma_wait3A_145 = tpu.memref_squeeze %dma_wait3A_144 : memref<1x128x16xf32, #tpu.memory_space<vmem>> -> memref<128x16xf32, #tpu.memory_space<vmem>>
    %dma_wait3A_146 = arith.constant 0 : i32
    %dma_wait3A_147 = tpu.memref_slice %arg7[%dma_wait3A_146] : memref<10240xi32, #tpu.memory_space<vmem>> -> memref<128xi32, #tpu.memory_space<vmem>>
    %dma_wait3A_148 = arith.constant 0 : i32
    %dma_wait3A_149 = arith.constant 0 : i32
    %dma_wait3A_150 = tpu.memref_slice %arg10[%dma_wait3A_148, %dma_wait3A_149] : memref<10112x16xf32, #tpu.memory_space<vmem_shared>> -> memref<10112x16xf32, #tpu.memory_space<vmem_shared>>
    %dma_wait3A_151 = tpu.memref_slice %arg12[%dma_wait3A_141] : memref<8x!tpu.dma_semaphore, #tpu.memory_space<semaphore_mem>> -> memref<1x!tpu.dma_semaphore, #tpu.memory_space<semaphore_mem>>
    %dma_wait3A_152 = tpu.memref_squeeze %dma_wait3A_151 : memref<1x!tpu.dma_semaphore, #tpu.memory_space<semaphore_mem>> -> memref<!tpu.dma_semaphore, #tpu.memory_space<semaphore_mem>>
    tpu.wait_indirect_dma semaphore(%dma_wait3A_152 : memref<!tpu.dma_semaphore, #tpu.memory_space<semaphore_mem>>) src(%dma_wait3A_145 : memref<128x16xf32, #tpu.memory_space<vmem>>) dst(%dma_wait3A_150 : memref<10112x16xf32, #tpu.memory_space<vmem_shared>>)
    %dma_wait3A_153 = arith.constant 7 : i32
    %dma_wait3A_154 = arith.constant 7 : i32
    %dma_wait3A_155 = arith.constant 0 : i32
    %dma_wait3A_156 = arith.constant 0 : i32
    %dma_wait3A_157 = tpu.memref_slice %arg8[%dma_wait3A_153, %dma_wait3A_155, %dma_wait3A_156] : memref<8x128x16xf32, #tpu.memory_space<vmem>> -> memref<1x128x16xf32, #tpu.memory_space<vmem>>
    %dma_wait3A_158 = tpu.memref_squeeze %dma_wait3A_157 : memref<1x128x16xf32, #tpu.memory_space<vmem>> -> memref<128x16xf32, #tpu.memory_space<vmem>>
    %dma_wait3A_159 = arith.constant 0 : i32
    %dma_wait3A_160 = tpu.memref_slice %arg7[%dma_wait3A_159] : memref<10240xi32, #tpu.memory_space<vmem>> -> memref<128xi32, #tpu.memory_space<vmem>>
    %dma_wait3A_161 = arith.constant 0 : i32
    %dma_wait3A_162 = arith.constant 0 : i32
    %dma_wait3A_163 = tpu.memref_slice %arg10[%dma_wait3A_161, %dma_wait3A_162] : memref<10112x16xf32, #tpu.memory_space<vmem_shared>> -> memref<10112x16xf32, #tpu.memory_space<vmem_shared>>
    %dma_wait3A_164 = tpu.memref_slice %arg12[%dma_wait3A_154] : memref<8x!tpu.dma_semaphore, #tpu.memory_space<semaphore_mem>> -> memref<1x!tpu.dma_semaphore, #tpu.memory_space<semaphore_mem>>
    %dma_wait3A_165 = tpu.memref_squeeze %dma_wait3A_164 : memref<1x!tpu.dma_semaphore, #tpu.memory_space<semaphore_mem>> -> memref<!tpu.dma_semaphore, #tpu.memory_space<semaphore_mem>>
    tpu.wait_indirect_dma semaphore(%dma_wait3A_165 : memref<!tpu.dma_semaphore, #tpu.memory_space<semaphore_mem>>) src(%dma_wait3A_158 : memref<128x16xf32, #tpu.memory_space<vmem>>) dst(%dma_wait3A_163 : memref<10112x16xf32, #tpu.memory_space<vmem_shared>>)
    %barrier3A_166 = arith.constant 0 : index
    tpu.barrier barrier_id(%barrier3A_166)
    %mul3A_167 = arith.constant 632 : i32
    %mul3A_168 = arith.muli %arg1, %mul3A_167 : i32
    "tpu.region"() ({
      %run_scoped3A = tpu.sem_alloc : memref<!tpu.dma_semaphore, #tpu.memory_space<semaphore_mem>>
      %dma_start3A_171 = arith.constant 0 : i32
      %dma_start3A_172 = tpu.memref_slice %arg10[%mul3A_168, %dma_start3A_171] : memref<10112x16xf32, #tpu.memory_space<vmem_shared>> -> memref<632x16xf32, #tpu.memory_space<vmem_shared>>
      %dma_start3A_173 = arith.constant 0 : i32
      %dma_start3A_174 = tpu.memref_slice %arg10[%mul3A_168, %dma_start3A_173] : memref<10112x16xf32, #tpu.memory_space<vmem_shared>> -> memref<632x16xf32, #tpu.memory_space<vmem_shared>>
      tpu.enqueue_dma source(%dma_start3A_174 : memref<632x16xf32, #tpu.memory_space<vmem_shared>>) target(%arg9 : memref<632x16xf32, #tpu.memory_space<vmem>>) target_semaphore(%run_scoped3A : memref<!tpu.dma_semaphore, #tpu.memory_space<semaphore_mem>>)
      %dma_wait3A_175 = arith.constant 0 : i32
      %dma_wait3A_176 = tpu.memref_slice %arg10[%mul3A_168, %dma_wait3A_175] : memref<10112x16xf32, #tpu.memory_space<vmem_shared>> -> memref<632x16xf32, #tpu.memory_space<vmem_shared>>
      %dma_wait3A_177 = arith.constant 0 : i32
      %dma_wait3A_178 = tpu.memref_slice %arg10[%mul3A_168, %dma_wait3A_177] : memref<10112x16xf32, #tpu.memory_space<vmem_shared>> -> memref<632x16xf32, #tpu.memory_space<vmem_shared>>
      tpu.wait_dma2 semaphore(%run_scoped3A : memref<!tpu.dma_semaphore, #tpu.memory_space<semaphore_mem>>) src(%dma_wait3A_178 : memref<632x16xf32, #tpu.memory_space<vmem_shared>>) dst(%arg9 : memref<632x16xf32, #tpu.memory_space<vmem>>)
      tpu.yield
    }) : () -> ()
    %mul3A_169 = arith.constant 632 : i32
    %mul3A_170 = arith.muli %arg1, %mul3A_169 : i32
    "tpu.region"() ({
      %run_scoped3A = tpu.sem_alloc : memref<!tpu.dma_semaphore, #tpu.memory_space<semaphore_mem>>
      %dma_start3A_171 = arith.constant 0 : i32
      %dma_start3A_172 = tpu.memref_slice %arg5[%arg0, %mul3A_170, %dma_start3A_171] : memref<2x10112x16xf32, #tpu.memory_space<hbm>> -> memref<1x632x16xf32, #tpu.memory_space<hbm>>
      %dma_start3A_173 = tpu.memref_squeeze %dma_start3A_172 : memref<1x632x16xf32, #tpu.memory_space<hbm>> -> memref<632x16xf32, #tpu.memory_space<hbm>>
      %dma_start3A_174 = arith.constant 0 : i32
      %dma_start3A_175 = tpu.memref_slice %arg5[%arg0, %mul3A_170, %dma_start3A_174] : memref<2x10112x16xf32, #tpu.memory_space<hbm>> -> memref<1x632x16xf32, #tpu.memory_space<hbm>>
      %dma_start3A_176 = tpu.memref_squeeze %dma_start3A_175 : memref<1x632x16xf32, #tpu.memory_space<hbm>> -> memref<632x16xf32, #tpu.memory_space<hbm>>
      tpu.enqueue_dma source(%arg9 : memref<632x16xf32, #tpu.memory_space<vmem>>) target(%dma_start3A_176 : memref<632x16xf32, #tpu.memory_space<hbm>>) target_semaphore(%run_scoped3A : memref<!tpu.dma_semaphore, #tpu.memory_space<semaphore_mem>>)
      %dma_wait3A_177 = arith.constant 0 : i32
      %dma_wait3A_178 = tpu.memref_slice %arg5[%arg0, %mul3A_170, %dma_wait3A_177] : memref<2x10112x16xf32, #tpu.memory_space<hbm>> -> memref<1x632x16xf32, #tpu.memory_space<hbm>>
      %dma_wait3A_179 = tpu.memref_squeeze %dma_wait3A_178 : memref<1x632x16xf32, #tpu.memory_space<hbm>> -> memref<632x16xf32, #tpu.memory_space<hbm>>
      %dma_wait3A_180 = arith.constant 0 : i32
      %dma_wait3A_181 = tpu.memref_slice %arg5[%arg0, %mul3A_170, %dma_wait3A_180] : memref<2x10112x16xf32, #tpu.memory_space<hbm>> -> memref<1x632x16xf32, #tpu.memory_space<hbm>>
      %dma_wait3A_182 = tpu.memref_squeeze %dma_wait3A_181 : memref<1x632x16xf32, #tpu.memory_space<hbm>> -> memref<632x16xf32, #tpu.memory_space<hbm>>
      tpu.wait_dma2 semaphore(%run_scoped3A : memref<!tpu.dma_semaphore, #tpu.memory_space<semaphore_mem>>) src(%arg9 : memref<632x16xf32, #tpu.memory_space<vmem>>) dst(%dma_wait3A_182 : memref<632x16xf32, #tpu.memory_space<hbm>>)
      tpu.yield
    }) : () -> ()
    return
  }
}

#map = affine_map<(d0, d1) -> (0, 0)>
#map1 = affine_map<(d0, d1) -> (0)>
#map2 = affine_map<(d0, d1) -> (0, 0, 0)>
module attributes {stable_mosaic.version = 14 : i64} {
  func.func @prop_k(%arg0: i32, %arg1: i32, %arg2: memref<10000x16xf32, #tpu.memory_space<hbm>>, %arg3: memref<320000xi32, #tpu.memory_space<hbm>>, %arg4: memref<320000xi32, #tpu.memory_space<hbm>>, %arg5: memref<2x10112x16xf32, #tpu.memory_space<hbm>>, %arg6: memref<10240xi32, #tpu.memory_space<vmem>>, %arg7: memref<10240xi32, #tpu.memory_space<vmem>>, %arg8: memref<8x128x16xf32, #tpu.memory_space<vmem>>, %arg9: memref<632x16xf32, #tpu.memory_space<vmem>>, %arg10: memref<10112x16xf32, #tpu.memory_space<vmem_shared>>, %arg11: memref<8x!tpu.dma_semaphore, #tpu.memory_space<semaphore_mem>>, %arg12: memref<8x!tpu.dma_semaphore, #tpu.memory_space<semaphore_mem>>) attributes {dimension_semantics = [#tpu.dimension_semantics<core_parallel>, #tpu.dimension_semantics<subcore_parallel>], iteration_bounds = array<i64: 2, 16>, scalar_prefetch = 0 : i64, scratch_operands = 7 : i64, tpu.core_type = #tpu.core_type<sc_vector_subcore>, window_params = [{transform_indices = #map}, {transform_indices = #map1}, {transform_indices = #map1}, {transform_indices = #map2}]} {
    %mul3A = arith.constant 16 : i32
    %mul3A_0 = arith.muli %arg0, %mul3A : i32
    %add3A = arith.addi %mul3A_0, %arg1 : i32
    %mul3A_1 = arith.constant 10000 : i32
    %mul3A_2 = arith.muli %add3A, %mul3A_1 : i32
    %dma_start3A = arith.constant 0 : i32
    %dma_start3A_3 = arith.constant 0 : i32
    %dma_start3A_4 = tpu.memref_slice %arg6[%dma_start3A_3] : memref<10240xi32, #tpu.memory_space<vmem>> -> memref<10000xi32, #tpu.memory_space<vmem>>
    %dma_start3A_5 = tpu.memref_slice %arg3[%mul3A_2] : memref<320000xi32, #tpu.memory_space<hbm>> -> memref<10000xi32, #tpu.memory_space<hbm>>
    %dma_start3A_6 = tpu.memref_slice %arg11[%dma_start3A] : memref<8x!tpu.dma_semaphore, #tpu.memory_space<semaphore_mem>> -> memref<1x!tpu.dma_semaphore, #tpu.memory_space<semaphore_mem>>
    %dma_start3A_7 = tpu.memref_squeeze %dma_start3A_6 : memref<1x!tpu.dma_semaphore, #tpu.memory_space<semaphore_mem>> -> memref<!tpu.dma_semaphore, #tpu.memory_space<semaphore_mem>>
    %dma_start3A_8 = arith.constant 0 : i32
    %dma_start3A_9 = tpu.memref_slice %arg6[%dma_start3A_8] : memref<10240xi32, #tpu.memory_space<vmem>> -> memref<10000xi32, #tpu.memory_space<vmem>>
    %dma_start3A_10 = tpu.memref_slice %arg3[%mul3A_2] : memref<320000xi32, #tpu.memory_space<hbm>> -> memref<10000xi32, #tpu.memory_space<hbm>>
    tpu.enqueue_dma source(%dma_start3A_10 : memref<10000xi32, #tpu.memory_space<hbm>>) target(%dma_start3A_9 : memref<10000xi32, #tpu.memory_space<vmem>>) target_semaphore(%dma_start3A_7 : memref<!tpu.dma_semaphore, #tpu.memory_space<semaphore_mem>>)
    %mul3A_11 = arith.constant 10000 : i32
    %mul3A_12 = arith.muli %add3A, %mul3A_11 : i32
    %dma_start3A_13 = arith.constant 1 : i32
    %dma_start3A_14 = arith.constant 0 : i32
    %dma_start3A_15 = tpu.memref_slice %arg7[%dma_start3A_14] : memref<10240xi32, #tpu.memory_space<vmem>> -> memref<10000xi32, #tpu.memory_space<vmem>>
    %dma_start3A_16 = tpu.memref_slice %arg4[%mul3A_12] : memref<320000xi32, #tpu.memory_space<hbm>> -> memref<10000xi32, #tpu.memory_space<hbm>>
    %dma_start3A_17 = tpu.memref_slice %arg11[%dma_start3A_13] : memref<8x!tpu.dma_semaphore, #tpu.memory_space<semaphore_mem>> -> memref<1x!tpu.dma_semaphore, #tpu.memory_space<semaphore_mem>>
    %dma_start3A_18 = tpu.memref_squeeze %dma_start3A_17 : memref<1x!tpu.dma_semaphore, #tpu.memory_space<semaphore_mem>> -> memref<!tpu.dma_semaphore, #tpu.memory_space<semaphore_mem>>
    %dma_start3A_19 = arith.constant 0 : i32
    %dma_start3A_20 = tpu.memref_slice %arg7[%dma_start3A_19] : memref<10240xi32, #tpu.memory_space<vmem>> -> memref<10000xi32, #tpu.memory_space<vmem>>
    %dma_start3A_21 = tpu.memref_slice %arg4[%mul3A_12] : memref<320000xi32, #tpu.memory_space<hbm>> -> memref<10000xi32, #tpu.memory_space<hbm>>
    tpu.enqueue_dma source(%dma_start3A_21 : memref<10000xi32, #tpu.memory_space<hbm>>) target(%dma_start3A_20 : memref<10000xi32, #tpu.memory_space<vmem>>) target_semaphore(%dma_start3A_18 : memref<!tpu.dma_semaphore, #tpu.memory_space<semaphore_mem>>)
    %iota3A = tpu.iota {dimensions = array<i32: 0>} : vector<16xi32>
    %rem3A = arith.constant 112 : i32
    %rem3A_22 = vector.broadcast %rem3A : i32 to vector<16xi32>
    %rem3A_23 = arith.remsi %iota3A, %rem3A_22 : vector<16xi32>
    %add3A_24 = arith.constant 10000 : i32
    %add3A_25 = vector.broadcast %add3A_24 : i32 to vector<16xi32>
    %add3A_26 = arith.addi %add3A_25, %rem3A_23 : vector<16xi32>
    %broadcast_in_dim3A = arith.constant 0 : i32
    %broadcast_in_dim3A_27 = vector.broadcast %broadcast_in_dim3A : i32 to vector<16xi32>
    %scan3A = arith.constant 112 : i32
    %scan3A_28 = arith.constant 0 : i32
    %scan3A_29 = arith.constant 15 : i32
    %scan3A_30 = arith.addi %scan3A_28, %scan3A_29 : i32
    %scan3A_31 = arith.constant 1 : i32
    scf.for %scan3A_171 = %scan3A_28 to %scan3A_30 step %scan3A_31  : i32 {
      %mul3A_172 = arith.constant 16 : i32
      %mul3A_173 = arith.muli %scan3A_171, %mul3A_172 : i32
      %add3A_174 = arith.constant 10000 : i32
      %add3A_175 = arith.addi %add3A_174, %mul3A_173 : i32
      %swap3A = arith.index_cast %add3A_175 : i32 to index
      %swap3A_176 = tpu.vector_load %arg6[%swap3A] {strides = array<i32>} : memref<10240xi32, #tpu.memory_space<vmem>>, vector<16xi32>,
      tpu.vector_store %arg6[%swap3A], %broadcast_in_dim3A_27 {strides = array<i32>} : memref<10240xi32, #tpu.memory_space<vmem>>, vector<16xi32>,
      %sub3A = arith.constant 10000 : i32
      %sub3A_177 = vector.broadcast %sub3A : i32 to vector<16xi32>
      %sub3A_178 = arith.subi %add3A_26, %sub3A_177 : vector<16xi32>
      %add3A_179 = vector.broadcast %add3A_175 : i32 to vector<16xi32>
      %add3A_180 = arith.addi %sub3A_178, %add3A_179 : vector<16xi32>
      %rem3A_181 = vector.broadcast %scan3A : i32 to vector<16xi32>
      %rem3A_182 = arith.remsi %add3A_180, %rem3A_181 : vector<16xi32>
      %add3A_183 = arith.constant 10000 : i32
      %add3A_184 = vector.broadcast %add3A_183 : i32 to vector<16xi32>
      %add3A_185 = arith.addi %add3A_184, %rem3A_182 : vector<16xi32>
      %swap3A_186 = arith.index_cast %add3A_175 : i32 to index
      %swap3A_187 = tpu.vector_load %arg7[%swap3A_186] {strides = array<i32>} : memref<10240xi32, #tpu.memory_space<vmem>>, vector<16xi32>,
      tpu.vector_store %arg7[%swap3A_186], %add3A_185 {strides = array<i32>} : memref<10240xi32, #tpu.memory_space<vmem>>, vector<16xi32>,
    }
    %scan3A_32 = arith.constant 15 : i32
    %scan3A_33 = arith.constant 0 : i32
    %scan3A_34 = arith.constant 632 : i32
    %scan3A_35 = arith.addi %scan3A_33, %scan3A_34 : i32
    %scan3A_36 = arith.constant 1 : i32
    scf.for %scan3A_171 = %scan3A_33 to %scan3A_35 step %scan3A_36  : i32 {
      %mul3A_172 = arith.constant 1 : i32
      %mul3A_173 = arith.muli %scan3A_171, %mul3A_172 : i32
      %add3A_174 = arith.constant 0 : i32
      %add3A_175 = arith.addi %add3A_174, %mul3A_173 : i32
      %broadcast_in_dim3A_176 = arith.constant 0.000000e+00 : f32
      %broadcast_in_dim3A_177 = vector.broadcast %broadcast_in_dim3A_176 : f32 to vector<16xf32>
      %swap3A = arith.index_cast %add3A_175 : i32 to index
      %swap3A_178 = arith.constant 0 : index
      %swap3A_179 = tpu.vector_load %arg9[%swap3A, %swap3A_178] {strides = array<i32>} : memref<632x16xf32, #tpu.memory_space<vmem>>, vector<16xf32>,
      tpu.vector_store %arg9[%swap3A, %swap3A_178], %broadcast_in_dim3A_177 {strides = array<i32>} : memref<632x16xf32, #tpu.memory_space<vmem>>, vector<16xf32>,
    }
    %scan3A_37 = arith.constant 632 : i32
    %mul3A_38 = arith.constant 632 : i32
    %mul3A_39 = arith.muli %arg1, %mul3A_38 : i32
    "tpu.region"() ({
      %run_scoped3A = tpu.sem_alloc : memref<!tpu.dma_semaphore, #tpu.memory_space<semaphore_mem>>
      %dma_start3A_171 = arith.constant 0 : i32
      %dma_start3A_172 = tpu.memref_slice %arg10[%mul3A_39, %dma_start3A_171] : memref<10112x16xf32, #tpu.memory_space<vmem_shared>> -> memref<632x16xf32, #tpu.memory_space<vmem_shared>>
      %dma_start3A_173 = arith.constant 0 : i32
      %dma_start3A_174 = tpu.memref_slice %arg10[%mul3A_39, %dma_start3A_173] : memref<10112x16xf32, #tpu.memory_space<vmem_shared>> -> memref<632x16xf32, #tpu.memory_space<vmem_shared>>
      tpu.enqueue_dma source(%arg9 : memref<632x16xf32, #tpu.memory_space<vmem>>) target(%dma_start3A_174 : memref<632x16xf32, #tpu.memory_space<vmem_shared>>) target_semaphore(%run_scoped3A : memref<!tpu.dma_semaphore, #tpu.memory_space<semaphore_mem>>)
      %dma_wait3A_175 = arith.constant 0 : i32
      %dma_wait3A_176 = tpu.memref_slice %arg10[%mul3A_39, %dma_wait3A_175] : memref<10112x16xf32, #tpu.memory_space<vmem_shared>> -> memref<632x16xf32, #tpu.memory_space<vmem_shared>>
      %dma_wait3A_177 = arith.constant 0 : i32
      %dma_wait3A_178 = tpu.memref_slice %arg10[%mul3A_39, %dma_wait3A_177] : memref<10112x16xf32, #tpu.memory_space<vmem_shared>> -> memref<632x16xf32, #tpu.memory_space<vmem_shared>>
      tpu.wait_dma2 semaphore(%run_scoped3A : memref<!tpu.dma_semaphore, #tpu.memory_space<semaphore_mem>>) src(%arg9 : memref<632x16xf32, #tpu.memory_space<vmem>>) dst(%dma_wait3A_178 : memref<632x16xf32, #tpu.memory_space<vmem_shared>>)
      tpu.yield
    }) : () -> ()
    %dma_wait3A = arith.constant 0 : i32
    %dma_wait3A_40 = arith.constant 0 : i32
    %dma_wait3A_41 = tpu.memref_slice %arg6[%dma_wait3A_40] : memref<10240xi32, #tpu.memory_space<vmem>> -> memref<10000xi32, #tpu.memory_space<vmem>>
    %dma_wait3A_42 = tpu.memref_slice %arg3[%mul3A_2] : memref<320000xi32, #tpu.memory_space<hbm>> -> memref<10000xi32, #tpu.memory_space<hbm>>
    %dma_wait3A_43 = tpu.memref_slice %arg11[%dma_wait3A] : memref<8x!tpu.dma_semaphore, #tpu.memory_space<semaphore_mem>> -> memref<1x!tpu.dma_semaphore, #tpu.memory_space<semaphore_mem>>
    %dma_wait3A_44 = tpu.memref_squeeze %dma_wait3A_43 : memref<1x!tpu.dma_semaphore, #tpu.memory_space<semaphore_mem>> -> memref<!tpu.dma_semaphore, #tpu.memory_space<semaphore_mem>>
    %dma_wait3A_45 = arith.constant 0 : i32
    %dma_wait3A_46 = tpu.memref_slice %arg6[%dma_wait3A_45] : memref<10240xi32, #tpu.memory_space<vmem>> -> memref<10000xi32, #tpu.memory_space<vmem>>
    %dma_wait3A_47 = tpu.memref_slice %arg3[%mul3A_2] : memref<320000xi32, #tpu.memory_space<hbm>> -> memref<10000xi32, #tpu.memory_space<hbm>>
    tpu.wait_dma2 semaphore(%dma_wait3A_44 : memref<!tpu.dma_semaphore, #tpu.memory_space<semaphore_mem>>) src(%dma_wait3A_47 : memref<10000xi32, #tpu.memory_space<hbm>>) dst(%dma_wait3A_46 : memref<10000xi32, #tpu.memory_space<vmem>>)
    %dma_wait3A_48 = arith.constant 1 : i32
    %dma_wait3A_49 = arith.constant 0 : i32
    %dma_wait3A_50 = tpu.memref_slice %arg7[%dma_wait3A_49] : memref<10240xi32, #tpu.memory_space<vmem>> -> memref<10000xi32, #tpu.memory_space<vmem>>
    %dma_wait3A_51 = tpu.memref_slice %arg4[%mul3A_12] : memref<320000xi32, #tpu.memory_space<hbm>> -> memref<10000xi32, #tpu.memory_space<hbm>>
    %dma_wait3A_52 = tpu.memref_slice %arg11[%dma_wait3A_48] : memref<8x!tpu.dma_semaphore, #tpu.memory_space<semaphore_mem>> -> memref<1x!tpu.dma_semaphore, #tpu.memory_space<semaphore_mem>>
    %dma_wait3A_53 = tpu.memref_squeeze %dma_wait3A_52 : memref<1x!tpu.dma_semaphore, #tpu.memory_space<semaphore_mem>> -> memref<!tpu.dma_semaphore, #tpu.memory_space<semaphore_mem>>
    %dma_wait3A_54 = arith.constant 0 : i32
    %dma_wait3A_55 = tpu.memref_slice %arg7[%dma_wait3A_54] : memref<10240xi32, #tpu.memory_space<vmem>> -> memref<10000xi32, #tpu.memory_space<vmem>>
    %dma_wait3A_56 = tpu.memref_slice %arg4[%mul3A_12] : memref<320000xi32, #tpu.memory_space<hbm>> -> memref<10000xi32, #tpu.memory_space<hbm>>
    tpu.wait_dma2 semaphore(%dma_wait3A_53 : memref<!tpu.dma_semaphore, #tpu.memory_space<semaphore_mem>>) src(%dma_wait3A_56 : memref<10000xi32, #tpu.memory_space<hbm>>) dst(%dma_wait3A_55 : memref<10000xi32, #tpu.memory_space<vmem>>)
    %barrier3A = arith.constant 0 : index
    tpu.barrier barrier_id(%barrier3A)
    %dma_start3A_57 = arith.constant 0 : i32
    %dma_start3A_58 = arith.constant 0 : i32
    %dma_start3A_59 = arith.constant 0 : i32
    %dma_start3A_60 = arith.constant 0 : i32
    %dma_start3A_61 = tpu.memref_slice %arg8[%dma_start3A_57, %dma_start3A_59, %dma_start3A_60] : memref<8x128x16xf32, #tpu.memory_space<vmem>> -> memref<1x128x16xf32, #tpu.memory_space<vmem>>
    %dma_start3A_62 = tpu.memref_squeeze %dma_start3A_61 : memref<1x128x16xf32, #tpu.memory_space<vmem>> -> memref<128x16xf32, #tpu.memory_space<vmem>>
    %dma_start3A_63 = arith.constant 0 : i32
    %dma_start3A_64 = tpu.memref_slice %arg6[%dma_start3A_63] : memref<10240xi32, #tpu.memory_space<vmem>> -> memref<128xi32, #tpu.memory_space<vmem>>
    %dma_start3A_65 = arith.constant 0 : i32
    %dma_start3A_66 = arith.constant 0 : i32
    %dma_start3A_67 = tpu.memref_slice %arg2[%dma_start3A_65, %dma_start3A_66] : memref<10000x16xf32, #tpu.memory_space<hbm>> -> memref<10000x16xf32, #tpu.memory_space<hbm>>
    %dma_start3A_68 = tpu.memref_slice %arg11[%dma_start3A_58] : memref<8x!tpu.dma_semaphore, #tpu.memory_space<semaphore_mem>> -> memref<1x!tpu.dma_semaphore, #tpu.memory_space<semaphore_mem>>
    %dma_start3A_69 = tpu.memref_squeeze %dma_start3A_68 : memref<1x!tpu.dma_semaphore, #tpu.memory_space<semaphore_mem>> -> memref<!tpu.dma_semaphore, #tpu.memory_space<semaphore_mem>>
    tpu.enqueue_indirect_dma source(%dma_start3A_67 : memref<10000x16xf32, #tpu.memory_space<hbm>>) target(%dma_start3A_62 : memref<128x16xf32, #tpu.memory_space<vmem>>) offsets(%dma_start3A_64 : memref<128xi32, #tpu.memory_space<vmem>>) semaphore(%dma_start3A_69 : memref<!tpu.dma_semaphore, #tpu.memory_space<semaphore_mem>>)
    %dma_start3A_70 = arith.constant 1 : i32
    %dma_start3A_71 = arith.constant 1 : i32
    %dma_start3A_72 = arith.constant 0 : i32
    %dma_start3A_73 = arith.constant 0 : i32
    %dma_start3A_74 = tpu.memref_slice %arg8[%dma_start3A_70, %dma_start3A_72, %dma_start3A_73] : memref<8x128x16xf32, #tpu.memory_space<vmem>> -> memref<1x128x16xf32, #tpu.memory_space<vmem>>
    %dma_start3A_75 = tpu.memref_squeeze %dma_start3A_74 : memref<1x128x16xf32, #tpu.memory_space<vmem>> -> memref<128x16xf32, #tpu.memory_space<vmem>>
    %dma_start3A_76 = arith.constant 128 : i32
    %dma_start3A_77 = tpu.memref_slice %arg6[%dma_start3A_76] : memref<10240xi32, #tpu.memory_space<vmem>> -> memref<128xi32, #tpu.memory_space<vmem>>
    %dma_start3A_78 = arith.constant 0 : i32
    %dma_start3A_79 = arith.constant 0 : i32
    %dma_start3A_80 = tpu.memref_slice %arg2[%dma_start3A_78, %dma_start3A_79] : memref<10000x16xf32, #tpu.memory_space<hbm>> -> memref<10000x16xf32, #tpu.memory_space<hbm>>
    %dma_start3A_81 = tpu.memref_slice %arg11[%dma_start3A_71] : memref<8x!tpu.dma_semaphore, #tpu.memory_space<semaphore_mem>> -> memref<1x!tpu.dma_semaphore, #tpu.memory_space<semaphore_mem>>
    %dma_start3A_82 = tpu.memref_squeeze %dma_start3A_81 : memref<1x!tpu.dma_semaphore, #tpu.memory_space<semaphore_mem>> -> memref<!tpu.dma_semaphore, #tpu.memory_space<semaphore_mem>>
    tpu.enqueue_indirect_dma source(%dma_start3A_80 : memref<10000x16xf32, #tpu.memory_space<hbm>>) target(%dma_start3A_75 : memref<128x16xf32, #tpu.memory_space<vmem>>) offsets(%dma_start3A_77 : memref<128xi32, #tpu.memory_space<vmem>>) semaphore(%dma_start3A_82 : memref<!tpu.dma_semaphore, #tpu.memory_space<semaphore_mem>>)
    %dma_start3A_83 = arith.constant 2 : i32
    %dma_start3A_84 = arith.constant 2 : i32
    %dma_start3A_85 = arith.constant 0 : i32
    %dma_start3A_86 = arith.constant 0 : i32
    %dma_start3A_87 = tpu.memref_slice %arg8[%dma_start3A_83, %dma_start3A_85, %dma_start3A_86] : memref<8x128x16xf32, #tpu.memory_space<vmem>> -> memref<1x128x16xf32, #tpu.memory_space<vmem>>
    %dma_start3A_88 = tpu.memref_squeeze %dma_start3A_87 : memref<1x128x16xf32, #tpu.memory_space<vmem>> -> memref<128x16xf32, #tpu.memory_space<vmem>>
    %dma_start3A_89 = arith.constant 256 : i32
    %dma_start3A_90 = tpu.memref_slice %arg6[%dma_start3A_89] : memref<10240xi32, #tpu.memory_space<vmem>> -> memref<128xi32, #tpu.memory_space<vmem>>
    %dma_start3A_91 = arith.constant 0 : i32
    %dma_start3A_92 = arith.constant 0 : i32
    %dma_start3A_93 = tpu.memref_slice %arg2[%dma_start3A_91, %dma_start3A_92] : memref<10000x16xf32, #tpu.memory_space<hbm>> -> memref<10000x16xf32, #tpu.memory_space<hbm>>
    %dma_start3A_94 = tpu.memref_slice %arg11[%dma_start3A_84] : memref<8x!tpu.dma_semaphore, #tpu.memory_space<semaphore_mem>> -> memref<1x!tpu.dma_semaphore, #tpu.memory_space<semaphore_mem>>
    %dma_start3A_95 = tpu.memref_squeeze %dma_start3A_94 : memref<1x!tpu.dma_semaphore, #tpu.memory_space<semaphore_mem>> -> memref<!tpu.dma_semaphore, #tpu.memory_space<semaphore_mem>>
    tpu.enqueue_indirect_dma source(%dma_start3A_93 : memref<10000x16xf32, #tpu.memory_space<hbm>>) target(%dma_start3A_88 : memref<128x16xf32, #tpu.memory_space<vmem>>) offsets(%dma_start3A_90 : memref<128xi32, #tpu.memory_space<vmem>>) semaphore(%dma_start3A_95 : memref<!tpu.dma_semaphore, #tpu.memory_space<semaphore_mem>>)
    %dma_start3A_96 = arith.constant 3 : i32
    %dma_start3A_97 = arith.constant 3 : i32
    %dma_start3A_98 = arith.constant 0 : i32
    %dma_start3A_99 = arith.constant 0 : i32
    %dma_start3A_100 = tpu.memref_slice %arg8[%dma_start3A_96, %dma_start3A_98, %dma_start3A_99] : memref<8x128x16xf32, #tpu.memory_space<vmem>> -> memref<1x128x16xf32, #tpu.memory_space<vmem>>
    %dma_start3A_101 = tpu.memref_squeeze %dma_start3A_100 : memref<1x128x16xf32, #tpu.memory_space<vmem>> -> memref<128x16xf32, #tpu.memory_space<vmem>>
    %dma_start3A_102 = arith.constant 384 : i32
    %dma_start3A_103 = tpu.memref_slice %arg6[%dma_start3A_102] : memref<10240xi32, #tpu.memory_space<vmem>> -> memref<128xi32, #tpu.memory_space<vmem>>
    %dma_start3A_104 = arith.constant 0 : i32
    %dma_start3A_105 = arith.constant 0 : i32
    %dma_start3A_106 = tpu.memref_slice %arg2[%dma_start3A_104, %dma_start3A_105] : memref<10000x16xf32, #tpu.memory_space<hbm>> -> memref<10000x16xf32, #tpu.memory_space<hbm>>
    %dma_start3A_107 = tpu.memref_slice %arg11[%dma_start3A_97] : memref<8x!tpu.dma_semaphore, #tpu.memory_space<semaphore_mem>> -> memref<1x!tpu.dma_semaphore, #tpu.memory_space<semaphore_mem>>
    %dma_start3A_108 = tpu.memref_squeeze %dma_start3A_107 : memref<1x!tpu.dma_semaphore, #tpu.memory_space<semaphore_mem>> -> memref<!tpu.dma_semaphore, #tpu.memory_space<semaphore_mem>>
    tpu.enqueue_indirect_dma source(%dma_start3A_106 : memref<10000x16xf32, #tpu.memory_space<hbm>>) target(%dma_start3A_101 : memref<128x16xf32, #tpu.memory_space<vmem>>) offsets(%dma_start3A_103 : memref<128xi32, #tpu.memory_space<vmem>>) semaphore(%dma_start3A_108 : memref<!tpu.dma_semaphore, #tpu.memory_space<semaphore_mem>>)
    %scan3A_109 = arith.constant 0 : i32
    %scan3A_110 = arith.constant 10 : i32
    %scan3A_111 = arith.addi %scan3A_109, %scan3A_110 : i32
    %scan3A_112 = arith.constant 1 : i32
    scf.for %scan3A_171 = %scan3A_109 to %scan3A_111 step %scan3A_112  : i32 {
      %mul3A_172 = arith.constant 8 : i32
      %mul3A_173 = arith.muli %scan3A_171, %mul3A_172 : i32
      %add3A_174 = arith.constant 0 : i32
      %add3A_175 = arith.addi %add3A_174, %mul3A_173 : i32
      %add3A_176 = arith.constant 0 : i32
      %add3A_177 = arith.addi %add3A_175, %add3A_176 : i32
      %ge3A = arith.constant 4 : i32
      %ge3A_178 = arith.cmpi sge, %add3A_177, %ge3A : i32
      %convert_element_type3A = arith.extui %ge3A_178 : i1 to i32
      %cond3A = arith.constant 0 : i32
      %cond3A_179 = arith.cmpi ne, %convert_element_type3A, %cond3A : i32
      scf.if %cond3A_179 {
        %dma_wait3A_500 = arith.constant 4 : i32
        %dma_wait3A_501 = arith.constant 4 : i32
        %dma_wait3A_502 = arith.constant 0 : i32
        %dma_wait3A_503 = arith.constant 0 : i32
        %dma_wait3A_504 = tpu.memref_slice %arg8[%dma_wait3A_500, %dma_wait3A_502, %dma_wait3A_503] : memref<8x128x16xf32, #tpu.memory_space<vmem>> -> memref<1x128x16xf32, #tpu.memory_space<vmem>>
        %dma_wait3A_505 = tpu.memref_squeeze %dma_wait3A_504 : memref<1x128x16xf32, #tpu.memory_space<vmem>> -> memref<128x16xf32, #tpu.memory_space<vmem>>
        %dma_wait3A_506 = arith.constant 0 : i32
        %dma_wait3A_507 = tpu.memref_slice %arg7[%dma_wait3A_506] : memref<10240xi32, #tpu.memory_space<vmem>> -> memref<128xi32, #tpu.memory_space<vmem>>
        %dma_wait3A_508 = arith.constant 0 : i32
        %dma_wait3A_509 = arith.constant 0 : i32
        %dma_wait3A_510 = tpu.memref_slice %arg10[%dma_wait3A_508, %dma_wait3A_509] : memref<10112x16xf32, #tpu.memory_space<vmem_shared>> -> memref<10112x16xf32, #tpu.memory_space<vmem_shared>>
        %dma_wait3A_511 = tpu.memref_slice %arg12[%dma_wait3A_501] : memref<8x!tpu.dma_semaphore, #tpu.memory_space<semaphore_mem>> -> memref<1x!tpu.dma_semaphore, #tpu.memory_space<semaphore_mem>>
        %dma_wait3A_512 = tpu.memref_squeeze %dma_wait3A_511 : memref<1x!tpu.dma_semaphore, #tpu.memory_space<semaphore_mem>> -> memref<!tpu.dma_semaphore, #tpu.memory_space<semaphore_mem>>
        tpu.wait_indirect_dma semaphore(%dma_wait3A_512 : memref<!tpu.dma_semaphore, #tpu.memory_space<semaphore_mem>>) src(%dma_wait3A_505 : memref<128x16xf32, #tpu.memory_space<vmem>>) dst(%dma_wait3A_510 : memref<10112x16xf32, #tpu.memory_space<vmem_shared>>)
      } else {
      }
      %add3A_180 = arith.constant 4 : i32
      %add3A_181 = arith.addi %add3A_177, %add3A_180 : i32
      %lt3A = arith.constant 80 : i32
      %lt3A_182 = arith.cmpi slt, %add3A_181, %lt3A : i32
      %convert_element_type3A_183 = arith.extui %lt3A_182 : i1 to i32
      %cond3A_184 = arith.constant 0 : i32
      %cond3A_185 = arith.cmpi ne, %convert_element_type3A_183, %cond3A_184 : i32
      scf.if %cond3A_185 {
        %add3A_500 = arith.constant 4 : i32
        %add3A_501 = arith.addi %add3A_177, %add3A_500 : i32
        %mul3A_502 = arith.constant 128 : i32
        %mul3A_503 = arith.muli %add3A_501, %mul3A_502 : i32
        %dma_start3A_504 = arith.constant 4 : i32
        %dma_start3A_505 = arith.constant 4 : i32
        %dma_start3A_506 = arith.constant 0 : i32
        %dma_start3A_507 = arith.constant 0 : i32
        %dma_start3A_508 = tpu.memref_slice %arg8[%dma_start3A_504, %dma_start3A_506, %dma_start3A_507] : memref<8x128x16xf32, #tpu.memory_space<vmem>> -> memref<1x128x16xf32, #tpu.memory_space<vmem>>
        %dma_start3A_509 = tpu.memref_squeeze %dma_start3A_508 : memref<1x128x16xf32, #tpu.memory_space<vmem>> -> memref<128x16xf32, #tpu.memory_space<vmem>>
        %dma_start3A_510 = tpu.memref_slice %arg6[%mul3A_503] : memref<10240xi32, #tpu.memory_space<vmem>> -> memref<128xi32, #tpu.memory_space<vmem>>
        %dma_start3A_511 = arith.constant 0 : i32
        %dma_start3A_512 = arith.constant 0 : i32
        %dma_start3A_513 = tpu.memref_slice %arg2[%dma_start3A_511, %dma_start3A_512] : memref<10000x16xf32, #tpu.memory_space<hbm>> -> memref<10000x16xf32, #tpu.memory_space<hbm>>
        %dma_start3A_514 = tpu.memref_slice %arg11[%dma_start3A_505] : memref<8x!tpu.dma_semaphore, #tpu.memory_space<semaphore_mem>> -> memref<1x!tpu.dma_semaphore, #tpu.memory_space<semaphore_mem>>
        %dma_start3A_515 = tpu.memref_squeeze %dma_start3A_514 : memref<1x!tpu.dma_semaphore, #tpu.memory_space<semaphore_mem>> -> memref<!tpu.dma_semaphore, #tpu.memory_space<semaphore_mem>>
        tpu.enqueue_indirect_dma source(%dma_start3A_513 : memref<10000x16xf32, #tpu.memory_space<hbm>>) target(%dma_start3A_509 : memref<128x16xf32, #tpu.memory_space<vmem>>) offsets(%dma_start3A_510 : memref<128xi32, #tpu.memory_space<vmem>>) semaphore(%dma_start3A_515 : memref<!tpu.dma_semaphore, #tpu.memory_space<semaphore_mem>>)
      } else {
      }
      %dma_wait3A_186 = arith.constant 0 : i32
      %dma_wait3A_187 = arith.constant 0 : i32
      %dma_wait3A_188 = arith.constant 0 : i32
      %dma_wait3A_189 = arith.constant 0 : i32
      %dma_wait3A_190 = tpu.memref_slice %arg8[%dma_wait3A_186, %dma_wait3A_188, %dma_wait3A_189] : memref<8x128x16xf32, #tpu.memory_space<vmem>> -> memref<1x128x16xf32, #tpu.memory_space<vmem>>
      %dma_wait3A_191 = tpu.memref_squeeze %dma_wait3A_190 : memref<1x128x16xf32, #tpu.memory_space<vmem>> -> memref<128x16xf32, #tpu.memory_space<vmem>>
      %dma_wait3A_192 = arith.constant 0 : i32
      %dma_wait3A_193 = tpu.memref_slice %arg6[%dma_wait3A_192] : memref<10240xi32, #tpu.memory_space<vmem>> -> memref<128xi32, #tpu.memory_space<vmem>>
      %dma_wait3A_194 = arith.constant 0 : i32
      %dma_wait3A_195 = arith.constant 0 : i32
      %dma_wait3A_196 = tpu.memref_slice %arg2[%dma_wait3A_194, %dma_wait3A_195] : memref<10000x16xf32, #tpu.memory_space<hbm>> -> memref<10000x16xf32, #tpu.memory_space<hbm>>
      %dma_wait3A_197 = tpu.memref_slice %arg11[%dma_wait3A_187] : memref<8x!tpu.dma_semaphore, #tpu.memory_space<semaphore_mem>> -> memref<1x!tpu.dma_semaphore, #tpu.memory_space<semaphore_mem>>
      %dma_wait3A_198 = tpu.memref_squeeze %dma_wait3A_197 : memref<1x!tpu.dma_semaphore, #tpu.memory_space<semaphore_mem>> -> memref<!tpu.dma_semaphore, #tpu.memory_space<semaphore_mem>>
      tpu.wait_indirect_dma semaphore(%dma_wait3A_198 : memref<!tpu.dma_semaphore, #tpu.memory_space<semaphore_mem>>) src(%dma_wait3A_196 : memref<10000x16xf32, #tpu.memory_space<hbm>>) dst(%dma_wait3A_191 : memref<128x16xf32, #tpu.memory_space<vmem>>)
      %mul3A_199 = arith.constant 128 : i32
      %mul3A_200 = arith.muli %add3A_177, %mul3A_199 : i32
      %dma_start3A_201 = arith.constant 0 : i32
      %dma_start3A_202 = arith.constant 0 : i32
      %dma_start3A_203 = arith.constant 0 : i32
      %dma_start3A_204 = arith.constant 0 : i32
      %dma_start3A_205 = tpu.memref_slice %arg8[%dma_start3A_201, %dma_start3A_203, %dma_start3A_204] : memref<8x128x16xf32, #tpu.memory_space<vmem>> -> memref<1x128x16xf32, #tpu.memory_space<vmem>>
      %dma_start3A_206 = tpu.memref_squeeze %dma_start3A_205 : memref<1x128x16xf32, #tpu.memory_space<vmem>> -> memref<128x16xf32, #tpu.memory_space<vmem>>
      %dma_start3A_207 = tpu.memref_slice %arg7[%mul3A_200] : memref<10240xi32, #tpu.memory_space<vmem>> -> memref<128xi32, #tpu.memory_space<vmem>>
      %dma_start3A_208 = arith.constant 0 : i32
      %dma_start3A_209 = arith.constant 0 : i32
      %dma_start3A_210 = tpu.memref_slice %arg10[%dma_start3A_208, %dma_start3A_209] : memref<10112x16xf32, #tpu.memory_space<vmem_shared>> -> memref<10112x16xf32, #tpu.memory_space<vmem_shared>>
      %dma_start3A_211 = tpu.memref_slice %arg12[%dma_start3A_202] : memref<8x!tpu.dma_semaphore, #tpu.memory_space<semaphore_mem>> -> memref<1x!tpu.dma_semaphore, #tpu.memory_space<semaphore_mem>>
      %dma_start3A_212 = tpu.memref_squeeze %dma_start3A_211 : memref<1x!tpu.dma_semaphore, #tpu.memory_space<semaphore_mem>> -> memref<!tpu.dma_semaphore, #tpu.memory_space<semaphore_mem>>
      tpu.enqueue_indirect_dma source(%dma_start3A_206 : memref<128x16xf32, #tpu.memory_space<vmem>>) target(%dma_start3A_210 : memref<10112x16xf32, #tpu.memory_space<vmem_shared>>) offsets(%dma_start3A_207 : memref<128xi32, #tpu.memory_space<vmem>>) semaphore(%dma_start3A_212 : memref<!tpu.dma_semaphore, #tpu.memory_space<semaphore_mem>>) {add = true}
      %add3A_213 = arith.constant 1 : i32
      %add3A_214 = arith.addi %add3A_175, %add3A_213 : i32
      %ge3A_215 = arith.constant 4 : i32
      %ge3A_216 = arith.cmpi sge, %add3A_214, %ge3A_215 : i32
      %convert_element_type3A_217 = arith.extui %ge3A_216 : i1 to i32
      %cond3A_218 = arith.constant 0 : i32
      %cond3A_219 = arith.cmpi ne, %convert_element_type3A_217, %cond3A_218 : i32
      scf.if %cond3A_219 {
        %dma_wait3A_500 = arith.constant 5 : i32
        %dma_wait3A_501 = arith.constant 5 : i32
        %dma_wait3A_502 = arith.constant 0 : i32
        %dma_wait3A_503 = arith.constant 0 : i32
        %dma_wait3A_504 = tpu.memref_slice %arg8[%dma_wait3A_500, %dma_wait3A_502, %dma_wait3A_503] : memref<8x128x16xf32, #tpu.memory_space<vmem>> -> memref<1x128x16xf32, #tpu.memory_space<vmem>>
        %dma_wait3A_505 = tpu.memref_squeeze %dma_wait3A_504 : memref<1x128x16xf32, #tpu.memory_space<vmem>> -> memref<128x16xf32, #tpu.memory_space<vmem>>
        %dma_wait3A_506 = arith.constant 0 : i32
        %dma_wait3A_507 = tpu.memref_slice %arg7[%dma_wait3A_506] : memref<10240xi32, #tpu.memory_space<vmem>> -> memref<128xi32, #tpu.memory_space<vmem>>
        %dma_wait3A_508 = arith.constant 0 : i32
        %dma_wait3A_509 = arith.constant 0 : i32
        %dma_wait3A_510 = tpu.memref_slice %arg10[%dma_wait3A_508, %dma_wait3A_509] : memref<10112x16xf32, #tpu.memory_space<vmem_shared>> -> memref<10112x16xf32, #tpu.memory_space<vmem_shared>>
        %dma_wait3A_511 = tpu.memref_slice %arg12[%dma_wait3A_501] : memref<8x!tpu.dma_semaphore, #tpu.memory_space<semaphore_mem>> -> memref<1x!tpu.dma_semaphore, #tpu.memory_space<semaphore_mem>>
        %dma_wait3A_512 = tpu.memref_squeeze %dma_wait3A_511 : memref<1x!tpu.dma_semaphore, #tpu.memory_space<semaphore_mem>> -> memref<!tpu.dma_semaphore, #tpu.memory_space<semaphore_mem>>
        tpu.wait_indirect_dma semaphore(%dma_wait3A_512 : memref<!tpu.dma_semaphore, #tpu.memory_space<semaphore_mem>>) src(%dma_wait3A_505 : memref<128x16xf32, #tpu.memory_space<vmem>>) dst(%dma_wait3A_510 : memref<10112x16xf32, #tpu.memory_space<vmem_shared>>)
      } else {
      }
      %add3A_220 = arith.constant 4 : i32
      %add3A_221 = arith.addi %add3A_214, %add3A_220 : i32
      %lt3A_222 = arith.constant 80 : i32
      %lt3A_223 = arith.cmpi slt, %add3A_221, %lt3A_222 : i32
      %convert_element_type3A_224 = arith.extui %lt3A_223 : i1 to i32
      %cond3A_225 = arith.constant 0 : i32
      %cond3A_226 = arith.cmpi ne, %convert_element_type3A_224, %cond3A_225 : i32
      scf.if %cond3A_226 {
        %add3A_500 = arith.constant 4 : i32
        %add3A_501 = arith.addi %add3A_214, %add3A_500 : i32
        %mul3A_502 = arith.constant 128 : i32
        %mul3A_503 = arith.muli %add3A_501, %mul3A_502 : i32
        %dma_start3A_504 = arith.constant 5 : i32
        %dma_start3A_505 = arith.constant 5 : i32
        %dma_start3A_506 = arith.constant 0 : i32
        %dma_start3A_507 = arith.constant 0 : i32
        %dma_start3A_508 = tpu.memref_slice %arg8[%dma_start3A_504, %dma_start3A_506, %dma_start3A_507] : memref<8x128x16xf32, #tpu.memory_space<vmem>> -> memref<1x128x16xf32, #tpu.memory_space<vmem>>
        %dma_start3A_509 = tpu.memref_squeeze %dma_start3A_508 : memref<1x128x16xf32, #tpu.memory_space<vmem>> -> memref<128x16xf32, #tpu.memory_space<vmem>>
        %dma_start3A_510 = tpu.memref_slice %arg6[%mul3A_503] : memref<10240xi32, #tpu.memory_space<vmem>> -> memref<128xi32, #tpu.memory_space<vmem>>
        %dma_start3A_511 = arith.constant 0 : i32
        %dma_start3A_512 = arith.constant 0 : i32
        %dma_start3A_513 = tpu.memref_slice %arg2[%dma_start3A_511, %dma_start3A_512] : memref<10000x16xf32, #tpu.memory_space<hbm>> -> memref<10000x16xf32, #tpu.memory_space<hbm>>
        %dma_start3A_514 = tpu.memref_slice %arg11[%dma_start3A_505] : memref<8x!tpu.dma_semaphore, #tpu.memory_space<semaphore_mem>> -> memref<1x!tpu.dma_semaphore, #tpu.memory_space<semaphore_mem>>
        %dma_start3A_515 = tpu.memref_squeeze %dma_start3A_514 : memref<1x!tpu.dma_semaphore, #tpu.memory_space<semaphore_mem>> -> memref<!tpu.dma_semaphore, #tpu.memory_space<semaphore_mem>>
        tpu.enqueue_indirect_dma source(%dma_start3A_513 : memref<10000x16xf32, #tpu.memory_space<hbm>>) target(%dma_start3A_509 : memref<128x16xf32, #tpu.memory_space<vmem>>) offsets(%dma_start3A_510 : memref<128xi32, #tpu.memory_space<vmem>>) semaphore(%dma_start3A_515 : memref<!tpu.dma_semaphore, #tpu.memory_space<semaphore_mem>>)
      } else {
      }
      %dma_wait3A_227 = arith.constant 1 : i32
      %dma_wait3A_228 = arith.constant 1 : i32
      %dma_wait3A_229 = arith.constant 0 : i32
      %dma_wait3A_230 = arith.constant 0 : i32
      %dma_wait3A_231 = tpu.memref_slice %arg8[%dma_wait3A_227, %dma_wait3A_229, %dma_wait3A_230] : memref<8x128x16xf32, #tpu.memory_space<vmem>> -> memref<1x128x16xf32, #tpu.memory_space<vmem>>
      %dma_wait3A_232 = tpu.memref_squeeze %dma_wait3A_231 : memref<1x128x16xf32, #tpu.memory_space<vmem>> -> memref<128x16xf32, #tpu.memory_space<vmem>>
      %dma_wait3A_233 = arith.constant 0 : i32
      %dma_wait3A_234 = tpu.memref_slice %arg6[%dma_wait3A_233] : memref<10240xi32, #tpu.memory_space<vmem>> -> memref<128xi32, #tpu.memory_space<vmem>>
      %dma_wait3A_235 = arith.constant 0 : i32
      %dma_wait3A_236 = arith.constant 0 : i32
      %dma_wait3A_237 = tpu.memref_slice %arg2[%dma_wait3A_235, %dma_wait3A_236] : memref<10000x16xf32, #tpu.memory_space<hbm>> -> memref<10000x16xf32, #tpu.memory_space<hbm>>
      %dma_wait3A_238 = tpu.memref_slice %arg11[%dma_wait3A_228] : memref<8x!tpu.dma_semaphore, #tpu.memory_space<semaphore_mem>> -> memref<1x!tpu.dma_semaphore, #tpu.memory_space<semaphore_mem>>
      %dma_wait3A_239 = tpu.memref_squeeze %dma_wait3A_238 : memref<1x!tpu.dma_semaphore, #tpu.memory_space<semaphore_mem>> -> memref<!tpu.dma_semaphore, #tpu.memory_space<semaphore_mem>>
      tpu.wait_indirect_dma semaphore(%dma_wait3A_239 : memref<!tpu.dma_semaphore, #tpu.memory_space<semaphore_mem>>) src(%dma_wait3A_237 : memref<10000x16xf32, #tpu.memory_space<hbm>>) dst(%dma_wait3A_232 : memref<128x16xf32, #tpu.memory_space<vmem>>)
      %mul3A_240 = arith.constant 128 : i32
      %mul3A_241 = arith.muli %add3A_214, %mul3A_240 : i32
      %dma_start3A_242 = arith.constant 1 : i32
      %dma_start3A_243 = arith.constant 1 : i32
      %dma_start3A_244 = arith.constant 0 : i32
      %dma_start3A_245 = arith.constant 0 : i32
      %dma_start3A_246 = tpu.memref_slice %arg8[%dma_start3A_242, %dma_start3A_244, %dma_start3A_245] : memref<8x128x16xf32, #tpu.memory_space<vmem>> -> memref<1x128x16xf32, #tpu.memory_space<vmem>>
      %dma_start3A_247 = tpu.memref_squeeze %dma_start3A_246 : memref<1x128x16xf32, #tpu.memory_space<vmem>> -> memref<128x16xf32, #tpu.memory_space<vmem>>
      %dma_start3A_248 = tpu.memref_slice %arg7[%mul3A_241] : memref<10240xi32, #tpu.memory_space<vmem>> -> memref<128xi32, #tpu.memory_space<vmem>>
      %dma_start3A_249 = arith.constant 0 : i32
      %dma_start3A_250 = arith.constant 0 : i32
      %dma_start3A_251 = tpu.memref_slice %arg10[%dma_start3A_249, %dma_start3A_250] : memref<10112x16xf32, #tpu.memory_space<vmem_shared>> -> memref<10112x16xf32, #tpu.memory_space<vmem_shared>>
      %dma_start3A_252 = tpu.memref_slice %arg12[%dma_start3A_243] : memref<8x!tpu.dma_semaphore, #tpu.memory_space<semaphore_mem>> -> memref<1x!tpu.dma_semaphore, #tpu.memory_space<semaphore_mem>>
      %dma_start3A_253 = tpu.memref_squeeze %dma_start3A_252 : memref<1x!tpu.dma_semaphore, #tpu.memory_space<semaphore_mem>> -> memref<!tpu.dma_semaphore, #tpu.memory_space<semaphore_mem>>
      tpu.enqueue_indirect_dma source(%dma_start3A_247 : memref<128x16xf32, #tpu.memory_space<vmem>>) target(%dma_start3A_251 : memref<10112x16xf32, #tpu.memory_space<vmem_shared>>) offsets(%dma_start3A_248 : memref<128xi32, #tpu.memory_space<vmem>>) semaphore(%dma_start3A_253 : memref<!tpu.dma_semaphore, #tpu.memory_space<semaphore_mem>>) {add = true}
      %add3A_254 = arith.constant 2 : i32
      %add3A_255 = arith.addi %add3A_175, %add3A_254 : i32
      %ge3A_256 = arith.constant 4 : i32
      %ge3A_257 = arith.cmpi sge, %add3A_255, %ge3A_256 : i32
      %convert_element_type3A_258 = arith.extui %ge3A_257 : i1 to i32
      %cond3A_259 = arith.constant 0 : i32
      %cond3A_260 = arith.cmpi ne, %convert_element_type3A_258, %cond3A_259 : i32
      scf.if %cond3A_260 {
        %dma_wait3A_500 = arith.constant 6 : i32
        %dma_wait3A_501 = arith.constant 6 : i32
        %dma_wait3A_502 = arith.constant 0 : i32
        %dma_wait3A_503 = arith.constant 0 : i32
        %dma_wait3A_504 = tpu.memref_slice %arg8[%dma_wait3A_500, %dma_wait3A_502, %dma_wait3A_503] : memref<8x128x16xf32, #tpu.memory_space<vmem>> -> memref<1x128x16xf32, #tpu.memory_space<vmem>>
        %dma_wait3A_505 = tpu.memref_squeeze %dma_wait3A_504 : memref<1x128x16xf32, #tpu.memory_space<vmem>> -> memref<128x16xf32, #tpu.memory_space<vmem>>
        %dma_wait3A_506 = arith.constant 0 : i32
        %dma_wait3A_507 = tpu.memref_slice %arg7[%dma_wait3A_506] : memref<10240xi32, #tpu.memory_space<vmem>> -> memref<128xi32, #tpu.memory_space<vmem>>
        %dma_wait3A_508 = arith.constant 0 : i32
        %dma_wait3A_509 = arith.constant 0 : i32
        %dma_wait3A_510 = tpu.memref_slice %arg10[%dma_wait3A_508, %dma_wait3A_509] : memref<10112x16xf32, #tpu.memory_space<vmem_shared>> -> memref<10112x16xf32, #tpu.memory_space<vmem_shared>>
        %dma_wait3A_511 = tpu.memref_slice %arg12[%dma_wait3A_501] : memref<8x!tpu.dma_semaphore, #tpu.memory_space<semaphore_mem>> -> memref<1x!tpu.dma_semaphore, #tpu.memory_space<semaphore_mem>>
        %dma_wait3A_512 = tpu.memref_squeeze %dma_wait3A_511 : memref<1x!tpu.dma_semaphore, #tpu.memory_space<semaphore_mem>> -> memref<!tpu.dma_semaphore, #tpu.memory_space<semaphore_mem>>
        tpu.wait_indirect_dma semaphore(%dma_wait3A_512 : memref<!tpu.dma_semaphore, #tpu.memory_space<semaphore_mem>>) src(%dma_wait3A_505 : memref<128x16xf32, #tpu.memory_space<vmem>>) dst(%dma_wait3A_510 : memref<10112x16xf32, #tpu.memory_space<vmem_shared>>)
      } else {
      }
      %add3A_261 = arith.constant 4 : i32
      %add3A_262 = arith.addi %add3A_255, %add3A_261 : i32
      %lt3A_263 = arith.constant 80 : i32
      %lt3A_264 = arith.cmpi slt, %add3A_262, %lt3A_263 : i32
      %convert_element_type3A_265 = arith.extui %lt3A_264 : i1 to i32
      %cond3A_266 = arith.constant 0 : i32
      %cond3A_267 = arith.cmpi ne, %convert_element_type3A_265, %cond3A_266 : i32
      scf.if %cond3A_267 {
        %add3A_500 = arith.constant 4 : i32
        %add3A_501 = arith.addi %add3A_255, %add3A_500 : i32
        %mul3A_502 = arith.constant 128 : i32
        %mul3A_503 = arith.muli %add3A_501, %mul3A_502 : i32
        %dma_start3A_504 = arith.constant 6 : i32
        %dma_start3A_505 = arith.constant 6 : i32
        %dma_start3A_506 = arith.constant 0 : i32
        %dma_start3A_507 = arith.constant 0 : i32
        %dma_start3A_508 = tpu.memref_slice %arg8[%dma_start3A_504, %dma_start3A_506, %dma_start3A_507] : memref<8x128x16xf32, #tpu.memory_space<vmem>> -> memref<1x128x16xf32, #tpu.memory_space<vmem>>
        %dma_start3A_509 = tpu.memref_squeeze %dma_start3A_508 : memref<1x128x16xf32, #tpu.memory_space<vmem>> -> memref<128x16xf32, #tpu.memory_space<vmem>>
        %dma_start3A_510 = tpu.memref_slice %arg6[%mul3A_503] : memref<10240xi32, #tpu.memory_space<vmem>> -> memref<128xi32, #tpu.memory_space<vmem>>
        %dma_start3A_511 = arith.constant 0 : i32
        %dma_start3A_512 = arith.constant 0 : i32
        %dma_start3A_513 = tpu.memref_slice %arg2[%dma_start3A_511, %dma_start3A_512] : memref<10000x16xf32, #tpu.memory_space<hbm>> -> memref<10000x16xf32, #tpu.memory_space<hbm>>
        %dma_start3A_514 = tpu.memref_slice %arg11[%dma_start3A_505] : memref<8x!tpu.dma_semaphore, #tpu.memory_space<semaphore_mem>> -> memref<1x!tpu.dma_semaphore, #tpu.memory_space<semaphore_mem>>
        %dma_start3A_515 = tpu.memref_squeeze %dma_start3A_514 : memref<1x!tpu.dma_semaphore, #tpu.memory_space<semaphore_mem>> -> memref<!tpu.dma_semaphore, #tpu.memory_space<semaphore_mem>>
        tpu.enqueue_indirect_dma source(%dma_start3A_513 : memref<10000x16xf32, #tpu.memory_space<hbm>>) target(%dma_start3A_509 : memref<128x16xf32, #tpu.memory_space<vmem>>) offsets(%dma_start3A_510 : memref<128xi32, #tpu.memory_space<vmem>>) semaphore(%dma_start3A_515 : memref<!tpu.dma_semaphore, #tpu.memory_space<semaphore_mem>>)
      } else {
      }
      %dma_wait3A_268 = arith.constant 2 : i32
      %dma_wait3A_269 = arith.constant 2 : i32
      %dma_wait3A_270 = arith.constant 0 : i32
      %dma_wait3A_271 = arith.constant 0 : i32
      %dma_wait3A_272 = tpu.memref_slice %arg8[%dma_wait3A_268, %dma_wait3A_270, %dma_wait3A_271] : memref<8x128x16xf32, #tpu.memory_space<vmem>> -> memref<1x128x16xf32, #tpu.memory_space<vmem>>
      %dma_wait3A_273 = tpu.memref_squeeze %dma_wait3A_272 : memref<1x128x16xf32, #tpu.memory_space<vmem>> -> memref<128x16xf32, #tpu.memory_space<vmem>>
      %dma_wait3A_274 = arith.constant 0 : i32
      %dma_wait3A_275 = tpu.memref_slice %arg6[%dma_wait3A_274] : memref<10240xi32, #tpu.memory_space<vmem>> -> memref<128xi32, #tpu.memory_space<vmem>>
      %dma_wait3A_276 = arith.constant 0 : i32
      %dma_wait3A_277 = arith.constant 0 : i32
      %dma_wait3A_278 = tpu.memref_slice %arg2[%dma_wait3A_276, %dma_wait3A_277] : memref<10000x16xf32, #tpu.memory_space<hbm>> -> memref<10000x16xf32, #tpu.memory_space<hbm>>
      %dma_wait3A_279 = tpu.memref_slice %arg11[%dma_wait3A_269] : memref<8x!tpu.dma_semaphore, #tpu.memory_space<semaphore_mem>> -> memref<1x!tpu.dma_semaphore, #tpu.memory_space<semaphore_mem>>
      %dma_wait3A_280 = tpu.memref_squeeze %dma_wait3A_279 : memref<1x!tpu.dma_semaphore, #tpu.memory_space<semaphore_mem>> -> memref<!tpu.dma_semaphore, #tpu.memory_space<semaphore_mem>>
      tpu.wait_indirect_dma semaphore(%dma_wait3A_280 : memref<!tpu.dma_semaphore, #tpu.memory_space<semaphore_mem>>) src(%dma_wait3A_278 : memref<10000x16xf32, #tpu.memory_space<hbm>>) dst(%dma_wait3A_273 : memref<128x16xf32, #tpu.memory_space<vmem>>)
      %mul3A_281 = arith.constant 128 : i32
      %mul3A_282 = arith.muli %add3A_255, %mul3A_281 : i32
      %dma_start3A_283 = arith.constant 2 : i32
      %dma_start3A_284 = arith.constant 2 : i32
      %dma_start3A_285 = arith.constant 0 : i32
      %dma_start3A_286 = arith.constant 0 : i32
      %dma_start3A_287 = tpu.memref_slice %arg8[%dma_start3A_283, %dma_start3A_285, %dma_start3A_286] : memref<8x128x16xf32, #tpu.memory_space<vmem>> -> memref<1x128x16xf32, #tpu.memory_space<vmem>>
      %dma_start3A_288 = tpu.memref_squeeze %dma_start3A_287 : memref<1x128x16xf32, #tpu.memory_space<vmem>> -> memref<128x16xf32, #tpu.memory_space<vmem>>
      %dma_start3A_289 = tpu.memref_slice %arg7[%mul3A_282] : memref<10240xi32, #tpu.memory_space<vmem>> -> memref<128xi32, #tpu.memory_space<vmem>>
      %dma_start3A_290 = arith.constant 0 : i32
      %dma_start3A_291 = arith.constant 0 : i32
      %dma_start3A_292 = tpu.memref_slice %arg10[%dma_start3A_290, %dma_start3A_291] : memref<10112x16xf32, #tpu.memory_space<vmem_shared>> -> memref<10112x16xf32, #tpu.memory_space<vmem_shared>>
      %dma_start3A_293 = tpu.memref_slice %arg12[%dma_start3A_284] : memref<8x!tpu.dma_semaphore, #tpu.memory_space<semaphore_mem>> -> memref<1x!tpu.dma_semaphore, #tpu.memory_space<semaphore_mem>>
      %dma_start3A_294 = tpu.memref_squeeze %dma_start3A_293 : memref<1x!tpu.dma_semaphore, #tpu.memory_space<semaphore_mem>> -> memref<!tpu.dma_semaphore, #tpu.memory_space<semaphore_mem>>
      tpu.enqueue_indirect_dma source(%dma_start3A_288 : memref<128x16xf32, #tpu.memory_space<vmem>>) target(%dma_start3A_292 : memref<10112x16xf32, #tpu.memory_space<vmem_shared>>) offsets(%dma_start3A_289 : memref<128xi32, #tpu.memory_space<vmem>>) semaphore(%dma_start3A_294 : memref<!tpu.dma_semaphore, #tpu.memory_space<semaphore_mem>>) {add = true}
      %add3A_295 = arith.constant 3 : i32
      %add3A_296 = arith.addi %add3A_175, %add3A_295 : i32
      %ge3A_297 = arith.constant 4 : i32
      %ge3A_298 = arith.cmpi sge, %add3A_296, %ge3A_297 : i32
      %convert_element_type3A_299 = arith.extui %ge3A_298 : i1 to i32
      %cond3A_300 = arith.constant 0 : i32
      %cond3A_301 = arith.cmpi ne, %convert_element_type3A_299, %cond3A_300 : i32
      scf.if %cond3A_301 {
        %dma_wait3A_500 = arith.constant 7 : i32
        %dma_wait3A_501 = arith.constant 7 : i32
        %dma_wait3A_502 = arith.constant 0 : i32
        %dma_wait3A_503 = arith.constant 0 : i32
        %dma_wait3A_504 = tpu.memref_slice %arg8[%dma_wait3A_500, %dma_wait3A_502, %dma_wait3A_503] : memref<8x128x16xf32, #tpu.memory_space<vmem>> -> memref<1x128x16xf32, #tpu.memory_space<vmem>>
        %dma_wait3A_505 = tpu.memref_squeeze %dma_wait3A_504 : memref<1x128x16xf32, #tpu.memory_space<vmem>> -> memref<128x16xf32, #tpu.memory_space<vmem>>
        %dma_wait3A_506 = arith.constant 0 : i32
        %dma_wait3A_507 = tpu.memref_slice %arg7[%dma_wait3A_506] : memref<10240xi32, #tpu.memory_space<vmem>> -> memref<128xi32, #tpu.memory_space<vmem>>
        %dma_wait3A_508 = arith.constant 0 : i32
        %dma_wait3A_509 = arith.constant 0 : i32
        %dma_wait3A_510 = tpu.memref_slice %arg10[%dma_wait3A_508, %dma_wait3A_509] : memref<10112x16xf32, #tpu.memory_space<vmem_shared>> -> memref<10112x16xf32, #tpu.memory_space<vmem_shared>>
        %dma_wait3A_511 = tpu.memref_slice %arg12[%dma_wait3A_501] : memref<8x!tpu.dma_semaphore, #tpu.memory_space<semaphore_mem>> -> memref<1x!tpu.dma_semaphore, #tpu.memory_space<semaphore_mem>>
        %dma_wait3A_512 = tpu.memref_squeeze %dma_wait3A_511 : memref<1x!tpu.dma_semaphore, #tpu.memory_space<semaphore_mem>> -> memref<!tpu.dma_semaphore, #tpu.memory_space<semaphore_mem>>
        tpu.wait_indirect_dma semaphore(%dma_wait3A_512 : memref<!tpu.dma_semaphore, #tpu.memory_space<semaphore_mem>>) src(%dma_wait3A_505 : memref<128x16xf32, #tpu.memory_space<vmem>>) dst(%dma_wait3A_510 : memref<10112x16xf32, #tpu.memory_space<vmem_shared>>)
      } else {
      }
      %add3A_302 = arith.constant 4 : i32
      %add3A_303 = arith.addi %add3A_296, %add3A_302 : i32
      %lt3A_304 = arith.constant 80 : i32
      %lt3A_305 = arith.cmpi slt, %add3A_303, %lt3A_304 : i32
      %convert_element_type3A_306 = arith.extui %lt3A_305 : i1 to i32
      %cond3A_307 = arith.constant 0 : i32
      %cond3A_308 = arith.cmpi ne, %convert_element_type3A_306, %cond3A_307 : i32
      scf.if %cond3A_308 {
        %add3A_500 = arith.constant 4 : i32
        %add3A_501 = arith.addi %add3A_296, %add3A_500 : i32
        %mul3A_502 = arith.constant 128 : i32
        %mul3A_503 = arith.muli %add3A_501, %mul3A_502 : i32
        %dma_start3A_504 = arith.constant 7 : i32
        %dma_start3A_505 = arith.constant 7 : i32
        %dma_start3A_506 = arith.constant 0 : i32
        %dma_start3A_507 = arith.constant 0 : i32
        %dma_start3A_508 = tpu.memref_slice %arg8[%dma_start3A_504, %dma_start3A_506, %dma_start3A_507] : memref<8x128x16xf32, #tpu.memory_space<vmem>> -> memref<1x128x16xf32, #tpu.memory_space<vmem>>
        %dma_start3A_509 = tpu.memref_squeeze %dma_start3A_508 : memref<1x128x16xf32, #tpu.memory_space<vmem>> -> memref<128x16xf32, #tpu.memory_space<vmem>>
        %dma_start3A_510 = tpu.memref_slice %arg6[%mul3A_503] : memref<10240xi32, #tpu.memory_space<vmem>> -> memref<128xi32, #tpu.memory_space<vmem>>
        %dma_start3A_511 = arith.constant 0 : i32
        %dma_start3A_512 = arith.constant 0 : i32
        %dma_start3A_513 = tpu.memref_slice %arg2[%dma_start3A_511, %dma_start3A_512] : memref<10000x16xf32, #tpu.memory_space<hbm>> -> memref<10000x16xf32, #tpu.memory_space<hbm>>
        %dma_start3A_514 = tpu.memref_slice %arg11[%dma_start3A_505] : memref<8x!tpu.dma_semaphore, #tpu.memory_space<semaphore_mem>> -> memref<1x!tpu.dma_semaphore, #tpu.memory_space<semaphore_mem>>
        %dma_start3A_515 = tpu.memref_squeeze %dma_start3A_514 : memref<1x!tpu.dma_semaphore, #tpu.memory_space<semaphore_mem>> -> memref<!tpu.dma_semaphore, #tpu.memory_space<semaphore_mem>>
        tpu.enqueue_indirect_dma source(%dma_start3A_513 : memref<10000x16xf32, #tpu.memory_space<hbm>>) target(%dma_start3A_509 : memref<128x16xf32, #tpu.memory_space<vmem>>) offsets(%dma_start3A_510 : memref<128xi32, #tpu.memory_space<vmem>>) semaphore(%dma_start3A_515 : memref<!tpu.dma_semaphore, #tpu.memory_space<semaphore_mem>>)
      } else {
      }
      %dma_wait3A_309 = arith.constant 3 : i32
      %dma_wait3A_310 = arith.constant 3 : i32
      %dma_wait3A_311 = arith.constant 0 : i32
      %dma_wait3A_312 = arith.constant 0 : i32
      %dma_wait3A_313 = tpu.memref_slice %arg8[%dma_wait3A_309, %dma_wait3A_311, %dma_wait3A_312] : memref<8x128x16xf32, #tpu.memory_space<vmem>> -> memref<1x128x16xf32, #tpu.memory_space<vmem>>
      %dma_wait3A_314 = tpu.memref_squeeze %dma_wait3A_313 : memref<1x128x16xf32, #tpu.memory_space<vmem>> -> memref<128x16xf32, #tpu.memory_space<vmem>>
      %dma_wait3A_315 = arith.constant 0 : i32
      %dma_wait3A_316 = tpu.memref_slice %arg6[%dma_wait3A_315] : memref<10240xi32, #tpu.memory_space<vmem>> -> memref<128xi32, #tpu.memory_space<vmem>>
      %dma_wait3A_317 = arith.constant 0 : i32
      %dma_wait3A_318 = arith.constant 0 : i32
      %dma_wait3A_319 = tpu.memref_slice %arg2[%dma_wait3A_317, %dma_wait3A_318] : memref<10000x16xf32, #tpu.memory_space<hbm>> -> memref<10000x16xf32, #tpu.memory_space<hbm>>
      %dma_wait3A_320 = tpu.memref_slice %arg11[%dma_wait3A_310] : memref<8x!tpu.dma_semaphore, #tpu.memory_space<semaphore_mem>> -> memref<1x!tpu.dma_semaphore, #tpu.memory_space<semaphore_mem>>
      %dma_wait3A_321 = tpu.memref_squeeze %dma_wait3A_320 : memref<1x!tpu.dma_semaphore, #tpu.memory_space<semaphore_mem>> -> memref<!tpu.dma_semaphore, #tpu.memory_space<semaphore_mem>>
      tpu.wait_indirect_dma semaphore(%dma_wait3A_321 : memref<!tpu.dma_semaphore, #tpu.memory_space<semaphore_mem>>) src(%dma_wait3A_319 : memref<10000x16xf32, #tpu.memory_space<hbm>>) dst(%dma_wait3A_314 : memref<128x16xf32, #tpu.memory_space<vmem>>)
      %mul3A_322 = arith.constant 128 : i32
      %mul3A_323 = arith.muli %add3A_296, %mul3A_322 : i32
      %dma_start3A_324 = arith.constant 3 : i32
      %dma_start3A_325 = arith.constant 3 : i32
      %dma_start3A_326 = arith.constant 0 : i32
      %dma_start3A_327 = arith.constant 0 : i32
      %dma_start3A_328 = tpu.memref_slice %arg8[%dma_start3A_324, %dma_start3A_326, %dma_start3A_327] : memref<8x128x16xf32, #tpu.memory_space<vmem>> -> memref<1x128x16xf32, #tpu.memory_space<vmem>>
      %dma_start3A_329 = tpu.memref_squeeze %dma_start3A_328 : memref<1x128x16xf32, #tpu.memory_space<vmem>> -> memref<128x16xf32, #tpu.memory_space<vmem>>
      %dma_start3A_330 = tpu.memref_slice %arg7[%mul3A_323] : memref<10240xi32, #tpu.memory_space<vmem>> -> memref<128xi32, #tpu.memory_space<vmem>>
      %dma_start3A_331 = arith.constant 0 : i32
      %dma_start3A_332 = arith.constant 0 : i32
      %dma_start3A_333 = tpu.memref_slice %arg10[%dma_start3A_331, %dma_start3A_332] : memref<10112x16xf32, #tpu.memory_space<vmem_shared>> -> memref<10112x16xf32, #tpu.memory_space<vmem_shared>>
      %dma_start3A_334 = tpu.memref_slice %arg12[%dma_start3A_325] : memref<8x!tpu.dma_semaphore, #tpu.memory_space<semaphore_mem>> -> memref<1x!tpu.dma_semaphore, #tpu.memory_space<semaphore_mem>>
      %dma_start3A_335 = tpu.memref_squeeze %dma_start3A_334 : memref<1x!tpu.dma_semaphore, #tpu.memory_space<semaphore_mem>> -> memref<!tpu.dma_semaphore, #tpu.memory_space<semaphore_mem>>
      tpu.enqueue_indirect_dma source(%dma_start3A_329 : memref<128x16xf32, #tpu.memory_space<vmem>>) target(%dma_start3A_333 : memref<10112x16xf32, #tpu.memory_space<vmem_shared>>) offsets(%dma_start3A_330 : memref<128xi32, #tpu.memory_space<vmem>>) semaphore(%dma_start3A_335 : memref<!tpu.dma_semaphore, #tpu.memory_space<semaphore_mem>>) {add = true}
      %add3A_336 = arith.constant 4 : i32
      %add3A_337 = arith.addi %add3A_175, %add3A_336 : i32
      %ge3A_338 = arith.constant 4 : i32
      %ge3A_339 = arith.cmpi sge, %add3A_337, %ge3A_338 : i32
      %convert_element_type3A_340 = arith.extui %ge3A_339 : i1 to i32
      %cond3A_341 = arith.constant 0 : i32
      %cond3A_342 = arith.cmpi ne, %convert_element_type3A_340, %cond3A_341 : i32
      scf.if %cond3A_342 {
        %dma_wait3A_500 = arith.constant 0 : i32
        %dma_wait3A_501 = arith.constant 0 : i32
        %dma_wait3A_502 = arith.constant 0 : i32
        %dma_wait3A_503 = arith.constant 0 : i32
        %dma_wait3A_504 = tpu.memref_slice %arg8[%dma_wait3A_500, %dma_wait3A_502, %dma_wait3A_503] : memref<8x128x16xf32, #tpu.memory_space<vmem>> -> memref<1x128x16xf32, #tpu.memory_space<vmem>>
        %dma_wait3A_505 = tpu.memref_squeeze %dma_wait3A_504 : memref<1x128x16xf32, #tpu.memory_space<vmem>> -> memref<128x16xf32, #tpu.memory_space<vmem>>
        %dma_wait3A_506 = arith.constant 0 : i32
        %dma_wait3A_507 = tpu.memref_slice %arg7[%dma_wait3A_506] : memref<10240xi32, #tpu.memory_space<vmem>> -> memref<128xi32, #tpu.memory_space<vmem>>
        %dma_wait3A_508 = arith.constant 0 : i32
        %dma_wait3A_509 = arith.constant 0 : i32
        %dma_wait3A_510 = tpu.memref_slice %arg10[%dma_wait3A_508, %dma_wait3A_509] : memref<10112x16xf32, #tpu.memory_space<vmem_shared>> -> memref<10112x16xf32, #tpu.memory_space<vmem_shared>>
        %dma_wait3A_511 = tpu.memref_slice %arg12[%dma_wait3A_501] : memref<8x!tpu.dma_semaphore, #tpu.memory_space<semaphore_mem>> -> memref<1x!tpu.dma_semaphore, #tpu.memory_space<semaphore_mem>>
        %dma_wait3A_512 = tpu.memref_squeeze %dma_wait3A_511 : memref<1x!tpu.dma_semaphore, #tpu.memory_space<semaphore_mem>> -> memref<!tpu.dma_semaphore, #tpu.memory_space<semaphore_mem>>
        tpu.wait_indirect_dma semaphore(%dma_wait3A_512 : memref<!tpu.dma_semaphore, #tpu.memory_space<semaphore_mem>>) src(%dma_wait3A_505 : memref<128x16xf32, #tpu.memory_space<vmem>>) dst(%dma_wait3A_510 : memref<10112x16xf32, #tpu.memory_space<vmem_shared>>)
      } else {
      }
      %add3A_343 = arith.constant 4 : i32
      %add3A_344 = arith.addi %add3A_337, %add3A_343 : i32
      %lt3A_345 = arith.constant 80 : i32
      %lt3A_346 = arith.cmpi slt, %add3A_344, %lt3A_345 : i32
      %convert_element_type3A_347 = arith.extui %lt3A_346 : i1 to i32
      %cond3A_348 = arith.constant 0 : i32
      %cond3A_349 = arith.cmpi ne, %convert_element_type3A_347, %cond3A_348 : i32
      scf.if %cond3A_349 {
        %add3A_500 = arith.constant 4 : i32
        %add3A_501 = arith.addi %add3A_337, %add3A_500 : i32
        %mul3A_502 = arith.constant 128 : i32
        %mul3A_503 = arith.muli %add3A_501, %mul3A_502 : i32
        %dma_start3A_504 = arith.constant 0 : i32
        %dma_start3A_505 = arith.constant 0 : i32
        %dma_start3A_506 = arith.constant 0 : i32
        %dma_start3A_507 = arith.constant 0 : i32
        %dma_start3A_508 = tpu.memref_slice %arg8[%dma_start3A_504, %dma_start3A_506, %dma_start3A_507] : memref<8x128x16xf32, #tpu.memory_space<vmem>> -> memref<1x128x16xf32, #tpu.memory_space<vmem>>
        %dma_start3A_509 = tpu.memref_squeeze %dma_start3A_508 : memref<1x128x16xf32, #tpu.memory_space<vmem>> -> memref<128x16xf32, #tpu.memory_space<vmem>>
        %dma_start3A_510 = tpu.memref_slice %arg6[%mul3A_503] : memref<10240xi32, #tpu.memory_space<vmem>> -> memref<128xi32, #tpu.memory_space<vmem>>
        %dma_start3A_511 = arith.constant 0 : i32
        %dma_start3A_512 = arith.constant 0 : i32
        %dma_start3A_513 = tpu.memref_slice %arg2[%dma_start3A_511, %dma_start3A_512] : memref<10000x16xf32, #tpu.memory_space<hbm>> -> memref<10000x16xf32, #tpu.memory_space<hbm>>
        %dma_start3A_514 = tpu.memref_slice %arg11[%dma_start3A_505] : memref<8x!tpu.dma_semaphore, #tpu.memory_space<semaphore_mem>> -> memref<1x!tpu.dma_semaphore, #tpu.memory_space<semaphore_mem>>
        %dma_start3A_515 = tpu.memref_squeeze %dma_start3A_514 : memref<1x!tpu.dma_semaphore, #tpu.memory_space<semaphore_mem>> -> memref<!tpu.dma_semaphore, #tpu.memory_space<semaphore_mem>>
        tpu.enqueue_indirect_dma source(%dma_start3A_513 : memref<10000x16xf32, #tpu.memory_space<hbm>>) target(%dma_start3A_509 : memref<128x16xf32, #tpu.memory_space<vmem>>) offsets(%dma_start3A_510 : memref<128xi32, #tpu.memory_space<vmem>>) semaphore(%dma_start3A_515 : memref<!tpu.dma_semaphore, #tpu.memory_space<semaphore_mem>>)
      } else {
      }
      %dma_wait3A_350 = arith.constant 4 : i32
      %dma_wait3A_351 = arith.constant 4 : i32
      %dma_wait3A_352 = arith.constant 0 : i32
      %dma_wait3A_353 = arith.constant 0 : i32
      %dma_wait3A_354 = tpu.memref_slice %arg8[%dma_wait3A_350, %dma_wait3A_352, %dma_wait3A_353] : memref<8x128x16xf32, #tpu.memory_space<vmem>> -> memref<1x128x16xf32, #tpu.memory_space<vmem>>
      %dma_wait3A_355 = tpu.memref_squeeze %dma_wait3A_354 : memref<1x128x16xf32, #tpu.memory_space<vmem>> -> memref<128x16xf32, #tpu.memory_space<vmem>>
      %dma_wait3A_356 = arith.constant 0 : i32
      %dma_wait3A_357 = tpu.memref_slice %arg6[%dma_wait3A_356] : memref<10240xi32, #tpu.memory_space<vmem>> -> memref<128xi32, #tpu.memory_space<vmem>>
      %dma_wait3A_358 = arith.constant 0 : i32
      %dma_wait3A_359 = arith.constant 0 : i32
      %dma_wait3A_360 = tpu.memref_slice %arg2[%dma_wait3A_358, %dma_wait3A_359] : memref<10000x16xf32, #tpu.memory_space<hbm>> -> memref<10000x16xf32, #tpu.memory_space<hbm>>
      %dma_wait3A_361 = tpu.memref_slice %arg11[%dma_wait3A_351] : memref<8x!tpu.dma_semaphore, #tpu.memory_space<semaphore_mem>> -> memref<1x!tpu.dma_semaphore, #tpu.memory_space<semaphore_mem>>
      %dma_wait3A_362 = tpu.memref_squeeze %dma_wait3A_361 : memref<1x!tpu.dma_semaphore, #tpu.memory_space<semaphore_mem>> -> memref<!tpu.dma_semaphore, #tpu.memory_space<semaphore_mem>>
      tpu.wait_indirect_dma semaphore(%dma_wait3A_362 : memref<!tpu.dma_semaphore, #tpu.memory_space<semaphore_mem>>) src(%dma_wait3A_360 : memref<10000x16xf32, #tpu.memory_space<hbm>>) dst(%dma_wait3A_355 : memref<128x16xf32, #tpu.memory_space<vmem>>)
      %mul3A_363 = arith.constant 128 : i32
      %mul3A_364 = arith.muli %add3A_337, %mul3A_363 : i32
      %dma_start3A_365 = arith.constant 4 : i32
      %dma_start3A_366 = arith.constant 4 : i32
      %dma_start3A_367 = arith.constant 0 : i32
      %dma_start3A_368 = arith.constant 0 : i32
      %dma_start3A_369 = tpu.memref_slice %arg8[%dma_start3A_365, %dma_start3A_367, %dma_start3A_368] : memref<8x128x16xf32, #tpu.memory_space<vmem>> -> memref<1x128x16xf32, #tpu.memory_space<vmem>>
      %dma_start3A_370 = tpu.memref_squeeze %dma_start3A_369 : memref<1x128x16xf32, #tpu.memory_space<vmem>> -> memref<128x16xf32, #tpu.memory_space<vmem>>
      %dma_start3A_371 = tpu.memref_slice %arg7[%mul3A_364] : memref<10240xi32, #tpu.memory_space<vmem>> -> memref<128xi32, #tpu.memory_space<vmem>>
      %dma_start3A_372 = arith.constant 0 : i32
      %dma_start3A_373 = arith.constant 0 : i32
      %dma_start3A_374 = tpu.memref_slice %arg10[%dma_start3A_372, %dma_start3A_373] : memref<10112x16xf32, #tpu.memory_space<vmem_shared>> -> memref<10112x16xf32, #tpu.memory_space<vmem_shared>>
      %dma_start3A_375 = tpu.memref_slice %arg12[%dma_start3A_366] : memref<8x!tpu.dma_semaphore, #tpu.memory_space<semaphore_mem>> -> memref<1x!tpu.dma_semaphore, #tpu.memory_space<semaphore_mem>>
      %dma_start3A_376 = tpu.memref_squeeze %dma_start3A_375 : memref<1x!tpu.dma_semaphore, #tpu.memory_space<semaphore_mem>> -> memref<!tpu.dma_semaphore, #tpu.memory_space<semaphore_mem>>
      tpu.enqueue_indirect_dma source(%dma_start3A_370 : memref<128x16xf32, #tpu.memory_space<vmem>>) target(%dma_start3A_374 : memref<10112x16xf32, #tpu.memory_space<vmem_shared>>) offsets(%dma_start3A_371 : memref<128xi32, #tpu.memory_space<vmem>>) semaphore(%dma_start3A_376 : memref<!tpu.dma_semaphore, #tpu.memory_space<semaphore_mem>>) {add = true}
      %add3A_377 = arith.constant 5 : i32
      %add3A_378 = arith.addi %add3A_175, %add3A_377 : i32
      %ge3A_379 = arith.constant 4 : i32
      %ge3A_380 = arith.cmpi sge, %add3A_378, %ge3A_379 : i32
      %convert_element_type3A_381 = arith.extui %ge3A_380 : i1 to i32
      %cond3A_382 = arith.constant 0 : i32
      %cond3A_383 = arith.cmpi ne, %convert_element_type3A_381, %cond3A_382 : i32
      scf.if %cond3A_383 {
        %dma_wait3A_500 = arith.constant 1 : i32
        %dma_wait3A_501 = arith.constant 1 : i32
        %dma_wait3A_502 = arith.constant 0 : i32
        %dma_wait3A_503 = arith.constant 0 : i32
        %dma_wait3A_504 = tpu.memref_slice %arg8[%dma_wait3A_500, %dma_wait3A_502, %dma_wait3A_503] : memref<8x128x16xf32, #tpu.memory_space<vmem>> -> memref<1x128x16xf32, #tpu.memory_space<vmem>>
        %dma_wait3A_505 = tpu.memref_squeeze %dma_wait3A_504 : memref<1x128x16xf32, #tpu.memory_space<vmem>> -> memref<128x16xf32, #tpu.memory_space<vmem>>
        %dma_wait3A_506 = arith.constant 0 : i32
        %dma_wait3A_507 = tpu.memref_slice %arg7[%dma_wait3A_506] : memref<10240xi32, #tpu.memory_space<vmem>> -> memref<128xi32, #tpu.memory_space<vmem>>
        %dma_wait3A_508 = arith.constant 0 : i32
        %dma_wait3A_509 = arith.constant 0 : i32
        %dma_wait3A_510 = tpu.memref_slice %arg10[%dma_wait3A_508, %dma_wait3A_509] : memref<10112x16xf32, #tpu.memory_space<vmem_shared>> -> memref<10112x16xf32, #tpu.memory_space<vmem_shared>>
        %dma_wait3A_511 = tpu.memref_slice %arg12[%dma_wait3A_501] : memref<8x!tpu.dma_semaphore, #tpu.memory_space<semaphore_mem>> -> memref<1x!tpu.dma_semaphore, #tpu.memory_space<semaphore_mem>>
        %dma_wait3A_512 = tpu.memref_squeeze %dma_wait3A_511 : memref<1x!tpu.dma_semaphore, #tpu.memory_space<semaphore_mem>> -> memref<!tpu.dma_semaphore, #tpu.memory_space<semaphore_mem>>
        tpu.wait_indirect_dma semaphore(%dma_wait3A_512 : memref<!tpu.dma_semaphore, #tpu.memory_space<semaphore_mem>>) src(%dma_wait3A_505 : memref<128x16xf32, #tpu.memory_space<vmem>>) dst(%dma_wait3A_510 : memref<10112x16xf32, #tpu.memory_space<vmem_shared>>)
      } else {
      }
      %add3A_384 = arith.constant 4 : i32
      %add3A_385 = arith.addi %add3A_378, %add3A_384 : i32
      %lt3A_386 = arith.constant 80 : i32
      %lt3A_387 = arith.cmpi slt, %add3A_385, %lt3A_386 : i32
      %convert_element_type3A_388 = arith.extui %lt3A_387 : i1 to i32
      %cond3A_389 = arith.constant 0 : i32
      %cond3A_390 = arith.cmpi ne, %convert_element_type3A_388, %cond3A_389 : i32
      scf.if %cond3A_390 {
        %add3A_500 = arith.constant 4 : i32
        %add3A_501 = arith.addi %add3A_378, %add3A_500 : i32
        %mul3A_502 = arith.constant 128 : i32
        %mul3A_503 = arith.muli %add3A_501, %mul3A_502 : i32
        %dma_start3A_504 = arith.constant 1 : i32
        %dma_start3A_505 = arith.constant 1 : i32
        %dma_start3A_506 = arith.constant 0 : i32
        %dma_start3A_507 = arith.constant 0 : i32
        %dma_start3A_508 = tpu.memref_slice %arg8[%dma_start3A_504, %dma_start3A_506, %dma_start3A_507] : memref<8x128x16xf32, #tpu.memory_space<vmem>> -> memref<1x128x16xf32, #tpu.memory_space<vmem>>
        %dma_start3A_509 = tpu.memref_squeeze %dma_start3A_508 : memref<1x128x16xf32, #tpu.memory_space<vmem>> -> memref<128x16xf32, #tpu.memory_space<vmem>>
        %dma_start3A_510 = tpu.memref_slice %arg6[%mul3A_503] : memref<10240xi32, #tpu.memory_space<vmem>> -> memref<128xi32, #tpu.memory_space<vmem>>
        %dma_start3A_511 = arith.constant 0 : i32
        %dma_start3A_512 = arith.constant 0 : i32
        %dma_start3A_513 = tpu.memref_slice %arg2[%dma_start3A_511, %dma_start3A_512] : memref<10000x16xf32, #tpu.memory_space<hbm>> -> memref<10000x16xf32, #tpu.memory_space<hbm>>
        %dma_start3A_514 = tpu.memref_slice %arg11[%dma_start3A_505] : memref<8x!tpu.dma_semaphore, #tpu.memory_space<semaphore_mem>> -> memref<1x!tpu.dma_semaphore, #tpu.memory_space<semaphore_mem>>
        %dma_start3A_515 = tpu.memref_squeeze %dma_start3A_514 : memref<1x!tpu.dma_semaphore, #tpu.memory_space<semaphore_mem>> -> memref<!tpu.dma_semaphore, #tpu.memory_space<semaphore_mem>>
        tpu.enqueue_indirect_dma source(%dma_start3A_513 : memref<10000x16xf32, #tpu.memory_space<hbm>>) target(%dma_start3A_509 : memref<128x16xf32, #tpu.memory_space<vmem>>) offsets(%dma_start3A_510 : memref<128xi32, #tpu.memory_space<vmem>>) semaphore(%dma_start3A_515 : memref<!tpu.dma_semaphore, #tpu.memory_space<semaphore_mem>>)
      } else {
      }
      %dma_wait3A_391 = arith.constant 5 : i32
      %dma_wait3A_392 = arith.constant 5 : i32
      %dma_wait3A_393 = arith.constant 0 : i32
      %dma_wait3A_394 = arith.constant 0 : i32
      %dma_wait3A_395 = tpu.memref_slice %arg8[%dma_wait3A_391, %dma_wait3A_393, %dma_wait3A_394] : memref<8x128x16xf32, #tpu.memory_space<vmem>> -> memref<1x128x16xf32, #tpu.memory_space<vmem>>
      %dma_wait3A_396 = tpu.memref_squeeze %dma_wait3A_395 : memref<1x128x16xf32, #tpu.memory_space<vmem>> -> memref<128x16xf32, #tpu.memory_space<vmem>>
      %dma_wait3A_397 = arith.constant 0 : i32
      %dma_wait3A_398 = tpu.memref_slice %arg6[%dma_wait3A_397] : memref<10240xi32, #tpu.memory_space<vmem>> -> memref<128xi32, #tpu.memory_space<vmem>>
      %dma_wait3A_399 = arith.constant 0 : i32
      %dma_wait3A_400 = arith.constant 0 : i32
      %dma_wait3A_401 = tpu.memref_slice %arg2[%dma_wait3A_399, %dma_wait3A_400] : memref<10000x16xf32, #tpu.memory_space<hbm>> -> memref<10000x16xf32, #tpu.memory_space<hbm>>
      %dma_wait3A_402 = tpu.memref_slice %arg11[%dma_wait3A_392] : memref<8x!tpu.dma_semaphore, #tpu.memory_space<semaphore_mem>> -> memref<1x!tpu.dma_semaphore, #tpu.memory_space<semaphore_mem>>
      %dma_wait3A_403 = tpu.memref_squeeze %dma_wait3A_402 : memref<1x!tpu.dma_semaphore, #tpu.memory_space<semaphore_mem>> -> memref<!tpu.dma_semaphore, #tpu.memory_space<semaphore_mem>>
      tpu.wait_indirect_dma semaphore(%dma_wait3A_403 : memref<!tpu.dma_semaphore, #tpu.memory_space<semaphore_mem>>) src(%dma_wait3A_401 : memref<10000x16xf32, #tpu.memory_space<hbm>>) dst(%dma_wait3A_396 : memref<128x16xf32, #tpu.memory_space<vmem>>)
      %mul3A_404 = arith.constant 128 : i32
      %mul3A_405 = arith.muli %add3A_378, %mul3A_404 : i32
      %dma_start3A_406 = arith.constant 5 : i32
      %dma_start3A_407 = arith.constant 5 : i32
      %dma_start3A_408 = arith.constant 0 : i32
      %dma_start3A_409 = arith.constant 0 : i32
      %dma_start3A_410 = tpu.memref_slice %arg8[%dma_start3A_406, %dma_start3A_408, %dma_start3A_409] : memref<8x128x16xf32, #tpu.memory_space<vmem>> -> memref<1x128x16xf32, #tpu.memory_space<vmem>>
      %dma_start3A_411 = tpu.memref_squeeze %dma_start3A_410 : memref<1x128x16xf32, #tpu.memory_space<vmem>> -> memref<128x16xf32, #tpu.memory_space<vmem>>
      %dma_start3A_412 = tpu.memref_slice %arg7[%mul3A_405] : memref<10240xi32, #tpu.memory_space<vmem>> -> memref<128xi32, #tpu.memory_space<vmem>>
      %dma_start3A_413 = arith.constant 0 : i32
      %dma_start3A_414 = arith.constant 0 : i32
      %dma_start3A_415 = tpu.memref_slice %arg10[%dma_start3A_413, %dma_start3A_414] : memref<10112x16xf32, #tpu.memory_space<vmem_shared>> -> memref<10112x16xf32, #tpu.memory_space<vmem_shared>>
      %dma_start3A_416 = tpu.memref_slice %arg12[%dma_start3A_407] : memref<8x!tpu.dma_semaphore, #tpu.memory_space<semaphore_mem>> -> memref<1x!tpu.dma_semaphore, #tpu.memory_space<semaphore_mem>>
      %dma_start3A_417 = tpu.memref_squeeze %dma_start3A_416 : memref<1x!tpu.dma_semaphore, #tpu.memory_space<semaphore_mem>> -> memref<!tpu.dma_semaphore, #tpu.memory_space<semaphore_mem>>
      tpu.enqueue_indirect_dma source(%dma_start3A_411 : memref<128x16xf32, #tpu.memory_space<vmem>>) target(%dma_start3A_415 : memref<10112x16xf32, #tpu.memory_space<vmem_shared>>) offsets(%dma_start3A_412 : memref<128xi32, #tpu.memory_space<vmem>>) semaphore(%dma_start3A_417 : memref<!tpu.dma_semaphore, #tpu.memory_space<semaphore_mem>>) {add = true}
      %add3A_418 = arith.constant 6 : i32
      %add3A_419 = arith.addi %add3A_175, %add3A_418 : i32
      %ge3A_420 = arith.constant 4 : i32
      %ge3A_421 = arith.cmpi sge, %add3A_419, %ge3A_420 : i32
      %convert_element_type3A_422 = arith.extui %ge3A_421 : i1 to i32
      %cond3A_423 = arith.constant 0 : i32
      %cond3A_424 = arith.cmpi ne, %convert_element_type3A_422, %cond3A_423 : i32
      scf.if %cond3A_424 {
        %dma_wait3A_500 = arith.constant 2 : i32
        %dma_wait3A_501 = arith.constant 2 : i32
        %dma_wait3A_502 = arith.constant 0 : i32
        %dma_wait3A_503 = arith.constant 0 : i32
        %dma_wait3A_504 = tpu.memref_slice %arg8[%dma_wait3A_500, %dma_wait3A_502, %dma_wait3A_503] : memref<8x128x16xf32, #tpu.memory_space<vmem>> -> memref<1x128x16xf32, #tpu.memory_space<vmem>>
        %dma_wait3A_505 = tpu.memref_squeeze %dma_wait3A_504 : memref<1x128x16xf32, #tpu.memory_space<vmem>> -> memref<128x16xf32, #tpu.memory_space<vmem>>
        %dma_wait3A_506 = arith.constant 0 : i32
        %dma_wait3A_507 = tpu.memref_slice %arg7[%dma_wait3A_506] : memref<10240xi32, #tpu.memory_space<vmem>> -> memref<128xi32, #tpu.memory_space<vmem>>
        %dma_wait3A_508 = arith.constant 0 : i32
        %dma_wait3A_509 = arith.constant 0 : i32
        %dma_wait3A_510 = tpu.memref_slice %arg10[%dma_wait3A_508, %dma_wait3A_509] : memref<10112x16xf32, #tpu.memory_space<vmem_shared>> -> memref<10112x16xf32, #tpu.memory_space<vmem_shared>>
        %dma_wait3A_511 = tpu.memref_slice %arg12[%dma_wait3A_501] : memref<8x!tpu.dma_semaphore, #tpu.memory_space<semaphore_mem>> -> memref<1x!tpu.dma_semaphore, #tpu.memory_space<semaphore_mem>>
        %dma_wait3A_512 = tpu.memref_squeeze %dma_wait3A_511 : memref<1x!tpu.dma_semaphore, #tpu.memory_space<semaphore_mem>> -> memref<!tpu.dma_semaphore, #tpu.memory_space<semaphore_mem>>
        tpu.wait_indirect_dma semaphore(%dma_wait3A_512 : memref<!tpu.dma_semaphore, #tpu.memory_space<semaphore_mem>>) src(%dma_wait3A_505 : memref<128x16xf32, #tpu.memory_space<vmem>>) dst(%dma_wait3A_510 : memref<10112x16xf32, #tpu.memory_space<vmem_shared>>)
      } else {
      }
      %add3A_425 = arith.constant 4 : i32
      %add3A_426 = arith.addi %add3A_419, %add3A_425 : i32
      %lt3A_427 = arith.constant 80 : i32
      %lt3A_428 = arith.cmpi slt, %add3A_426, %lt3A_427 : i32
      %convert_element_type3A_429 = arith.extui %lt3A_428 : i1 to i32
      %cond3A_430 = arith.constant 0 : i32
      %cond3A_431 = arith.cmpi ne, %convert_element_type3A_429, %cond3A_430 : i32
      scf.if %cond3A_431 {
        %add3A_500 = arith.constant 4 : i32
        %add3A_501 = arith.addi %add3A_419, %add3A_500 : i32
        %mul3A_502 = arith.constant 128 : i32
        %mul3A_503 = arith.muli %add3A_501, %mul3A_502 : i32
        %dma_start3A_504 = arith.constant 2 : i32
        %dma_start3A_505 = arith.constant 2 : i32
        %dma_start3A_506 = arith.constant 0 : i32
        %dma_start3A_507 = arith.constant 0 : i32
        %dma_start3A_508 = tpu.memref_slice %arg8[%dma_start3A_504, %dma_start3A_506, %dma_start3A_507] : memref<8x128x16xf32, #tpu.memory_space<vmem>> -> memref<1x128x16xf32, #tpu.memory_space<vmem>>
        %dma_start3A_509 = tpu.memref_squeeze %dma_start3A_508 : memref<1x128x16xf32, #tpu.memory_space<vmem>> -> memref<128x16xf32, #tpu.memory_space<vmem>>
        %dma_start3A_510 = tpu.memref_slice %arg6[%mul3A_503] : memref<10240xi32, #tpu.memory_space<vmem>> -> memref<128xi32, #tpu.memory_space<vmem>>
        %dma_start3A_511 = arith.constant 0 : i32
        %dma_start3A_512 = arith.constant 0 : i32
        %dma_start3A_513 = tpu.memref_slice %arg2[%dma_start3A_511, %dma_start3A_512] : memref<10000x16xf32, #tpu.memory_space<hbm>> -> memref<10000x16xf32, #tpu.memory_space<hbm>>
        %dma_start3A_514 = tpu.memref_slice %arg11[%dma_start3A_505] : memref<8x!tpu.dma_semaphore, #tpu.memory_space<semaphore_mem>> -> memref<1x!tpu.dma_semaphore, #tpu.memory_space<semaphore_mem>>
        %dma_start3A_515 = tpu.memref_squeeze %dma_start3A_514 : memref<1x!tpu.dma_semaphore, #tpu.memory_space<semaphore_mem>> -> memref<!tpu.dma_semaphore, #tpu.memory_space<semaphore_mem>>
        tpu.enqueue_indirect_dma source(%dma_start3A_513 : memref<10000x16xf32, #tpu.memory_space<hbm>>) target(%dma_start3A_509 : memref<128x16xf32, #tpu.memory_space<vmem>>) offsets(%dma_start3A_510 : memref<128xi32, #tpu.memory_space<vmem>>) semaphore(%dma_start3A_515 : memref<!tpu.dma_semaphore, #tpu.memory_space<semaphore_mem>>)
      } else {
      }
      %dma_wait3A_432 = arith.constant 6 : i32
      %dma_wait3A_433 = arith.constant 6 : i32
      %dma_wait3A_434 = arith.constant 0 : i32
      %dma_wait3A_435 = arith.constant 0 : i32
      %dma_wait3A_436 = tpu.memref_slice %arg8[%dma_wait3A_432, %dma_wait3A_434, %dma_wait3A_435] : memref<8x128x16xf32, #tpu.memory_space<vmem>> -> memref<1x128x16xf32, #tpu.memory_space<vmem>>
      %dma_wait3A_437 = tpu.memref_squeeze %dma_wait3A_436 : memref<1x128x16xf32, #tpu.memory_space<vmem>> -> memref<128x16xf32, #tpu.memory_space<vmem>>
      %dma_wait3A_438 = arith.constant 0 : i32
      %dma_wait3A_439 = tpu.memref_slice %arg6[%dma_wait3A_438] : memref<10240xi32, #tpu.memory_space<vmem>> -> memref<128xi32, #tpu.memory_space<vmem>>
      %dma_wait3A_440 = arith.constant 0 : i32
      %dma_wait3A_441 = arith.constant 0 : i32
      %dma_wait3A_442 = tpu.memref_slice %arg2[%dma_wait3A_440, %dma_wait3A_441] : memref<10000x16xf32, #tpu.memory_space<hbm>> -> memref<10000x16xf32, #tpu.memory_space<hbm>>
      %dma_wait3A_443 = tpu.memref_slice %arg11[%dma_wait3A_433] : memref<8x!tpu.dma_semaphore, #tpu.memory_space<semaphore_mem>> -> memref<1x!tpu.dma_semaphore, #tpu.memory_space<semaphore_mem>>
      %dma_wait3A_444 = tpu.memref_squeeze %dma_wait3A_443 : memref<1x!tpu.dma_semaphore, #tpu.memory_space<semaphore_mem>> -> memref<!tpu.dma_semaphore, #tpu.memory_space<semaphore_mem>>
      tpu.wait_indirect_dma semaphore(%dma_wait3A_444 : memref<!tpu.dma_semaphore, #tpu.memory_space<semaphore_mem>>) src(%dma_wait3A_442 : memref<10000x16xf32, #tpu.memory_space<hbm>>) dst(%dma_wait3A_437 : memref<128x16xf32, #tpu.memory_space<vmem>>)
      %mul3A_445 = arith.constant 128 : i32
      %mul3A_446 = arith.muli %add3A_419, %mul3A_445 : i32
      %dma_start3A_447 = arith.constant 6 : i32
      %dma_start3A_448 = arith.constant 6 : i32
      %dma_start3A_449 = arith.constant 0 : i32
      %dma_start3A_450 = arith.constant 0 : i32
      %dma_start3A_451 = tpu.memref_slice %arg8[%dma_start3A_447, %dma_start3A_449, %dma_start3A_450] : memref<8x128x16xf32, #tpu.memory_space<vmem>> -> memref<1x128x16xf32, #tpu.memory_space<vmem>>
      %dma_start3A_452 = tpu.memref_squeeze %dma_start3A_451 : memref<1x128x16xf32, #tpu.memory_space<vmem>> -> memref<128x16xf32, #tpu.memory_space<vmem>>
      %dma_start3A_453 = tpu.memref_slice %arg7[%mul3A_446] : memref<10240xi32, #tpu.memory_space<vmem>> -> memref<128xi32, #tpu.memory_space<vmem>>
      %dma_start3A_454 = arith.constant 0 : i32
      %dma_start3A_455 = arith.constant 0 : i32
      %dma_start3A_456 = tpu.memref_slice %arg10[%dma_start3A_454, %dma_start3A_455] : memref<10112x16xf32, #tpu.memory_space<vmem_shared>> -> memref<10112x16xf32, #tpu.memory_space<vmem_shared>>
      %dma_start3A_457 = tpu.memref_slice %arg12[%dma_start3A_448] : memref<8x!tpu.dma_semaphore, #tpu.memory_space<semaphore_mem>> -> memref<1x!tpu.dma_semaphore, #tpu.memory_space<semaphore_mem>>
      %dma_start3A_458 = tpu.memref_squeeze %dma_start3A_457 : memref<1x!tpu.dma_semaphore, #tpu.memory_space<semaphore_mem>> -> memref<!tpu.dma_semaphore, #tpu.memory_space<semaphore_mem>>
      tpu.enqueue_indirect_dma source(%dma_start3A_452 : memref<128x16xf32, #tpu.memory_space<vmem>>) target(%dma_start3A_456 : memref<10112x16xf32, #tpu.memory_space<vmem_shared>>) offsets(%dma_start3A_453 : memref<128xi32, #tpu.memory_space<vmem>>) semaphore(%dma_start3A_458 : memref<!tpu.dma_semaphore, #tpu.memory_space<semaphore_mem>>) {add = true}
      %add3A_459 = arith.constant 7 : i32
      %add3A_460 = arith.addi %add3A_175, %add3A_459 : i32
      %ge3A_461 = arith.constant 4 : i32
      %ge3A_462 = arith.cmpi sge, %add3A_460, %ge3A_461 : i32
      %convert_element_type3A_463 = arith.extui %ge3A_462 : i1 to i32
      %cond3A_464 = arith.constant 0 : i32
      %cond3A_465 = arith.cmpi ne, %convert_element_type3A_463, %cond3A_464 : i32
      scf.if %cond3A_465 {
        %dma_wait3A_500 = arith.constant 3 : i32
        %dma_wait3A_501 = arith.constant 3 : i32
        %dma_wait3A_502 = arith.constant 0 : i32
        %dma_wait3A_503 = arith.constant 0 : i32
        %dma_wait3A_504 = tpu.memref_slice %arg8[%dma_wait3A_500, %dma_wait3A_502, %dma_wait3A_503] : memref<8x128x16xf32, #tpu.memory_space<vmem>> -> memref<1x128x16xf32, #tpu.memory_space<vmem>>
        %dma_wait3A_505 = tpu.memref_squeeze %dma_wait3A_504 : memref<1x128x16xf32, #tpu.memory_space<vmem>> -> memref<128x16xf32, #tpu.memory_space<vmem>>
        %dma_wait3A_506 = arith.constant 0 : i32
        %dma_wait3A_507 = tpu.memref_slice %arg7[%dma_wait3A_506] : memref<10240xi32, #tpu.memory_space<vmem>> -> memref<128xi32, #tpu.memory_space<vmem>>
        %dma_wait3A_508 = arith.constant 0 : i32
        %dma_wait3A_509 = arith.constant 0 : i32
        %dma_wait3A_510 = tpu.memref_slice %arg10[%dma_wait3A_508, %dma_wait3A_509] : memref<10112x16xf32, #tpu.memory_space<vmem_shared>> -> memref<10112x16xf32, #tpu.memory_space<vmem_shared>>
        %dma_wait3A_511 = tpu.memref_slice %arg12[%dma_wait3A_501] : memref<8x!tpu.dma_semaphore, #tpu.memory_space<semaphore_mem>> -> memref<1x!tpu.dma_semaphore, #tpu.memory_space<semaphore_mem>>
        %dma_wait3A_512 = tpu.memref_squeeze %dma_wait3A_511 : memref<1x!tpu.dma_semaphore, #tpu.memory_space<semaphore_mem>> -> memref<!tpu.dma_semaphore, #tpu.memory_space<semaphore_mem>>
        tpu.wait_indirect_dma semaphore(%dma_wait3A_512 : memref<!tpu.dma_semaphore, #tpu.memory_space<semaphore_mem>>) src(%dma_wait3A_505 : memref<128x16xf32, #tpu.memory_space<vmem>>) dst(%dma_wait3A_510 : memref<10112x16xf32, #tpu.memory_space<vmem_shared>>)
      } else {
      }
      %add3A_466 = arith.constant 4 : i32
      %add3A_467 = arith.addi %add3A_460, %add3A_466 : i32
      %lt3A_468 = arith.constant 80 : i32
      %lt3A_469 = arith.cmpi slt, %add3A_467, %lt3A_468 : i32
      %convert_element_type3A_470 = arith.extui %lt3A_469 : i1 to i32
      %cond3A_471 = arith.constant 0 : i32
      %cond3A_472 = arith.cmpi ne, %convert_element_type3A_470, %cond3A_471 : i32
      scf.if %cond3A_472 {
        %add3A_500 = arith.constant 4 : i32
        %add3A_501 = arith.addi %add3A_460, %add3A_500 : i32
        %mul3A_502 = arith.constant 128 : i32
        %mul3A_503 = arith.muli %add3A_501, %mul3A_502 : i32
        %dma_start3A_504 = arith.constant 3 : i32
        %dma_start3A_505 = arith.constant 3 : i32
        %dma_start3A_506 = arith.constant 0 : i32
        %dma_start3A_507 = arith.constant 0 : i32
        %dma_start3A_508 = tpu.memref_slice %arg8[%dma_start3A_504, %dma_start3A_506, %dma_start3A_507] : memref<8x128x16xf32, #tpu.memory_space<vmem>> -> memref<1x128x16xf32, #tpu.memory_space<vmem>>
        %dma_start3A_509 = tpu.memref_squeeze %dma_start3A_508 : memref<1x128x16xf32, #tpu.memory_space<vmem>> -> memref<128x16xf32, #tpu.memory_space<vmem>>
        %dma_start3A_510 = tpu.memref_slice %arg6[%mul3A_503] : memref<10240xi32, #tpu.memory_space<vmem>> -> memref<128xi32, #tpu.memory_space<vmem>>
        %dma_start3A_511 = arith.constant 0 : i32
        %dma_start3A_512 = arith.constant 0 : i32
        %dma_start3A_513 = tpu.memref_slice %arg2[%dma_start3A_511, %dma_start3A_512] : memref<10000x16xf32, #tpu.memory_space<hbm>> -> memref<10000x16xf32, #tpu.memory_space<hbm>>
        %dma_start3A_514 = tpu.memref_slice %arg11[%dma_start3A_505] : memref<8x!tpu.dma_semaphore, #tpu.memory_space<semaphore_mem>> -> memref<1x!tpu.dma_semaphore, #tpu.memory_space<semaphore_mem>>
        %dma_start3A_515 = tpu.memref_squeeze %dma_start3A_514 : memref<1x!tpu.dma_semaphore, #tpu.memory_space<semaphore_mem>> -> memref<!tpu.dma_semaphore, #tpu.memory_space<semaphore_mem>>
        tpu.enqueue_indirect_dma source(%dma_start3A_513 : memref<10000x16xf32, #tpu.memory_space<hbm>>) target(%dma_start3A_509 : memref<128x16xf32, #tpu.memory_space<vmem>>) offsets(%dma_start3A_510 : memref<128xi32, #tpu.memory_space<vmem>>) semaphore(%dma_start3A_515 : memref<!tpu.dma_semaphore, #tpu.memory_space<semaphore_mem>>)
      } else {
      }
      %dma_wait3A_473 = arith.constant 7 : i32
      %dma_wait3A_474 = arith.constant 7 : i32
      %dma_wait3A_475 = arith.constant 0 : i32
      %dma_wait3A_476 = arith.constant 0 : i32
      %dma_wait3A_477 = tpu.memref_slice %arg8[%dma_wait3A_473, %dma_wait3A_475, %dma_wait3A_476] : memref<8x128x16xf32, #tpu.memory_space<vmem>> -> memref<1x128x16xf32, #tpu.memory_space<vmem>>
      %dma_wait3A_478 = tpu.memref_squeeze %dma_wait3A_477 : memref<1x128x16xf32, #tpu.memory_space<vmem>> -> memref<128x16xf32, #tpu.memory_space<vmem>>
      %dma_wait3A_479 = arith.constant 0 : i32
      %dma_wait3A_480 = tpu.memref_slice %arg6[%dma_wait3A_479] : memref<10240xi32, #tpu.memory_space<vmem>> -> memref<128xi32, #tpu.memory_space<vmem>>
      %dma_wait3A_481 = arith.constant 0 : i32
      %dma_wait3A_482 = arith.constant 0 : i32
      %dma_wait3A_483 = tpu.memref_slice %arg2[%dma_wait3A_481, %dma_wait3A_482] : memref<10000x16xf32, #tpu.memory_space<hbm>> -> memref<10000x16xf32, #tpu.memory_space<hbm>>
      %dma_wait3A_484 = tpu.memref_slice %arg11[%dma_wait3A_474] : memref<8x!tpu.dma_semaphore, #tpu.memory_space<semaphore_mem>> -> memref<1x!tpu.dma_semaphore, #tpu.memory_space<semaphore_mem>>
      %dma_wait3A_485 = tpu.memref_squeeze %dma_wait3A_484 : memref<1x!tpu.dma_semaphore, #tpu.memory_space<semaphore_mem>> -> memref<!tpu.dma_semaphore, #tpu.memory_space<semaphore_mem>>
      tpu.wait_indirect_dma semaphore(%dma_wait3A_485 : memref<!tpu.dma_semaphore, #tpu.memory_space<semaphore_mem>>) src(%dma_wait3A_483 : memref<10000x16xf32, #tpu.memory_space<hbm>>) dst(%dma_wait3A_478 : memref<128x16xf32, #tpu.memory_space<vmem>>)
      %mul3A_486 = arith.constant 128 : i32
      %mul3A_487 = arith.muli %add3A_460, %mul3A_486 : i32
      %dma_start3A_488 = arith.constant 7 : i32
      %dma_start3A_489 = arith.constant 7 : i32
      %dma_start3A_490 = arith.constant 0 : i32
      %dma_start3A_491 = arith.constant 0 : i32
      %dma_start3A_492 = tpu.memref_slice %arg8[%dma_start3A_488, %dma_start3A_490, %dma_start3A_491] : memref<8x128x16xf32, #tpu.memory_space<vmem>> -> memref<1x128x16xf32, #tpu.memory_space<vmem>>
      %dma_start3A_493 = tpu.memref_squeeze %dma_start3A_492 : memref<1x128x16xf32, #tpu.memory_space<vmem>> -> memref<128x16xf32, #tpu.memory_space<vmem>>
      %dma_start3A_494 = tpu.memref_slice %arg7[%mul3A_487] : memref<10240xi32, #tpu.memory_space<vmem>> -> memref<128xi32, #tpu.memory_space<vmem>>
      %dma_start3A_495 = arith.constant 0 : i32
      %dma_start3A_496 = arith.constant 0 : i32
      %dma_start3A_497 = tpu.memref_slice %arg10[%dma_start3A_495, %dma_start3A_496] : memref<10112x16xf32, #tpu.memory_space<vmem_shared>> -> memref<10112x16xf32, #tpu.memory_space<vmem_shared>>
      %dma_start3A_498 = tpu.memref_slice %arg12[%dma_start3A_489] : memref<8x!tpu.dma_semaphore, #tpu.memory_space<semaphore_mem>> -> memref<1x!tpu.dma_semaphore, #tpu.memory_space<semaphore_mem>>
      %dma_start3A_499 = tpu.memref_squeeze %dma_start3A_498 : memref<1x!tpu.dma_semaphore, #tpu.memory_space<semaphore_mem>> -> memref<!tpu.dma_semaphore, #tpu.memory_space<semaphore_mem>>
      tpu.enqueue_indirect_dma source(%dma_start3A_493 : memref<128x16xf32, #tpu.memory_space<vmem>>) target(%dma_start3A_497 : memref<10112x16xf32, #tpu.memory_space<vmem_shared>>) offsets(%dma_start3A_494 : memref<128xi32, #tpu.memory_space<vmem>>) semaphore(%dma_start3A_499 : memref<!tpu.dma_semaphore, #tpu.memory_space<semaphore_mem>>) {add = true}
    }
    %scan3A_113 = arith.constant 10 : i32
    %dma_wait3A_114 = arith.constant 4 : i32
    %dma_wait3A_115 = arith.constant 4 : i32
    %dma_wait3A_116 = arith.constant 0 : i32
    %dma_wait3A_117 = arith.constant 0 : i32
    %dma_wait3A_118 = tpu.memref_slice %arg8[%dma_wait3A_114, %dma_wait3A_116, %dma_wait3A_117] : memref<8x128x16xf32, #tpu.memory_space<vmem>> -> memref<1x128x16xf32, #tpu.memory_space<vmem>>
    %dma_wait3A_119 = tpu.memref_squeeze %dma_wait3A_118 : memref<1x128x16xf32, #tpu.memory_space<vmem>> -> memref<128x16xf32, #tpu.memory_space<vmem>>
    %dma_wait3A_120 = arith.constant 0 : i32
    %dma_wait3A_121 = tpu.memref_slice %arg7[%dma_wait3A_120] : memref<10240xi32, #tpu.memory_space<vmem>> -> memref<128xi32, #tpu.memory_space<vmem>>
    %dma_wait3A_122 = arith.constant 0 : i32
    %dma_wait3A_123 = arith.constant 0 : i32
    %dma_wait3A_124 = tpu.memref_slice %arg10[%dma_wait3A_122, %dma_wait3A_123] : memref<10112x16xf32, #tpu.memory_space<vmem_shared>> -> memref<10112x16xf32, #tpu.memory_space<vmem_shared>>
    %dma_wait3A_125 = tpu.memref_slice %arg12[%dma_wait3A_115] : memref<8x!tpu.dma_semaphore, #tpu.memory_space<semaphore_mem>> -> memref<1x!tpu.dma_semaphore, #tpu.memory_space<semaphore_mem>>
    %dma_wait3A_126 = tpu.memref_squeeze %dma_wait3A_125 : memref<1x!tpu.dma_semaphore, #tpu.memory_space<semaphore_mem>> -> memref<!tpu.dma_semaphore, #tpu.memory_space<semaphore_mem>>
    tpu.wait_indirect_dma semaphore(%dma_wait3A_126 : memref<!tpu.dma_semaphore, #tpu.memory_space<semaphore_mem>>) src(%dma_wait3A_119 : memref<128x16xf32, #tpu.memory_space<vmem>>) dst(%dma_wait3A_124 : memref<10112x16xf32, #tpu.memory_space<vmem_shared>>)
    %dma_wait3A_127 = arith.constant 5 : i32
    %dma_wait3A_128 = arith.constant 5 : i32
    %dma_wait3A_129 = arith.constant 0 : i32
    %dma_wait3A_130 = arith.constant 0 : i32
    %dma_wait3A_131 = tpu.memref_slice %arg8[%dma_wait3A_127, %dma_wait3A_129, %dma_wait3A_130] : memref<8x128x16xf32, #tpu.memory_space<vmem>> -> memref<1x128x16xf32, #tpu.memory_space<vmem>>
    %dma_wait3A_132 = tpu.memref_squeeze %dma_wait3A_131 : memref<1x128x16xf32, #tpu.memory_space<vmem>> -> memref<128x16xf32, #tpu.memory_space<vmem>>
    %dma_wait3A_133 = arith.constant 0 : i32
    %dma_wait3A_134 = tpu.memref_slice %arg7[%dma_wait3A_133] : memref<10240xi32, #tpu.memory_space<vmem>> -> memref<128xi32, #tpu.memory_space<vmem>>
    %dma_wait3A_135 = arith.constant 0 : i32
    %dma_wait3A_136 = arith.constant 0 : i32
    %dma_wait3A_137 = tpu.memref_slice %arg10[%dma_wait3A_135, %dma_wait3A_136] : memref<10112x16xf32, #tpu.memory_space<vmem_shared>> -> memref<10112x16xf32, #tpu.memory_space<vmem_shared>>
    %dma_wait3A_138 = tpu.memref_slice %arg12[%dma_wait3A_128] : memref<8x!tpu.dma_semaphore, #tpu.memory_space<semaphore_mem>> -> memref<1x!tpu.dma_semaphore, #tpu.memory_space<semaphore_mem>>
    %dma_wait3A_139 = tpu.memref_squeeze %dma_wait3A_138 : memref<1x!tpu.dma_semaphore, #tpu.memory_space<semaphore_mem>> -> memref<!tpu.dma_semaphore, #tpu.memory_space<semaphore_mem>>
    tpu.wait_indirect_dma semaphore(%dma_wait3A_139 : memref<!tpu.dma_semaphore, #tpu.memory_space<semaphore_mem>>) src(%dma_wait3A_132 : memref<128x16xf32, #tpu.memory_space<vmem>>) dst(%dma_wait3A_137 : memref<10112x16xf32, #tpu.memory_space<vmem_shared>>)
    %dma_wait3A_140 = arith.constant 6 : i32
    %dma_wait3A_141 = arith.constant 6 : i32
    %dma_wait3A_142 = arith.constant 0 : i32
    %dma_wait3A_143 = arith.constant 0 : i32
    %dma_wait3A_144 = tpu.memref_slice %arg8[%dma_wait3A_140, %dma_wait3A_142, %dma_wait3A_143] : memref<8x128x16xf32, #tpu.memory_space<vmem>> -> memref<1x128x16xf32, #tpu.memory_space<vmem>>
    %dma_wait3A_145 = tpu.memref_squeeze %dma_wait3A_144 : memref<1x128x16xf32, #tpu.memory_space<vmem>> -> memref<128x16xf32, #tpu.memory_space<vmem>>
    %dma_wait3A_146 = arith.constant 0 : i32
    %dma_wait3A_147 = tpu.memref_slice %arg7[%dma_wait3A_146] : memref<10240xi32, #tpu.memory_space<vmem>> -> memref<128xi32, #tpu.memory_space<vmem>>
    %dma_wait3A_148 = arith.constant 0 : i32
    %dma_wait3A_149 = arith.constant 0 : i32
    %dma_wait3A_150 = tpu.memref_slice %arg10[%dma_wait3A_148, %dma_wait3A_149] : memref<10112x16xf32, #tpu.memory_space<vmem_shared>> -> memref<10112x16xf32, #tpu.memory_space<vmem_shared>>
    %dma_wait3A_151 = tpu.memref_slice %arg12[%dma_wait3A_141] : memref<8x!tpu.dma_semaphore, #tpu.memory_space<semaphore_mem>> -> memref<1x!tpu.dma_semaphore, #tpu.memory_space<semaphore_mem>>
    %dma_wait3A_152 = tpu.memref_squeeze %dma_wait3A_151 : memref<1x!tpu.dma_semaphore, #tpu.memory_space<semaphore_mem>> -> memref<!tpu.dma_semaphore, #tpu.memory_space<semaphore_mem>>
    tpu.wait_indirect_dma semaphore(%dma_wait3A_152 : memref<!tpu.dma_semaphore, #tpu.memory_space<semaphore_mem>>) src(%dma_wait3A_145 : memref<128x16xf32, #tpu.memory_space<vmem>>) dst(%dma_wait3A_150 : memref<10112x16xf32, #tpu.memory_space<vmem_shared>>)
    %dma_wait3A_153 = arith.constant 7 : i32
    %dma_wait3A_154 = arith.constant 7 : i32
    %dma_wait3A_155 = arith.constant 0 : i32
    %dma_wait3A_156 = arith.constant 0 : i32
    %dma_wait3A_157 = tpu.memref_slice %arg8[%dma_wait3A_153, %dma_wait3A_155, %dma_wait3A_156] : memref<8x128x16xf32, #tpu.memory_space<vmem>> -> memref<1x128x16xf32, #tpu.memory_space<vmem>>
    %dma_wait3A_158 = tpu.memref_squeeze %dma_wait3A_157 : memref<1x128x16xf32, #tpu.memory_space<vmem>> -> memref<128x16xf32, #tpu.memory_space<vmem>>
    %dma_wait3A_159 = arith.constant 0 : i32
    %dma_wait3A_160 = tpu.memref_slice %arg7[%dma_wait3A_159] : memref<10240xi32, #tpu.memory_space<vmem>> -> memref<128xi32, #tpu.memory_space<vmem>>
    %dma_wait3A_161 = arith.constant 0 : i32
    %dma_wait3A_162 = arith.constant 0 : i32
    %dma_wait3A_163 = tpu.memref_slice %arg10[%dma_wait3A_161, %dma_wait3A_162] : memref<10112x16xf32, #tpu.memory_space<vmem_shared>> -> memref<10112x16xf32, #tpu.memory_space<vmem_shared>>
    %dma_wait3A_164 = tpu.memref_slice %arg12[%dma_wait3A_154] : memref<8x!tpu.dma_semaphore, #tpu.memory_space<semaphore_mem>> -> memref<1x!tpu.dma_semaphore, #tpu.memory_space<semaphore_mem>>
    %dma_wait3A_165 = tpu.memref_squeeze %dma_wait3A_164 : memref<1x!tpu.dma_semaphore, #tpu.memory_space<semaphore_mem>> -> memref<!tpu.dma_semaphore, #tpu.memory_space<semaphore_mem>>
    tpu.wait_indirect_dma semaphore(%dma_wait3A_165 : memref<!tpu.dma_semaphore, #tpu.memory_space<semaphore_mem>>) src(%dma_wait3A_158 : memref<128x16xf32, #tpu.memory_space<vmem>>) dst(%dma_wait3A_163 : memref<10112x16xf32, #tpu.memory_space<vmem_shared>>)
    %barrier3A_166 = arith.constant 0 : index
    tpu.barrier barrier_id(%barrier3A_166)
    %mul3A_167 = arith.constant 632 : i32
    %mul3A_168 = arith.muli %arg1, %mul3A_167 : i32
    "tpu.region"() ({
      %run_scoped3A = tpu.sem_alloc : memref<!tpu.dma_semaphore, #tpu.memory_space<semaphore_mem>>
      %dma_start3A_171 = arith.constant 0 : i32
      %dma_start3A_172 = tpu.memref_slice %arg10[%mul3A_168, %dma_start3A_171] : memref<10112x16xf32, #tpu.memory_space<vmem_shared>> -> memref<632x16xf32, #tpu.memory_space<vmem_shared>>
      %dma_start3A_173 = arith.constant 0 : i32
      %dma_start3A_174 = tpu.memref_slice %arg10[%mul3A_168, %dma_start3A_173] : memref<10112x16xf32, #tpu.memory_space<vmem_shared>> -> memref<632x16xf32, #tpu.memory_space<vmem_shared>>
      tpu.enqueue_dma source(%dma_start3A_174 : memref<632x16xf32, #tpu.memory_space<vmem_shared>>) target(%arg9 : memref<632x16xf32, #tpu.memory_space<vmem>>) target_semaphore(%run_scoped3A : memref<!tpu.dma_semaphore, #tpu.memory_space<semaphore_mem>>)
      %dma_wait3A_175 = arith.constant 0 : i32
      %dma_wait3A_176 = tpu.memref_slice %arg10[%mul3A_168, %dma_wait3A_175] : memref<10112x16xf32, #tpu.memory_space<vmem_shared>> -> memref<632x16xf32, #tpu.memory_space<vmem_shared>>
      %dma_wait3A_177 = arith.constant 0 : i32
      %dma_wait3A_178 = tpu.memref_slice %arg10[%mul3A_168, %dma_wait3A_177] : memref<10112x16xf32, #tpu.memory_space<vmem_shared>> -> memref<632x16xf32, #tpu.memory_space<vmem_shared>>
      tpu.wait_dma2 semaphore(%run_scoped3A : memref<!tpu.dma_semaphore, #tpu.memory_space<semaphore_mem>>) src(%dma_wait3A_178 : memref<632x16xf32, #tpu.memory_space<vmem_shared>>) dst(%arg9 : memref<632x16xf32, #tpu.memory_space<vmem>>)
      tpu.yield
    }) : () -> ()
    %mul3A_169 = arith.constant 632 : i32
    %mul3A_170 = arith.muli %arg1, %mul3A_169 : i32
    "tpu.region"() ({
      %run_scoped3A = tpu.sem_alloc : memref<!tpu.dma_semaphore, #tpu.memory_space<semaphore_mem>>
      %dma_start3A_171 = arith.constant 0 : i32
      %dma_start3A_172 = tpu.memref_slice %arg5[%arg0, %mul3A_170, %dma_start3A_171] : memref<2x10112x16xf32, #tpu.memory_space<hbm>> -> memref<1x632x16xf32, #tpu.memory_space<hbm>>
      %dma_start3A_173 = tpu.memref_squeeze %dma_start3A_172 : memref<1x632x16xf32, #tpu.memory_space<hbm>> -> memref<632x16xf32, #tpu.memory_space<hbm>>
      %dma_start3A_174 = arith.constant 0 : i32
      %dma_start3A_175 = tpu.memref_slice %arg5[%arg0, %mul3A_170, %dma_start3A_174] : memref<2x10112x16xf32, #tpu.memory_space<hbm>> -> memref<1x632x16xf32, #tpu.memory_space<hbm>>
      %dma_start3A_176 = tpu.memref_squeeze %dma_start3A_175 : memref<1x632x16xf32, #tpu.memory_space<hbm>> -> memref<632x16xf32, #tpu.memory_space<hbm>>
      tpu.enqueue_dma source(%arg9 : memref<632x16xf32, #tpu.memory_space<vmem>>) target(%dma_start3A_176 : memref<632x16xf32, #tpu.memory_space<hbm>>) target_semaphore(%run_scoped3A : memref<!tpu.dma_semaphore, #tpu.memory_space<semaphore_mem>>)
      %dma_wait3A_177 = arith.constant 0 : i32
      %dma_wait3A_178 = tpu.memref_slice %arg5[%arg0, %mul3A_170, %dma_wait3A_177] : memref<2x10112x16xf32, #tpu.memory_space<hbm>> -> memref<1x632x16xf32, #tpu.memory_space<hbm>>
      %dma_wait3A_179 = tpu.memref_squeeze %dma_wait3A_178 : memref<1x632x16xf32, #tpu.memory_space<hbm>> -> memref<632x16xf32, #tpu.memory_space<hbm>>
      %dma_wait3A_180 = arith.constant 0 : i32
      %dma_wait3A_181 = tpu.memref_slice %arg5[%arg0, %mul3A_170, %dma_wait3A_180] : memref<2x10112x16xf32, #tpu.memory_space<hbm>> -> memref<1x632x16xf32, #tpu.memory_space<hbm>>
      %dma_wait3A_182 = tpu.memref_squeeze %dma_wait3A_181 : memref<1x632x16xf32, #tpu.memory_space<hbm>> -> memref<632x16xf32, #tpu.memory_space<hbm>>
      tpu.wait_dma2 semaphore(%run_scoped3A : memref<!tpu.dma_semaphore, #tpu.memory_space<semaphore_mem>>) src(%arg9 : memref<632x16xf32, #tpu.memory_space<vmem>>) dst(%dma_wait3A_182 : memref<632x16xf32, #tpu.memory_space<hbm>>)
      tpu.yield
    }) : () -> ()
    return
  }
}

module attributes {stable_mosaic.version = 14 : i64} {
  func.func @body(%arg0: memref<2x320000xi32, #tpu.memory_space<vmem>>, %arg1: memref<320000xi32, #tpu.memory_space<vmem>>, %arg2: memref<320000xi32, #tpu.memory_space<vmem>>) attributes {dimension_semantics = [], scalar_prefetch = 0 : i64, scratch_operands = 0 : i64, tpu.core_type = #tpu.core_type<tc>} {
    %get3A = arith.constant 0 : index
    %get3A_0 = arith.constant 0 : index
    %get3A_1 = vector.load %arg0[%get3A, %get3A_0] : memref<2x320000xi32, #tpu.memory_space<vmem>>, vector<1x320000xi32>
    %get3A_2 = vector.shape_cast %get3A_1 : vector<1x320000xi32> to vector<320000xi32>
    %swap3A = arith.constant 0 : index
    %swap3A_3 = vector.load %arg1[%swap3A] : memref<320000xi32, #tpu.memory_space<vmem>>, vector<320000xi32>
    tpu.vector_store %arg1[%swap3A], %get3A_2 {strides = array<i32>} : memref<320000xi32, #tpu.memory_space<vmem>>, vector<320000xi32>,
    %get3A_4 = arith.constant 1 : index
    %get3A_5 = arith.constant 0 : index
    %get3A_6 = vector.load %arg0[%get3A_4, %get3A_5] : memref<2x320000xi32, #tpu.memory_space<vmem>>, vector<1x320000xi32>
    %get3A_7 = vector.shape_cast %get3A_6 : vector<1x320000xi32> to vector<320000xi32>
    %swap3A_8 = arith.constant 0 : index
    %swap3A_9 = vector.load %arg2[%swap3A_8] : memref<320000xi32, #tpu.memory_space<vmem>>, vector<320000xi32>
    tpu.vector_store %arg2[%swap3A_8], %get3A_7 {strides = array<i32>} : memref<320000xi32, #tpu.memory_space<vmem>>, vector<320000xi32>,
    return
  }
}

module attributes {stable_mosaic.version = 14 : i64} {
  func.func @body(%arg0: memref<10000x128xf32, #tpu.memory_space<vmem>>, %arg1: memref<128x16xf32, #tpu.memory_space<vmem>>, %arg2: memref<32x10112xf32, #tpu.memory_space<vmem>>, %arg3: memref<10112x16xf32, #tpu.memory_space<vmem>>, %arg4: memref<10000x16xf32, #tpu.memory_space<vmem>>) attributes {dimension_semantics = [], scalar_prefetch = 0 : i64, scratch_operands = 0 : i64, tpu.core_type = #tpu.core_type<tc>} {
    %get3A = arith.constant 0 : index
    %get3A_0 = arith.constant 0 : index
    %get3A_1 = vector.load %arg2[%get3A, %get3A_0] : memref<32x10112xf32, #tpu.memory_space<vmem>>, vector<32x10112xf32>
    %reduce_sum3A = arith.constant dense<0.000000e+00> : vector<10112xf32>
    %reduce_sum3A_2 = vector.multi_reduction <add>, %get3A_1, %reduce_sum3A [0] : vector<32x10112xf32> to vector<10112xf32>
    %add3A = arith.constant 1.000000e+00 : f32
    %add3A_3 = vector.broadcast %add3A : f32 to vector<10112xf32>
    %add3A_4 = arith.addf %reduce_sum3A_2, %add3A_3 : vector<10112xf32>
    %rsqrt3A = math.rsqrt %add3A_4 : vector<10112xf32>
    %broadcast_in_dim3A = vector.shape_cast %rsqrt3A : vector<10112xf32> to vector<10112x1xf32>
    %broadcast_in_dim3A_5 = vector.shape_cast %broadcast_in_dim3A : vector<10112x1xf32> to vector<10112x1xf32>
    %broadcast_in_dim3A_6 = vector.broadcast %broadcast_in_dim3A_5 : vector<10112x1xf32> to vector<10112x16xf32>
    %swap3A = arith.constant 0 : index
    %swap3A_7 = arith.constant 0 : index
    %swap3A_8 = vector.load %arg3[%swap3A, %swap3A_7] : memref<10112x16xf32, #tpu.memory_space<vmem>>, vector<10112x16xf32>
    tpu.vector_store %arg3[%swap3A, %swap3A_7], %broadcast_in_dim3A_6 {strides = array<i32>} : memref<10112x16xf32, #tpu.memory_space<vmem>>, vector<10112x16xf32>,
    %get3A_9 = arith.constant 0 : index
    %get3A_10 = arith.constant 0 : index
    %get3A_11 = vector.load %arg0[%get3A_9, %get3A_10] : memref<10000x128xf32, #tpu.memory_space<vmem>>, vector<10000x128xf32>
    %convert_element_type3A = arith.truncf %get3A_11 : vector<10000x128xf32> to vector<10000x128xbf16>
    %get3A_12 = arith.constant 0 : index
    %get3A_13 = arith.constant 0 : index
    %get3A_14 = vector.load %arg1[%get3A_12, %get3A_13] : memref<128x16xf32, #tpu.memory_space<vmem>>, vector<128x16xf32>
    %convert_element_type3A_15 = arith.truncf %get3A_14 : vector<128x16xf32> to vector<128x16xbf16>
    %dot_general3A = arith.constant dense<0.000000e+00> : vector<10000x16xf32>
    %dot_general3A_16 = tpu.matmul %convert_element_type3A, %convert_element_type3A_15, %dot_general3A {dimension_numbers = #tpu.dot_dimension_numbers<[1], [0], [0], [1], [0, 0, 1, 1], [], []>, transpose_lhs_hint = false} : vector<10000x128xbf16>, vector<128x16xbf16>, vector<10000x16xf32> -> vector<10000x16xf32>
    %slice3A = vector.extract_strided_slice %broadcast_in_dim3A_6 {offsets = [0, 0], sizes = [10000, 16], strides = [1, 1]} : vector<10112x16xf32> to vector<10000x16xf32>
    %mul3A = arith.mulf %dot_general3A_16, %slice3A : vector<10000x16xf32>
    %swap3A_17 = arith.constant 0 : index
    %swap3A_18 = arith.constant 0 : index
    %swap3A_19 = vector.load %arg4[%swap3A_17, %swap3A_18] : memref<10000x16xf32, #tpu.memory_space<vmem>>, vector<10000x16xf32>
    tpu.vector_store %arg4[%swap3A_17, %swap3A_18], %mul3A {strides = array<i32>} : memref<10000x16xf32, #tpu.memory_space<vmem>>, vector<10000x16xf32>,
    return
  }
}

module attributes {stable_mosaic.version = 14 : i64} {
  func.func @body(%arg0: memref<2x10112x16xf32, #tpu.memory_space<vmem>>, %arg1: memref<10000x16xf32, #tpu.memory_space<vmem>>, %arg2: memref<10112x16xf32, #tpu.memory_space<vmem>>, %arg3: memref<1x16xf32, #tpu.memory_space<vmem>>, %arg4: memref<16x40xf32, #tpu.memory_space<vmem>>, %arg5: memref<1x40xf32, #tpu.memory_space<vmem>>, %arg6: memref<10000x40xf32, #tpu.memory_space<vmem>>) attributes {dimension_semantics = [], scalar_prefetch = 0 : i64, scratch_operands = 0 : i64, tpu.core_type = #tpu.core_type<tc>} {
    %get3A = arith.constant 0 : index
    %get3A_0 = arith.constant 0 : index
    %get3A_1 = arith.constant 0 : index
    %get3A_2 = vector.load %arg0[%get3A, %get3A_0, %get3A_1] : memref<2x10112x16xf32, #tpu.memory_space<vmem>>, vector<1x10000x16xf32>
    %get3A_3 = vector.shape_cast %get3A_2 : vector<1x10000x16xf32> to vector<10000x16xf32>
    %get3A_4 = arith.constant 1 : index
    %get3A_5 = arith.constant 0 : index
    %get3A_6 = arith.constant 0 : index
    %get3A_7 = vector.load %arg0[%get3A_4, %get3A_5, %get3A_6] : memref<2x10112x16xf32, #tpu.memory_space<vmem>>, vector<1x10000x16xf32>
    %get3A_8 = vector.shape_cast %get3A_7 : vector<1x10000x16xf32> to vector<10000x16xf32>
    %add3A = arith.addf %get3A_3, %get3A_8 : vector<10000x16xf32>
    %get3A_9 = arith.constant 0 : index
    %get3A_10 = arith.constant 0 : index
    %get3A_11 = vector.load %arg1[%get3A_9, %get3A_10] : memref<10000x16xf32, #tpu.memory_space<vmem>>, vector<10000x16xf32>
    %add3A_12 = arith.addf %add3A, %get3A_11 : vector<10000x16xf32>
    %get3A_13 = arith.constant 0 : index
    %get3A_14 = arith.constant 0 : index
    %get3A_15 = vector.load %arg2[%get3A_13, %get3A_14] : memref<10112x16xf32, #tpu.memory_space<vmem>>, vector<10000x16xf32>
    %mul3A = arith.mulf %get3A_15, %add3A_12 : vector<10000x16xf32>
    %get3A_16 = arith.constant 0 : index
    %get3A_17 = arith.constant 0 : index
    %get3A_18 = vector.load %arg3[%get3A_16, %get3A_17] : memref<1x16xf32, #tpu.memory_space<vmem>>, vector<1x16xf32>
    %add3A_19 = vector.broadcast %get3A_18 : vector<1x16xf32> to vector<10000x16xf32>
    %add3A_20 = arith.addf %mul3A, %add3A_19 : vector<10000x16xf32>
    %max3A = arith.constant 0.000000e+00 : f32
    %max3A_21 = vector.broadcast %max3A : f32 to vector<10000x16xf32>
    %max3A_22 = arith.maximumf %add3A_20, %max3A_21 : vector<10000x16xf32>
    %convert_element_type3A = arith.truncf %max3A_22 : vector<10000x16xf32> to vector<10000x16xbf16>
    %get3A_23 = arith.constant 0 : index
    %get3A_24 = arith.constant 0 : index
    %get3A_25 = vector.load %arg4[%get3A_23, %get3A_24] : memref<16x40xf32, #tpu.memory_space<vmem>>, vector<16x40xf32>
    %convert_element_type3A_26 = arith.truncf %get3A_25 : vector<16x40xf32> to vector<16x40xbf16>
    %dot_general3A = arith.constant dense<0.000000e+00> : vector<10000x40xf32>
    %dot_general3A_27 = tpu.matmul %convert_element_type3A, %convert_element_type3A_26, %dot_general3A {dimension_numbers = #tpu.dot_dimension_numbers<[1], [0], [0], [1], [0, 0, 1, 1], [], []>, transpose_lhs_hint = false} : vector<10000x16xbf16>, vector<16x40xbf16>, vector<10000x40xf32> -> vector<10000x40xf32>
    %get3A_28 = arith.constant 0 : index
    %get3A_29 = arith.constant 0 : index
    %get3A_30 = vector.load %arg5[%get3A_28, %get3A_29] : memref<1x40xf32, #tpu.memory_space<vmem>>, vector<1x40xf32>
    %add3A_31 = vector.broadcast %get3A_30 : vector<1x40xf32> to vector<10000x40xf32>
    %add3A_32 = arith.addf %dot_general3A_27, %add3A_31 : vector<10000x40xf32>
    %reduce_max3A = arith.constant dense<0xFF800000> : vector<10000xf32>
    %reduce_max3A_33 = vector.multi_reduction <maximumf>, %add3A_32, %reduce_max3A [1] : vector<10000x40xf32> to vector<10000xf32>
    %broadcast_in_dim3A = vector.shape_cast %reduce_max3A_33 : vector<10000xf32> to vector<10000x1xf32>
    %sub3A = vector.broadcast %broadcast_in_dim3A : vector<10000x1xf32> to vector<10000x40xf32>
    %sub3A_34 = arith.subf %add3A_32, %sub3A : vector<10000x40xf32>
    %exp3A = math.exp %sub3A_34 : vector<10000x40xf32>
    %reduce_sum3A = arith.constant dense<0.000000e+00> : vector<10000xf32>
    %reduce_sum3A_35 = vector.multi_reduction <add>, %exp3A, %reduce_sum3A [1] : vector<10000x40xf32> to vector<10000xf32>
    %broadcast_in_dim3A_36 = vector.shape_cast %reduce_sum3A_35 : vector<10000xf32> to vector<10000x1xf32>
    %log3A = math.log %broadcast_in_dim3A_36 : vector<10000x1xf32>
    %add3A_37 = arith.addf %broadcast_in_dim3A, %log3A : vector<10000x1xf32>
    %sub3A_38 = vector.broadcast %add3A_37 : vector<10000x1xf32> to vector<10000x40xf32>
    %sub3A_39 = arith.subf %add3A_32, %sub3A_38 : vector<10000x40xf32>
    %swap3A = arith.constant 0 : index
    %swap3A_40 = arith.constant 0 : index
    %swap3A_41 = vector.load %arg6[%swap3A, %swap3A_40] : memref<10000x40xf32, #tpu.memory_space<vmem>>, vector<10000x40xf32>
    tpu.vector_store %arg6[%swap3A, %swap3A_40], %sub3A_39 {strides = array<i32>} : memref<10000x40xf32, #tpu.memory_space<vmem>>, vector<10000x40xf32>,
    return
  }
}

module attributes {stable_mosaic.version = 14 : i64} {
  func.func @body(%arg0: memref<2x10112x16xf32, #tpu.memory_space<vmem>>, %arg1: memref<10000x16xf32, #tpu.memory_space<vmem>>, %arg2: memref<10112x16xf32, #tpu.memory_space<vmem>>, %arg3: memref<16x16xf32, #tpu.memory_space<vmem>>, %arg4: memref<1x16xf32, #tpu.memory_space<vmem>>, %arg5: memref<10000x16xf32, #tpu.memory_space<vmem>>) attributes {dimension_semantics = [], scalar_prefetch = 0 : i64, scratch_operands = 0 : i64, tpu.core_type = #tpu.core_type<tc>} {
    %get3A = arith.constant 0 : index
    %get3A_0 = arith.constant 0 : index
    %get3A_1 = arith.constant 0 : index
    %get3A_2 = vector.load %arg0[%get3A, %get3A_0, %get3A_1] : memref<2x10112x16xf32, #tpu.memory_space<vmem>>, vector<1x10000x16xf32>
    %get3A_3 = vector.shape_cast %get3A_2 : vector<1x10000x16xf32> to vector<10000x16xf32>
    %get3A_4 = arith.constant 1 : index
    %get3A_5 = arith.constant 0 : index
    %get3A_6 = arith.constant 0 : index
    %get3A_7 = vector.load %arg0[%get3A_4, %get3A_5, %get3A_6] : memref<2x10112x16xf32, #tpu.memory_space<vmem>>, vector<1x10000x16xf32>
    %get3A_8 = vector.shape_cast %get3A_7 : vector<1x10000x16xf32> to vector<10000x16xf32>
    %add3A = arith.addf %get3A_3, %get3A_8 : vector<10000x16xf32>
    %get3A_9 = arith.constant 0 : index
    %get3A_10 = arith.constant 0 : index
    %get3A_11 = vector.load %arg1[%get3A_9, %get3A_10] : memref<10000x16xf32, #tpu.memory_space<vmem>>, vector<10000x16xf32>
    %add3A_12 = arith.addf %add3A, %get3A_11 : vector<10000x16xf32>
    %get3A_13 = arith.constant 0 : index
    %get3A_14 = arith.constant 0 : index
    %get3A_15 = vector.load %arg2[%get3A_13, %get3A_14] : memref<10112x16xf32, #tpu.memory_space<vmem>>, vector<10000x16xf32>
    %mul3A = arith.mulf %get3A_15, %add3A_12 : vector<10000x16xf32>
    %get3A_16 = arith.constant 0 : index
    %get3A_17 = arith.constant 0 : index
    %get3A_18 = vector.load %arg4[%get3A_16, %get3A_17] : memref<1x16xf32, #tpu.memory_space<vmem>>, vector<1x16xf32>
    %add3A_19 = vector.broadcast %get3A_18 : vector<1x16xf32> to vector<10000x16xf32>
    %add3A_20 = arith.addf %mul3A, %add3A_19 : vector<10000x16xf32>
    %max3A = arith.constant 0.000000e+00 : f32
    %max3A_21 = vector.broadcast %max3A : f32 to vector<10000x16xf32>
    %max3A_22 = arith.maximumf %add3A_20, %max3A_21 : vector<10000x16xf32>
    %convert_element_type3A = arith.truncf %max3A_22 : vector<10000x16xf32> to vector<10000x16xbf16>
    %get3A_23 = arith.constant 0 : index
    %get3A_24 = arith.constant 0 : index
    %get3A_25 = vector.load %arg3[%get3A_23, %get3A_24] : memref<16x16xf32, #tpu.memory_space<vmem>>, vector<16x16xf32>
    %convert_element_type3A_26 = arith.truncf %get3A_25 : vector<16x16xf32> to vector<16x16xbf16>
    %dot_general3A = arith.constant dense<0.000000e+00> : vector<10000x16xf32>
    %dot_general3A_27 = tpu.matmul %convert_element_type3A, %convert_element_type3A_26, %dot_general3A {dimension_numbers = #tpu.dot_dimension_numbers<[1], [0], [0], [1], [0, 0, 1, 1], [], []>, transpose_lhs_hint = false} : vector<10000x16xbf16>, vector<16x16xbf16>, vector<10000x16xf32> -> vector<10000x16xf32>
    %mul3A_28 = arith.mulf %dot_general3A_27, %get3A_15 : vector<10000x16xf32>
    %swap3A = arith.constant 0 : index
    %swap3A_29 = arith.constant 0 : index
    %swap3A_30 = vector.load %arg5[%swap3A, %swap3A_29] : memref<10000x16xf32, #tpu.memory_space<vmem>>, vector<10000x16xf32>
    tpu.vector_store %arg5[%swap3A, %swap3A_29], %mul3A_28 {strides = array<i32>} : memref<10000x16xf32, #tpu.memory_space<vmem>>, vector<10000x16xf32>,
    return
  }
}

</mosaic_0001>

<sc_bundles>
// kernel: kernel.12.cloned.1.call-start
scs
__scs_entry_jumppad:
0x0: {  	(pc) =	sbr.rel $0x88, $3  }
0x1: {  	(tag) =	ssettag $0x0;
	lr =	simm.s32 $0x1  }
0x2: {  	[smem:$0x3F99] =	sst lr;
	_ =	strace $0xD0000000  }
0x3: {  	_ = 	snop  }
0x4: {  	_ = 	snop  }
0x5: {  	_ = 	snop  }
0x6: {  	_ = 	snop  }
0x7: {  	_ = 	snop  }
__scs_overlays_trampoline_lowered:
0x8: {  	[smem:$0x3FA8] =	sst s0  }
0x9: {  	[smem:$0x3FA9] =	sst s1  }
0xa: {  	[smem:$0x3FAA] =	sst s2  }
0xb: {  	[smem:$0x3FAB] =	sst s3  }
0xc: {  	[smem:$0x3FAC] =	sst s4  }
0xd: {  	[smem:$0x3FAD] =	sst s5  }
0xe: {  	[smem:$0x3FAE] =	sst s6  }
0xf: {  	[smem:$0x3FAF] =	sst s7  }
0x10: {  	[smem:$0x3FB0] =	sst s8  }
0x11: {  	[smem:$0x3FB1] =	sst s9;
	s0 =	simm.s32 @!p0 $0x0  }
0x12: {  	s1 =	sld [smem:$0x3F97];
	s0 =	simm.s32 @p0 $0x1  }
0x13: {  	[smem:$0x3FB2] =	sst s0;
	s0 =	simm.s32 @!p1 $0x0  }
0x14: {  	s2 =	sld [smem:$0x3F96];
	s0 =	simm.s32 @p1 $0x1  }
0x15: {  	[smem:$0x3FB3] =	sst s0;
	s0 =	simm.s32 @!p2 $0x0  }
0x16: {  	s3 =	sld [smem:$0x3FDB];
	s0 =	simm.s32 @p2 $0x1  }
0x17: {  	s4 =	simm.s32 $0x1BF5;
	[smem:$0x3FB5] =	sst s0  }
0x18: {  	s0 =	sld [smem:$0x3F98];
	_ =	swait.ge [sflag:s4], $0x0  }
0x19: {  	s7 =	sld [smem:$0x3F99]  }
0x1a: {  	s8 =	sadd.s32 $0xFFFFE003, lr  }
0x1b: {  	s9 =	sadd.s32 $0xFFFFFEF7, lr;
	s5 =	simm.s32 $0xFFFFFFFF;
	p2 =	slt.u32 s8, $0xFFFFF086  }
0x1c: {  	p1 =	slt.u32 s9, $0xF7A;
	s5 =	simm.s32 @!p2 $0x0  }
0x1d: {  	s5 =	simm.s32 @p1 $0x1;
	p0 =	seq.s32 s7, s2  }
0x1e: {  	s7 =	smul.u32 @!p0 $0xF7A, s2;
	p2 =	seq.s32 @!p0 s5, $0x0  }
0x1f: {  	s9 =	smul.u32 $0xF7A, s1;
	s8 =	simm.s32 @!p0 $0x1BF5;
	p2 =	por !p2, p0  }
0x20: {  	[sflag:s8] =	ssyncset.s32 @!p0 $0xFFFFF086;
	s6 =	sadd.s32 @!p0 s3, s7;
	s7 =	simm.s32 @!p0 $0x108  }
0x21: {  	s3 =	sadd.s32 s3, s9;
	s6 =	sadd.s32 @!p0 $0x88, s6;
	s7 =	simm.s32 @p2 $0x1082  }
0x22: {  	[simem:s7], [sflag:s8] =	dma.local @!p0 [hbm:s6], $0xF7A  }
0x23: {  	s9 =	sor.u32 $0xD0000000, s2;
	s6 =	simm.s32 $0x108;
	_ =	swait.ge @!p0 [sflag:s8], $0x0  }
0x24: {  	s3 =	sadd.s32 $0x88, s3;
	s6 =	simm.s32 @!p1 $0x1082;
	[sflag:s4] =	ssyncset.s32 $0xFFFFF086  }
0x25: {  	[simem:s6], [sflag:s4] =	dma.local [hbm:s3], $0xF7A  }
0x26: {  	[smem:$0x3F99] =	sst s1;
	(tag) =	ssettag s2;
	_ =	strace s9  }
0x27: {  	s1 =	sld [smem:$0x3FA9]  }
0x28: {  	s2 =	sld [smem:$0x3FAA]  }
0x29: {  	s4 =	sld [smem:$0x3FAC]  }
0x2a: {  	p0 =	seq.s32 s5, $0x0;
	s5 =	sld [smem:$0x3FAD]  }
0x2b: {  	s6 =	sld [smem:$0x3FAE]  }
0x2c: {  	s7 =	sld [smem:$0x3FAF]  }
0x2d: {  	s3 =	simm.s32 $0x108;
	s8 =	sld [smem:$0x3FB0]  }
0x2e: {  	s3 =	simm.s32 @!p0 $0x1082;
	s9 =	sld [smem:$0x3FB1]  }
0x2f: {  	lr =	sadd.s32 s0, s3;
	s0 =	sld [smem:$0x3FA8]  }
0x30: {  	s3 =	sld [smem:$0x3FAB]  }
0x31: {  	[smem:$0x3FB4] =	sst s10  }
0x32: {  	s10 =	sld [smem:$0x3FB2];
	_ =	sdelay $0x3  }
0x33: {  	p0 =	seq.s32 s10, $0x1;
	s10 =	sld [smem:$0x3FB4];
	_ =	sdelay $0x3  }
0x34: {  	[smem:$0x3FB4] =	sst s10  }
0x35: {  	s10 =	sld [smem:$0x3FB3];
	_ =	sdelay $0x3  }
0x36: {  	p1 =	seq.s32 s10, $0x1;
	s10 =	sld [smem:$0x3FB4];
	_ =	sdelay $0x3  }
0x37: {  	[smem:$0x3FB4] =	sst s10  }
0x38: {  	s10 =	sld [smem:$0x3FB5]  }
0x39: {  	_ = 	snop;
	(pc) =	sbr.ind lr, $3  }
0x3a: {  	_ = 	snop  }
0x3b: {  	_ = 	snop  }
0x3c: {  	p2 =	seq.s32 s10, $0x1;
	s10 =	sld [smem:$0x3FB4]  }
0x3d: {  	_ =	shalt  }
0x3e: {  	_ =	shalt  }
0x3f: {  	_ =	shalt  }
0x40: {  	_ =	shalt  }
0x41: {  	_ =	shalt  }
0x42: {  	_ =	shalt  }
0x43: {  	_ =	shalt  }
0x44: {  	_ =	shalt  }
0x45: {  	_ =	shalt  }
0x46: {  	_ =	shalt  }
0x47: {  	_ =	shalt  }
0x48: {  	_ =	shalt  }
0x49: {  	_ =	shalt  }
0x4a: {  	_ =	shalt  }
0x4b: {  	_ =	shalt  }
0x4c: {  	_ =	shalt  }
0x4d: {  	_ =	shalt  }
0x4e: {  	_ =	shalt  }
0x4f: {  	_ =	shalt  }
0x50: {  	_ =	shalt  }
0x51: {  	_ =	shalt  }
0x52: {  	_ =	shalt  }
0x53: {  	_ =	shalt  }
0x54: {  	_ =	shalt  }
0x55: {  	_ =	shalt  }
0x56: {  	_ =	shalt  }
0x57: {  	_ =	shalt  }
0x58: {  	_ =	shalt  }
0x59: {  	_ =	shalt  }
0x5a: {  	_ =	shalt  }
0x5b: {  	_ =	shalt  }
0x5c: {  	_ =	shalt  }
0x5d: {  	_ =	shalt  }
0x5e: {  	_ =	shalt  }
0x5f: {  	_ =	shalt  }
0x60: {  	_ =	shalt  }
0x61: {  	_ =	shalt  }
0x62: {  	_ =	shalt  }
0x63: {  	_ =	shalt  }
0x64: {  	_ =	shalt  }
0x65: {  	_ =	shalt  }
0x66: {  	_ =	shalt  }
0x67: {  	_ =	shalt  }
0x68: {  	_ =	shalt  }
0x69: {  	_ =	shalt  }
0x6a: {  	_ =	shalt  }
0x6b: {  	_ =	shalt  }
0x6c: {  	_ =	shalt  }
0x6d: {  	_ =	shalt  }
0x6e: {  	_ =	shalt  }
0x6f: {  	_ =	shalt  }
0x70: {  	_ =	shalt  }
0x71: {  	_ =	shalt  }
0x72: {  	_ =	shalt  }
0x73: {  	_ =	shalt  }
0x74: {  	_ =	shalt  }
0x75: {  	_ =	shalt  }
0x76: {  	_ =	shalt  }
0x77: {  	_ =	shalt  }
0x78: {  	_ =	shalt  }
0x79: {  	_ =	shalt  }
0x7a: {  	_ =	shalt  }
0x7b: {  	_ =	shalt  }
0x7c: {  	_ =	shalt  }
0x7d: {  	_ =	shalt  }
0x7e: {  	_ =	shalt  }
0x7f: {  	_ =	shalt  }
0x80: {  	_ =	shalt  }
0x81: {  	_ =	shalt  }
0x82: {  	_ =	shalt  }
0x83: {  	_ =	shalt  }
0x84: {  	_ =	shalt  }
0x85: {  	_ =	shalt  }
0x86: {  	_ =	shalt  }
0x87: {  	_ =	shalt  }
.Lfunc_end0:
.L_simem_size_0:
called_computation.1_lowered:
.L_overlay_start_0:
0x88: {  	s2 =	sld [smem:$0x3FD9]  }
0x89: {  	s3 =	sld [smem:$0x3FFE];
	_ =	sdelay $0x1  }
0x8a: {  	s1 =	srdreg.scid  }
0x8b: {  	s0 =	sand.u32 $0x1, s1  }
0x8c: {  	s17 =	sshll.u32 s0, $0xA;
	s2 =	sadd.s32 s3, s2  }
0x8d: {  	s2 =	sadd.s32 s2, s17  }
0x8e: {  	[smem:$0x3FC0] =	sst s2  }
0x8f: {  	_ = 	snop  }
0x90: {  	s2 =	sld [smem:$0x3FD0];
	(tm) =	ssettm $0x1  }
0x91: {  	s18 =	sld [smem:$0x3FFB];
	_ =	sdelay $0x3  }
0x92: {  	_ =	strace s18  }
0x93: {  	s3 =	sld [smem:$0x3FFC];
	_ =	sdelay $0x3  }
0x94: {  	_ =	strace s3  }
0x95: {  	s3 =	sld [smem:$0x3FFD];
	_ =	sdelay $0x3  }
0x96: {  	_ =	strace s3  }
0x97: {  	_ =	strace $0x8FFFFFFF  }
0x98: {  	s19 =	sld [smem:$0x3FDB];
	_ =	sdelay $0x1  }
0x99: {  	s4 =	simm.s32 $_scs_section_size  }
0x9a: {  	s5 =	simm.s32 $_size__tile_overlayer_lowered;
	s6 =	simm.s32 $_tile_overlayer_lowered  }
0x9b: {  	s22 =	simm.s32 $0x1BFF;
	s21 =	sshll.u32 s6, $0x1;
	s3 =	sadd.s32 s4, s19  }
0x9c: {  	s7 =	simm.s32 $0x0;
	s20 =	sshll.u32 s5, $0x1;
	s5 =	sadd.s32 s21, s3  }
0x9d: {  	[timem:s7], [sflag:s22] =	dma.local [hbm:s5], s20  }
0x9e: {  	_ =	swait.ge [sflag:s22], s20  }
0x9f: {  	s4 =	ssub.s32 $0x0, s20;
	[sflag:s22] =	ssyncset.done $0x0  }
0xa0: {  	[sflag:s22] =	ssyncadd.s32 s4;
	_ =	sdelay $0x1  }
0xa1: {  	s23 =	simm.s32 $0x1B8B  }
0xa2: {  	_ =	swait.ge [sflag:s23], $0x1  }
0xa3: {  	[sflag:s23] =	ssyncset.done $0x0  }
0xa4: {  	s25 =	simm.s32 $0x1B8E;
	s24 =	sld [smem:$0x3FFE];
	[sflag:s23] =	ssyncadd.s32 $0xFFFFFFFF  }
0xa5: {  	s26 =	simm.s32 $execute0_lowered;
	[smem:$0x3FD2] =	sst s25  }
0xa6: {  	s5 =	sshll.u32 s26, $0x1;
	_ =	strace $0x80000049;
	[dreg:$0x1] =	wrdreg $0xFFFFFFFF  }
0xa7: {  	s28 =	simm.s32 $_size_execute0_lowered;
	s3 =	sadd.s32 s3, s5;
	[dreg:$0x0] =	wrdreg $0x0  }
0xa8: {  	s5 =	sshll.u32 s28, $0x1;
	[dreg:$0x2] =	wrdreg s3  }
0xa9: {  	[dreg:$0x3] =	wrdreg s5  }
0xaa: {  	[dreg:$0x4] =	wrdreg $0xC0  }
0xab: {  	_ =	task [dreg:s7], $0x5FFFF  }
0xac: {  	[dreg:$0x1] =	wrdreg $0xFFFFFFFF  }
0xad: {  	[dreg:$0x0] =	wrdreg $0x60  }
0xae: {  	[dreg:$0x2] =	wrdreg s24  }
0xaf: {  	[dreg:$0x3] =	wrdreg s2  }
0xb0: {  	[dreg:$0x4] =	wrdreg $0xB7800  }
0xb1: {  	[dreg:$0x5] =	wrdreg $0x9  }
0xb2: {  	_ =	task.clear_ibuf [dreg:s7], $0x6FFFF;
	_ =	strace $0x90000049  }
0xb3: {  	s29 =	simm.s32 $0x9;
	_ =	strace $0x8000004B  }
0xb4: {  	_ =	swait.ge [sflag:s29], $0x1  }
0xb5: {  	[sflag:s29] =	ssyncadd.s32 $0xFFFFFFFF  }
0xb6: {  	_ =	strace $0x9000004B  }
0xb7: {  	_ =	sfence  }
0xb8: {  	s30 =	sld [smem:$0x0];
	_ =	sdelay $0x2  }
0xb9: {  	s31 =	sshll.u32 s1, $0xD;
	s1 =	sshrl.u32 s1, $0x2  }
0xba: {  	s3 =	sand.u32 $0x4000, s31;
	s1 =	sadd.s32 s1, s30  }
0xbb: {  	s0 =	sor.u32 s3, s0;
	s1 =	sshll.u32 s1, $0x11  }
0xbc: {  	s0 =	sor.u32 s1, s0  }
0xbd: {  	s0 =	sadd.s32 $0x8F2B, s0  }
0xbe: {  	[sflag:s0] =	ssyncadd.remote.s32 $0x1  }
0xbf: {  	_ =	sfence.sel $0xFFFF  }
0xc0: {  	[dreg:$0x0] =	wrdreg $0xFFFFFFFF;
	(pc) =	sbr.abs _section_cstart, $3  }
0xc1: {  	[dreg:$0x1] =	wrdreg $0xFFFFFFFF  }
0xc2: {  	_ =	task.clear_ibuf [dreg:s7], $0x2FFFF;
	_ =	strace $0x9FFFFFFF  }
0xc3: {  	(tm) =	ssettm $0x7FFFFFFF  }
tec
execute0_lowered:
.L_overlay_start_1:
0x0: {  	(tag) =	ssettag $0x1  }
0x1: {  	s0 =	srdreg.scid;
	s1 =	rddreg [dreg:$0x0]  }
0x2: {  	s6 =	stileid.u32;
	s3 =	rddreg [dreg:$0x1];
	s9 =	simm.s32 $0x0  }
0x3: {  	s10 =	simm.s32 $0x11;
	s13 =	simm.s32 $0x1;
	s14 =	simm.s32 $0x2  }
0x4: {  	s15 =	simm.s32 $0x80;
	s16 =	simm.s32 $0x5000;
	s17 =	simm.s32 $0x5800  }
0x5: {  	s19 =	simm.s32 $0x6000;
	s26 =	simm.s32 $0x7000;
	s31 =	simm.s32 $0x8000  }
0x6: {  	s21 =	simm.s32 $0x6800;
	s22 =	simm.s32 $0x7800;
	s28 =	simm.s32 $0x6  }
0x7: {  	s29 =	simm.s32 $0xB;
	s30 =	simm.s32 $0x8;
	s0 =	sand.u32 $0x1, s0  }
0x8: {  	[smem:$0x7FF] =	sst s9;
	s2 =	sshll.u32 s0, $0x4;
	s7 =	smul.u32 $0x27800, s0  }
0x9: {  	s0 =	ssub.s32 $0x2, s0;
	s4 =	sor.u32 s6, s2;
	s2 =	rddreg [dreg:$0x2]  }
0xa: {  	s6 =	smul.u32 $0x2780, s6;
	_ =	strace $0x8000004A;
	[dreg:$0x4] =	wrdreg s26  }
0xb: {  	s23 =	sshrl.u32 s0, $0x1;
	[dreg:$0x5] =	wrdreg s31;
	s5 =	smul.u32 $0x4E2, s4  }
0xc: {  	s26 =	simm.s32 $0x9;
	s4 =	sadd.s32 $0x16600, s1;
	s0 =	ssub.s32 s0, s23  }
0xd: {  	s23 =	simm.s32 $0x3;
	s0 =	smax.u32 s0, $0x1;
	s1 =	sadd.s32 s5, s1  }
0xe: {  	s7 =	sadd.s32 s6, s7;
	[dreg:$0xa] =	wrdreg s0;
	s24 =	sadd.s32 $0xC800, s1  }
0xf: {  	s25 =	sshrl.u32 s7, $0x3;
	s1 =	sadd.s32 $0x2A00, s1;
	[dreg:$0x6] =	wrdreg s24  }
0x10: {  	s7 =	simm.s32 $0x9000;
	s3 =	sadd.s32 s3, s25;
	[dreg:$0x7] =	wrdreg s1  }
0x11: {  	s25 =	simm.s32 $0x4;
	s1 =	sadd.s32 s6, s2;
	[dreg:$0x9] =	wrdreg s3  }
0x12: {  	v0 =	vimm.s32 $0x0;
	v1 =	vlaneseq.u32;
	v2 =	vimm.f32 $0.0e+00;
	s24 =	simm.s32 $0x8800;
	s3 =	simm.s32 $0x0;
	[dreg:$0x8] =	wrdreg s1  }
.LBB2_1:
0x13: {  	[dreg:$0xb] =	wrdreg s3;
	s3 =	simm.s32 $0x2710  }
0x14: {  	v3 =	vmov s3  }
0x15: {  	v3 =	vshrl.u32 v3, $0x4  }
0x16: {  	v3 =	vmulhi.u32 $0x24924925, v3  }
0x17: {  	s8 =	simm.s32 $0x2720;
	s0 =	rddreg [dreg:$0x6]  }
0x18: {  	[tilespmem:s9], [sflag:$0x1] =	stream.linear.gather [hbm4b:s0+s9], $0x2710, $0x38;
	v4 =	vmov s8;
	v3 =	vmul.u32 $0x70, v3;
	[tilespmem:$0xDF00] =	vst v63  }
0x19: {  	s31 =	rddreg [dreg:$0x7];
	s5 =	simm.s32 $0x2800;
	v5 =	vor.u32 s3, v1;
	v4 =	vshrl.u32 v4, $0x4  }
0x1a: {  	[tilespmem:s5], [sflag:$0x2] =	stream.linear.gather [hbm4b:s31+s9], $0x2710, $0x38;
	v4 =	vmulhi.u32 $0x24924925, v4;
	v3 =	vsub.s32 v5, v3;
	[tilespmem:$0xDF00] =	vst v63  }
0x1b: {  	s5 =	simm.s32 $0x4F10;
	[tilespmem:s3+$0x0] =	vst v0;
	v3 =	vadd.s32 $0x2710, v3  }
0x1c: {  	s6 =	simm.s32 $0x2730;
	[tilespmem:s5+$0x0] =	vst v3;
	v3 =	vmul.u32 $0x70, v4;
	v4 =	vor.u32 s8, v1  }
.LBB2_2:
0x1d: {  	p0 =	sne.s32 s6, $0x27F0  }
0x1e: {  	v5 =	vmov s6;
	v3 =	vsub.s32 v4, v3;
	s3 =	sadd.s32 $0x10, s3;
	s8 =	smov.u32 s6;
	s6 =	sadd.s32 $0x10, s6  }
.Ltmp0:
0x1f: {  	s5 =	sadd.s32 $0x10, s5;
	v4 =	vshrl.u32 v5, $0x4;
	[tilespmem:s3+$0x0] =	vst v0;
	v3 =	vadd.s32 $0x2710, v3;
	(pc) =	sbr.rel @p0 .LBB2_2-.Ltmp0, $3  }
0x20: {  	v4 =	vmulhi.u32 $0x24924925, v4;
	[tilespmem:s5+$0x0] =	vst v3;
	_ =	sdelay $0x1  }
0x21: {  	v3 =	vmul.u32 $0x70, v4  }
0x22: {  	v4 =	vor.u32 s8, v1  }
0x23: {  	v3 =	vsub.s32 v4, v3;
	s3 =	sadd.s32 $0x10, s3  }
0x24: {  	s31 =	sadd.s32 $0x10, s5;
	[tilespmem:s3+$0x0] =	vst v0;
	v3 =	vadd.s32 $0x2710, v3  }
0x25: {  	s5 =	simm.s32 $0x0;
	s3 =	simm.s32 $0x40;
	[tilespmem:s31+$0x0] =	vst v3  }
.LBB2_4:
0x26: {  	p0 =	sne.s32 s3, $0x9DC0;
	[tilespmem:s5+$0x9000] =	vst v2;
	s5 =	smov.u32 s3;
	s3 =	sadd.s32 $0x40, s3  }
.Ltmp1:
0x27: {  	(pc) =	sbr.rel @p0 .LBB2_4-.Ltmp1, $2  }
0x28: {  	_ =	sdelay $0x2  }
0x29: {  	s5 =	sshra.s32 s5, $0x2  }
0x2a: {  	[tilespmem:s5+$0x9000] =	vst v2  }
0x2b: {  	[spmem:s1] =	stream.linear.scatter [tilespmem:s7], [sflag:$0x11], $0x2780, $0x38;
	[tilespmem:$0xDF00] =	vst v63  }
0x2c: {  	_ =	swait.ge [sflag:s10], $0x2780  }
0x2d: {  	[sflag:s10] =	ssyncset.done $0x0  }
0x2e: {  	[sflag:s10] =	ssyncadd.s32 $0xFFFFD880  }
0x2f: {  	_ =	swait.ge [sflag:s13], $0x2710  }
0x30: {  	[sflag:s13] =	ssyncset.done $0x0  }
0x31: {  	[sflag:s13] =	ssyncadd.s32 $0xFFFFD8F0  }
0x32: {  	_ =	swait.ge [sflag:s14], $0x2710  }
0x33: {  	[sflag:s14] =	ssyncset.done $0x0  }
0x34: {  	[sflag:s14] =	ssyncadd.s32 $0xFFFFD8F0  }
0x35: {  	s3 =	simm.s32 $0x0;
	[bflag:$0x0] =	sbarrier.arrive $0xFFFF  }
0x36: {  	[tilespmem:s16], [sflag:$0x1] =	stream.indirect.gather [hbm4b:s4+s15], $0x10, s3, s15, $0xb8;
	[tilespmem:$0xDF00] =	vst v63  }
0x37: {  	_ = 	snop  }
0x38: {  	[tilespmem:s17], [sflag:$0x2] =	stream.indirect.gather [hbm4b:s4+s15], $0x10, s15, s15, $0xb8;
	[tilespmem:$0xDF00] =	vst v63  }
0x39: {  	s0 =	simm.s32 $0x100;
	p0 =	por $0x1, $0x1  }
0x3a: {  	[tilespmem:s19], [sflag:$0x3] =	stream.indirect.gather [hbm4b:s4+s15], $0x10, s0, s15, $0xb8;
	[tilespmem:$0xDF00] =	vst v63  }
0x3b: {  	s31 =	simm.s32 $0x180;
	s3 =	simm.s32 @!p0 $0xD  }
0x3c: {  	[tilespmem:s21], [sflag:$0x4] =	stream.indirect.gather [hbm4b:s4+s15], $0x10, s31, s15, $0xb8;
	[tilespmem:$0xDF00] =	vst v63  }
0x3d: {  	_ =	swait.ge @!p0 [sflag:s3], $0x800  }
0x3e: {  	[sflag:s3] =	ssyncset.done @!p0 $0x0  }
0x3f: {  	s6 =	simm.s32 $0x200;
	s1 =	rddreg [dreg:$0x4];
	[sflag:s3] =	ssyncadd.s32 @!p0 $0xFFFFF800  }
0x40: {  	[tilespmem:s1], [sflag:$0x5] =	stream.indirect.gather [hbm4b:s4+s15], $0x10, s6, s15, $0xb8;
	[tilespmem:$0xDF00] =	vst v63  }
0x41: {  	_ =	swait.ge [sflag:s13], $0x800  }
0x42: {  	[sflag:s13] =	ssyncset.done $0x0  }
0x43: {  	s7 =	simm.s32 $0x2800;
	s5 =	simm.s32 @!p0 $0xE;
	[sflag:s13] =	ssyncadd.s32 $0xFFFFF800  }
0x44: {  	[spmem:s2] =	stream.indirect.scatter.add.f32 [tilespmem:s16], [sflag:$0x9], $0x10, s7, s15, $0xb8;
	[tilespmem:$0xDF00] =	vst v63  }
0x45: {  	_ =	swait.ge @!p0 [sflag:s5], $0x800  }
0x46: {  	[sflag:s5] =	ssyncset.done @!p0 $0x0  }
0x47: {  	s8 =	simm.s32 $0x280;
	[sflag:s5] =	ssyncadd.s32 @!p0 $0xFFFFF800  }
0x48: {  	[tilespmem:s22], [sflag:$0x6] =	stream.indirect.gather [hbm4b:s4+s15], $0x10, s8, s15, $0xb8;
	[tilespmem:$0xDF00] =	vst v63  }
0x49: {  	_ =	swait.ge [sflag:s14], $0x800  }
0x4a: {  	[sflag:s14] =	ssyncset.done $0x0  }
0x4b: {  	s9 =	simm.s32 $0x2880;
	s5 =	simm.s32 @!p0 $0xF;
	[sflag:s14] =	ssyncadd.s32 $0xFFFFF800  }
0x4c: {  	[spmem:s2] =	stream.indirect.scatter.add.f32 [tilespmem:s17], [sflag:$0xA], $0x10, s9, s15, $0xb8;
	[tilespmem:$0xDF00] =	vst v63  }
0x4d: {  	_ =	swait.ge @!p0 [sflag:s5], $0x800  }
0x4e: {  	[sflag:s5] =	ssyncset.done @!p0 $0x0  }
0x4f: {  	s11 =	simm.s32 $0x300;
	s10 =	rddreg [dreg:$0x5];
	[sflag:s5] =	ssyncadd.s32 @!p0 $0xFFFFF800  }
0x50: {  	[tilespmem:s10], [sflag:$0x7] =	stream.indirect.gather [hbm4b:s4+s15], $0x10, s11, s15, $0xb8;
	[tilespmem:$0xDF00] =	vst v63  }
0x51: {  	_ =	swait.ge [sflag:s23], $0x800  }
0x52: {  	[sflag:s23] =	ssyncset.done $0x0  }
0x53: {  	s12 =	simm.s32 $0x2900;
	s5 =	simm.s32 @!p0 $0x10;
	[sflag:s23] =	ssyncadd.s32 $0xFFFFF800  }
0x54: {  	[spmem:s2] =	stream.indirect.scatter.add.f32 [tilespmem:s19], [sflag:$0xB], $0x10, s12, s15, $0xb8;
	[tilespmem:$0xDF00] =	vst v63  }
0x55: {  	_ =	swait.ge @!p0 [sflag:s5], $0x800  }
0x56: {  	[sflag:s5] =	ssyncset.done @!p0 $0x0  }
0x57: {  	s18 =	simm.s32 $0x380;
	[sflag:s5] =	ssyncadd.s32 @!p0 $0xFFFFF800  }
0x58: {  	[tilespmem:s24], [sflag:$0x8] =	stream.indirect.gather [hbm4b:s4+s15], $0x10, s18, s15, $0xb8;
	[tilespmem:$0xDF00] =	vst v63  }
0x59: {  	_ =	swait.ge [sflag:s25], $0x800  }
0x5a: {  	[sflag:s25] =	ssyncset.done $0x0  }
0x5b: {  	s20 =	simm.s32 $0x2980;
	[sflag:s25] =	ssyncadd.s32 $0xFFFFF800  }
0x5c: {  	[spmem:s2] =	stream.indirect.scatter.add.f32 [tilespmem:s21], [sflag:$0xC], $0x10, s20, s15, $0xb8;
	[tilespmem:$0xDF00] =	vst v63  }
0x5d: {  	_ =	swait.ge [sflag:s26], $0x800  }
0x5e: {  	p0 =	por $0x0, $0x0;
	[sflag:s26] =	ssyncset.done $0x0  }
0x5f: {  	s3 =	simm.s32 @p0 $0x5;
	[sflag:s26] =	ssyncadd.s32 $0xFFFFF800  }
0x60: {  	_ =	swait.ge @p0 [sflag:s3], $0x800  }
0x61: {  	s5 =	simm.s32 @p0 $0x2A00;
	s6 =	simm.s32 @p0 $0xA;
	[sflag:s3] =	ssyncset.done @p0 $0x0  }
0x62: {  	s8 =	simm.s32 @p0 $0x7000;
	[sflag:s3] =	ssyncadd.s32 @p0 $0xFFFFF800;
	s3 =	simm.s32 @p0 $0x80  }
0x63: {  	[spmem:s2] =	stream.indirect.scatter.add.f32 @p0 [tilespmem:s8], [sflag:$0xD], $0x10, s5, s3, $0xb8;
	[tilespmem:$0xDF00] =	vst v63  }
0x64: {  	_ =	swait.ge @p0 [sflag:s6], $0x800  }
0x65: {  	s5 =	simm.s32 @!p0 $0x400;
	[sflag:s6] =	ssyncset.done @p0 $0x0  }
0x66: {  	s8 =	simm.s32 @!p0 $0x5000;
	[sflag:s6] =	ssyncadd.s32 @p0 $0xFFFFF800;
	s6 =	simm.s32 @!p0 $0x80  }
0x67: {  	[tilespmem:s8], [sflag:$0x1] =	stream.indirect.gather @!p0 [hbm4b:s4+s6], $0x10, s5, s6, $0xb8;
	[tilespmem:$0xDF00] =	vst v63  }
0x68: {  	s5 =	simm.s32 @!p0 $0x5  }
0x69: {  	_ =	swait.ge @!p0 [sflag:s5], $0x800  }
0x6a: {  	[sflag:s5] =	ssyncset.done @!p0 $0x0  }
0x6b: {  	s8 =	simm.s32 @!p0 $0x2A00;
	[sflag:s5] =	ssyncadd.s32 @!p0 $0xFFFFF800;
	s5 =	simm.s32 @!p0 $0x7000  }
0x6c: {  	[spmem:s2] =	stream.indirect.scatter.add.f32 @!p0 [tilespmem:s5], [sflag:$0xD], $0x10, s8, s6, $0xb8;
	[tilespmem:$0xDF00] =	vst v63  }
0x6d: {  	s5 =	simm.s32 @!p0 $0xA  }
0x6e: {  	_ =	swait.ge @!p0 [sflag:s5], $0x800  }
0x6f: {  	[sflag:s5] =	ssyncset.done @!p0 $0x0  }
0x70: {  	s8 =	simm.s32 @!p0 $0x480;
	[sflag:s5] =	ssyncadd.s32 @!p0 $0xFFFFF800;
	s5 =	simm.s32 @!p0 $0x5800  }
0x71: {  	[tilespmem:s5], [sflag:$0x2] =	stream.indirect.gather @!p0 [hbm4b:s4+s6], $0x10, s8, s6, $0xb8;
	[tilespmem:$0xDF00] =	vst v63  }
0x72: {  	_ =	swait.ge [sflag:s28], $0x800  }
0x73: {  	[sflag:s28] =	ssyncset.done $0x0  }
0x74: {  	s31 =	simm.s32 $0x2A80;
	[sflag:s28] =	ssyncadd.s32 $0xFFFFF800  }
0x75: {  	[spmem:s2] =	stream.indirect.scatter.add.f32 [tilespmem:s22], [sflag:$0xE], $0x10, s31, s15, $0xb8;
	[tilespmem:$0xDF00] =	vst v63  }
0x76: {  	_ =	swait.ge [sflag:s29], $0x800  }
0x77: {  	[sflag:s29] =	ssyncset.done $0x0  }
0x78: {  	s5 =	simm.s32 @p0 $0x7;
	[sflag:s29] =	ssyncadd.s32 $0xFFFFF800  }
0x79: {  	_ =	swait.ge @p0 [sflag:s5], $0x800  }
0x7a: {  	[sflag:s5] =	ssyncset.done @p0 $0x0  }
0x7b: {  	s8 =	simm.s32 @p0 $0x2B00;
	[sflag:s5] =	ssyncadd.s32 @p0 $0xFFFFF800;
	s5 =	simm.s32 @p0 $0x8000  }
0x7c: {  	[spmem:s2] =	stream.indirect.scatter.add.f32 @p0 [tilespmem:s5], [sflag:$0xF], $0x10, s8, s3, $0xb8;
	[tilespmem:$0xDF00] =	vst v63  }
0x7d: {  	s3 =	simm.s32 @p0 $0xC  }
0x7e: {  	_ =	swait.ge @p0 [sflag:s3], $0x800  }
0x7f: {  	[sflag:s3] =	ssyncset.done @p0 $0x0  }
0x80: {  	s5 =	simm.s32 @!p0 $0x500;
	[sflag:s3] =	ssyncadd.s32 @p0 $0xFFFFF800;
	s3 =	simm.s32 @!p0 $0x6000  }
0x81: {  	[tilespmem:s3], [sflag:$0x3] =	stream.indirect.gather @!p0 [hbm4b:s4+s6], $0x10, s5, s6, $0xb8;
	[tilespmem:$0xDF00] =	vst v63  }
0x82: {  	s3 =	simm.s32 @!p0 $0x7  }
0x83: {  	_ =	swait.ge @!p0 [sflag:s3], $0x800  }
0x84: {  	[sflag:s3] =	ssyncset.done @!p0 $0x0  }
0x85: {  	s5 =	simm.s32 @!p0 $0x2B00;
	[sflag:s3] =	ssyncadd.s32 @!p0 $0xFFFFF800;
	s3 =	simm.s32 @!p0 $0x8000  }
0x86: {  	[spmem:s2] =	stream.indirect.scatter.add.f32 @!p0 [tilespmem:s3], [sflag:$0xF], $0x10, s5, s6, $0xb8;
	[tilespmem:$0xDF00] =	vst v63  }
0x87: {  	s3 =	simm.s32 @!p0 $0xC  }
0x88: {  	_ =	swait.ge @!p0 [sflag:s3], $0x800  }
0x89: {  	[sflag:s3] =	ssyncset.done @!p0 $0x0  }
0x8a: {  	s5 =	simm.s32 @!p0 $0x580;
	[sflag:s3] =	ssyncadd.s32 @!p0 $0xFFFFF800;
	s3 =	simm.s32 @!p0 $0x6800  }
0x8b: {  	[tilespmem:s3], [sflag:$0x4] =	stream.indirect.gather @!p0 [hbm4b:s4+s6], $0x10, s5, s6, $0xb8;
	[tilespmem:$0xDF00] =	vst v63  }
0x8c: {  	p1 =	por $0x0, $0x0;
	s20 =	simm.s32 $0x1000;
	_ =	swait.ge [sflag:s30], $0x800  }
0x8d: {  	s5 =	simm.s32 $0x2000;
	s3 =	simm.s32 $0x2B80;
	[sflag:s30] =	ssyncset.done $0x0  }
.LBB2_6:
0x8e: {  	s6 =	simm.s32 @!p1 $0xD;
	[sflag:s30] =	ssyncadd.s32 $0xFFFFF800  }
0x8f: {  	[spmem:s2] =	stream.indirect.scatter.add.f32 [tilespmem:s24], [sflag:$0x10], $0x10, s3, s15, $0xb8;
	[tilespmem:$0xDF00] =	vst v63  }
0x90: {  	_ =	swait.ge @!p1 [sflag:s6], $0x800  }
0x91: {  	[sflag:s6] =	ssyncset.done @!p1 $0x0  }
0x92: {  	[sflag:s6] =	ssyncadd.s32 @!p1 $0xFFFFF800;
	s6 =	sshra.s32 s20, $0x2  }
0x93: {  	s11 =	rddreg [dreg:$0x4];
	s9 =	sadd.s32 $0x200, s6  }
0x94: {  	[tilespmem:s11], [sflag:$0x5] =	stream.indirect.gather [hbm4b:s4+s15], $0x10, s9, s15, $0xb8;
	[tilespmem:$0xDF00] =	vst v63  }
0x95: {  	_ =	swait.ge [sflag:s13], $0x800  }
0x96: {  	[sflag:s13] =	ssyncset.done $0x0  }
0x97: {  	s12 =	sadd.s32 $0x2800, s6;
	s9 =	simm.s32 @!p1 $0xE;
	[sflag:s13] =	ssyncadd.s32 $0xFFFFF800  }
0x98: {  	[spmem:s2] =	stream.indirect.scatter.add.f32 [tilespmem:s16], [sflag:$0x9], $0x10, s12, s15, $0xb8;
	[tilespmem:$0xDF00] =	vst v63  }
0x99: {  	_ =	swait.ge @!p1 [sflag:s9], $0x800  }
0x9a: {  	[sflag:s9] =	ssyncset.done @!p1 $0x0  }
0x9b: {  	s18 =	sadd.s32 $0x280, s6;
	[sflag:s9] =	ssyncadd.s32 @!p1 $0xFFFFF800  }
0x9c: {  	[tilespmem:s22], [sflag:$0x6] =	stream.indirect.gather [hbm4b:s4+s15], $0x10, s18, s15, $0xb8;
	[tilespmem:$0xDF00] =	vst v63  }
0x9d: {  	_ =	swait.ge [sflag:s14], $0x800  }
0x9e: {  	[sflag:s14] =	ssyncset.done $0x0  }
0x9f: {  	s31 =	sadd.s32 $0x2880, s6;
	s9 =	simm.s32 @!p1 $0xF;
	[sflag:s14] =	ssyncadd.s32 $0xFFFFF800  }
0xa0: {  	[spmem:s2] =	stream.indirect.scatter.add.f32 [tilespmem:s17], [sflag:$0xA], $0x10, s31, s15, $0xb8;
	[tilespmem:$0xDF00] =	vst v63  }
0xa1: {  	_ =	swait.ge @!p1 [sflag:s9], $0x800  }
0xa2: {  	[sflag:s9] =	ssyncset.done @!p1 $0x0  }
0xa3: {  	s1 =	sadd.s32 $0x300, s6;
	s0 =	rddreg [dreg:$0x5];
	[sflag:s9] =	ssyncadd.s32 @!p1 $0xFFFFF800  }
0xa4: {  	[tilespmem:s0], [sflag:$0x7] =	stream.indirect.gather [hbm4b:s4+s15], $0x10, s1, s15, $0xb8;
	[tilespmem:$0xDF00] =	vst v63  }
0xa5: {  	_ =	swait.ge [sflag:s23], $0x800  }
0xa6: {  	[sflag:s23] =	ssyncset.done $0x0  }
0xa7: {  	s7 =	sadd.s32 $0x2900, s6;
	s9 =	simm.s32 @!p1 $0x10;
	[sflag:s23] =	ssyncadd.s32 $0xFFFFF800  }
0xa8: {  	[spmem:s2] =	stream.indirect.scatter.add.f32 [tilespmem:s19], [sflag:$0xB], $0x10, s7, s15, $0xb8;
	[tilespmem:$0xDF00] =	vst v63  }
0xa9: {  	_ =	swait.ge @!p1 [sflag:s9], $0x800  }
0xaa: {  	[sflag:s9] =	ssyncset.done @!p1 $0x0  }
0xab: {  	s10 =	sadd.s32 $0x380, s6;
	[sflag:s9] =	ssyncadd.s32 @!p1 $0xFFFFF800  }
0xac: {  	[tilespmem:s24], [sflag:$0x8] =	stream.indirect.gather [hbm4b:s4+s15], $0x10, s10, s15, $0xb8;
	[tilespmem:$0xDF00] =	vst v63  }
0xad: {  	_ =	swait.ge [sflag:s25], $0x800  }
0xae: {  	[sflag:s25] =	ssyncset.done $0x0  }
0xaf: {  	s11 =	sadd.s32 $0x2980, s6;
	[sflag:s25] =	ssyncadd.s32 $0xFFFFF800  }
0xb0: {  	[spmem:s2] =	stream.indirect.scatter.add.f32 [tilespmem:s21], [sflag:$0xC], $0x10, s11, s15, $0xb8;
	[tilespmem:$0xDF00] =	vst v63  }
0xb1: {  	_ =	swait.ge [sflag:s26], $0x800  }
0xb2: {  	s8 =	smov.u32 s5;
	p1 =	seq.s32 s20, $0x9000;
	[sflag:s26] =	ssyncset.done $0x0  }
0xb3: {  	s3 =	simm.s32 @p1 $0x5;
	s9 =	sshra.s32 @p1 s20, $0x2;
	[sflag:s26] =	ssyncadd.s32 $0xFFFFF800  }
0xb4: {  	s20 =	sshra.s32 @!p1 s20, $0x2;
	s1 =	simm.s32 @p1 $0xA;
	_ =	swait.ge @p1 [sflag:s3], $0x800  }
0xb5: {  	s12 =	simm.s32 @!p1 $0x5;
	s31 =	sadd.s32 @p1 $0x2A00, s9;
	[sflag:s3] =	ssyncset.done @p1 $0x0  }
0xb6: {  	s11 =	simm.s32 @p1 $0x80;
	[sflag:s3] =	ssyncadd.s32 @p1 $0xFFFFF800;
	s3 =	simm.s32 @p1 $0x7000  }
0xb7: {  	[spmem:s2] =	stream.indirect.scatter.add.f32 @p1 [tilespmem:s3], [sflag:$0xD], $0x10, s31, s11, $0xb8;
	[tilespmem:$0xDF00] =	vst v63  }
0xb8: {  	s0 =	sadd.s32 @!p1 $0x400, s20;
	s10 =	sadd.s32 @!p1 $0x2A00, s20;
	_ =	swait.ge @p1 [sflag:s1], $0x800  }
0xb9: {  	s7 =	sadd.s32 @!p1 $0x480, s20;
	s18 =	sadd.s32 @p1 $0x2B00, s9;
	[sflag:s1] =	ssyncset.done @p1 $0x0  }
0xba: {  	s9 =	simm.s32 @!p1 $0x80;
	[sflag:s1] =	ssyncadd.s32 @p1 $0xFFFFF800;
	s1 =	simm.s32 @!p1 $0x5000  }
0xbb: {  	[tilespmem:s1], [sflag:$0x1] =	stream.indirect.gather @!p1 [hbm4b:s4+s9], $0x10, s0, s9, $0xb8;
	[tilespmem:$0xDF00] =	vst v63  }
0xbc: {  	s31 =	sadd.s32 @!p1 $0x2B00, s20;
	s3 =	sadd.s32 @!p1 $0x580, s20;
	_ =	swait.ge @!p1 [sflag:s12], $0x800  }
0xbd: {  	s0 =	sadd.s32 @!p1 $0x500, s20;
	s20 =	smov.u32 s8;
	[sflag:s12] =	ssyncset.done @!p1 $0x0  }
0xbe: {  	s1 =	simm.s32 @!p1 $0x7000;
	s8 =	simm.s32 @!p1 $0xA;
	[sflag:s12] =	ssyncadd.s32 @!p1 $0xFFFFF800  }
0xbf: {  	[spmem:s2] =	stream.indirect.scatter.add.f32 @!p1 [tilespmem:s1], [sflag:$0xD], $0x10, s10, s9, $0xb8;
	[tilespmem:$0xDF00] =	vst v63  }
0xc0: {  	_ =	swait.ge @!p1 [sflag:s8], $0x800  }
0xc1: {  	[sflag:s8] =	ssyncset.done @!p1 $0x0  }
0xc2: {  	s1 =	simm.s32 @!p1 $0x5800;
	[sflag:s8] =	ssyncadd.s32 @!p1 $0xFFFFF800  }
0xc3: {  	[tilespmem:s1], [sflag:$0x2] =	stream.indirect.gather @!p1 [hbm4b:s4+s9], $0x10, s7, s9, $0xb8;
	[tilespmem:$0xDF00] =	vst v63  }
0xc4: {  	_ =	swait.ge [sflag:s28], $0x800  }
0xc5: {  	[sflag:s28] =	ssyncset.done $0x0  }
0xc6: {  	s12 =	sadd.s32 $0x2A80, s6;
	[sflag:s28] =	ssyncadd.s32 $0xFFFFF800  }
0xc7: {  	[spmem:s2] =	stream.indirect.scatter.add.f32 [tilespmem:s22], [sflag:$0xE], $0x10, s12, s15, $0xb8;
	[tilespmem:$0xDF00] =	vst v63  }
0xc8: {  	_ =	swait.ge [sflag:s29], $0x800  }
0xc9: {  	[sflag:s29] =	ssyncset.done $0x0  }
0xca: {  	s1 =	simm.s32 @p1 $0x7;
	[sflag:s29] =	ssyncadd.s32 $0xFFFFF800  }
0xcb: {  	_ =	swait.ge @p1 [sflag:s1], $0x800  }
0xcc: {  	[sflag:s1] =	ssyncset.done @p1 $0x0  }
0xcd: {  	s7 =	simm.s32 @p1 $0xC;
	[sflag:s1] =	ssyncadd.s32 @p1 $0xFFFFF800;
	s1 =	simm.s32 @p1 $0x8000  }
0xce: {  	[spmem:s2] =	stream.indirect.scatter.add.f32 @p1 [tilespmem:s1], [sflag:$0xF], $0x10, s18, s11, $0xb8;
	[tilespmem:$0xDF00] =	vst v63  }
0xcf: {  	_ =	swait.ge @p1 [sflag:s7], $0x800  }
0xd0: {  	[sflag:s7] =	ssyncset.done @p1 $0x0  }
0xd1: {  	s1 =	simm.s32 @!p1 $0x6000;
	[sflag:s7] =	ssyncadd.s32 @p1 $0xFFFFF800;
	s7 =	simm.s32 @!p1 $0x7  }
0xd2: {  	[tilespmem:s1], [sflag:$0x3] =	stream.indirect.gather @!p1 [hbm4b:s4+s9], $0x10, s0, s9, $0xb8;
	[tilespmem:$0xDF00] =	vst v63  }
0xd3: {  	_ =	swait.ge @!p1 [sflag:s7], $0x800  }
0xd4: {  	s5 =	sadd.s32 $0x1000, s5;
	[sflag:s7] =	ssyncset.done @!p1 $0x0  }
0xd5: {  	s0 =	simm.s32 @!p1 $0x8000;
	s1 =	simm.s32 @!p1 $0xC;
	[sflag:s7] =	ssyncadd.s32 @!p1 $0xFFFFF800  }
0xd6: {  	[spmem:s2] =	stream.indirect.scatter.add.f32 @!p1 [tilespmem:s0], [sflag:$0xF], $0x10, s31, s9, $0xb8;
	[tilespmem:$0xDF00] =	vst v63  }
0xd7: {  	p0 =	sne.s32 s5, $0xA000;
	_ =	swait.ge @!p1 [sflag:s1], $0x800  }
.Ltmp2:
0xd8: {  	[sflag:s1] =	ssyncset.done @!p1 $0x0;
	(pc) =	sbr.rel @p0 .LBB2_6-.Ltmp2, $4  }
0xd9: {  	s0 =	simm.s32 @!p1 $0x6800;
	[sflag:s1] =	ssyncadd.s32 @!p1 $0xFFFFF800  }
0xda: {  	[tilespmem:s0], [sflag:$0x4] =	stream.indirect.gather @!p1 [hbm4b:s4+s9], $0x10, s3, s9, $0xb8;
	[tilespmem:$0xDF00] =	vst v63  }
0xdb: {  	_ =	swait.ge [sflag:s30], $0x800  }
0xdc: {  	p1 =	seq.s32 s20, $0x0;
	s3 =	sadd.s32 $0x2B80, s6;
	[sflag:s30] =	ssyncset.done $0x0  }
0xdd: {  	s0 =	simm.s32 @!p1 $0xD;
	[sflag:s30] =	ssyncadd.s32 $0xFFFFF800  }
0xde: {  	[spmem:s2] =	stream.indirect.scatter.add.f32 [tilespmem:s24], [sflag:$0x10], $0x10, s3, s15, $0xb8;
	[tilespmem:$0xDF00] =	vst v63  }
0xdf: {  	_ =	swait.ge @!p1 [sflag:s0], $0x800  }
0xe0: {  	s5 =	sshra.s32 s20, $0x2;
	[sflag:s0] =	ssyncset.done @!p1 $0x0  }
0xe1: {  	s3 =	sadd.s32 $0x200, s5;
	s1 =	rddreg [dreg:$0x4];
	[sflag:s0] =	ssyncadd.s32 @!p1 $0xFFFFF800  }
0xe2: {  	[tilespmem:s1], [sflag:$0x5] =	stream.indirect.gather [hbm4b:s4+s15], $0x10, s3, s15, $0xb8;
	[tilespmem:$0xDF00] =	vst v63  }
0xe3: {  	_ =	swait.ge [sflag:s13], $0x800  }
0xe4: {  	[sflag:s13] =	ssyncset.done $0x0  }
0xe5: {  	s6 =	sadd.s32 $0x2800, s5;
	s1 =	simm.s32 @!p1 $0xE;
	[sflag:s13] =	ssyncadd.s32 $0xFFFFF800  }
0xe6: {  	[spmem:s2] =	stream.indirect.scatter.add.f32 [tilespmem:s16], [sflag:$0x9], $0x10, s6, s15, $0xb8;
	[tilespmem:$0xDF00] =	vst v63  }
0xe7: {  	_ =	swait.ge @!p1 [sflag:s1], $0x800  }
0xe8: {  	[sflag:s1] =	ssyncset.done @!p1 $0x0  }
0xe9: {  	s7 =	sadd.s32 $0x280, s5;
	[sflag:s1] =	ssyncadd.s32 @!p1 $0xFFFFF800  }
0xea: {  	[tilespmem:s22], [sflag:$0x6] =	stream.indirect.gather [hbm4b:s4+s15], $0x10, s7, s15, $0xb8;
	[tilespmem:$0xDF00] =	vst v63  }
0xeb: {  	_ =	swait.ge [sflag:s14], $0x800  }
0xec: {  	[sflag:s14] =	ssyncset.done $0x0  }
0xed: {  	s8 =	sadd.s32 $0x2880, s5;
	s1 =	simm.s32 @!p1 $0xF;
	[sflag:s14] =	ssyncadd.s32 $0xFFFFF800  }
0xee: {  	[spmem:s2] =	stream.indirect.scatter.add.f32 [tilespmem:s17], [sflag:$0xA], $0x10, s8, s15, $0xb8;
	[tilespmem:$0xDF00] =	vst v63  }
0xef: {  	_ =	swait.ge @!p1 [sflag:s1], $0x800  }
0xf0: {  	[sflag:s1] =	ssyncset.done @!p1 $0x0  }
0xf1: {  	s10 =	sadd.s32 $0x300, s5;
	s9 =	rddreg [dreg:$0x5];
	[sflag:s1] =	ssyncadd.s32 @!p1 $0xFFFFF800  }
0xf2: {  	[tilespmem:s9], [sflag:$0x7] =	stream.indirect.gather [hbm4b:s4+s15], $0x10, s10, s15, $0xb8;
	[tilespmem:$0xDF00] =	vst v63  }
0xf3: {  	_ =	swait.ge [sflag:s23], $0x800  }
0xf4: {  	[sflag:s23] =	ssyncset.done $0x0  }
0xf5: {  	s11 =	sadd.s32 $0x2900, s5;
	s1 =	simm.s32 @!p1 $0x10;
	[sflag:s23] =	ssyncadd.s32 $0xFFFFF800  }
0xf6: {  	[spmem:s2] =	stream.indirect.scatter.add.f32 [tilespmem:s19], [sflag:$0xB], $0x10, s11, s15, $0xb8;
	[tilespmem:$0xDF00] =	vst v63  }
0xf7: {  	_ =	swait.ge @!p1 [sflag:s1], $0x800  }
0xf8: {  	[sflag:s1] =	ssyncset.done @!p1 $0x0  }
0xf9: {  	s12 =	sadd.s32 $0x380, s5;
	[sflag:s1] =	ssyncadd.s32 @!p1 $0xFFFFF800  }
0xfa: {  	[tilespmem:s24], [sflag:$0x8] =	stream.indirect.gather [hbm4b:s4+s15], $0x10, s12, s15, $0xb8;
	[tilespmem:$0xDF00] =	vst v63  }
0xfb: {  	_ =	swait.ge [sflag:s25], $0x800  }
0xfc: {  	[sflag:s25] =	ssyncset.done $0x0  }
0xfd: {  	s18 =	sadd.s32 $0x2980, s5;
	[sflag:s25] =	ssyncadd.s32 $0xFFFFF800  }
0xfe: {  	[spmem:s2] =	stream.indirect.scatter.add.f32 [tilespmem:s21], [sflag:$0xC], $0x10, s18, s15, $0xb8;
	[tilespmem:$0xDF00] =	vst v63  }
0xff: {  	_ =	swait.ge [sflag:s26], $0x800  }
0x100: {  	p0 =	seq.s32 s20, $0x9000;
	[sflag:s26] =	ssyncset.done $0x0  }
0x101: {  	s0 =	simm.s32 @p0 $0x5;
	[sflag:s26] =	ssyncadd.s32 $0xFFFFF800  }
0x102: {  	s6 =	simm.s32 @p0 $0xA;
	_ =	swait.ge @p0 [sflag:s0], $0x800  }
0x103: {  	s7 =	simm.s32 @p0 $0x7000;
	s1 =	sshra.s32 @p0 s20, $0x2;
	[sflag:s0] =	ssyncset.done @p0 $0x0  }
0x104: {  	s3 =	sadd.s32 @p0 $0x2A00, s1;
	[sflag:s0] =	ssyncadd.s32 @p0 $0xFFFFF800;
	s0 =	simm.s32 @p0 $0x80  }
0x105: {  	[spmem:s2] =	stream.indirect.scatter.add.f32 @p0 [tilespmem:s7], [sflag:$0xD], $0x10, s3, s0, $0xb8;
	[tilespmem:$0xDF00] =	vst v63  }
0x106: {  	_ =	swait.ge @p0 [sflag:s6], $0x800  }
0x107: {  	s8 =	simm.s32 @!p0 $0x5000;
	s3 =	sshra.s32 @!p0 s20, $0x2;
	[sflag:s6] =	ssyncset.done @p0 $0x0  }
0x108: {  	s7 =	sadd.s32 @!p0 $0x400, s3;
	[sflag:s6] =	ssyncadd.s32 @p0 $0xFFFFF800;
	s6 =	simm.s32 @!p0 $0x80  }
0x109: {  	[tilespmem:s8], [sflag:$0x1] =	stream.indirect.gather @!p0 [hbm4b:s4+s6], $0x10, s7, s6, $0xb8;
	[tilespmem:$0xDF00] =	vst v63  }
0x10a: {  	s7 =	simm.s32 @!p0 $0x5  }
0x10b: {  	_ =	swait.ge @!p0 [sflag:s7], $0x800  }
0x10c: {  	[sflag:s7] =	ssyncset.done @!p0 $0x0  }
0x10d: {  	s8 =	sadd.s32 @!p0 $0x2A00, s3;
	[sflag:s7] =	ssyncadd.s32 @!p0 $0xFFFFF800;
	s7 =	simm.s32 @!p0 $0x7000  }
0x10e: {  	[spmem:s2] =	stream.indirect.scatter.add.f32 @!p0 [tilespmem:s7], [sflag:$0xD], $0x10, s8, s6, $0xb8;
	[tilespmem:$0xDF00] =	vst v63  }
0x10f: {  	s7 =	simm.s32 @!p0 $0xA  }
0x110: {  	_ =	swait.ge @!p0 [sflag:s7], $0x800  }
0x111: {  	[sflag:s7] =	ssyncset.done @!p0 $0x0  }
0x112: {  	s8 =	sadd.s32 @!p0 $0x480, s3;
	[sflag:s7] =	ssyncadd.s32 @!p0 $0xFFFFF800;
	s7 =	simm.s32 @!p0 $0x5800  }
0x113: {  	[tilespmem:s7], [sflag:$0x2] =	stream.indirect.gather @!p0 [hbm4b:s4+s6], $0x10, s8, s6, $0xb8;
	[tilespmem:$0xDF00] =	vst v63  }
0x114: {  	_ =	swait.ge [sflag:s28], $0x800  }
0x115: {  	[sflag:s28] =	ssyncset.done $0x0  }
0x116: {  	s31 =	sadd.s32 $0x2A80, s5;
	[sflag:s28] =	ssyncadd.s32 $0xFFFFF800  }
0x117: {  	[spmem:s2] =	stream.indirect.scatter.add.f32 [tilespmem:s22], [sflag:$0xE], $0x10, s31, s15, $0xb8;
	[tilespmem:$0xDF00] =	vst v63  }
0x118: {  	_ =	swait.ge [sflag:s29], $0x800  }
0x119: {  	[sflag:s29] =	ssyncset.done $0x0  }
0x11a: {  	s7 =	simm.s32 @p0 $0x7;
	[sflag:s29] =	ssyncadd.s32 $0xFFFFF800  }
0x11b: {  	_ =	swait.ge @p0 [sflag:s7], $0x800  }
0x11c: {  	[sflag:s7] =	ssyncset.done @p0 $0x0  }
0x11d: {  	s1 =	sadd.s32 @p0 $0x2B00, s1;
	[sflag:s7] =	ssyncadd.s32 @p0 $0xFFFFF800;
	s7 =	simm.s32 @p0 $0x8000  }
0x11e: {  	[spmem:s2] =	stream.indirect.scatter.add.f32 @p0 [tilespmem:s7], [sflag:$0xF], $0x10, s1, s0, $0xb8;
	[tilespmem:$0xDF00] =	vst v63  }
0x11f: {  	s0 =	simm.s32 @p0 $0xC  }
0x120: {  	_ =	swait.ge @p0 [sflag:s0], $0x800  }
0x121: {  	[sflag:s0] =	ssyncset.done @p0 $0x0  }
0x122: {  	s1 =	sadd.s32 @!p0 $0x500, s3;
	[sflag:s0] =	ssyncadd.s32 @p0 $0xFFFFF800;
	s0 =	simm.s32 @!p0 $0x6000  }
0x123: {  	[tilespmem:s0], [sflag:$0x3] =	stream.indirect.gather @!p0 [hbm4b:s4+s6], $0x10, s1, s6, $0xb8;
	[tilespmem:$0xDF00] =	vst v63  }
0x124: {  	s0 =	simm.s32 @!p0 $0x7  }
0x125: {  	_ =	swait.ge @!p0 [sflag:s0], $0x800  }
0x126: {  	[sflag:s0] =	ssyncset.done @!p0 $0x0  }
0x127: {  	s1 =	sadd.s32 @!p0 $0x2B00, s3;
	[sflag:s0] =	ssyncadd.s32 @!p0 $0xFFFFF800;
	s0 =	simm.s32 @!p0 $0x8000  }
0x128: {  	[spmem:s2] =	stream.indirect.scatter.add.f32 @!p0 [tilespmem:s0], [sflag:$0xF], $0x10, s1, s6, $0xb8;
	[tilespmem:$0xDF00] =	vst v63  }
0x129: {  	s0 =	simm.s32 @!p0 $0xC  }
0x12a: {  	_ =	swait.ge @!p0 [sflag:s0], $0x800  }
0x12b: {  	[sflag:s0] =	ssyncset.done @!p0 $0x0  }
0x12c: {  	s1 =	sadd.s32 @!p0 $0x580, s3;
	[sflag:s0] =	ssyncadd.s32 @!p0 $0xFFFFF800;
	s0 =	simm.s32 @!p0 $0x6800  }
0x12d: {  	[tilespmem:s0], [sflag:$0x4] =	stream.indirect.gather @!p0 [hbm4b:s4+s6], $0x10, s1, s6, $0xb8;
	[tilespmem:$0xDF00] =	vst v63  }
0x12e: {  	_ =	swait.ge [sflag:s30], $0x800  }
0x12f: {  	[sflag:s30] =	ssyncset.done $0x0  }
0x130: {  	s9 =	simm.s32 $0xD;
	s8 =	sadd.s32 $0x2B80, s5;
	[sflag:s30] =	ssyncadd.s32 $0xFFFFF800  }
0x131: {  	[spmem:s2] =	stream.indirect.scatter.add.f32 [tilespmem:s24], [sflag:$0x10], $0x10, s8, s15, $0xb8;
	[tilespmem:$0xDF00] =	vst v63  }
0x132: {  	_ =	swait.ge [sflag:s9], $0x800  }
0x133: {  	[sflag:s9] =	ssyncset.done $0x0  }
0x134: {  	s10 =	simm.s32 $0xE;
	[sflag:s9] =	ssyncadd.s32 $0xFFFFF800  }
0x135: {  	_ =	swait.ge [sflag:s10], $0x800  }
0x136: {  	[sflag:s10] =	ssyncset.done $0x0  }
0x137: {  	s11 =	simm.s32 $0xF;
	[sflag:s10] =	ssyncadd.s32 $0xFFFFF800  }
0x138: {  	_ =	swait.ge [sflag:s11], $0x800  }
0x139: {  	[sflag:s11] =	ssyncset.done $0x0  }
0x13a: {  	s12 =	simm.s32 $0x10;
	[sflag:s11] =	ssyncadd.s32 $0xFFFFF800  }
0x13b: {  	_ =	swait.ge [sflag:s12], $0x800  }
0x13c: {  	[sflag:s12] =	ssyncset.done $0x0  }
0x13d: {  	[sflag:s12] =	ssyncadd.s32 $0xFFFFF800  }
0x13e: {  	[bflag:$0x0] =	sbarrier.arrive $0xFFFF  }
0x13f: {  	s7 =	simm.s32 $0x9000;
	s10 =	simm.s32 $0x11;
	s1 =	rddreg [dreg:$0x8]  }
0x140: {  	[tilespmem:s7], [sflag:$0x11] =	stream.linear.gather [spmem:s1], $0x2780, $0x38;
	[tilespmem:$0xDF00] =	vst v63  }
0x141: {  	_ =	swait.ge [sflag:s10], $0x2780  }
0x142: {  	[sflag:s10] =	ssyncset.done $0x0  }
0x143: {  	s9 =	simm.s32 $0x0;
	s18 =	rddreg [dreg:$0x9];
	[sflag:s10] =	ssyncadd.s32 $0xFFFFD880  }
0x144: {  	[hbm4b:s18+s9] =	stream.linear.scatter [tilespmem:s7], [sflag:$0x11], $0x2780, $0x38;
	[tilespmem:$0xDF00] =	vst v63  }
0x145: {  	_ =	swait.ge [sflag:s10], $0x2780  }
0x146: {  	s20 =	rddreg [dreg:$0xb]  }
0x147: {  	s31 =	rddreg [dreg:$0xa];
	s3 =	sadd.s32 $0x1, s20  }
0x148: {  	p0 =	sne.s32 s3, s31  }
.Ltmp3:
0x149: {  	_ = 	snop;
	(pc) =	sbr.rel @p0 .LBB2_1-.Ltmp3, $3  }
0x14a: {  	_ =	sdelay $0x1  }
0x14b: {  	[sflag:s10] =	ssyncset.done $0x0  }
0x14c: {  	[sflag:s10] =	ssyncadd.s32 $0xFFFFD880  }
0x14d: {  	_ =	sfence.sel $0x180000  }
0x14e: {  	[bflag:$0x0] =	sbarrier.arrive $0xFFFF  }
0x14f: {  	_ =	strace $0x9000004A  }
0x150: {  	s0 =	stileid.u32;
	[bflag:$0x2] =	sbarrier.arrive $0xFFFF  }
0x151: {  	p0 =	sne.s32 s0, $0x0;
	s0 =	rddreg [dreg:$0x3]  }
0x152: {  	s0 =	sadd.s32 @!p0 $0x100000, s0  }
0x153: {  	[sflag:s0] =	ssyncadd.tile.s32 @!p0 $0x1;
	_ =	shalt  }
.Lfunc_end2:
_tile_overlayer_lowered:
.L_overlay_start_2:
0x154: {  	(tag) =	ssettag $0x2  }
0x155: {  	s0 =	rddreg [dreg:$0x0];
	s2 =	stileid.u32  }
0x156: {  	s1 =	rddreg [dreg:$0x1];
	p0 =	sne.s32 s2, $0x0  }
0x157: {  	s3 =	rddreg [dreg:$0x2];
	[bflag:$0x3] =	sbarrier.arrive $0xFFFF;
	s2 =	simm.s32 @!p0 $0x1C11  }
0x158: {  	[timem:s3], [sflag:s2] =	dma.local @!p0 [hbm:s0], s1  }
0x159: {  	s0 =	simm.s32 @!p0 $0x11  }
0x15a: {  	_ =	swait.ge @!p0 [sflag:s0], s1  }
0x15b: {  	s1 =	ssub.s32 @!p0 $0x0, s1;
	[sflag:s0] =	ssyncset.done @!p0 $0x0  }
0x15c: {  	[sflag:s0] =	ssyncadd.s32 @!p0 s1  }
0x15d: {  	[bflag:$0x3] =	sbarrier.arrive $0xFFFF  }
0x15e: {  	_ =	shalt  }

// kernel: kernel.15.cloned.1.call-start
scs
__scs_entry_jumppad:
0x0: {  	(pc) =	sbr.rel $0x88, $3  }
0x1: {  	(tag) =	ssettag $0x0;
	lr =	simm.s32 $0x1  }
0x2: {  	[smem:$0x3F99] =	sst lr;
	_ =	strace $0xD0000000  }
0x3: {  	_ = 	snop  }
0x4: {  	_ = 	snop  }
0x5: {  	_ = 	snop  }
0x6: {  	_ = 	snop  }
0x7: {  	_ = 	snop  }
__scs_overlays_trampoline_lowered:
0x8: {  	[smem:$0x3FA8] =	sst s0  }
0x9: {  	[smem:$0x3FA9] =	sst s1  }
0xa: {  	[smem:$0x3FAA] =	sst s2  }
0xb: {  	[smem:$0x3FAB] =	sst s3  }
0xc: {  	[smem:$0x3FAC] =	sst s4  }
0xd: {  	[smem:$0x3FAD] =	sst s5  }
0xe: {  	[smem:$0x3FAE] =	sst s6  }
0xf: {  	[smem:$0x3FAF] =	sst s7  }
0x10: {  	[smem:$0x3FB0] =	sst s8  }
0x11: {  	[smem:$0x3FB1] =	sst s9;
	s0 =	simm.s32 @!p0 $0x0  }
0x12: {  	s1 =	sld [smem:$0x3F97];
	s0 =	simm.s32 @p0 $0x1  }
0x13: {  	[smem:$0x3FB2] =	sst s0;
	s0 =	simm.s32 @!p1 $0x0  }
0x14: {  	s2 =	sld [smem:$0x3F96];
	s0 =	simm.s32 @p1 $0x1  }
0x15: {  	[smem:$0x3FB3] =	sst s0;
	s0 =	simm.s32 @!p2 $0x0  }
0x16: {  	s3 =	sld [smem:$0x3FDB];
	s0 =	simm.s32 @p2 $0x1  }
0x17: {  	s4 =	simm.s32 $0x1BF5;
	[smem:$0x3FB5] =	sst s0  }
0x18: {  	s0 =	sld [smem:$0x3F98];
	_ =	swait.ge [sflag:s4], $0x0  }
0x19: {  	s7 =	sld [smem:$0x3F99]  }
0x1a: {  	s8 =	sadd.s32 $0xFFFFE003, lr  }
0x1b: {  	s9 =	sadd.s32 $0xFFFFFEF7, lr;
	s5 =	simm.s32 $0xFFFFFFFF;
	p2 =	slt.u32 s8, $0xFFFFF086  }
0x1c: {  	p1 =	slt.u32 s9, $0xF7A;
	s5 =	simm.s32 @!p2 $0x0  }
0x1d: {  	s5 =	simm.s32 @p1 $0x1;
	p0 =	seq.s32 s7, s2  }
0x1e: {  	s7 =	smul.u32 @!p0 $0xF7A, s2;
	p2 =	seq.s32 @!p0 s5, $0x0  }
0x1f: {  	s9 =	smul.u32 $0xF7A, s1;
	s8 =	simm.s32 @!p0 $0x1BF5;
	p2 =	por !p2, p0  }
0x20: {  	[sflag:s8] =	ssyncset.s32 @!p0 $0xFFFFF086;
	s6 =	sadd.s32 @!p0 s3, s7;
	s7 =	simm.s32 @!p0 $0x108  }
0x21: {  	s3 =	sadd.s32 s3, s9;
	s6 =	sadd.s32 @!p0 $0x88, s6;
	s7 =	simm.s32 @p2 $0x1082  }
0x22: {  	[simem:s7], [sflag:s8] =	dma.local @!p0 [hbm:s6], $0xF7A  }
0x23: {  	s9 =	sor.u32 $0xD0000000, s2;
	s6 =	simm.s32 $0x108;
	_ =	swait.ge @!p0 [sflag:s8], $0x0  }
0x24: {  	s3 =	sadd.s32 $0x88, s3;
	s6 =	simm.s32 @!p1 $0x1082;
	[sflag:s4] =	ssyncset.s32 $0xFFFFF086  }
0x25: {  	[simem:s6], [sflag:s4] =	dma.local [hbm:s3], $0xF7A  }
0x26: {  	[smem:$0x3F99] =	sst s1;
	(tag) =	ssettag s2;
	_ =	strace s9  }
0x27: {  	s1 =	sld [smem:$0x3FA9]  }
0x28: {  	s2 =	sld [smem:$0x3FAA]  }
0x29: {  	s4 =	sld [smem:$0x3FAC]  }
0x2a: {  	p0 =	seq.s32 s5, $0x0;
	s5 =	sld [smem:$0x3FAD]  }
0x2b: {  	s6 =	sld [smem:$0x3FAE]  }
0x2c: {  	s7 =	sld [smem:$0x3FAF]  }
0x2d: {  	s3 =	simm.s32 $0x108;
	s8 =	sld [smem:$0x3FB0]  }
0x2e: {  	s3 =	simm.s32 @!p0 $0x1082;
	s9 =	sld [smem:$0x3FB1]  }
0x2f: {  	lr =	sadd.s32 s0, s3;
	s0 =	sld [smem:$0x3FA8]  }
0x30: {  	s3 =	sld [smem:$0x3FAB]  }
0x31: {  	[smem:$0x3FB4] =	sst s10  }
0x32: {  	s10 =	sld [smem:$0x3FB2];
	_ =	sdelay $0x3  }
0x33: {  	p0 =	seq.s32 s10, $0x1;
	s10 =	sld [smem:$0x3FB4];
	_ =	sdelay $0x3  }
0x34: {  	[smem:$0x3FB4] =	sst s10  }
0x35: {  	s10 =	sld [smem:$0x3FB3];
	_ =	sdelay $0x3  }
0x36: {  	p1 =	seq.s32 s10, $0x1;
	s10 =	sld [smem:$0x3FB4];
	_ =	sdelay $0x3  }
0x37: {  	[smem:$0x3FB4] =	sst s10  }
0x38: {  	s10 =	sld [smem:$0x3FB5]  }
0x39: {  	_ = 	snop;
	(pc) =	sbr.ind lr, $3  }
0x3a: {  	_ = 	snop  }
0x3b: {  	_ = 	snop  }
0x3c: {  	p2 =	seq.s32 s10, $0x1;
	s10 =	sld [smem:$0x3FB4]  }
0x3d: {  	_ =	shalt  }
0x3e: {  	_ =	shalt  }
0x3f: {  	_ =	shalt  }
0x40: {  	_ =	shalt  }
0x41: {  	_ =	shalt  }
0x42: {  	_ =	shalt  }
0x43: {  	_ =	shalt  }
0x44: {  	_ =	shalt  }
0x45: {  	_ =	shalt  }
0x46: {  	_ =	shalt  }
0x47: {  	_ =	shalt  }
0x48: {  	_ =	shalt  }
0x49: {  	_ =	shalt  }
0x4a: {  	_ =	shalt  }
0x4b: {  	_ =	shalt  }
0x4c: {  	_ =	shalt  }
0x4d: {  	_ =	shalt  }
0x4e: {  	_ =	shalt  }
0x4f: {  	_ =	shalt  }
0x50: {  	_ =	shalt  }
0x51: {  	_ =	shalt  }
0x52: {  	_ =	shalt  }
0x53: {  	_ =	shalt  }
0x54: {  	_ =	shalt  }
0x55: {  	_ =	shalt  }
0x56: {  	_ =	shalt  }
0x57: {  	_ =	shalt  }
0x58: {  	_ =	shalt  }
0x59: {  	_ =	shalt  }
0x5a: {  	_ =	shalt  }
0x5b: {  	_ =	shalt  }
0x5c: {  	_ =	shalt  }
0x5d: {  	_ =	shalt  }
0x5e: {  	_ =	shalt  }
0x5f: {  	_ =	shalt  }
0x60: {  	_ =	shalt  }
0x61: {  	_ =	shalt  }
0x62: {  	_ =	shalt  }
0x63: {  	_ =	shalt  }
0x64: {  	_ =	shalt  }
0x65: {  	_ =	shalt  }
0x66: {  	_ =	shalt  }
0x67: {  	_ =	shalt  }
0x68: {  	_ =	shalt  }
0x69: {  	_ =	shalt  }
0x6a: {  	_ =	shalt  }
0x6b: {  	_ =	shalt  }
0x6c: {  	_ =	shalt  }
0x6d: {  	_ =	shalt  }
0x6e: {  	_ =	shalt  }
0x6f: {  	_ =	shalt  }
0x70: {  	_ =	shalt  }
0x71: {  	_ =	shalt  }
0x72: {  	_ =	shalt  }
0x73: {  	_ =	shalt  }
0x74: {  	_ =	shalt  }
0x75: {  	_ =	shalt  }
0x76: {  	_ =	shalt  }
0x77: {  	_ =	shalt  }
0x78: {  	_ =	shalt  }
0x79: {  	_ =	shalt  }
0x7a: {  	_ =	shalt  }
0x7b: {  	_ =	shalt  }
0x7c: {  	_ =	shalt  }
0x7d: {  	_ =	shalt  }
0x7e: {  	_ =	shalt  }
0x7f: {  	_ =	shalt  }
0x80: {  	_ =	shalt  }
0x81: {  	_ =	shalt  }
0x82: {  	_ =	shalt  }
0x83: {  	_ =	shalt  }
0x84: {  	_ =	shalt  }
0x85: {  	_ =	shalt  }
0x86: {  	_ =	shalt  }
0x87: {  	_ =	shalt  }
.Lfunc_end0:
.L_simem_size_0:
called_computation.2_lowered:
.L_overlay_start_0:
0x88: {  	s2 =	sld [smem:$0x3FD9]  }
0x89: {  	s3 =	sld [smem:$0x3FFE];
	_ =	sdelay $0x1  }
0x8a: {  	s1 =	srdreg.scid  }
0x8b: {  	s0 =	sand.u32 $0x1, s1  }
0x8c: {  	s17 =	sshll.u32 s0, $0xA;
	s2 =	sadd.s32 s3, s2  }
0x8d: {  	s2 =	sadd.s32 s2, s17  }
0x8e: {  	[smem:$0x3FC0] =	sst s2  }
0x8f: {  	_ = 	snop  }
0x90: {  	s2 =	sld [smem:$0x3FD0];
	(tm) =	ssettm $0x1  }
0x91: {  	s18 =	sld [smem:$0x3FFB];
	_ =	sdelay $0x3  }
0x92: {  	_ =	strace s18  }
0x93: {  	s3 =	sld [smem:$0x3FFC];
	_ =	sdelay $0x3  }
0x94: {  	_ =	strace s3  }
0x95: {  	s3 =	sld [smem:$0x3FFD];
	_ =	sdelay $0x3  }
0x96: {  	_ =	strace s3  }
0x97: {  	_ =	strace $0x8FFFFFFF  }
0x98: {  	s19 =	sld [smem:$0x3FDB];
	_ =	sdelay $0x1  }
0x99: {  	s4 =	simm.s32 $_scs_section_size  }
0x9a: {  	s5 =	simm.s32 $_size__tile_overlayer_lowered;
	s6 =	simm.s32 $_tile_overlayer_lowered  }
0x9b: {  	s22 =	simm.s32 $0x1BFF;
	s21 =	sshll.u32 s6, $0x1;
	s3 =	sadd.s32 s4, s19  }
0x9c: {  	s7 =	simm.s32 $0x0;
	s20 =	sshll.u32 s5, $0x1;
	s5 =	sadd.s32 s21, s3  }
0x9d: {  	[timem:s7], [sflag:s22] =	dma.local [hbm:s5], s20  }
0x9e: {  	_ =	swait.ge [sflag:s22], s20  }
0x9f: {  	s4 =	ssub.s32 $0x0, s20;
	[sflag:s22] =	ssyncset.done $0x0  }
0xa0: {  	[sflag:s22] =	ssyncadd.s32 s4;
	_ =	sdelay $0x1  }
0xa1: {  	s23 =	simm.s32 $0x1B8B  }
0xa2: {  	_ =	swait.ge [sflag:s23], $0x1  }
0xa3: {  	[sflag:s23] =	ssyncset.done $0x0  }
0xa4: {  	s25 =	simm.s32 $0x1B8E;
	s24 =	sld [smem:$0x3FFE];
	[sflag:s23] =	ssyncadd.s32 $0xFFFFFFFF  }
0xa5: {  	s26 =	simm.s32 $execute0_lowered;
	[smem:$0x3FD2] =	sst s25  }
0xa6: {  	s5 =	sshll.u32 s26, $0x1;
	_ =	strace $0x8000004C;
	[dreg:$0x1] =	wrdreg $0xFFFFFFFF  }
0xa7: {  	s28 =	simm.s32 $_size_execute0_lowered;
	s3 =	sadd.s32 s3, s5;
	[dreg:$0x0] =	wrdreg $0x0  }
0xa8: {  	s5 =	sshll.u32 s28, $0x1;
	[dreg:$0x2] =	wrdreg s3  }
0xa9: {  	[dreg:$0x3] =	wrdreg s5  }
0xaa: {  	[dreg:$0x4] =	wrdreg $0xC0  }
0xab: {  	_ =	task [dreg:s7], $0x5FFFF  }
0xac: {  	[dreg:$0x1] =	wrdreg $0xFFFFFFFF  }
0xad: {  	[dreg:$0x0] =	wrdreg $0x60  }
0xae: {  	[dreg:$0x2] =	wrdreg s24  }
0xaf: {  	[dreg:$0x3] =	wrdreg s2  }
0xb0: {  	[dreg:$0x4] =	wrdreg $0xB7800  }
0xb1: {  	[dreg:$0x5] =	wrdreg $0x9  }
0xb2: {  	_ =	task.clear_ibuf [dreg:s7], $0x6FFFF;
	_ =	strace $0x9000004C  }
0xb3: {  	s29 =	simm.s32 $0x9;
	_ =	strace $0x8000004E  }
0xb4: {  	_ =	swait.ge [sflag:s29], $0x1  }
0xb5: {  	[sflag:s29] =	ssyncadd.s32 $0xFFFFFFFF  }
0xb6: {  	_ =	strace $0x9000004E  }
0xb7: {  	_ =	sfence  }
0xb8: {  	s30 =	sld [smem:$0x0];
	_ =	sdelay $0x2  }
0xb9: {  	s31 =	sshll.u32 s1, $0xD;
	s1 =	sshrl.u32 s1, $0x2  }
0xba: {  	s3 =	sand.u32 $0x4000, s31;
	s1 =	sadd.s32 s1, s30  }
0xbb: {  	s0 =	sor.u32 s3, s0;
	s1 =	sshll.u32 s1, $0x11  }
0xbc: {  	s0 =	sor.u32 s1, s0  }
0xbd: {  	s0 =	sadd.s32 $0x8F2B, s0  }
0xbe: {  	[sflag:s0] =	ssyncadd.remote.s32 $0x1  }
0xbf: {  	_ =	sfence.sel $0xFFFF  }
0xc0: {  	[dreg:$0x0] =	wrdreg $0xFFFFFFFF;
	(pc) =	sbr.abs _section_cstart, $3  }
0xc1: {  	[dreg:$0x1] =	wrdreg $0xFFFFFFFF  }
0xc2: {  	_ =	task.clear_ibuf [dreg:s7], $0x2FFFF;
	_ =	strace $0x9FFFFFFF  }
0xc3: {  	(tm) =	ssettm $0x7FFFFFFF  }
tec
execute0_lowered:
.L_overlay_start_1:
0x0: {  	(tag) =	ssettag $0x1  }
0x1: {  	s0 =	srdreg.scid;
	s1 =	rddreg [dreg:$0x0]  }
0x2: {  	s6 =	stileid.u32;
	s3 =	rddreg [dreg:$0x1];
	s9 =	simm.s32 $0x0  }
0x3: {  	s10 =	simm.s32 $0x11;
	s13 =	simm.s32 $0x1;
	s14 =	simm.s32 $0x2  }
0x4: {  	s15 =	simm.s32 $0x80;
	s16 =	simm.s32 $0x5000;
	s17 =	simm.s32 $0x5800  }
0x5: {  	s19 =	simm.s32 $0x6000;
	s26 =	simm.s32 $0x7000;
	s31 =	simm.s32 $0x8000  }
0x6: {  	s21 =	simm.s32 $0x6800;
	s22 =	simm.s32 $0x7800;
	s28 =	simm.s32 $0x6  }
0x7: {  	s29 =	simm.s32 $0xB;
	s30 =	simm.s32 $0x8;
	s0 =	sand.u32 $0x1, s0  }
0x8: {  	[smem:$0x7FF] =	sst s9;
	s2 =	sshll.u32 s0, $0x4;
	s7 =	smul.u32 $0x27800, s0  }
0x9: {  	s0 =	ssub.s32 $0x2, s0;
	s4 =	sor.u32 s6, s2;
	s2 =	rddreg [dreg:$0x2]  }
0xa: {  	s6 =	smul.u32 $0x2780, s6;
	_ =	strace $0x8000004D;
	[dreg:$0x4] =	wrdreg s26  }
0xb: {  	s23 =	sshrl.u32 s0, $0x1;
	[dreg:$0x5] =	wrdreg s31;
	s5 =	smul.u32 $0x4E2, s4  }
0xc: {  	s26 =	simm.s32 $0x9;
	s4 =	sadd.s32 $0x16600, s1;
	s0 =	ssub.s32 s0, s23  }
0xd: {  	s23 =	simm.s32 $0x3;
	s0 =	smax.u32 s0, $0x1;
	s1 =	sadd.s32 s5, s1  }
0xe: {  	s7 =	sadd.s32 s6, s7;
	[dreg:$0xa] =	wrdreg s0;
	s24 =	sadd.s32 $0xC800, s1  }
0xf: {  	s25 =	sshrl.u32 s7, $0x3;
	s1 =	sadd.s32 $0x2A00, s1;
	[dreg:$0x6] =	wrdreg s24  }
0x10: {  	s7 =	simm.s32 $0x9000;
	s3 =	sadd.s32 s3, s25;
	[dreg:$0x7] =	wrdreg s1  }
0x11: {  	s25 =	simm.s32 $0x4;
	s1 =	sadd.s32 s6, s2;
	[dreg:$0x9] =	wrdreg s3  }
0x12: {  	v0 =	vimm.s32 $0x0;
	v1 =	vlaneseq.u32;
	v2 =	vimm.f32 $0.0e+00;
	s24 =	simm.s32 $0x8800;
	s3 =	simm.s32 $0x0;
	[dreg:$0x8] =	wrdreg s1  }
.LBB2_1:
0x13: {  	[dreg:$0xb] =	wrdreg s3;
	s3 =	simm.s32 $0x2710  }
0x14: {  	v3 =	vmov s3  }
0x15: {  	v3 =	vshrl.u32 v3, $0x4  }
0x16: {  	v3 =	vmulhi.u32 $0x24924925, v3  }
0x17: {  	s8 =	simm.s32 $0x2720;
	s0 =	rddreg [dreg:$0x6]  }
0x18: {  	[tilespmem:s9], [sflag:$0x1] =	stream.linear.gather [hbm4b:s0+s9], $0x2710, $0x38;
	v4 =	vmov s8;
	v3 =	vmul.u32 $0x70, v3;
	[tilespmem:$0xDF00] =	vst v63  }
0x19: {  	s31 =	rddreg [dreg:$0x7];
	s5 =	simm.s32 $0x2800;
	v5 =	vor.u32 s3, v1;
	v4 =	vshrl.u32 v4, $0x4  }
0x1a: {  	[tilespmem:s5], [sflag:$0x2] =	stream.linear.gather [hbm4b:s31+s9], $0x2710, $0x38;
	v4 =	vmulhi.u32 $0x24924925, v4;
	v3 =	vsub.s32 v5, v3;
	[tilespmem:$0xDF00] =	vst v63  }
0x1b: {  	s5 =	simm.s32 $0x4F10;
	[tilespmem:s3+$0x0] =	vst v0;
	v3 =	vadd.s32 $0x2710, v3  }
0x1c: {  	s6 =	simm.s32 $0x2730;
	[tilespmem:s5+$0x0] =	vst v3;
	v3 =	vmul.u32 $0x70, v4;
	v4 =	vor.u32 s8, v1  }
.LBB2_2:
0x1d: {  	p0 =	sne.s32 s6, $0x27F0  }
0x1e: {  	v5 =	vmov s6;
	v3 =	vsub.s32 v4, v3;
	s3 =	sadd.s32 $0x10, s3;
	s8 =	smov.u32 s6;
	s6 =	sadd.s32 $0x10, s6  }
.Ltmp0:
0x1f: {  	s5 =	sadd.s32 $0x10, s5;
	v4 =	vshrl.u32 v5, $0x4;
	[tilespmem:s3+$0x0] =	vst v0;
	v3 =	vadd.s32 $0x2710, v3;
	(pc) =	sbr.rel @p0 .LBB2_2-.Ltmp0, $3  }
0x20: {  	v4 =	vmulhi.u32 $0x24924925, v4;
	[tilespmem:s5+$0x0] =	vst v3;
	_ =	sdelay $0x1  }
0x21: {  	v3 =	vmul.u32 $0x70, v4  }
0x22: {  	v4 =	vor.u32 s8, v1  }
0x23: {  	v3 =	vsub.s32 v4, v3;
	s3 =	sadd.s32 $0x10, s3  }
0x24: {  	s31 =	sadd.s32 $0x10, s5;
	[tilespmem:s3+$0x0] =	vst v0;
	v3 =	vadd.s32 $0x2710, v3  }
0x25: {  	s5 =	simm.s32 $0x0;
	s3 =	simm.s32 $0x40;
	[tilespmem:s31+$0x0] =	vst v3  }
.LBB2_4:
0x26: {  	p0 =	sne.s32 s3, $0x9DC0;
	[tilespmem:s5+$0x9000] =	vst v2;
	s5 =	smov.u32 s3;
	s3 =	sadd.s32 $0x40, s3  }
.Ltmp1:
0x27: {  	(pc) =	sbr.rel @p0 .LBB2_4-.Ltmp1, $2  }
0x28: {  	_ =	sdelay $0x2  }
0x29: {  	s5 =	sshra.s32 s5, $0x2  }
0x2a: {  	[tilespmem:s5+$0x9000] =	vst v2  }
0x2b: {  	[spmem:s1] =	stream.linear.scatter [tilespmem:s7], [sflag:$0x11], $0x2780, $0x38;
	[tilespmem:$0xDF00] =	vst v63  }
0x2c: {  	_ =	swait.ge [sflag:s10], $0x2780  }
0x2d: {  	[sflag:s10] =	ssyncset.done $0x0  }
0x2e: {  	[sflag:s10] =	ssyncadd.s32 $0xFFFFD880  }
0x2f: {  	_ =	swait.ge [sflag:s13], $0x2710  }
0x30: {  	[sflag:s13] =	ssyncset.done $0x0  }
0x31: {  	[sflag:s13] =	ssyncadd.s32 $0xFFFFD8F0  }
0x32: {  	_ =	swait.ge [sflag:s14], $0x2710  }
0x33: {  	[sflag:s14] =	ssyncset.done $0x0  }
0x34: {  	[sflag:s14] =	ssyncadd.s32 $0xFFFFD8F0  }
0x35: {  	s3 =	simm.s32 $0x0;
	[bflag:$0x0] =	sbarrier.arrive $0xFFFF  }
0x36: {  	[tilespmem:s16], [sflag:$0x1] =	stream.indirect.gather [hbm4b:s4+s15], $0x10, s3, s15, $0xb8;
	[tilespmem:$0xDF00] =	vst v63  }
0x37: {  	_ = 	snop  }
0x38: {  	[tilespmem:s17], [sflag:$0x2] =	stream.indirect.gather [hbm4b:s4+s15], $0x10, s15, s15, $0xb8;
	[tilespmem:$0xDF00] =	vst v63  }
0x39: {  	s0 =	simm.s32 $0x100;
	p0 =	por $0x1, $0x1  }
0x3a: {  	[tilespmem:s19], [sflag:$0x3] =	stream.indirect.gather [hbm4b:s4+s15], $0x10, s0, s15, $0xb8;
	[tilespmem:$0xDF00] =	vst v63  }
0x3b: {  	s31 =	simm.s32 $0x180;
	s3 =	simm.s32 @!p0 $0xD  }
0x3c: {  	[tilespmem:s21], [sflag:$0x4] =	stream.indirect.gather [hbm4b:s4+s15], $0x10, s31, s15, $0xb8;
	[tilespmem:$0xDF00] =	vst v63  }
0x3d: {  	_ =	swait.ge @!p0 [sflag:s3], $0x800  }
0x3e: {  	[sflag:s3] =	ssyncset.done @!p0 $0x0  }
0x3f: {  	s6 =	simm.s32 $0x200;
	s1 =	rddreg [dreg:$0x4];
	[sflag:s3] =	ssyncadd.s32 @!p0 $0xFFFFF800  }
0x40: {  	[tilespmem:s1], [sflag:$0x5] =	stream.indirect.gather [hbm4b:s4+s15], $0x10, s6, s15, $0xb8;
	[tilespmem:$0xDF00] =	vst v63  }
0x41: {  	_ =	swait.ge [sflag:s13], $0x800  }
0x42: {  	[sflag:s13] =	ssyncset.done $0x0  }
0x43: {  	s7 =	simm.s32 $0x2800;
	s5 =	simm.s32 @!p0 $0xE;
	[sflag:s13] =	ssyncadd.s32 $0xFFFFF800  }
0x44: {  	[spmem:s2] =	stream.indirect.scatter.add.f32 [tilespmem:s16], [sflag:$0x9], $0x10, s7, s15, $0xb8;
	[tilespmem:$0xDF00] =	vst v63  }
0x45: {  	_ =	swait.ge @!p0 [sflag:s5], $0x800  }
0x46: {  	[sflag:s5] =	ssyncset.done @!p0 $0x0  }
0x47: {  	s8 =	simm.s32 $0x280;
	[sflag:s5] =	ssyncadd.s32 @!p0 $0xFFFFF800  }
0x48: {  	[tilespmem:s22], [sflag:$0x6] =	stream.indirect.gather [hbm4b:s4+s15], $0x10, s8, s15, $0xb8;
	[tilespmem:$0xDF00] =	vst v63  }
0x49: {  	_ =	swait.ge [sflag:s14], $0x800  }
0x4a: {  	[sflag:s14] =	ssyncset.done $0x0  }
0x4b: {  	s9 =	simm.s32 $0x2880;
	s5 =	simm.s32 @!p0 $0xF;
	[sflag:s14] =	ssyncadd.s32 $0xFFFFF800  }
0x4c: {  	[spmem:s2] =	stream.indirect.scatter.add.f32 [tilespmem:s17], [sflag:$0xA], $0x10, s9, s15, $0xb8;
	[tilespmem:$0xDF00] =	vst v63  }
0x4d: {  	_ =	swait.ge @!p0 [sflag:s5], $0x800  }
0x4e: {  	[sflag:s5] =	ssyncset.done @!p0 $0x0  }
0x4f: {  	s11 =	simm.s32 $0x300;
	s10 =	rddreg [dreg:$0x5];
	[sflag:s5] =	ssyncadd.s32 @!p0 $0xFFFFF800  }
0x50: {  	[tilespmem:s10], [sflag:$0x7] =	stream.indirect.gather [hbm4b:s4+s15], $0x10, s11, s15, $0xb8;
	[tilespmem:$0xDF00] =	vst v63  }
0x51: {  	_ =	swait.ge [sflag:s23], $0x800  }
0x52: {  	[sflag:s23] =	ssyncset.done $0x0  }
0x53: {  	s12 =	simm.s32 $0x2900;
	s5 =	simm.s32 @!p0 $0x10;
	[sflag:s23] =	ssyncadd.s32 $0xFFFFF800  }
0x54: {  	[spmem:s2] =	stream.indirect.scatter.add.f32 [tilespmem:s19], [sflag:$0xB], $0x10, s12, s15, $0xb8;
	[tilespmem:$0xDF00] =	vst v63  }
0x55: {  	_ =	swait.ge @!p0 [sflag:s5], $0x800  }
0x56: {  	[sflag:s5] =	ssyncset.done @!p0 $0x0  }
0x57: {  	s18 =	simm.s32 $0x380;
	[sflag:s5] =	ssyncadd.s32 @!p0 $0xFFFFF800  }
0x58: {  	[tilespmem:s24], [sflag:$0x8] =	stream.indirect.gather [hbm4b:s4+s15], $0x10, s18, s15, $0xb8;
	[tilespmem:$0xDF00] =	vst v63  }
0x59: {  	_ =	swait.ge [sflag:s25], $0x800  }
0x5a: {  	[sflag:s25] =	ssyncset.done $0x0  }
0x5b: {  	s20 =	simm.s32 $0x2980;
	[sflag:s25] =	ssyncadd.s32 $0xFFFFF800  }
0x5c: {  	[spmem:s2] =	stream.indirect.scatter.add.f32 [tilespmem:s21], [sflag:$0xC], $0x10, s20, s15, $0xb8;
	[tilespmem:$0xDF00] =	vst v63  }
0x5d: {  	_ =	swait.ge [sflag:s26], $0x800  }
0x5e: {  	p0 =	por $0x0, $0x0;
	[sflag:s26] =	ssyncset.done $0x0  }
0x5f: {  	s3 =	simm.s32 @p0 $0x5;
	[sflag:s26] =	ssyncadd.s32 $0xFFFFF800  }
0x60: {  	_ =	swait.ge @p0 [sflag:s3], $0x800  }
0x61: {  	s5 =	simm.s32 @p0 $0x2A00;
	s6 =	simm.s32 @p0 $0xA;
	[sflag:s3] =	ssyncset.done @p0 $0x0  }
0x62: {  	s8 =	simm.s32 @p0 $0x7000;
	[sflag:s3] =	ssyncadd.s32 @p0 $0xFFFFF800;
	s3 =	simm.s32 @p0 $0x80  }
0x63: {  	[spmem:s2] =	stream.indirect.scatter.add.f32 @p0 [tilespmem:s8], [sflag:$0xD], $0x10, s5, s3, $0xb8;
	[tilespmem:$0xDF00] =	vst v63  }
0x64: {  	_ =	swait.ge @p0 [sflag:s6], $0x800  }
0x65: {  	s5 =	simm.s32 @!p0 $0x400;
	[sflag:s6] =	ssyncset.done @p0 $0x0  }
0x66: {  	s8 =	simm.s32 @!p0 $0x5000;
	[sflag:s6] =	ssyncadd.s32 @p0 $0xFFFFF800;
	s6 =	simm.s32 @!p0 $0x80  }
0x67: {  	[tilespmem:s8], [sflag:$0x1] =	stream.indirect.gather @!p0 [hbm4b:s4+s6], $0x10, s5, s6, $0xb8;
	[tilespmem:$0xDF00] =	vst v63  }
0x68: {  	s5 =	simm.s32 @!p0 $0x5  }
0x69: {  	_ =	swait.ge @!p0 [sflag:s5], $0x800  }
0x6a: {  	[sflag:s5] =	ssyncset.done @!p0 $0x0  }
0x6b: {  	s8 =	simm.s32 @!p0 $0x2A00;
	[sflag:s5] =	ssyncadd.s32 @!p0 $0xFFFFF800;
	s5 =	simm.s32 @!p0 $0x7000  }
0x6c: {  	[spmem:s2] =	stream.indirect.scatter.add.f32 @!p0 [tilespmem:s5], [sflag:$0xD], $0x10, s8, s6, $0xb8;
	[tilespmem:$0xDF00] =	vst v63  }
0x6d: {  	s5 =	simm.s32 @!p0 $0xA  }
0x6e: {  	_ =	swait.ge @!p0 [sflag:s5], $0x800  }
0x6f: {  	[sflag:s5] =	ssyncset.done @!p0 $0x0  }
0x70: {  	s8 =	simm.s32 @!p0 $0x480;
	[sflag:s5] =	ssyncadd.s32 @!p0 $0xFFFFF800;
	s5 =	simm.s32 @!p0 $0x5800  }
0x71: {  	[tilespmem:s5], [sflag:$0x2] =	stream.indirect.gather @!p0 [hbm4b:s4+s6], $0x10, s8, s6, $0xb8;
	[tilespmem:$0xDF00] =	vst v63  }
0x72: {  	_ =	swait.ge [sflag:s28], $0x800  }
0x73: {  	[sflag:s28] =	ssyncset.done $0x0  }
0x74: {  	s31 =	simm.s32 $0x2A80;
	[sflag:s28] =	ssyncadd.s32 $0xFFFFF800  }
0x75: {  	[spmem:s2] =	stream.indirect.scatter.add.f32 [tilespmem:s22], [sflag:$0xE], $0x10, s31, s15, $0xb8;
	[tilespmem:$0xDF00] =	vst v63  }
0x76: {  	_ =	swait.ge [sflag:s29], $0x800  }
0x77: {  	[sflag:s29] =	ssyncset.done $0x0  }
0x78: {  	s5 =	simm.s32 @p0 $0x7;
	[sflag:s29] =	ssyncadd.s32 $0xFFFFF800  }
0x79: {  	_ =	swait.ge @p0 [sflag:s5], $0x800  }
0x7a: {  	[sflag:s5] =	ssyncset.done @p0 $0x0  }
0x7b: {  	s8 =	simm.s32 @p0 $0x2B00;
	[sflag:s5] =	ssyncadd.s32 @p0 $0xFFFFF800;
	s5 =	simm.s32 @p0 $0x8000  }
0x7c: {  	[spmem:s2] =	stream.indirect.scatter.add.f32 @p0 [tilespmem:s5], [sflag:$0xF], $0x10, s8, s3, $0xb8;
	[tilespmem:$0xDF00] =	vst v63  }
0x7d: {  	s3 =	simm.s32 @p0 $0xC  }
0x7e: {  	_ =	swait.ge @p0 [sflag:s3], $0x800  }
0x7f: {  	[sflag:s3] =	ssyncset.done @p0 $0x0  }
0x80: {  	s5 =	simm.s32 @!p0 $0x500;
	[sflag:s3] =	ssyncadd.s32 @p0 $0xFFFFF800;
	s3 =	simm.s32 @!p0 $0x6000  }
0x81: {  	[tilespmem:s3], [sflag:$0x3] =	stream.indirect.gather @!p0 [hbm4b:s4+s6], $0x10, s5, s6, $0xb8;
	[tilespmem:$0xDF00] =	vst v63  }
0x82: {  	s3 =	simm.s32 @!p0 $0x7  }
0x83: {  	_ =	swait.ge @!p0 [sflag:s3], $0x800  }
0x84: {  	[sflag:s3] =	ssyncset.done @!p0 $0x0  }
0x85: {  	s5 =	simm.s32 @!p0 $0x2B00;
	[sflag:s3] =	ssyncadd.s32 @!p0 $0xFFFFF800;
	s3 =	simm.s32 @!p0 $0x8000  }
0x86: {  	[spmem:s2] =	stream.indirect.scatter.add.f32 @!p0 [tilespmem:s3], [sflag:$0xF], $0x10, s5, s6, $0xb8;
	[tilespmem:$0xDF00] =	vst v63  }
0x87: {  	s3 =	simm.s32 @!p0 $0xC  }
0x88: {  	_ =	swait.ge @!p0 [sflag:s3], $0x800  }
0x89: {  	[sflag:s3] =	ssyncset.done @!p0 $0x0  }
0x8a: {  	s5 =	simm.s32 @!p0 $0x580;
	[sflag:s3] =	ssyncadd.s32 @!p0 $0xFFFFF800;
	s3 =	simm.s32 @!p0 $0x6800  }
0x8b: {  	[tilespmem:s3], [sflag:$0x4] =	stream.indirect.gather @!p0 [hbm4b:s4+s6], $0x10, s5, s6, $0xb8;
	[tilespmem:$0xDF00] =	vst v63  }
0x8c: {  	p1 =	por $0x0, $0x0;
	s20 =	simm.s32 $0x1000;
	_ =	swait.ge [sflag:s30], $0x800  }
0x8d: {  	s5 =	simm.s32 $0x2000;
	s3 =	simm.s32 $0x2B80;
	[sflag:s30] =	ssyncset.done $0x0  }
.LBB2_6:
0x8e: {  	s6 =	simm.s32 @!p1 $0xD;
	[sflag:s30] =	ssyncadd.s32 $0xFFFFF800  }
0x8f: {  	[spmem:s2] =	stream.indirect.scatter.add.f32 [tilespmem:s24], [sflag:$0x10], $0x10, s3, s15, $0xb8;
	[tilespmem:$0xDF00] =	vst v63  }
0x90: {  	_ =	swait.ge @!p1 [sflag:s6], $0x800  }
0x91: {  	[sflag:s6] =	ssyncset.done @!p1 $0x0  }
0x92: {  	[sflag:s6] =	ssyncadd.s32 @!p1 $0xFFFFF800;
	s6 =	sshra.s32 s20, $0x2  }
0x93: {  	s11 =	rddreg [dreg:$0x4];
	s9 =	sadd.s32 $0x200, s6  }
0x94: {  	[tilespmem:s11], [sflag:$0x5] =	stream.indirect.gather [hbm4b:s4+s15], $0x10, s9, s15, $0xb8;
	[tilespmem:$0xDF00] =	vst v63  }
0x95: {  	_ =	swait.ge [sflag:s13], $0x800  }
0x96: {  	[sflag:s13] =	ssyncset.done $0x0  }
0x97: {  	s12 =	sadd.s32 $0x2800, s6;
	s9 =	simm.s32 @!p1 $0xE;
	[sflag:s13] =	ssyncadd.s32 $0xFFFFF800  }
0x98: {  	[spmem:s2] =	stream.indirect.scatter.add.f32 [tilespmem:s16], [sflag:$0x9], $0x10, s12, s15, $0xb8;
	[tilespmem:$0xDF00] =	vst v63  }
0x99: {  	_ =	swait.ge @!p1 [sflag:s9], $0x800  }
0x9a: {  	[sflag:s9] =	ssyncset.done @!p1 $0x0  }
0x9b: {  	s18 =	sadd.s32 $0x280, s6;
	[sflag:s9] =	ssyncadd.s32 @!p1 $0xFFFFF800  }
0x9c: {  	[tilespmem:s22], [sflag:$0x6] =	stream.indirect.gather [hbm4b:s4+s15], $0x10, s18, s15, $0xb8;
	[tilespmem:$0xDF00] =	vst v63  }
0x9d: {  	_ =	swait.ge [sflag:s14], $0x800  }
0x9e: {  	[sflag:s14] =	ssyncset.done $0x0  }
0x9f: {  	s31 =	sadd.s32 $0x2880, s6;
	s9 =	simm.s32 @!p1 $0xF;
	[sflag:s14] =	ssyncadd.s32 $0xFFFFF800  }
0xa0: {  	[spmem:s2] =	stream.indirect.scatter.add.f32 [tilespmem:s17], [sflag:$0xA], $0x10, s31, s15, $0xb8;
	[tilespmem:$0xDF00] =	vst v63  }
0xa1: {  	_ =	swait.ge @!p1 [sflag:s9], $0x800  }
0xa2: {  	[sflag:s9] =	ssyncset.done @!p1 $0x0  }
0xa3: {  	s1 =	sadd.s32 $0x300, s6;
	s0 =	rddreg [dreg:$0x5];
	[sflag:s9] =	ssyncadd.s32 @!p1 $0xFFFFF800  }
0xa4: {  	[tilespmem:s0], [sflag:$0x7] =	stream.indirect.gather [hbm4b:s4+s15], $0x10, s1, s15, $0xb8;
	[tilespmem:$0xDF00] =	vst v63  }
0xa5: {  	_ =	swait.ge [sflag:s23], $0x800  }
0xa6: {  	[sflag:s23] =	ssyncset.done $0x0  }
0xa7: {  	s7 =	sadd.s32 $0x2900, s6;
	s9 =	simm.s32 @!p1 $0x10;
	[sflag:s23] =	ssyncadd.s32 $0xFFFFF800  }
0xa8: {  	[spmem:s2] =	stream.indirect.scatter.add.f32 [tilespmem:s19], [sflag:$0xB], $0x10, s7, s15, $0xb8;
	[tilespmem:$0xDF00] =	vst v63  }
0xa9: {  	_ =	swait.ge @!p1 [sflag:s9], $0x800  }
0xaa: {  	[sflag:s9] =	ssyncset.done @!p1 $0x0  }
0xab: {  	s10 =	sadd.s32 $0x380, s6;
	[sflag:s9] =	ssyncadd.s32 @!p1 $0xFFFFF800  }
0xac: {  	[tilespmem:s24], [sflag:$0x8] =	stream.indirect.gather [hbm4b:s4+s15], $0x10, s10, s15, $0xb8;
	[tilespmem:$0xDF00] =	vst v63  }
0xad: {  	_ =	swait.ge [sflag:s25], $0x800  }
0xae: {  	[sflag:s25] =	ssyncset.done $0x0  }
0xaf: {  	s11 =	sadd.s32 $0x2980, s6;
	[sflag:s25] =	ssyncadd.s32 $0xFFFFF800  }
0xb0: {  	[spmem:s2] =	stream.indirect.scatter.add.f32 [tilespmem:s21], [sflag:$0xC], $0x10, s11, s15, $0xb8;
	[tilespmem:$0xDF00] =	vst v63  }
0xb1: {  	_ =	swait.ge [sflag:s26], $0x800  }
0xb2: {  	s8 =	smov.u32 s5;
	p1 =	seq.s32 s20, $0x9000;
	[sflag:s26] =	ssyncset.done $0x0  }
0xb3: {  	s3 =	simm.s32 @p1 $0x5;
	s9 =	sshra.s32 @p1 s20, $0x2;
	[sflag:s26] =	ssyncadd.s32 $0xFFFFF800  }
0xb4: {  	s20 =	sshra.s32 @!p1 s20, $0x2;
	s1 =	simm.s32 @p1 $0xA;
	_ =	swait.ge @p1 [sflag:s3], $0x800  }
0xb5: {  	s12 =	simm.s32 @!p1 $0x5;
	s31 =	sadd.s32 @p1 $0x2A00, s9;
	[sflag:s3] =	ssyncset.done @p1 $0x0  }
0xb6: {  	s11 =	simm.s32 @p1 $0x80;
	[sflag:s3] =	ssyncadd.s32 @p1 $0xFFFFF800;
	s3 =	simm.s32 @p1 $0x7000  }
0xb7: {  	[spmem:s2] =	stream.indirect.scatter.add.f32 @p1 [tilespmem:s3], [sflag:$0xD], $0x10, s31, s11, $0xb8;
	[tilespmem:$0xDF00] =	vst v63  }
0xb8: {  	s0 =	sadd.s32 @!p1 $0x400, s20;
	s10 =	sadd.s32 @!p1 $0x2A00, s20;
	_ =	swait.ge @p1 [sflag:s1], $0x800  }
0xb9: {  	s7 =	sadd.s32 @!p1 $0x480, s20;
	s18 =	sadd.s32 @p1 $0x2B00, s9;
	[sflag:s1] =	ssyncset.done @p1 $0x0  }
0xba: {  	s9 =	simm.s32 @!p1 $0x80;
	[sflag:s1] =	ssyncadd.s32 @p1 $0xFFFFF800;
	s1 =	simm.s32 @!p1 $0x5000  }
0xbb: {  	[tilespmem:s1], [sflag:$0x1] =	stream.indirect.gather @!p1 [hbm4b:s4+s9], $0x10, s0, s9, $0xb8;
	[tilespmem:$0xDF00] =	vst v63  }
0xbc: {  	s31 =	sadd.s32 @!p1 $0x2B00, s20;
	s3 =	sadd.s32 @!p1 $0x580, s20;
	_ =	swait.ge @!p1 [sflag:s12], $0x800  }
0xbd: {  	s0 =	sadd.s32 @!p1 $0x500, s20;
	s20 =	smov.u32 s8;
	[sflag:s12] =	ssyncset.done @!p1 $0x0  }
0xbe: {  	s1 =	simm.s32 @!p1 $0x7000;
	s8 =	simm.s32 @!p1 $0xA;
	[sflag:s12] =	ssyncadd.s32 @!p1 $0xFFFFF800  }
0xbf: {  	[spmem:s2] =	stream.indirect.scatter.add.f32 @!p1 [tilespmem:s1], [sflag:$0xD], $0x10, s10, s9, $0xb8;
	[tilespmem:$0xDF00] =	vst v63  }
0xc0: {  	_ =	swait.ge @!p1 [sflag:s8], $0x800  }
0xc1: {  	[sflag:s8] =	ssyncset.done @!p1 $0x0  }
0xc2: {  	s1 =	simm.s32 @!p1 $0x5800;
	[sflag:s8] =	ssyncadd.s32 @!p1 $0xFFFFF800  }
0xc3: {  	[tilespmem:s1], [sflag:$0x2] =	stream.indirect.gather @!p1 [hbm4b:s4+s9], $0x10, s7, s9, $0xb8;
	[tilespmem:$0xDF00] =	vst v63  }
0xc4: {  	_ =	swait.ge [sflag:s28], $0x800  }
0xc5: {  	[sflag:s28] =	ssyncset.done $0x0  }
0xc6: {  	s12 =	sadd.s32 $0x2A80, s6;
	[sflag:s28] =	ssyncadd.s32 $0xFFFFF800  }
0xc7: {  	[spmem:s2] =	stream.indirect.scatter.add.f32 [tilespmem:s22], [sflag:$0xE], $0x10, s12, s15, $0xb8;
	[tilespmem:$0xDF00] =	vst v63  }
0xc8: {  	_ =	swait.ge [sflag:s29], $0x800  }
0xc9: {  	[sflag:s29] =	ssyncset.done $0x0  }
0xca: {  	s1 =	simm.s32 @p1 $0x7;
	[sflag:s29] =	ssyncadd.s32 $0xFFFFF800  }
0xcb: {  	_ =	swait.ge @p1 [sflag:s1], $0x800  }
0xcc: {  	[sflag:s1] =	ssyncset.done @p1 $0x0  }
0xcd: {  	s7 =	simm.s32 @p1 $0xC;
	[sflag:s1] =	ssyncadd.s32 @p1 $0xFFFFF800;
	s1 =	simm.s32 @p1 $0x8000  }
0xce: {  	[spmem:s2] =	stream.indirect.scatter.add.f32 @p1 [tilespmem:s1], [sflag:$0xF], $0x10, s18, s11, $0xb8;
	[tilespmem:$0xDF00] =	vst v63  }
0xcf: {  	_ =	swait.ge @p1 [sflag:s7], $0x800  }
0xd0: {  	[sflag:s7] =	ssyncset.done @p1 $0x0  }
0xd1: {  	s1 =	simm.s32 @!p1 $0x6000;
	[sflag:s7] =	ssyncadd.s32 @p1 $0xFFFFF800;
	s7 =	simm.s32 @!p1 $0x7  }
0xd2: {  	[tilespmem:s1], [sflag:$0x3] =	stream.indirect.gather @!p1 [hbm4b:s4+s9], $0x10, s0, s9, $0xb8;
	[tilespmem:$0xDF00] =	vst v63  }
0xd3: {  	_ =	swait.ge @!p1 [sflag:s7], $0x800  }
0xd4: {  	s5 =	sadd.s32 $0x1000, s5;
	[sflag:s7] =	ssyncset.done @!p1 $0x0  }
0xd5: {  	s0 =	simm.s32 @!p1 $0x8000;
	s1 =	simm.s32 @!p1 $0xC;
	[sflag:s7] =	ssyncadd.s32 @!p1 $0xFFFFF800  }
0xd6: {  	[spmem:s2] =	stream.indirect.scatter.add.f32 @!p1 [tilespmem:s0], [sflag:$0xF], $0x10, s31, s9, $0xb8;
	[tilespmem:$0xDF00] =	vst v63  }
0xd7: {  	p0 =	sne.s32 s5, $0xA000;
	_ =	swait.ge @!p1 [sflag:s1], $0x800  }
.Ltmp2:
0xd8: {  	[sflag:s1] =	ssyncset.done @!p1 $0x0;
	(pc) =	sbr.rel @p0 .LBB2_6-.Ltmp2, $4  }
0xd9: {  	s0 =	simm.s32 @!p1 $0x6800;
	[sflag:s1] =	ssyncadd.s32 @!p1 $0xFFFFF800  }
0xda: {  	[tilespmem:s0], [sflag:$0x4] =	stream.indirect.gather @!p1 [hbm4b:s4+s9], $0x10, s3, s9, $0xb8;
	[tilespmem:$0xDF00] =	vst v63  }
0xdb: {  	_ =	swait.ge [sflag:s30], $0x800  }
0xdc: {  	p1 =	seq.s32 s20, $0x0;
	s3 =	sadd.s32 $0x2B80, s6;
	[sflag:s30] =	ssyncset.done $0x0  }
0xdd: {  	s0 =	simm.s32 @!p1 $0xD;
	[sflag:s30] =	ssyncadd.s32 $0xFFFFF800  }
0xde: {  	[spmem:s2] =	stream.indirect.scatter.add.f32 [tilespmem:s24], [sflag:$0x10], $0x10, s3, s15, $0xb8;
	[tilespmem:$0xDF00] =	vst v63  }
0xdf: {  	_ =	swait.ge @!p1 [sflag:s0], $0x800  }
0xe0: {  	s5 =	sshra.s32 s20, $0x2;
	[sflag:s0] =	ssyncset.done @!p1 $0x0  }
0xe1: {  	s3 =	sadd.s32 $0x200, s5;
	s1 =	rddreg [dreg:$0x4];
	[sflag:s0] =	ssyncadd.s32 @!p1 $0xFFFFF800  }
0xe2: {  	[tilespmem:s1], [sflag:$0x5] =	stream.indirect.gather [hbm4b:s4+s15], $0x10, s3, s15, $0xb8;
	[tilespmem:$0xDF00] =	vst v63  }
0xe3: {  	_ =	swait.ge [sflag:s13], $0x800  }
0xe4: {  	[sflag:s13] =	ssyncset.done $0x0  }
0xe5: {  	s6 =	sadd.s32 $0x2800, s5;
	s1 =	simm.s32 @!p1 $0xE;
	[sflag:s13] =	ssyncadd.s32 $0xFFFFF800  }
0xe6: {  	[spmem:s2] =	stream.indirect.scatter.add.f32 [tilespmem:s16], [sflag:$0x9], $0x10, s6, s15, $0xb8;
	[tilespmem:$0xDF00] =	vst v63  }
0xe7: {  	_ =	swait.ge @!p1 [sflag:s1], $0x800  }
0xe8: {  	[sflag:s1] =	ssyncset.done @!p1 $0x0  }
0xe9: {  	s7 =	sadd.s32 $0x280, s5;
	[sflag:s1] =	ssyncadd.s32 @!p1 $0xFFFFF800  }
0xea: {  	[tilespmem:s22], [sflag:$0x6] =	stream.indirect.gather [hbm4b:s4+s15], $0x10, s7, s15, $0xb8;
	[tilespmem:$0xDF00] =	vst v63  }
0xeb: {  	_ =	swait.ge [sflag:s14], $0x800  }
0xec: {  	[sflag:s14] =	ssyncset.done $0x0  }
0xed: {  	s8 =	sadd.s32 $0x2880, s5;
	s1 =	simm.s32 @!p1 $0xF;
	[sflag:s14] =	ssyncadd.s32 $0xFFFFF800  }
0xee: {  	[spmem:s2] =	stream.indirect.scatter.add.f32 [tilespmem:s17], [sflag:$0xA], $0x10, s8, s15, $0xb8;
	[tilespmem:$0xDF00] =	vst v63  }
0xef: {  	_ =	swait.ge @!p1 [sflag:s1], $0x800  }
0xf0: {  	[sflag:s1] =	ssyncset.done @!p1 $0x0  }
0xf1: {  	s10 =	sadd.s32 $0x300, s5;
	s9 =	rddreg [dreg:$0x5];
	[sflag:s1] =	ssyncadd.s32 @!p1 $0xFFFFF800  }
0xf2: {  	[tilespmem:s9], [sflag:$0x7] =	stream.indirect.gather [hbm4b:s4+s15], $0x10, s10, s15, $0xb8;
	[tilespmem:$0xDF00] =	vst v63  }
0xf3: {  	_ =	swait.ge [sflag:s23], $0x800  }
0xf4: {  	[sflag:s23] =	ssyncset.done $0x0  }
0xf5: {  	s11 =	sadd.s32 $0x2900, s5;
	s1 =	simm.s32 @!p1 $0x10;
	[sflag:s23] =	ssyncadd.s32 $0xFFFFF800  }
0xf6: {  	[spmem:s2] =	stream.indirect.scatter.add.f32 [tilespmem:s19], [sflag:$0xB], $0x10, s11, s15, $0xb8;
	[tilespmem:$0xDF00] =	vst v63  }
0xf7: {  	_ =	swait.ge @!p1 [sflag:s1], $0x800  }
0xf8: {  	[sflag:s1] =	ssyncset.done @!p1 $0x0  }
0xf9: {  	s12 =	sadd.s32 $0x380, s5;
	[sflag:s1] =	ssyncadd.s32 @!p1 $0xFFFFF800  }
0xfa: {  	[tilespmem:s24], [sflag:$0x8] =	stream.indirect.gather [hbm4b:s4+s15], $0x10, s12, s15, $0xb8;
	[tilespmem:$0xDF00] =	vst v63  }
0xfb: {  	_ =	swait.ge [sflag:s25], $0x800  }
0xfc: {  	[sflag:s25] =	ssyncset.done $0x0  }
0xfd: {  	s18 =	sadd.s32 $0x2980, s5;
	[sflag:s25] =	ssyncadd.s32 $0xFFFFF800  }
0xfe: {  	[spmem:s2] =	stream.indirect.scatter.add.f32 [tilespmem:s21], [sflag:$0xC], $0x10, s18, s15, $0xb8;
	[tilespmem:$0xDF00] =	vst v63  }
0xff: {  	_ =	swait.ge [sflag:s26], $0x800  }
0x100: {  	p0 =	seq.s32 s20, $0x9000;
	[sflag:s26] =	ssyncset.done $0x0  }
0x101: {  	s0 =	simm.s32 @p0 $0x5;
	[sflag:s26] =	ssyncadd.s32 $0xFFFFF800  }
0x102: {  	s6 =	simm.s32 @p0 $0xA;
	_ =	swait.ge @p0 [sflag:s0], $0x800  }
0x103: {  	s7 =	simm.s32 @p0 $0x7000;
	s1 =	sshra.s32 @p0 s20, $0x2;
	[sflag:s0] =	ssyncset.done @p0 $0x0  }
0x104: {  	s3 =	sadd.s32 @p0 $0x2A00, s1;
	[sflag:s0] =	ssyncadd.s32 @p0 $0xFFFFF800;
	s0 =	simm.s32 @p0 $0x80  }
0x105: {  	[spmem:s2] =	stream.indirect.scatter.add.f32 @p0 [tilespmem:s7], [sflag:$0xD], $0x10, s3, s0, $0xb8;
	[tilespmem:$0xDF00] =	vst v63  }
0x106: {  	_ =	swait.ge @p0 [sflag:s6], $0x800  }
0x107: {  	s8 =	simm.s32 @!p0 $0x5000;
	s3 =	sshra.s32 @!p0 s20, $0x2;
	[sflag:s6] =	ssyncset.done @p0 $0x0  }
0x108: {  	s7 =	sadd.s32 @!p0 $0x400, s3;
	[sflag:s6] =	ssyncadd.s32 @p0 $0xFFFFF800;
	s6 =	simm.s32 @!p0 $0x80  }
0x109: {  	[tilespmem:s8], [sflag:$0x1] =	stream.indirect.gather @!p0 [hbm4b:s4+s6], $0x10, s7, s6, $0xb8;
	[tilespmem:$0xDF00] =	vst v63  }
0x10a: {  	s7 =	simm.s32 @!p0 $0x5  }
0x10b: {  	_ =	swait.ge @!p0 [sflag:s7], $0x800  }
0x10c: {  	[sflag:s7] =	ssyncset.done @!p0 $0x0  }
0x10d: {  	s8 =	sadd.s32 @!p0 $0x2A00, s3;
	[sflag:s7] =	ssyncadd.s32 @!p0 $0xFFFFF800;
	s7 =	simm.s32 @!p0 $0x7000  }
0x10e: {  	[spmem:s2] =	stream.indirect.scatter.add.f32 @!p0 [tilespmem:s7], [sflag:$0xD], $0x10, s8, s6, $0xb8;
	[tilespmem:$0xDF00] =	vst v63  }
0x10f: {  	s7 =	simm.s32 @!p0 $0xA  }
0x110: {  	_ =	swait.ge @!p0 [sflag:s7], $0x800  }
0x111: {  	[sflag:s7] =	ssyncset.done @!p0 $0x0  }
0x112: {  	s8 =	sadd.s32 @!p0 $0x480, s3;
	[sflag:s7] =	ssyncadd.s32 @!p0 $0xFFFFF800;
	s7 =	simm.s32 @!p0 $0x5800  }
0x113: {  	[tilespmem:s7], [sflag:$0x2] =	stream.indirect.gather @!p0 [hbm4b:s4+s6], $0x10, s8, s6, $0xb8;
	[tilespmem:$0xDF00] =	vst v63  }
0x114: {  	_ =	swait.ge [sflag:s28], $0x800  }
0x115: {  	[sflag:s28] =	ssyncset.done $0x0  }
0x116: {  	s31 =	sadd.s32 $0x2A80, s5;
	[sflag:s28] =	ssyncadd.s32 $0xFFFFF800  }
0x117: {  	[spmem:s2] =	stream.indirect.scatter.add.f32 [tilespmem:s22], [sflag:$0xE], $0x10, s31, s15, $0xb8;
	[tilespmem:$0xDF00] =	vst v63  }
0x118: {  	_ =	swait.ge [sflag:s29], $0x800  }
0x119: {  	[sflag:s29] =	ssyncset.done $0x0  }
0x11a: {  	s7 =	simm.s32 @p0 $0x7;
	[sflag:s29] =	ssyncadd.s32 $0xFFFFF800  }
0x11b: {  	_ =	swait.ge @p0 [sflag:s7], $0x800  }
0x11c: {  	[sflag:s7] =	ssyncset.done @p0 $0x0  }
0x11d: {  	s1 =	sadd.s32 @p0 $0x2B00, s1;
	[sflag:s7] =	ssyncadd.s32 @p0 $0xFFFFF800;
	s7 =	simm.s32 @p0 $0x8000  }
0x11e: {  	[spmem:s2] =	stream.indirect.scatter.add.f32 @p0 [tilespmem:s7], [sflag:$0xF], $0x10, s1, s0, $0xb8;
	[tilespmem:$0xDF00] =	vst v63  }
0x11f: {  	s0 =	simm.s32 @p0 $0xC  }
0x120: {  	_ =	swait.ge @p0 [sflag:s0], $0x800  }
0x121: {  	[sflag:s0] =	ssyncset.done @p0 $0x0  }
0x122: {  	s1 =	sadd.s32 @!p0 $0x500, s3;
	[sflag:s0] =	ssyncadd.s32 @p0 $0xFFFFF800;
	s0 =	simm.s32 @!p0 $0x6000  }
0x123: {  	[tilespmem:s0], [sflag:$0x3] =	stream.indirect.gather @!p0 [hbm4b:s4+s6], $0x10, s1, s6, $0xb8;
	[tilespmem:$0xDF00] =	vst v63  }
0x124: {  	s0 =	simm.s32 @!p0 $0x7  }
0x125: {  	_ =	swait.ge @!p0 [sflag:s0], $0x800  }
0x126: {  	[sflag:s0] =	ssyncset.done @!p0 $0x0  }
0x127: {  	s1 =	sadd.s32 @!p0 $0x2B00, s3;
	[sflag:s0] =	ssyncadd.s32 @!p0 $0xFFFFF800;
	s0 =	simm.s32 @!p0 $0x8000  }
0x128: {  	[spmem:s2] =	stream.indirect.scatter.add.f32 @!p0 [tilespmem:s0], [sflag:$0xF], $0x10, s1, s6, $0xb8;
	[tilespmem:$0xDF00] =	vst v63  }
0x129: {  	s0 =	simm.s32 @!p0 $0xC  }
0x12a: {  	_ =	swait.ge @!p0 [sflag:s0], $0x800  }
0x12b: {  	[sflag:s0] =	ssyncset.done @!p0 $0x0  }
0x12c: {  	s1 =	sadd.s32 @!p0 $0x580, s3;
	[sflag:s0] =	ssyncadd.s32 @!p0 $0xFFFFF800;
	s0 =	simm.s32 @!p0 $0x6800  }
0x12d: {  	[tilespmem:s0], [sflag:$0x4] =	stream.indirect.gather @!p0 [hbm4b:s4+s6], $0x10, s1, s6, $0xb8;
	[tilespmem:$0xDF00] =	vst v63  }
0x12e: {  	_ =	swait.ge [sflag:s30], $0x800  }
0x12f: {  	[sflag:s30] =	ssyncset.done $0x0  }
0x130: {  	s9 =	simm.s32 $0xD;
	s8 =	sadd.s32 $0x2B80, s5;
	[sflag:s30] =	ssyncadd.s32 $0xFFFFF800  }
0x131: {  	[spmem:s2] =	stream.indirect.scatter.add.f32 [tilespmem:s24], [sflag:$0x10], $0x10, s8, s15, $0xb8;
	[tilespmem:$0xDF00] =	vst v63  }
0x132: {  	_ =	swait.ge [sflag:s9], $0x800  }
0x133: {  	[sflag:s9] =	ssyncset.done $0x0  }
0x134: {  	s10 =	simm.s32 $0xE;
	[sflag:s9] =	ssyncadd.s32 $0xFFFFF800  }
0x135: {  	_ =	swait.ge [sflag:s10], $0x800  }
0x136: {  	[sflag:s10] =	ssyncset.done $0x0  }
0x137: {  	s11 =	simm.s32 $0xF;
	[sflag:s10] =	ssyncadd.s32 $0xFFFFF800  }
0x138: {  	_ =	swait.ge [sflag:s11], $0x800  }
0x139: {  	[sflag:s11] =	ssyncset.done $0x0  }
0x13a: {  	s12 =	simm.s32 $0x10;
	[sflag:s11] =	ssyncadd.s32 $0xFFFFF800  }
0x13b: {  	_ =	swait.ge [sflag:s12], $0x800  }
0x13c: {  	[sflag:s12] =	ssyncset.done $0x0  }
0x13d: {  	[sflag:s12] =	ssyncadd.s32 $0xFFFFF800  }
0x13e: {  	[bflag:$0x0] =	sbarrier.arrive $0xFFFF  }
0x13f: {  	s7 =	simm.s32 $0x9000;
	s10 =	simm.s32 $0x11;
	s1 =	rddreg [dreg:$0x8]  }
0x140: {  	[tilespmem:s7], [sflag:$0x11] =	stream.linear.gather [spmem:s1], $0x2780, $0x38;
	[tilespmem:$0xDF00] =	vst v63  }
0x141: {  	_ =	swait.ge [sflag:s10], $0x2780  }
0x142: {  	[sflag:s10] =	ssyncset.done $0x0  }
0x143: {  	s9 =	simm.s32 $0x0;
	s18 =	rddreg [dreg:$0x9];
	[sflag:s10] =	ssyncadd.s32 $0xFFFFD880  }
0x144: {  	[hbm4b:s18+s9] =	stream.linear.scatter [tilespmem:s7], [sflag:$0x11], $0x2780, $0x38;
	[tilespmem:$0xDF00] =	vst v63  }
0x145: {  	_ =	swait.ge [sflag:s10], $0x2780  }
0x146: {  	s20 =	rddreg [dreg:$0xb]  }
0x147: {  	s31 =	rddreg [dreg:$0xa];
	s3 =	sadd.s32 $0x1, s20  }
0x148: {  	p0 =	sne.s32 s3, s31  }
.Ltmp3:
0x149: {  	_ = 	snop;
	(pc) =	sbr.rel @p0 .LBB2_1-.Ltmp3, $3  }
0x14a: {  	_ =	sdelay $0x1  }
0x14b: {  	[sflag:s10] =	ssyncset.done $0x0  }
0x14c: {  	[sflag:s10] =	ssyncadd.s32 $0xFFFFD880  }
0x14d: {  	_ =	sfence.sel $0x180000  }
0x14e: {  	[bflag:$0x0] =	sbarrier.arrive $0xFFFF  }
0x14f: {  	_ =	strace $0x9000004D  }
0x150: {  	s0 =	stileid.u32;
	[bflag:$0x2] =	sbarrier.arrive $0xFFFF  }
0x151: {  	p0 =	sne.s32 s0, $0x0;
	s0 =	rddreg [dreg:$0x3]  }
0x152: {  	s0 =	sadd.s32 @!p0 $0x100000, s0  }
0x153: {  	[sflag:s0] =	ssyncadd.tile.s32 @!p0 $0x1;
	_ =	shalt  }
.Lfunc_end2:
_tile_overlayer_lowered:
.L_overlay_start_2:
0x154: {  	(tag) =	ssettag $0x2  }
0x155: {  	s0 =	rddreg [dreg:$0x0];
	s2 =	stileid.u32  }
0x156: {  	s1 =	rddreg [dreg:$0x1];
	p0 =	sne.s32 s2, $0x0  }
0x157: {  	s3 =	rddreg [dreg:$0x2];
	[bflag:$0x3] =	sbarrier.arrive $0xFFFF;
	s2 =	simm.s32 @!p0 $0x1C11  }
0x158: {  	[timem:s3], [sflag:s2] =	dma.local @!p0 [hbm:s0], s1  }
0x159: {  	s0 =	simm.s32 @!p0 $0x11  }
0x15a: {  	_ =	swait.ge @!p0 [sflag:s0], s1  }
0x15b: {  	s1 =	ssub.s32 @!p0 $0x0, s1;
	[sflag:s0] =	ssyncset.done @!p0 $0x0  }
0x15c: {  	[sflag:s0] =	ssyncadd.s32 @!p0 s1  }
0x15d: {  	[bflag:$0x3] =	sbarrier.arrive $0xFFFF  }
0x15e: {  	_ =	shalt  }

// kernel: kernel.9.cloned.1.call-start
scs
__scs_entry_jumppad:
0x0: {  	(pc) =	sbr.rel $0x88, $3  }
0x1: {  	(tag) =	ssettag $0x0;
	lr =	simm.s32 $0x1  }
0x2: {  	[smem:$0x3F99] =	sst lr;
	_ =	strace $0xD0000000  }
0x3: {  	_ = 	snop  }
0x4: {  	_ = 	snop  }
0x5: {  	_ = 	snop  }
0x6: {  	_ = 	snop  }
0x7: {  	_ = 	snop  }
__scs_overlays_trampoline_lowered:
0x8: {  	[smem:$0x3FA8] =	sst s0  }
0x9: {  	[smem:$0x3FA9] =	sst s1  }
0xa: {  	[smem:$0x3FAA] =	sst s2  }
0xb: {  	[smem:$0x3FAB] =	sst s3  }
0xc: {  	[smem:$0x3FAC] =	sst s4  }
0xd: {  	[smem:$0x3FAD] =	sst s5  }
0xe: {  	[smem:$0x3FAE] =	sst s6  }
0xf: {  	[smem:$0x3FAF] =	sst s7  }
0x10: {  	[smem:$0x3FB0] =	sst s8  }
0x11: {  	[smem:$0x3FB1] =	sst s9;
	s0 =	simm.s32 @!p0 $0x0  }
0x12: {  	s1 =	sld [smem:$0x3F97];
	s0 =	simm.s32 @p0 $0x1  }
0x13: {  	[smem:$0x3FB2] =	sst s0;
	s0 =	simm.s32 @!p1 $0x0  }
0x14: {  	s2 =	sld [smem:$0x3F96];
	s0 =	simm.s32 @p1 $0x1  }
0x15: {  	[smem:$0x3FB3] =	sst s0;
	s0 =	simm.s32 @!p2 $0x0  }
0x16: {  	s3 =	sld [smem:$0x3FDB];
	s0 =	simm.s32 @p2 $0x1  }
0x17: {  	s4 =	simm.s32 $0x1BF5;
	[smem:$0x3FB5] =	sst s0  }
0x18: {  	s0 =	sld [smem:$0x3F98];
	_ =	swait.ge [sflag:s4], $0x0  }
0x19: {  	s7 =	sld [smem:$0x3F99]  }
0x1a: {  	s8 =	sadd.s32 $0xFFFFE003, lr  }
0x1b: {  	s9 =	sadd.s32 $0xFFFFFEF7, lr;
	s5 =	simm.s32 $0xFFFFFFFF;
	p2 =	slt.u32 s8, $0xFFFFF086  }
0x1c: {  	p1 =	slt.u32 s9, $0xF7A;
	s5 =	simm.s32 @!p2 $0x0  }
0x1d: {  	s5 =	simm.s32 @p1 $0x1;
	p0 =	seq.s32 s7, s2  }
0x1e: {  	s7 =	smul.u32 @!p0 $0xF7A, s2;
	p2 =	seq.s32 @!p0 s5, $0x0  }
0x1f: {  	s9 =	smul.u32 $0xF7A, s1;
	s8 =	simm.s32 @!p0 $0x1BF5;
	p2 =	por !p2, p0  }
0x20: {  	[sflag:s8] =	ssyncset.s32 @!p0 $0xFFFFF086;
	s6 =	sadd.s32 @!p0 s3, s7;
	s7 =	simm.s32 @!p0 $0x108  }
0x21: {  	s3 =	sadd.s32 s3, s9;
	s6 =	sadd.s32 @!p0 $0x88, s6;
	s7 =	simm.s32 @p2 $0x1082  }
0x22: {  	[simem:s7], [sflag:s8] =	dma.local @!p0 [hbm:s6], $0xF7A  }
0x23: {  	s9 =	sor.u32 $0xD0000000, s2;
	s6 =	simm.s32 $0x108;
	_ =	swait.ge @!p0 [sflag:s8], $0x0  }
0x24: {  	s3 =	sadd.s32 $0x88, s3;
	s6 =	simm.s32 @!p1 $0x1082;
	[sflag:s4] =	ssyncset.s32 $0xFFFFF086  }
0x25: {  	[simem:s6], [sflag:s4] =	dma.local [hbm:s3], $0xF7A  }
0x26: {  	[smem:$0x3F99] =	sst s1;
	(tag) =	ssettag s2;
	_ =	strace s9  }
0x27: {  	s1 =	sld [smem:$0x3FA9]  }
0x28: {  	s2 =	sld [smem:$0x3FAA]  }
0x29: {  	s4 =	sld [smem:$0x3FAC]  }
0x2a: {  	p0 =	seq.s32 s5, $0x0;
	s5 =	sld [smem:$0x3FAD]  }
0x2b: {  	s6 =	sld [smem:$0x3FAE]  }
0x2c: {  	s7 =	sld [smem:$0x3FAF]  }
0x2d: {  	s3 =	simm.s32 $0x108;
	s8 =	sld [smem:$0x3FB0]  }
0x2e: {  	s3 =	simm.s32 @!p0 $0x1082;
	s9 =	sld [smem:$0x3FB1]  }
0x2f: {  	lr =	sadd.s32 s0, s3;
	s0 =	sld [smem:$0x3FA8]  }
0x30: {  	s3 =	sld [smem:$0x3FAB]  }
0x31: {  	[smem:$0x3FB4] =	sst s10  }
0x32: {  	s10 =	sld [smem:$0x3FB2];
	_ =	sdelay $0x3  }
0x33: {  	p0 =	seq.s32 s10, $0x1;
	s10 =	sld [smem:$0x3FB4];
	_ =	sdelay $0x3  }
0x34: {  	[smem:$0x3FB4] =	sst s10  }
0x35: {  	s10 =	sld [smem:$0x3FB3];
	_ =	sdelay $0x3  }
0x36: {  	p1 =	seq.s32 s10, $0x1;
	s10 =	sld [smem:$0x3FB4];
	_ =	sdelay $0x3  }
0x37: {  	[smem:$0x3FB4] =	sst s10  }
0x38: {  	s10 =	sld [smem:$0x3FB5]  }
0x39: {  	_ = 	snop;
	(pc) =	sbr.ind lr, $3  }
0x3a: {  	_ = 	snop  }
0x3b: {  	_ = 	snop  }
0x3c: {  	p2 =	seq.s32 s10, $0x1;
	s10 =	sld [smem:$0x3FB4]  }
0x3d: {  	_ =	shalt  }
0x3e: {  	_ =	shalt  }
0x3f: {  	_ =	shalt  }
0x40: {  	_ =	shalt  }
0x41: {  	_ =	shalt  }
0x42: {  	_ =	shalt  }
0x43: {  	_ =	shalt  }
0x44: {  	_ =	shalt  }
0x45: {  	_ =	shalt  }
0x46: {  	_ =	shalt  }
0x47: {  	_ =	shalt  }
0x48: {  	_ =	shalt  }
0x49: {  	_ =	shalt  }
0x4a: {  	_ =	shalt  }
0x4b: {  	_ =	shalt  }
0x4c: {  	_ =	shalt  }
0x4d: {  	_ =	shalt  }
0x4e: {  	_ =	shalt  }
0x4f: {  	_ =	shalt  }
0x50: {  	_ =	shalt  }
0x51: {  	_ =	shalt  }
0x52: {  	_ =	shalt  }
0x53: {  	_ =	shalt  }
0x54: {  	_ =	shalt  }
0x55: {  	_ =	shalt  }
0x56: {  	_ =	shalt  }
0x57: {  	_ =	shalt  }
0x58: {  	_ =	shalt  }
0x59: {  	_ =	shalt  }
0x5a: {  	_ =	shalt  }
0x5b: {  	_ =	shalt  }
0x5c: {  	_ =	shalt  }
0x5d: {  	_ =	shalt  }
0x5e: {  	_ =	shalt  }
0x5f: {  	_ =	shalt  }
0x60: {  	_ =	shalt  }
0x61: {  	_ =	shalt  }
0x62: {  	_ =	shalt  }
0x63: {  	_ =	shalt  }
0x64: {  	_ =	shalt  }
0x65: {  	_ =	shalt  }
0x66: {  	_ =	shalt  }
0x67: {  	_ =	shalt  }
0x68: {  	_ =	shalt  }
0x69: {  	_ =	shalt  }
0x6a: {  	_ =	shalt  }
0x6b: {  	_ =	shalt  }
0x6c: {  	_ =	shalt  }
0x6d: {  	_ =	shalt  }
0x6e: {  	_ =	shalt  }
0x6f: {  	_ =	shalt  }
0x70: {  	_ =	shalt  }
0x71: {  	_ =	shalt  }
0x72: {  	_ =	shalt  }
0x73: {  	_ =	shalt  }
0x74: {  	_ =	shalt  }
0x75: {  	_ =	shalt  }
0x76: {  	_ =	shalt  }
0x77: {  	_ =	shalt  }
0x78: {  	_ =	shalt  }
0x79: {  	_ =	shalt  }
0x7a: {  	_ =	shalt  }
0x7b: {  	_ =	shalt  }
0x7c: {  	_ =	shalt  }
0x7d: {  	_ =	shalt  }
0x7e: {  	_ =	shalt  }
0x7f: {  	_ =	shalt  }
0x80: {  	_ =	shalt  }
0x81: {  	_ =	shalt  }
0x82: {  	_ =	shalt  }
0x83: {  	_ =	shalt  }
0x84: {  	_ =	shalt  }
0x85: {  	_ =	shalt  }
0x86: {  	_ =	shalt  }
0x87: {  	_ =	shalt  }
.Lfunc_end0:
.L_simem_size_0:
called_computation_lowered:
.L_overlay_start_0:
0x88: {  	s2 =	sld [smem:$0x3FD9]  }
0x89: {  	s3 =	sld [smem:$0x3FFE];
	_ =	sdelay $0x1  }
0x8a: {  	s1 =	srdreg.scid  }
0x8b: {  	s0 =	sand.u32 $0x1, s1  }
0x8c: {  	s17 =	sshll.u32 s0, $0xA;
	s2 =	sadd.s32 s3, s2  }
0x8d: {  	s2 =	sadd.s32 s2, s17  }
0x8e: {  	[smem:$0x3FC0] =	sst s2  }
0x8f: {  	_ = 	snop  }
0x90: {  	s2 =	sld [smem:$0x3FD0];
	(tm) =	ssettm $0x1  }
0x91: {  	s18 =	sld [smem:$0x3FFB];
	_ =	sdelay $0x3  }
0x92: {  	_ =	strace s18  }
0x93: {  	s3 =	sld [smem:$0x3FFC];
	_ =	sdelay $0x3  }
0x94: {  	_ =	strace s3  }
0x95: {  	s3 =	sld [smem:$0x3FFD];
	_ =	sdelay $0x3  }
0x96: {  	_ =	strace s3  }
0x97: {  	_ =	strace $0x8FFFFFFF  }
0x98: {  	s19 =	sld [smem:$0x3FDB];
	_ =	sdelay $0x1  }
0x99: {  	s4 =	simm.s32 $_scs_section_size  }
0x9a: {  	s5 =	simm.s32 $_size__tile_overlayer_lowered;
	s6 =	simm.s32 $_tile_overlayer_lowered  }
0x9b: {  	s22 =	simm.s32 $0x1BFF;
	s21 =	sshll.u32 s6, $0x1;
	s3 =	sadd.s32 s4, s19  }
0x9c: {  	s7 =	simm.s32 $0x0;
	s20 =	sshll.u32 s5, $0x1;
	s5 =	sadd.s32 s21, s3  }
0x9d: {  	[timem:s7], [sflag:s22] =	dma.local [hbm:s5], s20  }
0x9e: {  	_ =	swait.ge [sflag:s22], s20  }
0x9f: {  	s4 =	ssub.s32 $0x0, s20;
	[sflag:s22] =	ssyncset.done $0x0  }
0xa0: {  	[sflag:s22] =	ssyncadd.s32 s4;
	_ =	sdelay $0x1  }
0xa1: {  	s23 =	simm.s32 $0x1B8B  }
0xa2: {  	_ =	swait.ge [sflag:s23], $0x1  }
0xa3: {  	[sflag:s23] =	ssyncset.done $0x0  }
0xa4: {  	s25 =	simm.s32 $0x1B8E;
	s24 =	sld [smem:$0x3FFE];
	[sflag:s23] =	ssyncadd.s32 $0xFFFFFFFF  }
0xa5: {  	s26 =	simm.s32 $execute0_lowered;
	[smem:$0x3FD2] =	sst s25  }
0xa6: {  	s5 =	sshll.u32 s26, $0x1;
	_ =	strace $0x80000046;
	[dreg:$0x1] =	wrdreg $0xFFFFFFFF  }
0xa7: {  	s28 =	simm.s32 $_size_execute0_lowered;
	s3 =	sadd.s32 s3, s5;
	[dreg:$0x0] =	wrdreg $0x0  }
0xa8: {  	s5 =	sshll.u32 s28, $0x1;
	[dreg:$0x2] =	wrdreg s3  }
0xa9: {  	[dreg:$0x3] =	wrdreg s5  }
0xaa: {  	[dreg:$0x4] =	wrdreg $0xC0  }
0xab: {  	_ =	task [dreg:s7], $0x5FFFF  }
0xac: {  	[dreg:$0x1] =	wrdreg $0xFFFFFFFF  }
0xad: {  	[dreg:$0x0] =	wrdreg $0x60  }
0xae: {  	[dreg:$0x2] =	wrdreg s24  }
0xaf: {  	[dreg:$0x3] =	wrdreg s2  }
0xb0: {  	[dreg:$0x4] =	wrdreg $0x9  }
0xb1: {  	_ =	task.clear_ibuf [dreg:s7], $0x5FFFF;
	_ =	strace $0x90000046  }
0xb2: {  	s29 =	simm.s32 $0x9;
	_ =	strace $0x80000048  }
0xb3: {  	_ =	swait.ge [sflag:s29], $0x1  }
0xb4: {  	[sflag:s29] =	ssyncadd.s32 $0xFFFFFFFF  }
0xb5: {  	_ =	strace $0x90000048  }
0xb6: {  	_ =	sfence  }
0xb7: {  	s30 =	sld [smem:$0x0];
	_ =	sdelay $0x2  }
0xb8: {  	s31 =	sshll.u32 s1, $0xD;
	s1 =	sshrl.u32 s1, $0x2  }
0xb9: {  	s3 =	sand.u32 $0x4000, s31;
	s1 =	sadd.s32 s1, s30  }
0xba: {  	s0 =	sor.u32 s3, s0;
	s1 =	sshll.u32 s1, $0x11  }
0xbb: {  	s0 =	sor.u32 s1, s0  }
0xbc: {  	s0 =	sadd.s32 $0x8F2B, s0  }
0xbd: {  	[sflag:s0] =	ssyncadd.remote.s32 $0x1  }
0xbe: {  	_ =	sfence.sel $0xFFFF  }
0xbf: {  	[dreg:$0x0] =	wrdreg $0xFFFFFFFF;
	(pc) =	sbr.abs _section_cstart, $3  }
0xc0: {  	[dreg:$0x1] =	wrdreg $0xFFFFFFFF  }
0xc1: {  	_ =	task.clear_ibuf [dreg:s7], $0x2FFFF;
	_ =	strace $0x9FFFFFFF  }
0xc2: {  	(tm) =	ssettm $0x7FFFFFFF  }
0xc3: {  	_ =	shalt  }
tec
execute0_lowered:
.L_overlay_start_1:
0x0: {  	(tag) =	ssettag $0x1  }
0x1: {  	s0 =	srdreg.scid  }
0x2: {  	s4 =	rddreg [dreg:$0x0];
	s3 =	sand.u32 $0x1, s0  }
0x3: {  	s5 =	rddreg [dreg:$0x1];
	s0 =	stileid.u32;
	s1 =	sshll.u32 s3, $0x4  }
0x4: {  	s2 =	simm.s32 $0x0;
	s8 =	simm.s32 $0x2;
	s6 =	sor.u32 s0, s1  }
0x5: {  	s9 =	simm.s32 $0x0;
	[smem:$0x7FF] =	sst s2;
	s7 =	smul.u32 $0x4E2, s6  }
0x6: {  	s3 =	ssub.s32 $0x2, s3;
	s1 =	rddreg [dreg:$0x2];
	s6 =	smul.u32 $0x4F0, s6  }
0x7: {  	s31 =	sshrl.u32 s3, $0x1;
	_ =	strace $0x80000047;
	s4 =	sadd.s32 s7, s4  }
0x8: {  	v0 =	vlaneseq.u32;
	s7 =	ssub.s32 s3, s31;
	s3 =	sadd.s32 $0x2A00, s4;
	s4 =	sadd.s32 s5, s6  }
0x9: {  	v1 =	vimm.f32 $0.0e+00;
	v2 =	vimm.f32 $1.000000000e+00;
	v0 =	vor.u32 $0x2710, v0;
	s5 =	smax.u32 s7, $0x1;
	s6 =	simm.s32 $0x1;
	s7 =	simm.s32 $0x2800  }
.LBB2_1:
0xa: {  	[tilespmem:s2], [sflag:$0x1] =	stream.linear.gather [hbm4b:s3+s2], $0x2710, $0x38;
	[tilespmem:$0x4F80] =	vst v63  }
0xb: {  	[tilespmem:$0x2710] =	vst v0  }
0xc: {  	[tilespmem:$0x2720] =	vst v0  }
0xd: {  	[tilespmem:$0x2730] =	vst v0  }
0xe: {  	[tilespmem:$0x2740] =	vst v0  }
0xf: {  	[tilespmem:$0x2750] =	vst v0  }
0x10: {  	[tilespmem:$0x2760] =	vst v0  }
0x11: {  	[tilespmem:$0x2770] =	vst v0  }
0x12: {  	[tilespmem:$0x2780] =	vst v0  }
0x13: {  	[tilespmem:$0x2790] =	vst v0  }
0x14: {  	[tilespmem:$0x27A0] =	vst v0  }
0x15: {  	[tilespmem:$0x27B0] =	vst v0  }
0x16: {  	[tilespmem:$0x27C0] =	vst v0  }
0x17: {  	[tilespmem:$0x27D0] =	vst v0  }
0x18: {  	[tilespmem:$0x27E0] =	vst v0  }
0x19: {  	s10 =	simm.s32 $0x40;
	s11 =	simm.s32 $0x0;
	[tilespmem:$0x27F0] =	vst v0  }
.LBB2_2:
0x1a: {  	p0 =	sne.s32 s10, $0x9DC0;
	[tilespmem:s11+$0x2800] =	vst v1;
	s11 =	smov.u32 s10;
	s10 =	sadd.s32 $0x40, s10  }
.Ltmp0:
0x1b: {  	(pc) =	sbr.rel @p0 .LBB2_2-.Ltmp0, $2  }
0x1c: {  	_ =	sdelay $0x2  }
0x1d: {  	s11 =	sshra.s32 s11, $0x2  }
0x1e: {  	[tilespmem:s11+$0x2800] =	vst v1  }
0x1f: {  	_ =	swait.ge [sflag:s6], $0x2710  }
0x20: {  	[sflag:s6] =	ssyncset.done $0x0  }
0x21: {  	s11 =	simm.s32 $0x0;
	s10 =	simm.s32 $0x40;
	[sflag:s6] =	ssyncadd.s32 $0xFFFFD8F0  }
.LBB2_4:
0x22: {  	p0 =	sne.s32 s10, $0x9FC0;
	v3 =	vld [tilespmem:s11+$0x0];
	_ =	sdelay $0x3  }
.Ltmp1:
0x23: {  	(pc) =	sbr.rel @p0 .LBB2_4-.Ltmp1, $2  }
0x24: {  	_ =	sdelay $0x2  }
0x25: {  	s11 =	sshra.s32 s10, $0x2;
	s10 =	sadd.s32 $0x40, s10;
	[tilespmem:v3+s7+$0x0] =	vst.idx.add.f32.msk $0xffff, v2  }
0x26: {  	v3 =	vld [tilespmem:s11+$0x0];
	_ =	sdelay $0x5  }
0x27: {  	s9 =	sadd.s32 $0x1, s9  }
0x28: {  	p0 =	sne.s32 s9, s5  }
.Ltmp2:
0x29: {  	[tilespmem:v3+s7+$0x0] =	vst.idx.add.f32.msk $0xffff, v2;
	(pc) =	sbr.rel @p0 .LBB2_1-.Ltmp2, $4  }
0x2a: {  	[hbm4b:s4+s2] =	stream.linear.scatter [tilespmem:s7], [sflag:$0x2], $0x2780, $0x38;
	[tilespmem:$0x4F80] =	vst v63  }
0x2b: {  	_ =	swait.ge [sflag:s8], $0x2780  }
0x2c: {  	[sflag:s8] =	ssyncset.done $0x0  }
0x2d: {  	[sflag:s8] =	ssyncadd.s32 $0xFFFFD880  }
0x2e: {  	_ =	sfence.sel $0x180000  }
0x2f: {  	[bflag:$0x0] =	sbarrier.arrive $0xFFFF  }
0x30: {  	p0 =	sne.s32 s0, $0x0;
	_ =	strace $0x90000047  }
0x31: {  	s0 =	sadd.s32 @!p0 $0x100000, s1;
	[bflag:$0x2] =	sbarrier.arrive $0xFFFF  }
0x32: {  	[sflag:s0] =	ssyncadd.tile.s32 @!p0 $0x1;
	_ =	shalt  }
.Lfunc_end2:
_tile_overlayer_lowered:
.L_overlay_start_2:
0x33: {  	(tag) =	ssettag $0x2  }
0x34: {  	s0 =	rddreg [dreg:$0x0];
	s2 =	stileid.u32  }
0x35: {  	s1 =	rddreg [dreg:$0x1];
	p0 =	sne.s32 s2, $0x0  }
0x36: {  	s3 =	rddreg [dreg:$0x2];
	[bflag:$0x3] =	sbarrier.arrive $0xFFFF;
	s2 =	simm.s32 @!p0 $0x1C02  }
0x37: {  	[timem:s3], [sflag:s2] =	dma.local @!p0 [hbm:s0], s1  }
0x38: {  	s0 =	simm.s32 @!p0 $0x2  }
0x39: {  	_ =	swait.ge @!p0 [sflag:s0], s1  }
0x3a: {  	s1 =	ssub.s32 @!p0 $0x0, s1;
	[sflag:s0] =	ssyncset.done @!p0 $0x0  }
0x3b: {  	[sflag:s0] =	ssyncadd.s32 @!p0 s1  }
0x3c: {  	[bflag:$0x3] =	sbarrier.arrive $0xFFFF  }
0x3d: {  	_ =	shalt  }

</sc_bundles>
